<compile_context>
chip_gen: v7x
topology: tpu7x:2x2x1
jax: 0.10.2.dev20260603
libtpu: 0.0.44.dev20260713+nightly
codegen_flags: <defaults>
</compile_context>

<pallas_src>
import functools

import jax
import jax.numpy as jnp
from jax import lax
from jax.experimental import pallas as pl
from jax.experimental.pallas import tpu as pltpu
from jax.experimental.pallas import tpu_sc as plsc

_NC, _NS, _L = 2, 16, 16
_NW = _NC * _NS


def _dist_argmin_body(K, TK, batch_ref, keys_ref, out_ref, minval, minidx):
    c = pl.program_id(0)
    t = pl.program_id(1)
    nt = pl.num_programs(1)

    x = batch_ref[:, c, :]

    @pl.when(t == 0)
    def _init():
        minval[:, :] = jnp.full(minval.shape, jnp.inf, minval.dtype)
        minidx[:, :] = jnp.zeros(minidx.shape, minidx.dtype)

    k = keys_ref[0]
    xk = lax.dot_general(
        x, k, dimension_numbers=(((1,), (1,)), ((), ())),
        preferred_element_type=jnp.float32,
        precision=lax.Precision.DEFAULT)
    ones_row = jnp.ones((1, k.shape[1]), jnp.float32)
    kk = k * k
    kk_hi = lax.convert_element_type(
        lax.convert_element_type(kk, jnp.bfloat16), jnp.float32)
    kk_lo = kk - kk_hi
    dims = (((1,), (1,)), ((), ()))
    k2 = (lax.dot_general(ones_row, kk_hi, dimension_numbers=dims,
                          preferred_element_type=jnp.float32,
                          precision=lax.Precision.DEFAULT)
          + lax.dot_general(ones_row, kk_lo, dimension_numbers=dims,
                            preferred_element_type=jnp.float32,
                            precision=lax.Precision.DEFAULT))
    x2 = jnp.sum(x * x, axis=1, keepdims=True)
    d2 = jnp.maximum(x2 + (k2 - 2.0 * xk), 0.0)
    tmin = jnp.min(d2, axis=1, keepdims=True)
    targ = jnp.argmin(d2, axis=1).astype(jnp.int32)[:, None] + t * TK
    better = tmin < minval[:, :]
    minidx[:, :] = jnp.where(better, targ, minidx[:, :])
    minval[:, :] = jnp.where(better, tmin, minval[:, :])

    @pl.when(t == nt - 1)
    def _emit():
        B, C = out_ref.shape
        col = lax.broadcasted_iota(jnp.int32, (B, C), 1)
        out_ref[:, :] = jnp.where(col == c, minidx[:, :] + c * K,
                                  out_ref[:, :])


def _make_sc_gather(B, C, K, V):
    bpw = B // _NW
    mesh = plsc.VectorSubcoreMesh(core_axis_name="c", subcore_axis_name="s")

    @functools.partial(
        pl.kernel, mesh=mesh,
        out_type=jax.ShapeDtypeStruct((B, V), jnp.float32),
        scratch_types=[
            pltpu.VMEM((bpw, C), jnp.int32),
            pltpu.VMEM((bpw * C,), jnp.int32),
            pltpu.VMEM((bpw * C, V), jnp.float32),
            pltpu.VMEM((bpw, V), jnp.float32),
            pltpu.SemaphoreType.DMA,
        ],
    )
    def sc_gather(idx_hbm, values_hbm, out_hbm, idx2, idx_list, rows, acc,
                  sem):
        wid = lax.axis_index("s") * _NC + lax.axis_index("c")
        base = wid * bpw
        pltpu.sync_copy(idx_hbm.at[pl.ds(base, bpw)], idx2)
        for j in range(bpw):
            idx_list[pl.ds(j * C, C)] = idx2[j, :]
        pltpu.async_copy(values_hbm.at[idx_list], rows, sem).wait()
        inv_c = 1.0 / C
        for j in range(bpw):
            for t in range(V // _L):
                s = rows[j * C + 0, pl.ds(t * _L, _L)]
                for r in range(1, C):
                    s = s + rows[j * C + r, pl.ds(t * _L, _L)]
                acc[j, pl.ds(t * _L, _L)] = s * inv_c
        pltpu.sync_copy(acc, out_hbm.at[pl.ds(base, bpw)])

    return sc_gather


def kernel(batch, keys, values):
    B, C, D = batch.shape
    _, K, V = values.shape

    TK = 8192
    flat_idx = pl.pallas_call(
        functools.partial(_dist_argmin_body, K, TK),
        grid=(C, K // TK),
        in_specs=[
            pl.BlockSpec((B, C, D), lambda c, t: (0, 0, 0)),
            pl.BlockSpec((1, TK, D), lambda c, t: (c, t, 0)),
        ],
        out_specs=pl.BlockSpec((B, C), lambda c, t: (0, 0)),
        out_shape=jax.ShapeDtypeStruct((B, C), jnp.int32),
        scratch_shapes=[
            pltpu.VMEM((B, 1), jnp.float32),
            pltpu.VMEM((B, 1), jnp.int32),
        ],
        compiler_params=pltpu.CompilerParams(
            dimension_semantics=("arbitrary", "arbitrary")),
    )(batch, keys)

    sc_gather = _make_sc_gather(B, C, K, V)
    return sc_gather(flat_idx, values.reshape(C * K, V))

# --- scband reference (transcript-rebuilt; emitter-appended) ---
"""Pipeline reference for scband-simple-discrete-key-value-bottleneck-14096082666002 (READ-ONLY COPY).

The authoritative reference and input builder live on the scoring server;
editing this copy changes nothing except your own understanding.
"""

import jax, jax.numpy as jnp
import numpy as np

B, C, K, D, V = 64, 16, 8192, 256, 256


def setup_inputs(seed: int = 0) -> dict:
    key = jax.random.key(seed)
    k1, k2, k3 = jax.random.split(key, 3)
    batch = jax.random.normal(k1, (B, C, D), dtype=jnp.float32)
    # keys initialized uniform in [0, 1) as in initialize_random_keys
    keys = jax.random.uniform(k2, (C, K, D), dtype=jnp.float32)
    # values: xavier_normal over (C, K, V); fan_in=K, fan_out=C per torch convention approx
    std = float(np.sqrt(2.0 / (K + V)))
    values = jax.random.normal(k3, (C, K, V), dtype=jnp.float32) * std
    return {"batch": batch, "keys": keys, "values": values}


def reference(batch, keys, values):
    # Vectorized equivalent of the per-sample / per-codebook python loops.
    # cdist(x, keys, p=2) via the expansion ||x||^2 + ||k||^2 - 2 x.k
    xk = jnp.einsum('bcd,ckd->bck', batch, keys)            # [B, C, K]
    x2 = jnp.sum(batch * batch, axis=-1)[:, :, None]        # [B, C, 1]
    k2 = jnp.sum(keys * keys, axis=-1)[None, :, :]          # [1, C, K]
    dist = jnp.sqrt(jnp.maximum(x2 + k2 - 2.0 * xk, 0.0) + 1e-12)  # [B, C, K]
    idx = jnp.argmin(dist, axis=-1)                         # [B, C]
    # mapped_values[i] = values[i][idx[i]] per codebook, per sample (gather)
    mapped = values[jnp.arange(C)[None, :], idx]            # [B, C, V]
    # average_pool over codebooks, then stacked over batch
    return jnp.mean(mapped, axis=1)                         # [B, V]

if __name__ == "__main__":
    import jax
    _d = setup_inputs()
    print(jax.jit(kernel)(*tuple(_d.values())))

</pallas_src>

<mosaic_0001>
#map = affine_map<(d0, d1) -> (0, 0)>
module attributes {stable_mosaic.version = 14 : i64} {
  func.func @sc_gather(%arg0: i32, %arg1: i32, %arg2: memref<64x16xi32, #tpu.memory_space<hbm>>, %arg3: memref<131072x256xf32, #tpu.memory_space<hbm>>, %arg4: memref<64x256xf32, #tpu.memory_space<hbm>>, %arg5: memref<2x16xi32, #tpu.memory_space<vmem>>, %arg6: memref<32xi32, #tpu.memory_space<vmem>>, %arg7: memref<32x256xf32, #tpu.memory_space<vmem>>, %arg8: memref<2x256xf32, #tpu.memory_space<vmem>>, %arg9: memref<!tpu.dma_semaphore, #tpu.memory_space<semaphore_mem>>) attributes {dimension_semantics = [#tpu.dimension_semantics<core_parallel>, #tpu.dimension_semantics<subcore_parallel>], iteration_bounds = array<i64: 2, 16>, scalar_prefetch = 0 : i64, scratch_operands = 5 : i64, tpu.core_type = #tpu.core_type<sc_vector_subcore>, window_params = [{transform_indices = #map}, {transform_indices = #map}, {transform_indices = #map}]} {
    %mul3A = arith.constant 2 : i32
    %mul3A_0 = arith.muli %arg1, %mul3A : i32
    %add3A = arith.addi %mul3A_0, %arg0 : i32
    %mul3A_1 = arith.constant 2 : i32
    %mul3A_2 = arith.muli %add3A, %mul3A_1 : i32
    "tpu.region"() ({
      %run_scoped3A = tpu.sem_alloc : memref<!tpu.dma_semaphore, #tpu.memory_space<semaphore_mem>>
      %dma_start3A_3351 = arith.constant 0 : i32
      %dma_start3A_3352 = tpu.memref_slice %arg2[%mul3A_2, %dma_start3A_3351] : memref<64x16xi32, #tpu.memory_space<hbm>> -> memref<2x16xi32, #tpu.memory_space<hbm>>
      %dma_start3A_3353 = arith.constant 0 : i32
      %dma_start3A_3354 = tpu.memref_slice %arg2[%mul3A_2, %dma_start3A_3353] : memref<64x16xi32, #tpu.memory_space<hbm>> -> memref<2x16xi32, #tpu.memory_space<hbm>>
      tpu.enqueue_dma source(%dma_start3A_3354 : memref<2x16xi32, #tpu.memory_space<hbm>>) target(%arg5 : memref<2x16xi32, #tpu.memory_space<vmem>>) target_semaphore(%run_scoped3A : memref<!tpu.dma_semaphore, #tpu.memory_space<semaphore_mem>>)
      %dma_wait3A_3355 = arith.constant 0 : i32
      %dma_wait3A_3356 = tpu.memref_slice %arg2[%mul3A_2, %dma_wait3A_3355] : memref<64x16xi32, #tpu.memory_space<hbm>> -> memref<2x16xi32, #tpu.memory_space<hbm>>
      %dma_wait3A_3357 = arith.constant 0 : i32
      %dma_wait3A_3358 = tpu.memref_slice %arg2[%mul3A_2, %dma_wait3A_3357] : memref<64x16xi32, #tpu.memory_space<hbm>> -> memref<2x16xi32, #tpu.memory_space<hbm>>
      tpu.wait_dma2 semaphore(%run_scoped3A : memref<!tpu.dma_semaphore, #tpu.memory_space<semaphore_mem>>) src(%dma_wait3A_3358 : memref<2x16xi32, #tpu.memory_space<hbm>>) dst(%arg5 : memref<2x16xi32, #tpu.memory_space<vmem>>)
      tpu.yield
    }) : () -> ()
    %get3A = arith.constant 0 : i32
    %get3A_3 = arith.index_cast %get3A : i32 to index
    %get3A_4 = arith.constant 0 : index
    %get3A_5 = tpu.vector_load %arg5[%get3A_3, %get3A_4] {strides = array<i32>} : memref<2x16xi32, #tpu.memory_space<vmem>>, vector<1x16xi32>,
    %get3A_6 = vector.shape_cast %get3A_5 : vector<1x16xi32> to vector<16xi32>
    %swap3A = arith.constant 0 : index
    %swap3A_7 = tpu.vector_load %arg6[%swap3A] {strides = array<i32>} : memref<32xi32, #tpu.memory_space<vmem>>, vector<16xi32>,
    %swap3A_8 = vector.shape_cast %swap3A_7 : vector<16xi32> to vector<16xi32>
    %swap3A_9 = vector.shape_cast %get3A_6 : vector<16xi32> to vector<16xi32>
    tpu.vector_store %arg6[%swap3A], %swap3A_9 {strides = array<i32>} : memref<32xi32, #tpu.memory_space<vmem>>, vector<16xi32>,
    %get3A_10 = arith.constant 1 : i32
    %get3A_11 = arith.index_cast %get3A_10 : i32 to index
    %get3A_12 = arith.constant 0 : index
    %get3A_13 = tpu.vector_load %arg5[%get3A_11, %get3A_12] {strides = array<i32>} : memref<2x16xi32, #tpu.memory_space<vmem>>, vector<1x16xi32>,
    %get3A_14 = vector.shape_cast %get3A_13 : vector<1x16xi32> to vector<16xi32>
    %swap3A_15 = arith.constant 16 : index
    %swap3A_16 = tpu.vector_load %arg6[%swap3A_15] {strides = array<i32>} : memref<32xi32, #tpu.memory_space<vmem>>, vector<16xi32>,
    %swap3A_17 = vector.shape_cast %swap3A_16 : vector<16xi32> to vector<16xi32>
    %swap3A_18 = vector.shape_cast %get3A_14 : vector<16xi32> to vector<16xi32>
    tpu.vector_store %arg6[%swap3A_15], %swap3A_18 {strides = array<i32>} : memref<32xi32, #tpu.memory_space<vmem>>, vector<16xi32>,
    %dma_start3A = arith.constant 0 : i32
    %dma_start3A_19 = arith.constant 0 : i32
    %dma_start3A_20 = tpu.memref_slice %arg3[%dma_start3A, %dma_start3A_19] : memref<131072x256xf32, #tpu.memory_space<hbm>> -> memref<131072x256xf32, #tpu.memory_space<hbm>>
    tpu.enqueue_indirect_dma source(%dma_start3A_20 : memref<131072x256xf32, #tpu.memory_space<hbm>>) target(%arg7 : memref<32x256xf32, #tpu.memory_space<vmem>>) offsets(%arg6 : memref<32xi32, #tpu.memory_space<vmem>>) semaphore(%arg9 : memref<!tpu.dma_semaphore, #tpu.memory_space<semaphore_mem>>)
    %dma_wait3A = arith.constant 0 : i32
    %dma_wait3A_21 = arith.constant 0 : i32
    %dma_wait3A_22 = tpu.memref_slice %arg3[%dma_wait3A, %dma_wait3A_21] : memref<131072x256xf32, #tpu.memory_space<hbm>> -> memref<131072x256xf32, #tpu.memory_space<hbm>>
    tpu.wait_indirect_dma semaphore(%arg9 : memref<!tpu.dma_semaphore, #tpu.memory_space<semaphore_mem>>) src(%dma_wait3A_22 : memref<131072x256xf32, #tpu.memory_space<hbm>>) dst(%arg7 : memref<32x256xf32, #tpu.memory_space<vmem>>)
    %get3A_23 = arith.constant 0 : i32
    %get3A_24 = arith.index_cast %get3A_23 : i32 to index
    %get3A_25 = arith.constant 0 : index
    %get3A_26 = tpu.vector_load %arg7[%get3A_24, %get3A_25] {strides = array<i32>} : memref<32x256xf32, #tpu.memory_space<vmem>>, vector<1x16xf32>,
    %get3A_27 = vector.shape_cast %get3A_26 : vector<1x16xf32> to vector<16xf32>
    %get3A_28 = arith.constant 1 : i32
    %get3A_29 = arith.index_cast %get3A_28 : i32 to index
    %get3A_30 = arith.constant 0 : index
    %get3A_31 = tpu.vector_load %arg7[%get3A_29, %get3A_30] {strides = array<i32>} : memref<32x256xf32, #tpu.memory_space<vmem>>, vector<1x16xf32>,
    %get3A_32 = vector.shape_cast %get3A_31 : vector<1x16xf32> to vector<16xf32>
    %add3A_33 = arith.addf %get3A_27, %get3A_32 : vector<16xf32>
    %get3A_34 = arith.constant 2 : i32
    %get3A_35 = arith.index_cast %get3A_34 : i32 to index
    %get3A_36 = arith.constant 0 : index
    %get3A_37 = tpu.vector_load %arg7[%get3A_35, %get3A_36] {strides = array<i32>} : memref<32x256xf32, #tpu.memory_space<vmem>>, vector<1x16xf32>,
    %get3A_38 = vector.shape_cast %get3A_37 : vector<1x16xf32> to vector<16xf32>
    %add3A_39 = arith.addf %add3A_33, %get3A_38 : vector<16xf32>
    %get3A_40 = arith.constant 3 : i32
    %get3A_41 = arith.index_cast %get3A_40 : i32 to index
    %get3A_42 = arith.constant 0 : index
    %get3A_43 = tpu.vector_load %arg7[%get3A_41, %get3A_42] {strides = array<i32>} : memref<32x256xf32, #tpu.memory_space<vmem>>, vector<1x16xf32>,
    %get3A_44 = vector.shape_cast %get3A_43 : vector<1x16xf32> to vector<16xf32>
    %add3A_45 = arith.addf %add3A_39, %get3A_44 : vector<16xf32>
    %get3A_46 = arith.constant 4 : i32
    %get3A_47 = arith.index_cast %get3A_46 : i32 to index
    %get3A_48 = arith.constant 0 : index
    %get3A_49 = tpu.vector_load %arg7[%get3A_47, %get3A_48] {strides = array<i32>} : memref<32x256xf32, #tpu.memory_space<vmem>>, vector<1x16xf32>,
    %get3A_50 = vector.shape_cast %get3A_49 : vector<1x16xf32> to vector<16xf32>
    %add3A_51 = arith.addf %add3A_45, %get3A_50 : vector<16xf32>
    %get3A_52 = arith.constant 5 : i32
    %get3A_53 = arith.index_cast %get3A_52 : i32 to index
    %get3A_54 = arith.constant 0 : index
    %get3A_55 = tpu.vector_load %arg7[%get3A_53, %get3A_54] {strides = array<i32>} : memref<32x256xf32, #tpu.memory_space<vmem>>, vector<1x16xf32>,
    %get3A_56 = vector.shape_cast %get3A_55 : vector<1x16xf32> to vector<16xf32>
    %add3A_57 = arith.addf %add3A_51, %get3A_56 : vector<16xf32>
    %get3A_58 = arith.constant 6 : i32
    %get3A_59 = arith.index_cast %get3A_58 : i32 to index
    %get3A_60 = arith.constant 0 : index
    %get3A_61 = tpu.vector_load %arg7[%get3A_59, %get3A_60] {strides = array<i32>} : memref<32x256xf32, #tpu.memory_space<vmem>>, vector<1x16xf32>,
    %get3A_62 = vector.shape_cast %get3A_61 : vector<1x16xf32> to vector<16xf32>
    %add3A_63 = arith.addf %add3A_57, %get3A_62 : vector<16xf32>
    %get3A_64 = arith.constant 7 : i32
    %get3A_65 = arith.index_cast %get3A_64 : i32 to index
    %get3A_66 = arith.constant 0 : index
    %get3A_67 = tpu.vector_load %arg7[%get3A_65, %get3A_66] {strides = array<i32>} : memref<32x256xf32, #tpu.memory_space<vmem>>, vector<1x16xf32>,
    %get3A_68 = vector.shape_cast %get3A_67 : vector<1x16xf32> to vector<16xf32>
    %add3A_69 = arith.addf %add3A_63, %get3A_68 : vector<16xf32>
    %get3A_70 = arith.constant 8 : i32
    %get3A_71 = arith.index_cast %get3A_70 : i32 to index
    %get3A_72 = arith.constant 0 : index
    %get3A_73 = tpu.vector_load %arg7[%get3A_71, %get3A_72] {strides = array<i32>} : memref<32x256xf32, #tpu.memory_space<vmem>>, vector<1x16xf32>,
    %get3A_74 = vector.shape_cast %get3A_73 : vector<1x16xf32> to vector<16xf32>
    %add3A_75 = arith.addf %add3A_69, %get3A_74 : vector<16xf32>
    %get3A_76 = arith.constant 9 : i32
    %get3A_77 = arith.index_cast %get3A_76 : i32 to index
    %get3A_78 = arith.constant 0 : index
    %get3A_79 = tpu.vector_load %arg7[%get3A_77, %get3A_78] {strides = array<i32>} : memref<32x256xf32, #tpu.memory_space<vmem>>, vector<1x16xf32>,
    %get3A_80 = vector.shape_cast %get3A_79 : vector<1x16xf32> to vector<16xf32>
    %add3A_81 = arith.addf %add3A_75, %get3A_80 : vector<16xf32>
    %get3A_82 = arith.constant 10 : i32
    %get3A_83 = arith.index_cast %get3A_82 : i32 to index
    %get3A_84 = arith.constant 0 : index
    %get3A_85 = tpu.vector_load %arg7[%get3A_83, %get3A_84] {strides = array<i32>} : memref<32x256xf32, #tpu.memory_space<vmem>>, vector<1x16xf32>,
    %get3A_86 = vector.shape_cast %get3A_85 : vector<1x16xf32> to vector<16xf32>
    %add3A_87 = arith.addf %add3A_81, %get3A_86 : vector<16xf32>
    %get3A_88 = arith.constant 11 : i32
    %get3A_89 = arith.index_cast %get3A_88 : i32 to index
    %get3A_90 = arith.constant 0 : index
    %get3A_91 = tpu.vector_load %arg7[%get3A_89, %get3A_90] {strides = array<i32>} : memref<32x256xf32, #tpu.memory_space<vmem>>, vector<1x16xf32>,
    %get3A_92 = vector.shape_cast %get3A_91 : vector<1x16xf32> to vector<16xf32>
    %add3A_93 = arith.addf %add3A_87, %get3A_92 : vector<16xf32>
    %get3A_94 = arith.constant 12 : i32
    %get3A_95 = arith.index_cast %get3A_94 : i32 to index
    %get3A_96 = arith.constant 0 : index
    %get3A_97 = tpu.vector_load %arg7[%get3A_95, %get3A_96] {strides = array<i32>} : memref<32x256xf32, #tpu.memory_space<vmem>>, vector<1x16xf32>,
    %get3A_98 = vector.shape_cast %get3A_97 : vector<1x16xf32> to vector<16xf32>
    %add3A_99 = arith.addf %add3A_93, %get3A_98 : vector<16xf32>
    %get3A_100 = arith.constant 13 : i32
    %get3A_101 = arith.index_cast %get3A_100 : i32 to index
    %get3A_102 = arith.constant 0 : index
    %get3A_103 = tpu.vector_load %arg7[%get3A_101, %get3A_102] {strides = array<i32>} : memref<32x256xf32, #tpu.memory_space<vmem>>, vector<1x16xf32>,
    %get3A_104 = vector.shape_cast %get3A_103 : vector<1x16xf32> to vector<16xf32>
    %add3A_105 = arith.addf %add3A_99, %get3A_104 : vector<16xf32>
    %get3A_106 = arith.constant 14 : i32
    %get3A_107 = arith.index_cast %get3A_106 : i32 to index
    %get3A_108 = arith.constant 0 : index
    %get3A_109 = tpu.vector_load %arg7[%get3A_107, %get3A_108] {strides = array<i32>} : memref<32x256xf32, #tpu.memory_space<vmem>>, vector<1x16xf32>,
    %get3A_110 = vector.shape_cast %get3A_109 : vector<1x16xf32> to vector<16xf32>
    %add3A_111 = arith.addf %add3A_105, %get3A_110 : vector<16xf32>
    %get3A_112 = arith.constant 15 : i32
    %get3A_113 = arith.index_cast %get3A_112 : i32 to index
    %get3A_114 = arith.constant 0 : index
    %get3A_115 = tpu.vector_load %arg7[%get3A_113, %get3A_114] {strides = array<i32>} : memref<32x256xf32, #tpu.memory_space<vmem>>, vector<1x16xf32>,
    %get3A_116 = vector.shape_cast %get3A_115 : vector<1x16xf32> to vector<16xf32>
    %add3A_117 = arith.addf %add3A_111, %get3A_116 : vector<16xf32>
    %mul3A_118 = arith.constant 6.250000e-02 : f32
    %mul3A_119 = vector.broadcast %mul3A_118 : f32 to vector<16xf32>
    %mul3A_120 = arith.mulf %add3A_117, %mul3A_119 : vector<16xf32>
    %swap3A_121 = arith.constant 0 : i32
    %swap3A_122 = arith.index_cast %swap3A_121 : i32 to index
    %swap3A_123 = arith.constant 0 : index
    %swap3A_124 = tpu.vector_load %arg8[%swap3A_122, %swap3A_123] {strides = array<i32>} : memref<2x256xf32, #tpu.memory_space<vmem>>, vector<1x16xf32>,
    %swap3A_125 = vector.shape_cast %swap3A_124 : vector<1x16xf32> to vector<16xf32>
    %swap3A_126 = vector.shape_cast %mul3A_120 : vector<16xf32> to vector<1x16xf32>
    tpu.vector_store %arg8[%swap3A_122, %swap3A_123], %swap3A_126 {strides = array<i32>} : memref<2x256xf32, #tpu.memory_space<vmem>>, vector<1x16xf32>,
    %get3A_127 = arith.constant 0 : i32
    %get3A_128 = arith.index_cast %get3A_127 : i32 to index
    %get3A_129 = arith.constant 16 : index
    %get3A_130 = tpu.vector_load %arg7[%get3A_128, %get3A_129] {strides = array<i32>} : memref<32x256xf32, #tpu.memory_space<vmem>>, vector<1x16xf32>,
    %get3A_131 = vector.shape_cast %get3A_130 : vector<1x16xf32> to vector<16xf32>
    %get3A_132 = arith.constant 1 : i32
    %get3A_133 = arith.index_cast %get3A_132 : i32 to index
    %get3A_134 = arith.constant 16 : index
    %get3A_135 = tpu.vector_load %arg7[%get3A_133, %get3A_134] {strides = array<i32>} : memref<32x256xf32, #tpu.memory_space<vmem>>, vector<1x16xf32>,
    %get3A_136 = vector.shape_cast %get3A_135 : vector<1x16xf32> to vector<16xf32>
    %add3A_137 = arith.addf %get3A_131, %get3A_136 : vector<16xf32>
    %get3A_138 = arith.constant 2 : i32
    %get3A_139 = arith.index_cast %get3A_138 : i32 to index
    %get3A_140 = arith.constant 16 : index
    %get3A_141 = tpu.vector_load %arg7[%get3A_139, %get3A_140] {strides = array<i32>} : memref<32x256xf32, #tpu.memory_space<vmem>>, vector<1x16xf32>,
    %get3A_142 = vector.shape_cast %get3A_141 : vector<1x16xf32> to vector<16xf32>
    %add3A_143 = arith.addf %add3A_137, %get3A_142 : vector<16xf32>
    %get3A_144 = arith.constant 3 : i32
    %get3A_145 = arith.index_cast %get3A_144 : i32 to index
    %get3A_146 = arith.constant 16 : index
    %get3A_147 = tpu.vector_load %arg7[%get3A_145, %get3A_146] {strides = array<i32>} : memref<32x256xf32, #tpu.memory_space<vmem>>, vector<1x16xf32>,
    %get3A_148 = vector.shape_cast %get3A_147 : vector<1x16xf32> to vector<16xf32>
    %add3A_149 = arith.addf %add3A_143, %get3A_148 : vector<16xf32>
    %get3A_150 = arith.constant 4 : i32
    %get3A_151 = arith.index_cast %get3A_150 : i32 to index
    %get3A_152 = arith.constant 16 : index
    %get3A_153 = tpu.vector_load %arg7[%get3A_151, %get3A_152] {strides = array<i32>} : memref<32x256xf32, #tpu.memory_space<vmem>>, vector<1x16xf32>,
    %get3A_154 = vector.shape_cast %get3A_153 : vector<1x16xf32> to vector<16xf32>
    %add3A_155 = arith.addf %add3A_149, %get3A_154 : vector<16xf32>
    %get3A_156 = arith.constant 5 : i32
    %get3A_157 = arith.index_cast %get3A_156 : i32 to index
    %get3A_158 = arith.constant 16 : index
    %get3A_159 = tpu.vector_load %arg7[%get3A_157, %get3A_158] {strides = array<i32>} : memref<32x256xf32, #tpu.memory_space<vmem>>, vector<1x16xf32>,
    %get3A_160 = vector.shape_cast %get3A_159 : vector<1x16xf32> to vector<16xf32>
    %add3A_161 = arith.addf %add3A_155, %get3A_160 : vector<16xf32>
    %get3A_162 = arith.constant 6 : i32
    %get3A_163 = arith.index_cast %get3A_162 : i32 to index
    %get3A_164 = arith.constant 16 : index
    %get3A_165 = tpu.vector_load %arg7[%get3A_163, %get3A_164] {strides = array<i32>} : memref<32x256xf32, #tpu.memory_space<vmem>>, vector<1x16xf32>,
    %get3A_166 = vector.shape_cast %get3A_165 : vector<1x16xf32> to vector<16xf32>
    %add3A_167 = arith.addf %add3A_161, %get3A_166 : vector<16xf32>
    %get3A_168 = arith.constant 7 : i32
    %get3A_169 = arith.index_cast %get3A_168 : i32 to index
    %get3A_170 = arith.constant 16 : index
    %get3A_171 = tpu.vector_load %arg7[%get3A_169, %get3A_170] {strides = array<i32>} : memref<32x256xf32, #tpu.memory_space<vmem>>, vector<1x16xf32>,
    %get3A_172 = vector.shape_cast %get3A_171 : vector<1x16xf32> to vector<16xf32>
    %add3A_173 = arith.addf %add3A_167, %get3A_172 : vector<16xf32>
    %get3A_174 = arith.constant 8 : i32
    %get3A_175 = arith.index_cast %get3A_174 : i32 to index
    %get3A_176 = arith.constant 16 : index
    %get3A_177 = tpu.vector_load %arg7[%get3A_175, %get3A_176] {strides = array<i32>} : memref<32x256xf32, #tpu.memory_space<vmem>>, vector<1x16xf32>,
    %get3A_178 = vector.shape_cast %get3A_177 : vector<1x16xf32> to vector<16xf32>
    %add3A_179 = arith.addf %add3A_173, %get3A_178 : vector<16xf32>
    %get3A_180 = arith.constant 9 : i32
    %get3A_181 = arith.index_cast %get3A_180 : i32 to index
    %get3A_182 = arith.constant 16 : index
    %get3A_183 = tpu.vector_load %arg7[%get3A_181, %get3A_182] {strides = array<i32>} : memref<32x256xf32, #tpu.memory_space<vmem>>, vector<1x16xf32>,
    %get3A_184 = vector.shape_cast %get3A_183 : vector<1x16xf32> to vector<16xf32>
    %add3A_185 = arith.addf %add3A_179, %get3A_184 : vector<16xf32>
    %get3A_186 = arith.constant 10 : i32
    %get3A_187 = arith.index_cast %get3A_186 : i32 to index
    %get3A_188 = arith.constant 16 : index
    %get3A_189 = tpu.vector_load %arg7[%get3A_187, %get3A_188] {strides = array<i32>} : memref<32x256xf32, #tpu.memory_space<vmem>>, vector<1x16xf32>,
    %get3A_190 = vector.shape_cast %get3A_189 : vector<1x16xf32> to vector<16xf32>
    %add3A_191 = arith.addf %add3A_185, %get3A_190 : vector<16xf32>
    %get3A_192 = arith.constant 11 : i32
    %get3A_193 = arith.index_cast %get3A_192 : i32 to index
    %get3A_194 = arith.constant 16 : index
    %get3A_195 = tpu.vector_load %arg7[%get3A_193, %get3A_194] {strides = array<i32>} : memref<32x256xf32, #tpu.memory_space<vmem>>, vector<1x16xf32>,
    %get3A_196 = vector.shape_cast %get3A_195 : vector<1x16xf32> to vector<16xf32>
    %add3A_197 = arith.addf %add3A_191, %get3A_196 : vector<16xf32>
    %get3A_198 = arith.constant 12 : i32
    %get3A_199 = arith.index_cast %get3A_198 : i32 to index
    %get3A_200 = arith.constant 16 : index
    %get3A_201 = tpu.vector_load %arg7[%get3A_199, %get3A_200] {strides = array<i32>} : memref<32x256xf32, #tpu.memory_space<vmem>>, vector<1x16xf32>,
    %get3A_202 = vector.shape_cast %get3A_201 : vector<1x16xf32> to vector<16xf32>
    %add3A_203 = arith.addf %add3A_197, %get3A_202 : vector<16xf32>
    %get3A_204 = arith.constant 13 : i32
    %get3A_205 = arith.index_cast %get3A_204 : i32 to index
    %get3A_206 = arith.constant 16 : index
    %get3A_207 = tpu.vector_load %arg7[%get3A_205, %get3A_206] {strides = array<i32>} : memref<32x256xf32, #tpu.memory_space<vmem>>, vector<1x16xf32>,
    %get3A_208 = vector.shape_cast %get3A_207 : vector<1x16xf32> to vector<16xf32>
    %add3A_209 = arith.addf %add3A_203, %get3A_208 : vector<16xf32>
    %get3A_210 = arith.constant 14 : i32
    %get3A_211 = arith.index_cast %get3A_210 : i32 to index
    %get3A_212 = arith.constant 16 : index
    %get3A_213 = tpu.vector_load %arg7[%get3A_211, %get3A_212] {strides = array<i32>} : memref<32x256xf32, #tpu.memory_space<vmem>>, vector<1x16xf32>,
    %get3A_214 = vector.shape_cast %get3A_213 : vector<1x16xf32> to vector<16xf32>
    %add3A_215 = arith.addf %add3A_209, %get3A_214 : vector<16xf32>
    %get3A_216 = arith.constant 15 : i32
    %get3A_217 = arith.index_cast %get3A_216 : i32 to index
    %get3A_218 = arith.constant 16 : index
    %get3A_219 = tpu.vector_load %arg7[%get3A_217, %get3A_218] {strides = array<i32>} : memref<32x256xf32, #tpu.memory_space<vmem>>, vector<1x16xf32>,
    %get3A_220 = vector.shape_cast %get3A_219 : vector<1x16xf32> to vector<16xf32>
    %add3A_221 = arith.addf %add3A_215, %get3A_220 : vector<16xf32>
    %mul3A_222 = arith.constant 6.250000e-02 : f32
    %mul3A_223 = vector.broadcast %mul3A_222 : f32 to vector<16xf32>
    %mul3A_224 = arith.mulf %add3A_221, %mul3A_223 : vector<16xf32>
    %swap3A_225 = arith.constant 0 : i32
    %swap3A_226 = arith.index_cast %swap3A_225 : i32 to index
    %swap3A_227 = arith.constant 16 : index
    %swap3A_228 = tpu.vector_load %arg8[%swap3A_226, %swap3A_227] {strides = array<i32>} : memref<2x256xf32, #tpu.memory_space<vmem>>, vector<1x16xf32>,
    %swap3A_229 = vector.shape_cast %swap3A_228 : vector<1x16xf32> to vector<16xf32>
    %swap3A_230 = vector.shape_cast %mul3A_224 : vector<16xf32> to vector<1x16xf32>
    tpu.vector_store %arg8[%swap3A_226, %swap3A_227], %swap3A_230 {strides = array<i32>} : memref<2x256xf32, #tpu.memory_space<vmem>>, vector<1x16xf32>,
    %get3A_231 = arith.constant 0 : i32
    %get3A_232 = arith.index_cast %get3A_231 : i32 to index
    %get3A_233 = arith.constant 32 : index
    %get3A_234 = tpu.vector_load %arg7[%get3A_232, %get3A_233] {strides = array<i32>} : memref<32x256xf32, #tpu.memory_space<vmem>>, vector<1x16xf32>,
    %get3A_235 = vector.shape_cast %get3A_234 : vector<1x16xf32> to vector<16xf32>
    %get3A_236 = arith.constant 1 : i32
    %get3A_237 = arith.index_cast %get3A_236 : i32 to index
    %get3A_238 = arith.constant 32 : index
    %get3A_239 = tpu.vector_load %arg7[%get3A_237, %get3A_238] {strides = array<i32>} : memref<32x256xf32, #tpu.memory_space<vmem>>, vector<1x16xf32>,
    %get3A_240 = vector.shape_cast %get3A_239 : vector<1x16xf32> to vector<16xf32>
    %add3A_241 = arith.addf %get3A_235, %get3A_240 : vector<16xf32>
    %get3A_242 = arith.constant 2 : i32
    %get3A_243 = arith.index_cast %get3A_242 : i32 to index
    %get3A_244 = arith.constant 32 : index
    %get3A_245 = tpu.vector_load %arg7[%get3A_243, %get3A_244] {strides = array<i32>} : memref<32x256xf32, #tpu.memory_space<vmem>>, vector<1x16xf32>,
    %get3A_246 = vector.shape_cast %get3A_245 : vector<1x16xf32> to vector<16xf32>
    %add3A_247 = arith.addf %add3A_241, %get3A_246 : vector<16xf32>
    %get3A_248 = arith.constant 3 : i32
    %get3A_249 = arith.index_cast %get3A_248 : i32 to index
    %get3A_250 = arith.constant 32 : index
    %get3A_251 = tpu.vector_load %arg7[%get3A_249, %get3A_250] {strides = array<i32>} : memref<32x256xf32, #tpu.memory_space<vmem>>, vector<1x16xf32>,
    %get3A_252 = vector.shape_cast %get3A_251 : vector<1x16xf32> to vector<16xf32>
    %add3A_253 = arith.addf %add3A_247, %get3A_252 : vector<16xf32>
    %get3A_254 = arith.constant 4 : i32
    %get3A_255 = arith.index_cast %get3A_254 : i32 to index
    %get3A_256 = arith.constant 32 : index
    %get3A_257 = tpu.vector_load %arg7[%get3A_255, %get3A_256] {strides = array<i32>} : memref<32x256xf32, #tpu.memory_space<vmem>>, vector<1x16xf32>,
    %get3A_258 = vector.shape_cast %get3A_257 : vector<1x16xf32> to vector<16xf32>
    %add3A_259 = arith.addf %add3A_253, %get3A_258 : vector<16xf32>
    %get3A_260 = arith.constant 5 : i32
    %get3A_261 = arith.index_cast %get3A_260 : i32 to index
    %get3A_262 = arith.constant 32 : index
    %get3A_263 = tpu.vector_load %arg7[%get3A_261, %get3A_262] {strides = array<i32>} : memref<32x256xf32, #tpu.memory_space<vmem>>, vector<1x16xf32>,
    %get3A_264 = vector.shape_cast %get3A_263 : vector<1x16xf32> to vector<16xf32>
    %add3A_265 = arith.addf %add3A_259, %get3A_264 : vector<16xf32>
    %get3A_266 = arith.constant 6 : i32
    %get3A_267 = arith.index_cast %get3A_266 : i32 to index
    %get3A_268 = arith.constant 32 : index
    %get3A_269 = tpu.vector_load %arg7[%get3A_267, %get3A_268] {strides = array<i32>} : memref<32x256xf32, #tpu.memory_space<vmem>>, vector<1x16xf32>,
    %get3A_270 = vector.shape_cast %get3A_269 : vector<1x16xf32> to vector<16xf32>
    %add3A_271 = arith.addf %add3A_265, %get3A_270 : vector<16xf32>
    %get3A_272 = arith.constant 7 : i32
    %get3A_273 = arith.index_cast %get3A_272 : i32 to index
    %get3A_274 = arith.constant 32 : index
    %get3A_275 = tpu.vector_load %arg7[%get3A_273, %get3A_274] {strides = array<i32>} : memref<32x256xf32, #tpu.memory_space<vmem>>, vector<1x16xf32>,
    %get3A_276 = vector.shape_cast %get3A_275 : vector<1x16xf32> to vector<16xf32>
    %add3A_277 = arith.addf %add3A_271, %get3A_276 : vector<16xf32>
    %get3A_278 = arith.constant 8 : i32
    %get3A_279 = arith.index_cast %get3A_278 : i32 to index
    %get3A_280 = arith.constant 32 : index
    %get3A_281 = tpu.vector_load %arg7[%get3A_279, %get3A_280] {strides = array<i32>} : memref<32x256xf32, #tpu.memory_space<vmem>>, vector<1x16xf32>,
    %get3A_282 = vector.shape_cast %get3A_281 : vector<1x16xf32> to vector<16xf32>
    %add3A_283 = arith.addf %add3A_277, %get3A_282 : vector<16xf32>
    %get3A_284 = arith.constant 9 : i32
    %get3A_285 = arith.index_cast %get3A_284 : i32 to index
    %get3A_286 = arith.constant 32 : index
    %get3A_287 = tpu.vector_load %arg7[%get3A_285, %get3A_286] {strides = array<i32>} : memref<32x256xf32, #tpu.memory_space<vmem>>, vector<1x16xf32>,
    %get3A_288 = vector.shape_cast %get3A_287 : vector<1x16xf32> to vector<16xf32>
    %add3A_289 = arith.addf %add3A_283, %get3A_288 : vector<16xf32>
    %get3A_290 = arith.constant 10 : i32
    %get3A_291 = arith.index_cast %get3A_290 : i32 to index
    %get3A_292 = arith.constant 32 : index
    %get3A_293 = tpu.vector_load %arg7[%get3A_291, %get3A_292] {strides = array<i32>} : memref<32x256xf32, #tpu.memory_space<vmem>>, vector<1x16xf32>,
    %get3A_294 = vector.shape_cast %get3A_293 : vector<1x16xf32> to vector<16xf32>
    %add3A_295 = arith.addf %add3A_289, %get3A_294 : vector<16xf32>
    %get3A_296 = arith.constant 11 : i32
    %get3A_297 = arith.index_cast %get3A_296 : i32 to index
    %get3A_298 = arith.constant 32 : index
    %get3A_299 = tpu.vector_load %arg7[%get3A_297, %get3A_298] {strides = array<i32>} : memref<32x256xf32, #tpu.memory_space<vmem>>, vector<1x16xf32>,
    %get3A_300 = vector.shape_cast %get3A_299 : vector<1x16xf32> to vector<16xf32>
    %add3A_301 = arith.addf %add3A_295, %get3A_300 : vector<16xf32>
    %get3A_302 = arith.constant 12 : i32
    %get3A_303 = arith.index_cast %get3A_302 : i32 to index
    %get3A_304 = arith.constant 32 : index
    %get3A_305 = tpu.vector_load %arg7[%get3A_303, %get3A_304] {strides = array<i32>} : memref<32x256xf32, #tpu.memory_space<vmem>>, vector<1x16xf32>,
    %get3A_306 = vector.shape_cast %get3A_305 : vector<1x16xf32> to vector<16xf32>
    %add3A_307 = arith.addf %add3A_301, %get3A_306 : vector<16xf32>
    %get3A_308 = arith.constant 13 : i32
    %get3A_309 = arith.index_cast %get3A_308 : i32 to index
    %get3A_310 = arith.constant 32 : index
    %get3A_311 = tpu.vector_load %arg7[%get3A_309, %get3A_310] {strides = array<i32>} : memref<32x256xf32, #tpu.memory_space<vmem>>, vector<1x16xf32>,
    %get3A_312 = vector.shape_cast %get3A_311 : vector<1x16xf32> to vector<16xf32>
    %add3A_313 = arith.addf %add3A_307, %get3A_312 : vector<16xf32>
    %get3A_314 = arith.constant 14 : i32
    %get3A_315 = arith.index_cast %get3A_314 : i32 to index
    %get3A_316 = arith.constant 32 : index
    %get3A_317 = tpu.vector_load %arg7[%get3A_315, %get3A_316] {strides = array<i32>} : memref<32x256xf32, #tpu.memory_space<vmem>>, vector<1x16xf32>,
    %get3A_318 = vector.shape_cast %get3A_317 : vector<1x16xf32> to vector<16xf32>
    %add3A_319 = arith.addf %add3A_313, %get3A_318 : vector<16xf32>
    %get3A_320 = arith.constant 15 : i32
    %get3A_321 = arith.index_cast %get3A_320 : i32 to index
    %get3A_322 = arith.constant 32 : index
    %get3A_323 = tpu.vector_load %arg7[%get3A_321, %get3A_322] {strides = array<i32>} : memref<32x256xf32, #tpu.memory_space<vmem>>, vector<1x16xf32>,
    %get3A_324 = vector.shape_cast %get3A_323 : vector<1x16xf32> to vector<16xf32>
    %add3A_325 = arith.addf %add3A_319, %get3A_324 : vector<16xf32>
    %mul3A_326 = arith.constant 6.250000e-02 : f32
    %mul3A_327 = vector.broadcast %mul3A_326 : f32 to vector<16xf32>
    %mul3A_328 = arith.mulf %add3A_325, %mul3A_327 : vector<16xf32>
    %swap3A_329 = arith.constant 0 : i32
    %swap3A_330 = arith.index_cast %swap3A_329 : i32 to index
    %swap3A_331 = arith.constant 32 : index
    %swap3A_332 = tpu.vector_load %arg8[%swap3A_330, %swap3A_331] {strides = array<i32>} : memref<2x256xf32, #tpu.memory_space<vmem>>, vector<1x16xf32>,
    %swap3A_333 = vector.shape_cast %swap3A_332 : vector<1x16xf32> to vector<16xf32>
    %swap3A_334 = vector.shape_cast %mul3A_328 : vector<16xf32> to vector<1x16xf32>
    tpu.vector_store %arg8[%swap3A_330, %swap3A_331], %swap3A_334 {strides = array<i32>} : memref<2x256xf32, #tpu.memory_space<vmem>>, vector<1x16xf32>,
    %get3A_335 = arith.constant 0 : i32
    %get3A_336 = arith.index_cast %get3A_335 : i32 to index
    %get3A_337 = arith.constant 48 : index
    %get3A_338 = tpu.vector_load %arg7[%get3A_336, %get3A_337] {strides = array<i32>} : memref<32x256xf32, #tpu.memory_space<vmem>>, vector<1x16xf32>,
    %get3A_339 = vector.shape_cast %get3A_338 : vector<1x16xf32> to vector<16xf32>
    %get3A_340 = arith.constant 1 : i32
    %get3A_341 = arith.index_cast %get3A_340 : i32 to index
    %get3A_342 = arith.constant 48 : index
    %get3A_343 = tpu.vector_load %arg7[%get3A_341, %get3A_342] {strides = array<i32>} : memref<32x256xf32, #tpu.memory_space<vmem>>, vector<1x16xf32>,
    %get3A_344 = vector.shape_cast %get3A_343 : vector<1x16xf32> to vector<16xf32>
    %add3A_345 = arith.addf %get3A_339, %get3A_344 : vector<16xf32>
    %get3A_346 = arith.constant 2 : i32
    %get3A_347 = arith.index_cast %get3A_346 : i32 to index
    %get3A_348 = arith.constant 48 : index
    %get3A_349 = tpu.vector_load %arg7[%get3A_347, %get3A_348] {strides = array<i32>} : memref<32x256xf32, #tpu.memory_space<vmem>>, vector<1x16xf32>,
    %get3A_350 = vector.shape_cast %get3A_349 : vector<1x16xf32> to vector<16xf32>
    %add3A_351 = arith.addf %add3A_345, %get3A_350 : vector<16xf32>
    %get3A_352 = arith.constant 3 : i32
    %get3A_353 = arith.index_cast %get3A_352 : i32 to index
    %get3A_354 = arith.constant 48 : index
    %get3A_355 = tpu.vector_load %arg7[%get3A_353, %get3A_354] {strides = array<i32>} : memref<32x256xf32, #tpu.memory_space<vmem>>, vector<1x16xf32>,
    %get3A_356 = vector.shape_cast %get3A_355 : vector<1x16xf32> to vector<16xf32>
    %add3A_357 = arith.addf %add3A_351, %get3A_356 : vector<16xf32>
    %get3A_358 = arith.constant 4 : i32
    %get3A_359 = arith.index_cast %get3A_358 : i32 to index
    %get3A_360 = arith.constant 48 : index
    %get3A_361 = tpu.vector_load %arg7[%get3A_359, %get3A_360] {strides = array<i32>} : memref<32x256xf32, #tpu.memory_space<vmem>>, vector<1x16xf32>,
    %get3A_362 = vector.shape_cast %get3A_361 : vector<1x16xf32> to vector<16xf32>
    %add3A_363 = arith.addf %add3A_357, %get3A_362 : vector<16xf32>
    %get3A_364 = arith.constant 5 : i32
    %get3A_365 = arith.index_cast %get3A_364 : i32 to index
    %get3A_366 = arith.constant 48 : index
    %get3A_367 = tpu.vector_load %arg7[%get3A_365, %get3A_366] {strides = array<i32>} : memref<32x256xf32, #tpu.memory_space<vmem>>, vector<1x16xf32>,
    %get3A_368 = vector.shape_cast %get3A_367 : vector<1x16xf32> to vector<16xf32>
    %add3A_369 = arith.addf %add3A_363, %get3A_368 : vector<16xf32>
    %get3A_370 = arith.constant 6 : i32
    %get3A_371 = arith.index_cast %get3A_370 : i32 to index
    %get3A_372 = arith.constant 48 : index
    %get3A_373 = tpu.vector_load %arg7[%get3A_371, %get3A_372] {strides = array<i32>} : memref<32x256xf32, #tpu.memory_space<vmem>>, vector<1x16xf32>,
    %get3A_374 = vector.shape_cast %get3A_373 : vector<1x16xf32> to vector<16xf32>
    %add3A_375 = arith.addf %add3A_369, %get3A_374 : vector<16xf32>
    %get3A_376 = arith.constant 7 : i32
    %get3A_377 = arith.index_cast %get3A_376 : i32 to index
    %get3A_378 = arith.constant 48 : index
    %get3A_379 = tpu.vector_load %arg7[%get3A_377, %get3A_378] {strides = array<i32>} : memref<32x256xf32, #tpu.memory_space<vmem>>, vector<1x16xf32>,
    %get3A_380 = vector.shape_cast %get3A_379 : vector<1x16xf32> to vector<16xf32>
    %add3A_381 = arith.addf %add3A_375, %get3A_380 : vector<16xf32>
    %get3A_382 = arith.constant 8 : i32
    %get3A_383 = arith.index_cast %get3A_382 : i32 to index
    %get3A_384 = arith.constant 48 : index
    %get3A_385 = tpu.vector_load %arg7[%get3A_383, %get3A_384] {strides = array<i32>} : memref<32x256xf32, #tpu.memory_space<vmem>>, vector<1x16xf32>,
    %get3A_386 = vector.shape_cast %get3A_385 : vector<1x16xf32> to vector<16xf32>
    %add3A_387 = arith.addf %add3A_381, %get3A_386 : vector<16xf32>
    %get3A_388 = arith.constant 9 : i32
    %get3A_389 = arith.index_cast %get3A_388 : i32 to index
    %get3A_390 = arith.constant 48 : index
    %get3A_391 = tpu.vector_load %arg7[%get3A_389, %get3A_390] {strides = array<i32>} : memref<32x256xf32, #tpu.memory_space<vmem>>, vector<1x16xf32>,
    %get3A_392 = vector.shape_cast %get3A_391 : vector<1x16xf32> to vector<16xf32>
    %add3A_393 = arith.addf %add3A_387, %get3A_392 : vector<16xf32>
    %get3A_394 = arith.constant 10 : i32
    %get3A_395 = arith.index_cast %get3A_394 : i32 to index
    %get3A_396 = arith.constant 48 : index
    %get3A_397 = tpu.vector_load %arg7[%get3A_395, %get3A_396] {strides = array<i32>} : memref<32x256xf32, #tpu.memory_space<vmem>>, vector<1x16xf32>,
    %get3A_398 = vector.shape_cast %get3A_397 : vector<1x16xf32> to vector<16xf32>
    %add3A_399 = arith.addf %add3A_393, %get3A_398 : vector<16xf32>
    %get3A_400 = arith.constant 11 : i32
    %get3A_401 = arith.index_cast %get3A_400 : i32 to index
    %get3A_402 = arith.constant 48 : index
    %get3A_403 = tpu.vector_load %arg7[%get3A_401, %get3A_402] {strides = array<i32>} : memref<32x256xf32, #tpu.memory_space<vmem>>, vector<1x16xf32>,
    %get3A_404 = vector.shape_cast %get3A_403 : vector<1x16xf32> to vector<16xf32>
    %add3A_405 = arith.addf %add3A_399, %get3A_404 : vector<16xf32>
    %get3A_406 = arith.constant 12 : i32
    %get3A_407 = arith.index_cast %get3A_406 : i32 to index
    %get3A_408 = arith.constant 48 : index
    %get3A_409 = tpu.vector_load %arg7[%get3A_407, %get3A_408] {strides = array<i32>} : memref<32x256xf32, #tpu.memory_space<vmem>>, vector<1x16xf32>,
    %get3A_410 = vector.shape_cast %get3A_409 : vector<1x16xf32> to vector<16xf32>
    %add3A_411 = arith.addf %add3A_405, %get3A_410 : vector<16xf32>
    %get3A_412 = arith.constant 13 : i32
    %get3A_413 = arith.index_cast %get3A_412 : i32 to index
    %get3A_414 = arith.constant 48 : index
    %get3A_415 = tpu.vector_load %arg7[%get3A_413, %get3A_414] {strides = array<i32>} : memref<32x256xf32, #tpu.memory_space<vmem>>, vector<1x16xf32>,
    %get3A_416 = vector.shape_cast %get3A_415 : vector<1x16xf32> to vector<16xf32>
    %add3A_417 = arith.addf %add3A_411, %get3A_416 : vector<16xf32>
    %get3A_418 = arith.constant 14 : i32
    %get3A_419 = arith.index_cast %get3A_418 : i32 to index
    %get3A_420 = arith.constant 48 : index
    %get3A_421 = tpu.vector_load %arg7[%get3A_419, %get3A_420] {strides = array<i32>} : memref<32x256xf32, #tpu.memory_space<vmem>>, vector<1x16xf32>,
    %get3A_422 = vector.shape_cast %get3A_421 : vector<1x16xf32> to vector<16xf32>
    %add3A_423 = arith.addf %add3A_417, %get3A_422 : vector<16xf32>
    %get3A_424 = arith.constant 15 : i32
    %get3A_425 = arith.index_cast %get3A_424 : i32 to index
    %get3A_426 = arith.constant 48 : index
    %get3A_427 = tpu.vector_load %arg7[%get3A_425, %get3A_426] {strides = array<i32>} : memref<32x256xf32, #tpu.memory_space<vmem>>, vector<1x16xf32>,
    %get3A_428 = vector.shape_cast %get3A_427 : vector<1x16xf32> to vector<16xf32>
    %add3A_429 = arith.addf %add3A_423, %get3A_428 : vector<16xf32>
    %mul3A_430 = arith.constant 6.250000e-02 : f32
    %mul3A_431 = vector.broadcast %mul3A_430 : f32 to vector<16xf32>
    %mul3A_432 = arith.mulf %add3A_429, %mul3A_431 : vector<16xf32>
    %swap3A_433 = arith.constant 0 : i32
    %swap3A_434 = arith.index_cast %swap3A_433 : i32 to index
    %swap3A_435 = arith.constant 48 : index
    %swap3A_436 = tpu.vector_load %arg8[%swap3A_434, %swap3A_435] {strides = array<i32>} : memref<2x256xf32, #tpu.memory_space<vmem>>, vector<1x16xf32>,
    %swap3A_437 = vector.shape_cast %swap3A_436 : vector<1x16xf32> to vector<16xf32>
    %swap3A_438 = vector.shape_cast %mul3A_432 : vector<16xf32> to vector<1x16xf32>
    tpu.vector_store %arg8[%swap3A_434, %swap3A_435], %swap3A_438 {strides = array<i32>} : memref<2x256xf32, #tpu.memory_space<vmem>>, vector<1x16xf32>,
    %get3A_439 = arith.constant 0 : i32
    %get3A_440 = arith.index_cast %get3A_439 : i32 to index
    %get3A_441 = arith.constant 64 : index
    %get3A_442 = tpu.vector_load %arg7[%get3A_440, %get3A_441] {strides = array<i32>} : memref<32x256xf32, #tpu.memory_space<vmem>>, vector<1x16xf32>,
    %get3A_443 = vector.shape_cast %get3A_442 : vector<1x16xf32> to vector<16xf32>
    %get3A_444 = arith.constant 1 : i32
    %get3A_445 = arith.index_cast %get3A_444 : i32 to index
    %get3A_446 = arith.constant 64 : index
    %get3A_447 = tpu.vector_load %arg7[%get3A_445, %get3A_446] {strides = array<i32>} : memref<32x256xf32, #tpu.memory_space<vmem>>, vector<1x16xf32>,
    %get3A_448 = vector.shape_cast %get3A_447 : vector<1x16xf32> to vector<16xf32>
    %add3A_449 = arith.addf %get3A_443, %get3A_448 : vector<16xf32>
    %get3A_450 = arith.constant 2 : i32
    %get3A_451 = arith.index_cast %get3A_450 : i32 to index
    %get3A_452 = arith.constant 64 : index
    %get3A_453 = tpu.vector_load %arg7[%get3A_451, %get3A_452] {strides = array<i32>} : memref<32x256xf32, #tpu.memory_space<vmem>>, vector<1x16xf32>,
    %get3A_454 = vector.shape_cast %get3A_453 : vector<1x16xf32> to vector<16xf32>
    %add3A_455 = arith.addf %add3A_449, %get3A_454 : vector<16xf32>
    %get3A_456 = arith.constant 3 : i32
    %get3A_457 = arith.index_cast %get3A_456 : i32 to index
    %get3A_458 = arith.constant 64 : index
    %get3A_459 = tpu.vector_load %arg7[%get3A_457, %get3A_458] {strides = array<i32>} : memref<32x256xf32, #tpu.memory_space<vmem>>, vector<1x16xf32>,
    %get3A_460 = vector.shape_cast %get3A_459 : vector<1x16xf32> to vector<16xf32>
    %add3A_461 = arith.addf %add3A_455, %get3A_460 : vector<16xf32>
    %get3A_462 = arith.constant 4 : i32
    %get3A_463 = arith.index_cast %get3A_462 : i32 to index
    %get3A_464 = arith.constant 64 : index
    %get3A_465 = tpu.vector_load %arg7[%get3A_463, %get3A_464] {strides = array<i32>} : memref<32x256xf32, #tpu.memory_space<vmem>>, vector<1x16xf32>,
    %get3A_466 = vector.shape_cast %get3A_465 : vector<1x16xf32> to vector<16xf32>
    %add3A_467 = arith.addf %add3A_461, %get3A_466 : vector<16xf32>
    %get3A_468 = arith.constant 5 : i32
    %get3A_469 = arith.index_cast %get3A_468 : i32 to index
    %get3A_470 = arith.constant 64 : index
    %get3A_471 = tpu.vector_load %arg7[%get3A_469, %get3A_470] {strides = array<i32>} : memref<32x256xf32, #tpu.memory_space<vmem>>, vector<1x16xf32>,
    %get3A_472 = vector.shape_cast %get3A_471 : vector<1x16xf32> to vector<16xf32>
    %add3A_473 = arith.addf %add3A_467, %get3A_472 : vector<16xf32>
    %get3A_474 = arith.constant 6 : i32
    %get3A_475 = arith.index_cast %get3A_474 : i32 to index
    %get3A_476 = arith.constant 64 : index
    %get3A_477 = tpu.vector_load %arg7[%get3A_475, %get3A_476] {strides = array<i32>} : memref<32x256xf32, #tpu.memory_space<vmem>>, vector<1x16xf32>,
    %get3A_478 = vector.shape_cast %get3A_477 : vector<1x16xf32> to vector<16xf32>
    %add3A_479 = arith.addf %add3A_473, %get3A_478 : vector<16xf32>
    %get3A_480 = arith.constant 7 : i32
    %get3A_481 = arith.index_cast %get3A_480 : i32 to index
    %get3A_482 = arith.constant 64 : index
    %get3A_483 = tpu.vector_load %arg7[%get3A_481, %get3A_482] {strides = array<i32>} : memref<32x256xf32, #tpu.memory_space<vmem>>, vector<1x16xf32>,
    %get3A_484 = vector.shape_cast %get3A_483 : vector<1x16xf32> to vector<16xf32>
    %add3A_485 = arith.addf %add3A_479, %get3A_484 : vector<16xf32>
    %get3A_486 = arith.constant 8 : i32
    %get3A_487 = arith.index_cast %get3A_486 : i32 to index
    %get3A_488 = arith.constant 64 : index
    %get3A_489 = tpu.vector_load %arg7[%get3A_487, %get3A_488] {strides = array<i32>} : memref<32x256xf32, #tpu.memory_space<vmem>>, vector<1x16xf32>,
    %get3A_490 = vector.shape_cast %get3A_489 : vector<1x16xf32> to vector<16xf32>
    %add3A_491 = arith.addf %add3A_485, %get3A_490 : vector<16xf32>
    %get3A_492 = arith.constant 9 : i32
    %get3A_493 = arith.index_cast %get3A_492 : i32 to index
    %get3A_494 = arith.constant 64 : index
    %get3A_495 = tpu.vector_load %arg7[%get3A_493, %get3A_494] {strides = array<i32>} : memref<32x256xf32, #tpu.memory_space<vmem>>, vector<1x16xf32>,
    %get3A_496 = vector.shape_cast %get3A_495 : vector<1x16xf32> to vector<16xf32>
    %add3A_497 = arith.addf %add3A_491, %get3A_496 : vector<16xf32>
    %get3A_498 = arith.constant 10 : i32
    %get3A_499 = arith.index_cast %get3A_498 : i32 to index
    %get3A_500 = arith.constant 64 : index
    %get3A_501 = tpu.vector_load %arg7[%get3A_499, %get3A_500] {strides = array<i32>} : memref<32x256xf32, #tpu.memory_space<vmem>>, vector<1x16xf32>,
    %get3A_502 = vector.shape_cast %get3A_501 : vector<1x16xf32> to vector<16xf32>
    %add3A_503 = arith.addf %add3A_497, %get3A_502 : vector<16xf32>
    %get3A_504 = arith.constant 11 : i32
    %get3A_505 = arith.index_cast %get3A_504 : i32 to index
    %get3A_506 = arith.constant 64 : index
    %get3A_507 = tpu.vector_load %arg7[%get3A_505, %get3A_506] {strides = array<i32>} : memref<32x256xf32, #tpu.memory_space<vmem>>, vector<1x16xf32>,
    %get3A_508 = vector.shape_cast %get3A_507 : vector<1x16xf32> to vector<16xf32>
    %add3A_509 = arith.addf %add3A_503, %get3A_508 : vector<16xf32>
    %get3A_510 = arith.constant 12 : i32
    %get3A_511 = arith.index_cast %get3A_510 : i32 to index
    %get3A_512 = arith.constant 64 : index
    %get3A_513 = tpu.vector_load %arg7[%get3A_511, %get3A_512] {strides = array<i32>} : memref<32x256xf32, #tpu.memory_space<vmem>>, vector<1x16xf32>,
    %get3A_514 = vector.shape_cast %get3A_513 : vector<1x16xf32> to vector<16xf32>
    %add3A_515 = arith.addf %add3A_509, %get3A_514 : vector<16xf32>
    %get3A_516 = arith.constant 13 : i32
    %get3A_517 = arith.index_cast %get3A_516 : i32 to index
    %get3A_518 = arith.constant 64 : index
    %get3A_519 = tpu.vector_load %arg7[%get3A_517, %get3A_518] {strides = array<i32>} : memref<32x256xf32, #tpu.memory_space<vmem>>, vector<1x16xf32>,
    %get3A_520 = vector.shape_cast %get3A_519 : vector<1x16xf32> to vector<16xf32>
    %add3A_521 = arith.addf %add3A_515, %get3A_520 : vector<16xf32>
    %get3A_522 = arith.constant 14 : i32
    %get3A_523 = arith.index_cast %get3A_522 : i32 to index
    %get3A_524 = arith.constant 64 : index
    %get3A_525 = tpu.vector_load %arg7[%get3A_523, %get3A_524] {strides = array<i32>} : memref<32x256xf32, #tpu.memory_space<vmem>>, vector<1x16xf32>,
    %get3A_526 = vector.shape_cast %get3A_525 : vector<1x16xf32> to vector<16xf32>
    %add3A_527 = arith.addf %add3A_521, %get3A_526 : vector<16xf32>
    %get3A_528 = arith.constant 15 : i32
    %get3A_529 = arith.index_cast %get3A_528 : i32 to index
    %get3A_530 = arith.constant 64 : index
    %get3A_531 = tpu.vector_load %arg7[%get3A_529, %get3A_530] {strides = array<i32>} : memref<32x256xf32, #tpu.memory_space<vmem>>, vector<1x16xf32>,
    %get3A_532 = vector.shape_cast %get3A_531 : vector<1x16xf32> to vector<16xf32>
    %add3A_533 = arith.addf %add3A_527, %get3A_532 : vector<16xf32>
    %mul3A_534 = arith.constant 6.250000e-02 : f32
    %mul3A_535 = vector.broadcast %mul3A_534 : f32 to vector<16xf32>
    %mul3A_536 = arith.mulf %add3A_533, %mul3A_535 : vector<16xf32>
    %swap3A_537 = arith.constant 0 : i32
    %swap3A_538 = arith.index_cast %swap3A_537 : i32 to index
    %swap3A_539 = arith.constant 64 : index
    %swap3A_540 = tpu.vector_load %arg8[%swap3A_538, %swap3A_539] {strides = array<i32>} : memref<2x256xf32, #tpu.memory_space<vmem>>, vector<1x16xf32>,
    %swap3A_541 = vector.shape_cast %swap3A_540 : vector<1x16xf32> to vector<16xf32>
    %swap3A_542 = vector.shape_cast %mul3A_536 : vector<16xf32> to vector<1x16xf32>
    tpu.vector_store %arg8[%swap3A_538, %swap3A_539], %swap3A_542 {strides = array<i32>} : memref<2x256xf32, #tpu.memory_space<vmem>>, vector<1x16xf32>,
    %get3A_543 = arith.constant 0 : i32
    %get3A_544 = arith.index_cast %get3A_543 : i32 to index
    %get3A_545 = arith.constant 80 : index
    %get3A_546 = tpu.vector_load %arg7[%get3A_544, %get3A_545] {strides = array<i32>} : memref<32x256xf32, #tpu.memory_space<vmem>>, vector<1x16xf32>,
    %get3A_547 = vector.shape_cast %get3A_546 : vector<1x16xf32> to vector<16xf32>
    %get3A_548 = arith.constant 1 : i32
    %get3A_549 = arith.index_cast %get3A_548 : i32 to index
    %get3A_550 = arith.constant 80 : index
    %get3A_551 = tpu.vector_load %arg7[%get3A_549, %get3A_550] {strides = array<i32>} : memref<32x256xf32, #tpu.memory_space<vmem>>, vector<1x16xf32>,
    %get3A_552 = vector.shape_cast %get3A_551 : vector<1x16xf32> to vector<16xf32>
    %add3A_553 = arith.addf %get3A_547, %get3A_552 : vector<16xf32>
    %get3A_554 = arith.constant 2 : i32
    %get3A_555 = arith.index_cast %get3A_554 : i32 to index
    %get3A_556 = arith.constant 80 : index
    %get3A_557 = tpu.vector_load %arg7[%get3A_555, %get3A_556] {strides = array<i32>} : memref<32x256xf32, #tpu.memory_space<vmem>>, vector<1x16xf32>,
    %get3A_558 = vector.shape_cast %get3A_557 : vector<1x16xf32> to vector<16xf32>
    %add3A_559 = arith.addf %add3A_553, %get3A_558 : vector<16xf32>
    %get3A_560 = arith.constant 3 : i32
    %get3A_561 = arith.index_cast %get3A_560 : i32 to index
    %get3A_562 = arith.constant 80 : index
    %get3A_563 = tpu.vector_load %arg7[%get3A_561, %get3A_562] {strides = array<i32>} : memref<32x256xf32, #tpu.memory_space<vmem>>, vector<1x16xf32>,
    %get3A_564 = vector.shape_cast %get3A_563 : vector<1x16xf32> to vector<16xf32>
    %add3A_565 = arith.addf %add3A_559, %get3A_564 : vector<16xf32>
    %get3A_566 = arith.constant 4 : i32
    %get3A_567 = arith.index_cast %get3A_566 : i32 to index
    %get3A_568 = arith.constant 80 : index
    %get3A_569 = tpu.vector_load %arg7[%get3A_567, %get3A_568] {strides = array<i32>} : memref<32x256xf32, #tpu.memory_space<vmem>>, vector<1x16xf32>,
    %get3A_570 = vector.shape_cast %get3A_569 : vector<1x16xf32> to vector<16xf32>
    %add3A_571 = arith.addf %add3A_565, %get3A_570 : vector<16xf32>
    %get3A_572 = arith.constant 5 : i32
    %get3A_573 = arith.index_cast %get3A_572 : i32 to index
    %get3A_574 = arith.constant 80 : index
    %get3A_575 = tpu.vector_load %arg7[%get3A_573, %get3A_574] {strides = array<i32>} : memref<32x256xf32, #tpu.memory_space<vmem>>, vector<1x16xf32>,
    %get3A_576 = vector.shape_cast %get3A_575 : vector<1x16xf32> to vector<16xf32>
    %add3A_577 = arith.addf %add3A_571, %get3A_576 : vector<16xf32>
    %get3A_578 = arith.constant 6 : i32
    %get3A_579 = arith.index_cast %get3A_578 : i32 to index
    %get3A_580 = arith.constant 80 : index
    %get3A_581 = tpu.vector_load %arg7[%get3A_579, %get3A_580] {strides = array<i32>} : memref<32x256xf32, #tpu.memory_space<vmem>>, vector<1x16xf32>,
    %get3A_582 = vector.shape_cast %get3A_581 : vector<1x16xf32> to vector<16xf32>
    %add3A_583 = arith.addf %add3A_577, %get3A_582 : vector<16xf32>
    %get3A_584 = arith.constant 7 : i32
    %get3A_585 = arith.index_cast %get3A_584 : i32 to index
    %get3A_586 = arith.constant 80 : index
    %get3A_587 = tpu.vector_load %arg7[%get3A_585, %get3A_586] {strides = array<i32>} : memref<32x256xf32, #tpu.memory_space<vmem>>, vector<1x16xf32>,
    %get3A_588 = vector.shape_cast %get3A_587 : vector<1x16xf32> to vector<16xf32>
    %add3A_589 = arith.addf %add3A_583, %get3A_588 : vector<16xf32>
    %get3A_590 = arith.constant 8 : i32
    %get3A_591 = arith.index_cast %get3A_590 : i32 to index
    %get3A_592 = arith.constant 80 : index
    %get3A_593 = tpu.vector_load %arg7[%get3A_591, %get3A_592] {strides = array<i32>} : memref<32x256xf32, #tpu.memory_space<vmem>>, vector<1x16xf32>,
    %get3A_594 = vector.shape_cast %get3A_593 : vector<1x16xf32> to vector<16xf32>
    %add3A_595 = arith.addf %add3A_589, %get3A_594 : vector<16xf32>
    %get3A_596 = arith.constant 9 : i32
    %get3A_597 = arith.index_cast %get3A_596 : i32 to index
    %get3A_598 = arith.constant 80 : index
    %get3A_599 = tpu.vector_load %arg7[%get3A_597, %get3A_598] {strides = array<i32>} : memref<32x256xf32, #tpu.memory_space<vmem>>, vector<1x16xf32>,
    %get3A_600 = vector.shape_cast %get3A_599 : vector<1x16xf32> to vector<16xf32>
    %add3A_601 = arith.addf %add3A_595, %get3A_600 : vector<16xf32>
    %get3A_602 = arith.constant 10 : i32
    %get3A_603 = arith.index_cast %get3A_602 : i32 to index
    %get3A_604 = arith.constant 80 : index
    %get3A_605 = tpu.vector_load %arg7[%get3A_603, %get3A_604] {strides = array<i32>} : memref<32x256xf32, #tpu.memory_space<vmem>>, vector<1x16xf32>,
    %get3A_606 = vector.shape_cast %get3A_605 : vector<1x16xf32> to vector<16xf32>
    %add3A_607 = arith.addf %add3A_601, %get3A_606 : vector<16xf32>
    %get3A_608 = arith.constant 11 : i32
    %get3A_609 = arith.index_cast %get3A_608 : i32 to index
    %get3A_610 = arith.constant 80 : index
    %get3A_611 = tpu.vector_load %arg7[%get3A_609, %get3A_610] {strides = array<i32>} : memref<32x256xf32, #tpu.memory_space<vmem>>, vector<1x16xf32>,
    %get3A_612 = vector.shape_cast %get3A_611 : vector<1x16xf32> to vector<16xf32>
    %add3A_613 = arith.addf %add3A_607, %get3A_612 : vector<16xf32>
    %get3A_614 = arith.constant 12 : i32
    %get3A_615 = arith.index_cast %get3A_614 : i32 to index
    %get3A_616 = arith.constant 80 : index
    %get3A_617 = tpu.vector_load %arg7[%get3A_615, %get3A_616] {strides = array<i32>} : memref<32x256xf32, #tpu.memory_space<vmem>>, vector<1x16xf32>,
    %get3A_618 = vector.shape_cast %get3A_617 : vector<1x16xf32> to vector<16xf32>
    %add3A_619 = arith.addf %add3A_613, %get3A_618 : vector<16xf32>
    %get3A_620 = arith.constant 13 : i32
    %get3A_621 = arith.index_cast %get3A_620 : i32 to index
    %get3A_622 = arith.constant 80 : index
    %get3A_623 = tpu.vector_load %arg7[%get3A_621, %get3A_622] {strides = array<i32>} : memref<32x256xf32, #tpu.memory_space<vmem>>, vector<1x16xf32>,
    %get3A_624 = vector.shape_cast %get3A_623 : vector<1x16xf32> to vector<16xf32>
    %add3A_625 = arith.addf %add3A_619, %get3A_624 : vector<16xf32>
    %get3A_626 = arith.constant 14 : i32
    %get3A_627 = arith.index_cast %get3A_626 : i32 to index
    %get3A_628 = arith.constant 80 : index
    %get3A_629 = tpu.vector_load %arg7[%get3A_627, %get3A_628] {strides = array<i32>} : memref<32x256xf32, #tpu.memory_space<vmem>>, vector<1x16xf32>,
    %get3A_630 = vector.shape_cast %get3A_629 : vector<1x16xf32> to vector<16xf32>
    %add3A_631 = arith.addf %add3A_625, %get3A_630 : vector<16xf32>
    %get3A_632 = arith.constant 15 : i32
    %get3A_633 = arith.index_cast %get3A_632 : i32 to index
    %get3A_634 = arith.constant 80 : index
    %get3A_635 = tpu.vector_load %arg7[%get3A_633, %get3A_634] {strides = array<i32>} : memref<32x256xf32, #tpu.memory_space<vmem>>, vector<1x16xf32>,
    %get3A_636 = vector.shape_cast %get3A_635 : vector<1x16xf32> to vector<16xf32>
    %add3A_637 = arith.addf %add3A_631, %get3A_636 : vector<16xf32>
    %mul3A_638 = arith.constant 6.250000e-02 : f32
    %mul3A_639 = vector.broadcast %mul3A_638 : f32 to vector<16xf32>
    %mul3A_640 = arith.mulf %add3A_637, %mul3A_639 : vector<16xf32>
    %swap3A_641 = arith.constant 0 : i32
    %swap3A_642 = arith.index_cast %swap3A_641 : i32 to index
    %swap3A_643 = arith.constant 80 : index
    %swap3A_644 = tpu.vector_load %arg8[%swap3A_642, %swap3A_643] {strides = array<i32>} : memref<2x256xf32, #tpu.memory_space<vmem>>, vector<1x16xf32>,
    %swap3A_645 = vector.shape_cast %swap3A_644 : vector<1x16xf32> to vector<16xf32>
    %swap3A_646 = vector.shape_cast %mul3A_640 : vector<16xf32> to vector<1x16xf32>
    tpu.vector_store %arg8[%swap3A_642, %swap3A_643], %swap3A_646 {strides = array<i32>} : memref<2x256xf32, #tpu.memory_space<vmem>>, vector<1x16xf32>,
    %get3A_647 = arith.constant 0 : i32
    %get3A_648 = arith.index_cast %get3A_647 : i32 to index
    %get3A_649 = arith.constant 96 : index
    %get3A_650 = tpu.vector_load %arg7[%get3A_648, %get3A_649] {strides = array<i32>} : memref<32x256xf32, #tpu.memory_space<vmem>>, vector<1x16xf32>,
    %get3A_651 = vector.shape_cast %get3A_650 : vector<1x16xf32> to vector<16xf32>
    %get3A_652 = arith.constant 1 : i32
    %get3A_653 = arith.index_cast %get3A_652 : i32 to index
    %get3A_654 = arith.constant 96 : index
    %get3A_655 = tpu.vector_load %arg7[%get3A_653, %get3A_654] {strides = array<i32>} : memref<32x256xf32, #tpu.memory_space<vmem>>, vector<1x16xf32>,
    %get3A_656 = vector.shape_cast %get3A_655 : vector<1x16xf32> to vector<16xf32>
    %add3A_657 = arith.addf %get3A_651, %get3A_656 : vector<16xf32>
    %get3A_658 = arith.constant 2 : i32
    %get3A_659 = arith.index_cast %get3A_658 : i32 to index
    %get3A_660 = arith.constant 96 : index
    %get3A_661 = tpu.vector_load %arg7[%get3A_659, %get3A_660] {strides = array<i32>} : memref<32x256xf32, #tpu.memory_space<vmem>>, vector<1x16xf32>,
    %get3A_662 = vector.shape_cast %get3A_661 : vector<1x16xf32> to vector<16xf32>
    %add3A_663 = arith.addf %add3A_657, %get3A_662 : vector<16xf32>
    %get3A_664 = arith.constant 3 : i32
    %get3A_665 = arith.index_cast %get3A_664 : i32 to index
    %get3A_666 = arith.constant 96 : index
    %get3A_667 = tpu.vector_load %arg7[%get3A_665, %get3A_666] {strides = array<i32>} : memref<32x256xf32, #tpu.memory_space<vmem>>, vector<1x16xf32>,
    %get3A_668 = vector.shape_cast %get3A_667 : vector<1x16xf32> to vector<16xf32>
    %add3A_669 = arith.addf %add3A_663, %get3A_668 : vector<16xf32>
    %get3A_670 = arith.constant 4 : i32
    %get3A_671 = arith.index_cast %get3A_670 : i32 to index
    %get3A_672 = arith.constant 96 : index
    %get3A_673 = tpu.vector_load %arg7[%get3A_671, %get3A_672] {strides = array<i32>} : memref<32x256xf32, #tpu.memory_space<vmem>>, vector<1x16xf32>,
    %get3A_674 = vector.shape_cast %get3A_673 : vector<1x16xf32> to vector<16xf32>
    %add3A_675 = arith.addf %add3A_669, %get3A_674 : vector<16xf32>
    %get3A_676 = arith.constant 5 : i32
    %get3A_677 = arith.index_cast %get3A_676 : i32 to index
    %get3A_678 = arith.constant 96 : index
    %get3A_679 = tpu.vector_load %arg7[%get3A_677, %get3A_678] {strides = array<i32>} : memref<32x256xf32, #tpu.memory_space<vmem>>, vector<1x16xf32>,
    %get3A_680 = vector.shape_cast %get3A_679 : vector<1x16xf32> to vector<16xf32>
    %add3A_681 = arith.addf %add3A_675, %get3A_680 : vector<16xf32>
    %get3A_682 = arith.constant 6 : i32
    %get3A_683 = arith.index_cast %get3A_682 : i32 to index
    %get3A_684 = arith.constant 96 : index
    %get3A_685 = tpu.vector_load %arg7[%get3A_683, %get3A_684] {strides = array<i32>} : memref<32x256xf32, #tpu.memory_space<vmem>>, vector<1x16xf32>,
    %get3A_686 = vector.shape_cast %get3A_685 : vector<1x16xf32> to vector<16xf32>
    %add3A_687 = arith.addf %add3A_681, %get3A_686 : vector<16xf32>
    %get3A_688 = arith.constant 7 : i32
    %get3A_689 = arith.index_cast %get3A_688 : i32 to index
    %get3A_690 = arith.constant 96 : index
    %get3A_691 = tpu.vector_load %arg7[%get3A_689, %get3A_690] {strides = array<i32>} : memref<32x256xf32, #tpu.memory_space<vmem>>, vector<1x16xf32>,
    %get3A_692 = vector.shape_cast %get3A_691 : vector<1x16xf32> to vector<16xf32>
    %add3A_693 = arith.addf %add3A_687, %get3A_692 : vector<16xf32>
    %get3A_694 = arith.constant 8 : i32
    %get3A_695 = arith.index_cast %get3A_694 : i32 to index
    %get3A_696 = arith.constant 96 : index
    %get3A_697 = tpu.vector_load %arg7[%get3A_695, %get3A_696] {strides = array<i32>} : memref<32x256xf32, #tpu.memory_space<vmem>>, vector<1x16xf32>,
    %get3A_698 = vector.shape_cast %get3A_697 : vector<1x16xf32> to vector<16xf32>
    %add3A_699 = arith.addf %add3A_693, %get3A_698 : vector<16xf32>
    %get3A_700 = arith.constant 9 : i32
    %get3A_701 = arith.index_cast %get3A_700 : i32 to index
    %get3A_702 = arith.constant 96 : index
    %get3A_703 = tpu.vector_load %arg7[%get3A_701, %get3A_702] {strides = array<i32>} : memref<32x256xf32, #tpu.memory_space<vmem>>, vector<1x16xf32>,
    %get3A_704 = vector.shape_cast %get3A_703 : vector<1x16xf32> to vector<16xf32>
    %add3A_705 = arith.addf %add3A_699, %get3A_704 : vector<16xf32>
    %get3A_706 = arith.constant 10 : i32
    %get3A_707 = arith.index_cast %get3A_706 : i32 to index
    %get3A_708 = arith.constant 96 : index
    %get3A_709 = tpu.vector_load %arg7[%get3A_707, %get3A_708] {strides = array<i32>} : memref<32x256xf32, #tpu.memory_space<vmem>>, vector<1x16xf32>,
    %get3A_710 = vector.shape_cast %get3A_709 : vector<1x16xf32> to vector<16xf32>
    %add3A_711 = arith.addf %add3A_705, %get3A_710 : vector<16xf32>
    %get3A_712 = arith.constant 11 : i32
    %get3A_713 = arith.index_cast %get3A_712 : i32 to index
    %get3A_714 = arith.constant 96 : index
    %get3A_715 = tpu.vector_load %arg7[%get3A_713, %get3A_714] {strides = array<i32>} : memref<32x256xf32, #tpu.memory_space<vmem>>, vector<1x16xf32>,
    %get3A_716 = vector.shape_cast %get3A_715 : vector<1x16xf32> to vector<16xf32>
    %add3A_717 = arith.addf %add3A_711, %get3A_716 : vector<16xf32>
    %get3A_718 = arith.constant 12 : i32
    %get3A_719 = arith.index_cast %get3A_718 : i32 to index
    %get3A_720 = arith.constant 96 : index
    %get3A_721 = tpu.vector_load %arg7[%get3A_719, %get3A_720] {strides = array<i32>} : memref<32x256xf32, #tpu.memory_space<vmem>>, vector<1x16xf32>,
    %get3A_722 = vector.shape_cast %get3A_721 : vector<1x16xf32> to vector<16xf32>
    %add3A_723 = arith.addf %add3A_717, %get3A_722 : vector<16xf32>
    %get3A_724 = arith.constant 13 : i32
    %get3A_725 = arith.index_cast %get3A_724 : i32 to index
    %get3A_726 = arith.constant 96 : index
    %get3A_727 = tpu.vector_load %arg7[%get3A_725, %get3A_726] {strides = array<i32>} : memref<32x256xf32, #tpu.memory_space<vmem>>, vector<1x16xf32>,
    %get3A_728 = vector.shape_cast %get3A_727 : vector<1x16xf32> to vector<16xf32>
    %add3A_729 = arith.addf %add3A_723, %get3A_728 : vector<16xf32>
    %get3A_730 = arith.constant 14 : i32
    %get3A_731 = arith.index_cast %get3A_730 : i32 to index
    %get3A_732 = arith.constant 96 : index
    %get3A_733 = tpu.vector_load %arg7[%get3A_731, %get3A_732] {strides = array<i32>} : memref<32x256xf32, #tpu.memory_space<vmem>>, vector<1x16xf32>,
    %get3A_734 = vector.shape_cast %get3A_733 : vector<1x16xf32> to vector<16xf32>
    %add3A_735 = arith.addf %add3A_729, %get3A_734 : vector<16xf32>
    %get3A_736 = arith.constant 15 : i32
    %get3A_737 = arith.index_cast %get3A_736 : i32 to index
    %get3A_738 = arith.constant 96 : index
    %get3A_739 = tpu.vector_load %arg7[%get3A_737, %get3A_738] {strides = array<i32>} : memref<32x256xf32, #tpu.memory_space<vmem>>, vector<1x16xf32>,
    %get3A_740 = vector.shape_cast %get3A_739 : vector<1x16xf32> to vector<16xf32>
    %add3A_741 = arith.addf %add3A_735, %get3A_740 : vector<16xf32>
    %mul3A_742 = arith.constant 6.250000e-02 : f32
    %mul3A_743 = vector.broadcast %mul3A_742 : f32 to vector<16xf32>
    %mul3A_744 = arith.mulf %add3A_741, %mul3A_743 : vector<16xf32>
    %swap3A_745 = arith.constant 0 : i32
    %swap3A_746 = arith.index_cast %swap3A_745 : i32 to index
    %swap3A_747 = arith.constant 96 : index
    %swap3A_748 = tpu.vector_load %arg8[%swap3A_746, %swap3A_747] {strides = array<i32>} : memref<2x256xf32, #tpu.memory_space<vmem>>, vector<1x16xf32>,
    %swap3A_749 = vector.shape_cast %swap3A_748 : vector<1x16xf32> to vector<16xf32>
    %swap3A_750 = vector.shape_cast %mul3A_744 : vector<16xf32> to vector<1x16xf32>
    tpu.vector_store %arg8[%swap3A_746, %swap3A_747], %swap3A_750 {strides = array<i32>} : memref<2x256xf32, #tpu.memory_space<vmem>>, vector<1x16xf32>,
    %get3A_751 = arith.constant 0 : i32
    %get3A_752 = arith.index_cast %get3A_751 : i32 to index
    %get3A_753 = arith.constant 112 : index
    %get3A_754 = tpu.vector_load %arg7[%get3A_752, %get3A_753] {strides = array<i32>} : memref<32x256xf32, #tpu.memory_space<vmem>>, vector<1x16xf32>,
    %get3A_755 = vector.shape_cast %get3A_754 : vector<1x16xf32> to vector<16xf32>
    %get3A_756 = arith.constant 1 : i32
    %get3A_757 = arith.index_cast %get3A_756 : i32 to index
    %get3A_758 = arith.constant 112 : index
    %get3A_759 = tpu.vector_load %arg7[%get3A_757, %get3A_758] {strides = array<i32>} : memref<32x256xf32, #tpu.memory_space<vmem>>, vector<1x16xf32>,
    %get3A_760 = vector.shape_cast %get3A_759 : vector<1x16xf32> to vector<16xf32>
    %add3A_761 = arith.addf %get3A_755, %get3A_760 : vector<16xf32>
    %get3A_762 = arith.constant 2 : i32
    %get3A_763 = arith.index_cast %get3A_762 : i32 to index
    %get3A_764 = arith.constant 112 : index
    %get3A_765 = tpu.vector_load %arg7[%get3A_763, %get3A_764] {strides = array<i32>} : memref<32x256xf32, #tpu.memory_space<vmem>>, vector<1x16xf32>,
    %get3A_766 = vector.shape_cast %get3A_765 : vector<1x16xf32> to vector<16xf32>
    %add3A_767 = arith.addf %add3A_761, %get3A_766 : vector<16xf32>
    %get3A_768 = arith.constant 3 : i32
    %get3A_769 = arith.index_cast %get3A_768 : i32 to index
    %get3A_770 = arith.constant 112 : index
    %get3A_771 = tpu.vector_load %arg7[%get3A_769, %get3A_770] {strides = array<i32>} : memref<32x256xf32, #tpu.memory_space<vmem>>, vector<1x16xf32>,
    %get3A_772 = vector.shape_cast %get3A_771 : vector<1x16xf32> to vector<16xf32>
    %add3A_773 = arith.addf %add3A_767, %get3A_772 : vector<16xf32>
    %get3A_774 = arith.constant 4 : i32
    %get3A_775 = arith.index_cast %get3A_774 : i32 to index
    %get3A_776 = arith.constant 112 : index
    %get3A_777 = tpu.vector_load %arg7[%get3A_775, %get3A_776] {strides = array<i32>} : memref<32x256xf32, #tpu.memory_space<vmem>>, vector<1x16xf32>,
    %get3A_778 = vector.shape_cast %get3A_777 : vector<1x16xf32> to vector<16xf32>
    %add3A_779 = arith.addf %add3A_773, %get3A_778 : vector<16xf32>
    %get3A_780 = arith.constant 5 : i32
    %get3A_781 = arith.index_cast %get3A_780 : i32 to index
    %get3A_782 = arith.constant 112 : index
    %get3A_783 = tpu.vector_load %arg7[%get3A_781, %get3A_782] {strides = array<i32>} : memref<32x256xf32, #tpu.memory_space<vmem>>, vector<1x16xf32>,
    %get3A_784 = vector.shape_cast %get3A_783 : vector<1x16xf32> to vector<16xf32>
    %add3A_785 = arith.addf %add3A_779, %get3A_784 : vector<16xf32>
    %get3A_786 = arith.constant 6 : i32
    %get3A_787 = arith.index_cast %get3A_786 : i32 to index
    %get3A_788 = arith.constant 112 : index
    %get3A_789 = tpu.vector_load %arg7[%get3A_787, %get3A_788] {strides = array<i32>} : memref<32x256xf32, #tpu.memory_space<vmem>>, vector<1x16xf32>,
    %get3A_790 = vector.shape_cast %get3A_789 : vector<1x16xf32> to vector<16xf32>
    %add3A_791 = arith.addf %add3A_785, %get3A_790 : vector<16xf32>
    %get3A_792 = arith.constant 7 : i32
    %get3A_793 = arith.index_cast %get3A_792 : i32 to index
    %get3A_794 = arith.constant 112 : index
    %get3A_795 = tpu.vector_load %arg7[%get3A_793, %get3A_794] {strides = array<i32>} : memref<32x256xf32, #tpu.memory_space<vmem>>, vector<1x16xf32>,
    %get3A_796 = vector.shape_cast %get3A_795 : vector<1x16xf32> to vector<16xf32>
    %add3A_797 = arith.addf %add3A_791, %get3A_796 : vector<16xf32>
    %get3A_798 = arith.constant 8 : i32
    %get3A_799 = arith.index_cast %get3A_798 : i32 to index
    %get3A_800 = arith.constant 112 : index
    %get3A_801 = tpu.vector_load %arg7[%get3A_799, %get3A_800] {strides = array<i32>} : memref<32x256xf32, #tpu.memory_space<vmem>>, vector<1x16xf32>,
    %get3A_802 = vector.shape_cast %get3A_801 : vector<1x16xf32> to vector<16xf32>
    %add3A_803 = arith.addf %add3A_797, %get3A_802 : vector<16xf32>
    %get3A_804 = arith.constant 9 : i32
    %get3A_805 = arith.index_cast %get3A_804 : i32 to index
    %get3A_806 = arith.constant 112 : index
    %get3A_807 = tpu.vector_load %arg7[%get3A_805, %get3A_806] {strides = array<i32>} : memref<32x256xf32, #tpu.memory_space<vmem>>, vector<1x16xf32>,
    %get3A_808 = vector.shape_cast %get3A_807 : vector<1x16xf32> to vector<16xf32>
    %add3A_809 = arith.addf %add3A_803, %get3A_808 : vector<16xf32>
    %get3A_810 = arith.constant 10 : i32
    %get3A_811 = arith.index_cast %get3A_810 : i32 to index
    %get3A_812 = arith.constant 112 : index
    %get3A_813 = tpu.vector_load %arg7[%get3A_811, %get3A_812] {strides = array<i32>} : memref<32x256xf32, #tpu.memory_space<vmem>>, vector<1x16xf32>,
    %get3A_814 = vector.shape_cast %get3A_813 : vector<1x16xf32> to vector<16xf32>
    %add3A_815 = arith.addf %add3A_809, %get3A_814 : vector<16xf32>
    %get3A_816 = arith.constant 11 : i32
    %get3A_817 = arith.index_cast %get3A_816 : i32 to index
    %get3A_818 = arith.constant 112 : index
    %get3A_819 = tpu.vector_load %arg7[%get3A_817, %get3A_818] {strides = array<i32>} : memref<32x256xf32, #tpu.memory_space<vmem>>, vector<1x16xf32>,
    %get3A_820 = vector.shape_cast %get3A_819 : vector<1x16xf32> to vector<16xf32>
    %add3A_821 = arith.addf %add3A_815, %get3A_820 : vector<16xf32>
    %get3A_822 = arith.constant 12 : i32
    %get3A_823 = arith.index_cast %get3A_822 : i32 to index
    %get3A_824 = arith.constant 112 : index
    %get3A_825 = tpu.vector_load %arg7[%get3A_823, %get3A_824] {strides = array<i32>} : memref<32x256xf32, #tpu.memory_space<vmem>>, vector<1x16xf32>,
    %get3A_826 = vector.shape_cast %get3A_825 : vector<1x16xf32> to vector<16xf32>
    %add3A_827 = arith.addf %add3A_821, %get3A_826 : vector<16xf32>
    %get3A_828 = arith.constant 13 : i32
    %get3A_829 = arith.index_cast %get3A_828 : i32 to index
    %get3A_830 = arith.constant 112 : index
    %get3A_831 = tpu.vector_load %arg7[%get3A_829, %get3A_830] {strides = array<i32>} : memref<32x256xf32, #tpu.memory_space<vmem>>, vector<1x16xf32>,
    %get3A_832 = vector.shape_cast %get3A_831 : vector<1x16xf32> to vector<16xf32>
    %add3A_833 = arith.addf %add3A_827, %get3A_832 : vector<16xf32>
    %get3A_834 = arith.constant 14 : i32
    %get3A_835 = arith.index_cast %get3A_834 : i32 to index
    %get3A_836 = arith.constant 112 : index
    %get3A_837 = tpu.vector_load %arg7[%get3A_835, %get3A_836] {strides = array<i32>} : memref<32x256xf32, #tpu.memory_space<vmem>>, vector<1x16xf32>,
    %get3A_838 = vector.shape_cast %get3A_837 : vector<1x16xf32> to vector<16xf32>
    %add3A_839 = arith.addf %add3A_833, %get3A_838 : vector<16xf32>
    %get3A_840 = arith.constant 15 : i32
    %get3A_841 = arith.index_cast %get3A_840 : i32 to index
    %get3A_842 = arith.constant 112 : index
    %get3A_843 = tpu.vector_load %arg7[%get3A_841, %get3A_842] {strides = array<i32>} : memref<32x256xf32, #tpu.memory_space<vmem>>, vector<1x16xf32>,
    %get3A_844 = vector.shape_cast %get3A_843 : vector<1x16xf32> to vector<16xf32>
    %add3A_845 = arith.addf %add3A_839, %get3A_844 : vector<16xf32>
    %mul3A_846 = arith.constant 6.250000e-02 : f32
    %mul3A_847 = vector.broadcast %mul3A_846 : f32 to vector<16xf32>
    %mul3A_848 = arith.mulf %add3A_845, %mul3A_847 : vector<16xf32>
    %swap3A_849 = arith.constant 0 : i32
    %swap3A_850 = arith.index_cast %swap3A_849 : i32 to index
    %swap3A_851 = arith.constant 112 : index
    %swap3A_852 = tpu.vector_load %arg8[%swap3A_850, %swap3A_851] {strides = array<i32>} : memref<2x256xf32, #tpu.memory_space<vmem>>, vector<1x16xf32>,
    %swap3A_853 = vector.shape_cast %swap3A_852 : vector<1x16xf32> to vector<16xf32>
    %swap3A_854 = vector.shape_cast %mul3A_848 : vector<16xf32> to vector<1x16xf32>
    tpu.vector_store %arg8[%swap3A_850, %swap3A_851], %swap3A_854 {strides = array<i32>} : memref<2x256xf32, #tpu.memory_space<vmem>>, vector<1x16xf32>,
    %get3A_855 = arith.constant 0 : i32
    %get3A_856 = arith.index_cast %get3A_855 : i32 to index
    %get3A_857 = arith.constant 128 : index
    %get3A_858 = tpu.vector_load %arg7[%get3A_856, %get3A_857] {strides = array<i32>} : memref<32x256xf32, #tpu.memory_space<vmem>>, vector<1x16xf32>,
    %get3A_859 = vector.shape_cast %get3A_858 : vector<1x16xf32> to vector<16xf32>
    %get3A_860 = arith.constant 1 : i32
    %get3A_861 = arith.index_cast %get3A_860 : i32 to index
    %get3A_862 = arith.constant 128 : index
    %get3A_863 = tpu.vector_load %arg7[%get3A_861, %get3A_862] {strides = array<i32>} : memref<32x256xf32, #tpu.memory_space<vmem>>, vector<1x16xf32>,
    %get3A_864 = vector.shape_cast %get3A_863 : vector<1x16xf32> to vector<16xf32>
    %add3A_865 = arith.addf %get3A_859, %get3A_864 : vector<16xf32>
    %get3A_866 = arith.constant 2 : i32
    %get3A_867 = arith.index_cast %get3A_866 : i32 to index
    %get3A_868 = arith.constant 128 : index
    %get3A_869 = tpu.vector_load %arg7[%get3A_867, %get3A_868] {strides = array<i32>} : memref<32x256xf32, #tpu.memory_space<vmem>>, vector<1x16xf32>,
    %get3A_870 = vector.shape_cast %get3A_869 : vector<1x16xf32> to vector<16xf32>
    %add3A_871 = arith.addf %add3A_865, %get3A_870 : vector<16xf32>
    %get3A_872 = arith.constant 3 : i32
    %get3A_873 = arith.index_cast %get3A_872 : i32 to index
    %get3A_874 = arith.constant 128 : index
    %get3A_875 = tpu.vector_load %arg7[%get3A_873, %get3A_874] {strides = array<i32>} : memref<32x256xf32, #tpu.memory_space<vmem>>, vector<1x16xf32>,
    %get3A_876 = vector.shape_cast %get3A_875 : vector<1x16xf32> to vector<16xf32>
    %add3A_877 = arith.addf %add3A_871, %get3A_876 : vector<16xf32>
    %get3A_878 = arith.constant 4 : i32
    %get3A_879 = arith.index_cast %get3A_878 : i32 to index
    %get3A_880 = arith.constant 128 : index
    %get3A_881 = tpu.vector_load %arg7[%get3A_879, %get3A_880] {strides = array<i32>} : memref<32x256xf32, #tpu.memory_space<vmem>>, vector<1x16xf32>,
    %get3A_882 = vector.shape_cast %get3A_881 : vector<1x16xf32> to vector<16xf32>
    %add3A_883 = arith.addf %add3A_877, %get3A_882 : vector<16xf32>
    %get3A_884 = arith.constant 5 : i32
    %get3A_885 = arith.index_cast %get3A_884 : i32 to index
    %get3A_886 = arith.constant 128 : index
    %get3A_887 = tpu.vector_load %arg7[%get3A_885, %get3A_886] {strides = array<i32>} : memref<32x256xf32, #tpu.memory_space<vmem>>, vector<1x16xf32>,
    %get3A_888 = vector.shape_cast %get3A_887 : vector<1x16xf32> to vector<16xf32>
    %add3A_889 = arith.addf %add3A_883, %get3A_888 : vector<16xf32>
    %get3A_890 = arith.constant 6 : i32
    %get3A_891 = arith.index_cast %get3A_890 : i32 to index
    %get3A_892 = arith.constant 128 : index
    %get3A_893 = tpu.vector_load %arg7[%get3A_891, %get3A_892] {strides = array<i32>} : memref<32x256xf32, #tpu.memory_space<vmem>>, vector<1x16xf32>,
    %get3A_894 = vector.shape_cast %get3A_893 : vector<1x16xf32> to vector<16xf32>
    %add3A_895 = arith.addf %add3A_889, %get3A_894 : vector<16xf32>
    %get3A_896 = arith.constant 7 : i32
    %get3A_897 = arith.index_cast %get3A_896 : i32 to index
    %get3A_898 = arith.constant 128 : index
    %get3A_899 = tpu.vector_load %arg7[%get3A_897, %get3A_898] {strides = array<i32>} : memref<32x256xf32, #tpu.memory_space<vmem>>, vector<1x16xf32>,
    %get3A_900 = vector.shape_cast %get3A_899 : vector<1x16xf32> to vector<16xf32>
    %add3A_901 = arith.addf %add3A_895, %get3A_900 : vector<16xf32>
    %get3A_902 = arith.constant 8 : i32
    %get3A_903 = arith.index_cast %get3A_902 : i32 to index
    %get3A_904 = arith.constant 128 : index
    %get3A_905 = tpu.vector_load %arg7[%get3A_903, %get3A_904] {strides = array<i32>} : memref<32x256xf32, #tpu.memory_space<vmem>>, vector<1x16xf32>,
    %get3A_906 = vector.shape_cast %get3A_905 : vector<1x16xf32> to vector<16xf32>
    %add3A_907 = arith.addf %add3A_901, %get3A_906 : vector<16xf32>
    %get3A_908 = arith.constant 9 : i32
    %get3A_909 = arith.index_cast %get3A_908 : i32 to index
    %get3A_910 = arith.constant 128 : index
    %get3A_911 = tpu.vector_load %arg7[%get3A_909, %get3A_910] {strides = array<i32>} : memref<32x256xf32, #tpu.memory_space<vmem>>, vector<1x16xf32>,
    %get3A_912 = vector.shape_cast %get3A_911 : vector<1x16xf32> to vector<16xf32>
    %add3A_913 = arith.addf %add3A_907, %get3A_912 : vector<16xf32>
    %get3A_914 = arith.constant 10 : i32
    %get3A_915 = arith.index_cast %get3A_914 : i32 to index
    %get3A_916 = arith.constant 128 : index
    %get3A_917 = tpu.vector_load %arg7[%get3A_915, %get3A_916] {strides = array<i32>} : memref<32x256xf32, #tpu.memory_space<vmem>>, vector<1x16xf32>,
    %get3A_918 = vector.shape_cast %get3A_917 : vector<1x16xf32> to vector<16xf32>
    %add3A_919 = arith.addf %add3A_913, %get3A_918 : vector<16xf32>
    %get3A_920 = arith.constant 11 : i32
    %get3A_921 = arith.index_cast %get3A_920 : i32 to index
    %get3A_922 = arith.constant 128 : index
    %get3A_923 = tpu.vector_load %arg7[%get3A_921, %get3A_922] {strides = array<i32>} : memref<32x256xf32, #tpu.memory_space<vmem>>, vector<1x16xf32>,
    %get3A_924 = vector.shape_cast %get3A_923 : vector<1x16xf32> to vector<16xf32>
    %add3A_925 = arith.addf %add3A_919, %get3A_924 : vector<16xf32>
    %get3A_926 = arith.constant 12 : i32
    %get3A_927 = arith.index_cast %get3A_926 : i32 to index
    %get3A_928 = arith.constant 128 : index
    %get3A_929 = tpu.vector_load %arg7[%get3A_927, %get3A_928] {strides = array<i32>} : memref<32x256xf32, #tpu.memory_space<vmem>>, vector<1x16xf32>,
    %get3A_930 = vector.shape_cast %get3A_929 : vector<1x16xf32> to vector<16xf32>
    %add3A_931 = arith.addf %add3A_925, %get3A_930 : vector<16xf32>
    %get3A_932 = arith.constant 13 : i32
    %get3A_933 = arith.index_cast %get3A_932 : i32 to index
    %get3A_934 = arith.constant 128 : index
    %get3A_935 = tpu.vector_load %arg7[%get3A_933, %get3A_934] {strides = array<i32>} : memref<32x256xf32, #tpu.memory_space<vmem>>, vector<1x16xf32>,
    %get3A_936 = vector.shape_cast %get3A_935 : vector<1x16xf32> to vector<16xf32>
    %add3A_937 = arith.addf %add3A_931, %get3A_936 : vector<16xf32>
    %get3A_938 = arith.constant 14 : i32
    %get3A_939 = arith.index_cast %get3A_938 : i32 to index
    %get3A_940 = arith.constant 128 : index
    %get3A_941 = tpu.vector_load %arg7[%get3A_939, %get3A_940] {strides = array<i32>} : memref<32x256xf32, #tpu.memory_space<vmem>>, vector<1x16xf32>,
    %get3A_942 = vector.shape_cast %get3A_941 : vector<1x16xf32> to vector<16xf32>
    %add3A_943 = arith.addf %add3A_937, %get3A_942 : vector<16xf32>
    %get3A_944 = arith.constant 15 : i32
    %get3A_945 = arith.index_cast %get3A_944 : i32 to index
    %get3A_946 = arith.constant 128 : index
    %get3A_947 = tpu.vector_load %arg7[%get3A_945, %get3A_946] {strides = array<i32>} : memref<32x256xf32, #tpu.memory_space<vmem>>, vector<1x16xf32>,
    %get3A_948 = vector.shape_cast %get3A_947 : vector<1x16xf32> to vector<16xf32>
    %add3A_949 = arith.addf %add3A_943, %get3A_948 : vector<16xf32>
    %mul3A_950 = arith.constant 6.250000e-02 : f32
    %mul3A_951 = vector.broadcast %mul3A_950 : f32 to vector<16xf32>
    %mul3A_952 = arith.mulf %add3A_949, %mul3A_951 : vector<16xf32>
    %swap3A_953 = arith.constant 0 : i32
    %swap3A_954 = arith.index_cast %swap3A_953 : i32 to index
    %swap3A_955 = arith.constant 128 : index
    %swap3A_956 = tpu.vector_load %arg8[%swap3A_954, %swap3A_955] {strides = array<i32>} : memref<2x256xf32, #tpu.memory_space<vmem>>, vector<1x16xf32>,
    %swap3A_957 = vector.shape_cast %swap3A_956 : vector<1x16xf32> to vector<16xf32>
    %swap3A_958 = vector.shape_cast %mul3A_952 : vector<16xf32> to vector<1x16xf32>
    tpu.vector_store %arg8[%swap3A_954, %swap3A_955], %swap3A_958 {strides = array<i32>} : memref<2x256xf32, #tpu.memory_space<vmem>>, vector<1x16xf32>,
    %get3A_959 = arith.constant 0 : i32
    %get3A_960 = arith.index_cast %get3A_959 : i32 to index
    %get3A_961 = arith.constant 144 : index
    %get3A_962 = tpu.vector_load %arg7[%get3A_960, %get3A_961] {strides = array<i32>} : memref<32x256xf32, #tpu.memory_space<vmem>>, vector<1x16xf32>,
    %get3A_963 = vector.shape_cast %get3A_962 : vector<1x16xf32> to vector<16xf32>
    %get3A_964 = arith.constant 1 : i32
    %get3A_965 = arith.index_cast %get3A_964 : i32 to index
    %get3A_966 = arith.constant 144 : index
    %get3A_967 = tpu.vector_load %arg7[%get3A_965, %get3A_966] {strides = array<i32>} : memref<32x256xf32, #tpu.memory_space<vmem>>, vector<1x16xf32>,
    %get3A_968 = vector.shape_cast %get3A_967 : vector<1x16xf32> to vector<16xf32>
    %add3A_969 = arith.addf %get3A_963, %get3A_968 : vector<16xf32>
    %get3A_970 = arith.constant 2 : i32
    %get3A_971 = arith.index_cast %get3A_970 : i32 to index
    %get3A_972 = arith.constant 144 : index
    %get3A_973 = tpu.vector_load %arg7[%get3A_971, %get3A_972] {strides = array<i32>} : memref<32x256xf32, #tpu.memory_space<vmem>>, vector<1x16xf32>,
    %get3A_974 = vector.shape_cast %get3A_973 : vector<1x16xf32> to vector<16xf32>
    %add3A_975 = arith.addf %add3A_969, %get3A_974 : vector<16xf32>
    %get3A_976 = arith.constant 3 : i32
    %get3A_977 = arith.index_cast %get3A_976 : i32 to index
    %get3A_978 = arith.constant 144 : index
    %get3A_979 = tpu.vector_load %arg7[%get3A_977, %get3A_978] {strides = array<i32>} : memref<32x256xf32, #tpu.memory_space<vmem>>, vector<1x16xf32>,
    %get3A_980 = vector.shape_cast %get3A_979 : vector<1x16xf32> to vector<16xf32>
    %add3A_981 = arith.addf %add3A_975, %get3A_980 : vector<16xf32>
    %get3A_982 = arith.constant 4 : i32
    %get3A_983 = arith.index_cast %get3A_982 : i32 to index
    %get3A_984 = arith.constant 144 : index
    %get3A_985 = tpu.vector_load %arg7[%get3A_983, %get3A_984] {strides = array<i32>} : memref<32x256xf32, #tpu.memory_space<vmem>>, vector<1x16xf32>,
    %get3A_986 = vector.shape_cast %get3A_985 : vector<1x16xf32> to vector<16xf32>
    %add3A_987 = arith.addf %add3A_981, %get3A_986 : vector<16xf32>
    %get3A_988 = arith.constant 5 : i32
    %get3A_989 = arith.index_cast %get3A_988 : i32 to index
    %get3A_990 = arith.constant 144 : index
    %get3A_991 = tpu.vector_load %arg7[%get3A_989, %get3A_990] {strides = array<i32>} : memref<32x256xf32, #tpu.memory_space<vmem>>, vector<1x16xf32>,
    %get3A_992 = vector.shape_cast %get3A_991 : vector<1x16xf32> to vector<16xf32>
    %add3A_993 = arith.addf %add3A_987, %get3A_992 : vector<16xf32>
    %get3A_994 = arith.constant 6 : i32
    %get3A_995 = arith.index_cast %get3A_994 : i32 to index
    %get3A_996 = arith.constant 144 : index
    %get3A_997 = tpu.vector_load %arg7[%get3A_995, %get3A_996] {strides = array<i32>} : memref<32x256xf32, #tpu.memory_space<vmem>>, vector<1x16xf32>,
    %get3A_998 = vector.shape_cast %get3A_997 : vector<1x16xf32> to vector<16xf32>
    %add3A_999 = arith.addf %add3A_993, %get3A_998 : vector<16xf32>
    %get3A_1000 = arith.constant 7 : i32
    %get3A_1001 = arith.index_cast %get3A_1000 : i32 to index
    %get3A_1002 = arith.constant 144 : index
    %get3A_1003 = tpu.vector_load %arg7[%get3A_1001, %get3A_1002] {strides = array<i32>} : memref<32x256xf32, #tpu.memory_space<vmem>>, vector<1x16xf32>,
    %get3A_1004 = vector.shape_cast %get3A_1003 : vector<1x16xf32> to vector<16xf32>
    %add3A_1005 = arith.addf %add3A_999, %get3A_1004 : vector<16xf32>
    %get3A_1006 = arith.constant 8 : i32
    %get3A_1007 = arith.index_cast %get3A_1006 : i32 to index
    %get3A_1008 = arith.constant 144 : index
    %get3A_1009 = tpu.vector_load %arg7[%get3A_1007, %get3A_1008] {strides = array<i32>} : memref<32x256xf32, #tpu.memory_space<vmem>>, vector<1x16xf32>,
    %get3A_1010 = vector.shape_cast %get3A_1009 : vector<1x16xf32> to vector<16xf32>
    %add3A_1011 = arith.addf %add3A_1005, %get3A_1010 : vector<16xf32>
    %get3A_1012 = arith.constant 9 : i32
    %get3A_1013 = arith.index_cast %get3A_1012 : i32 to index
    %get3A_1014 = arith.constant 144 : index
    %get3A_1015 = tpu.vector_load %arg7[%get3A_1013, %get3A_1014] {strides = array<i32>} : memref<32x256xf32, #tpu.memory_space<vmem>>, vector<1x16xf32>,
    %get3A_1016 = vector.shape_cast %get3A_1015 : vector<1x16xf32> to vector<16xf32>
    %add3A_1017 = arith.addf %add3A_1011, %get3A_1016 : vector<16xf32>
    %get3A_1018 = arith.constant 10 : i32
    %get3A_1019 = arith.index_cast %get3A_1018 : i32 to index
    %get3A_1020 = arith.constant 144 : index
    %get3A_1021 = tpu.vector_load %arg7[%get3A_1019, %get3A_1020] {strides = array<i32>} : memref<32x256xf32, #tpu.memory_space<vmem>>, vector<1x16xf32>,
    %get3A_1022 = vector.shape_cast %get3A_1021 : vector<1x16xf32> to vector<16xf32>
    %add3A_1023 = arith.addf %add3A_1017, %get3A_1022 : vector<16xf32>
    %get3A_1024 = arith.constant 11 : i32
    %get3A_1025 = arith.index_cast %get3A_1024 : i32 to index
    %get3A_1026 = arith.constant 144 : index
    %get3A_1027 = tpu.vector_load %arg7[%get3A_1025, %get3A_1026] {strides = array<i32>} : memref<32x256xf32, #tpu.memory_space<vmem>>, vector<1x16xf32>,
    %get3A_1028 = vector.shape_cast %get3A_1027 : vector<1x16xf32> to vector<16xf32>
    %add3A_1029 = arith.addf %add3A_1023, %get3A_1028 : vector<16xf32>
    %get3A_1030 = arith.constant 12 : i32
    %get3A_1031 = arith.index_cast %get3A_1030 : i32 to index
    %get3A_1032 = arith.constant 144 : index
    %get3A_1033 = tpu.vector_load %arg7[%get3A_1031, %get3A_1032] {strides = array<i32>} : memref<32x256xf32, #tpu.memory_space<vmem>>, vector<1x16xf32>,
    %get3A_1034 = vector.shape_cast %get3A_1033 : vector<1x16xf32> to vector<16xf32>
    %add3A_1035 = arith.addf %add3A_1029, %get3A_1034 : vector<16xf32>
    %get3A_1036 = arith.constant 13 : i32
    %get3A_1037 = arith.index_cast %get3A_1036 : i32 to index
    %get3A_1038 = arith.constant 144 : index
    %get3A_1039 = tpu.vector_load %arg7[%get3A_1037, %get3A_1038] {strides = array<i32>} : memref<32x256xf32, #tpu.memory_space<vmem>>, vector<1x16xf32>,
    %get3A_1040 = vector.shape_cast %get3A_1039 : vector<1x16xf32> to vector<16xf32>
    %add3A_1041 = arith.addf %add3A_1035, %get3A_1040 : vector<16xf32>
    %get3A_1042 = arith.constant 14 : i32
    %get3A_1043 = arith.index_cast %get3A_1042 : i32 to index
    %get3A_1044 = arith.constant 144 : index
    %get3A_1045 = tpu.vector_load %arg7[%get3A_1043, %get3A_1044] {strides = array<i32>} : memref<32x256xf32, #tpu.memory_space<vmem>>, vector<1x16xf32>,
    %get3A_1046 = vector.shape_cast %get3A_1045 : vector<1x16xf32> to vector<16xf32>
    %add3A_1047 = arith.addf %add3A_1041, %get3A_1046 : vector<16xf32>
    %get3A_1048 = arith.constant 15 : i32
    %get3A_1049 = arith.index_cast %get3A_1048 : i32 to index
    %get3A_1050 = arith.constant 144 : index
    %get3A_1051 = tpu.vector_load %arg7[%get3A_1049, %get3A_1050] {strides = array<i32>} : memref<32x256xf32, #tpu.memory_space<vmem>>, vector<1x16xf32>,
    %get3A_1052 = vector.shape_cast %get3A_1051 : vector<1x16xf32> to vector<16xf32>
    %add3A_1053 = arith.addf %add3A_1047, %get3A_1052 : vector<16xf32>
    %mul3A_1054 = arith.constant 6.250000e-02 : f32
    %mul3A_1055 = vector.broadcast %mul3A_1054 : f32 to vector<16xf32>
    %mul3A_1056 = arith.mulf %add3A_1053, %mul3A_1055 : vector<16xf32>
    %swap3A_1057 = arith.constant 0 : i32
    %swap3A_1058 = arith.index_cast %swap3A_1057 : i32 to index
    %swap3A_1059 = arith.constant 144 : index
    %swap3A_1060 = tpu.vector_load %arg8[%swap3A_1058, %swap3A_1059] {strides = array<i32>} : memref<2x256xf32, #tpu.memory_space<vmem>>, vector<1x16xf32>,
    %swap3A_1061 = vector.shape_cast %swap3A_1060 : vector<1x16xf32> to vector<16xf32>
    %swap3A_1062 = vector.shape_cast %mul3A_1056 : vector<16xf32> to vector<1x16xf32>
    tpu.vector_store %arg8[%swap3A_1058, %swap3A_1059], %swap3A_1062 {strides = array<i32>} : memref<2x256xf32, #tpu.memory_space<vmem>>, vector<1x16xf32>,
    %get3A_1063 = arith.constant 0 : i32
    %get3A_1064 = arith.index_cast %get3A_1063 : i32 to index
    %get3A_1065 = arith.constant 160 : index
    %get3A_1066 = tpu.vector_load %arg7[%get3A_1064, %get3A_1065] {strides = array<i32>} : memref<32x256xf32, #tpu.memory_space<vmem>>, vector<1x16xf32>,
    %get3A_1067 = vector.shape_cast %get3A_1066 : vector<1x16xf32> to vector<16xf32>
    %get3A_1068 = arith.constant 1 : i32
    %get3A_1069 = arith.index_cast %get3A_1068 : i32 to index
    %get3A_1070 = arith.constant 160 : index
    %get3A_1071 = tpu.vector_load %arg7[%get3A_1069, %get3A_1070] {strides = array<i32>} : memref<32x256xf32, #tpu.memory_space<vmem>>, vector<1x16xf32>,
    %get3A_1072 = vector.shape_cast %get3A_1071 : vector<1x16xf32> to vector<16xf32>
    %add3A_1073 = arith.addf %get3A_1067, %get3A_1072 : vector<16xf32>
    %get3A_1074 = arith.constant 2 : i32
    %get3A_1075 = arith.index_cast %get3A_1074 : i32 to index
    %get3A_1076 = arith.constant 160 : index
    %get3A_1077 = tpu.vector_load %arg7[%get3A_1075, %get3A_1076] {strides = array<i32>} : memref<32x256xf32, #tpu.memory_space<vmem>>, vector<1x16xf32>,
    %get3A_1078 = vector.shape_cast %get3A_1077 : vector<1x16xf32> to vector<16xf32>
    %add3A_1079 = arith.addf %add3A_1073, %get3A_1078 : vector<16xf32>
    %get3A_1080 = arith.constant 3 : i32
    %get3A_1081 = arith.index_cast %get3A_1080 : i32 to index
    %get3A_1082 = arith.constant 160 : index
    %get3A_1083 = tpu.vector_load %arg7[%get3A_1081, %get3A_1082] {strides = array<i32>} : memref<32x256xf32, #tpu.memory_space<vmem>>, vector<1x16xf32>,
    %get3A_1084 = vector.shape_cast %get3A_1083 : vector<1x16xf32> to vector<16xf32>
    %add3A_1085 = arith.addf %add3A_1079, %get3A_1084 : vector<16xf32>
    %get3A_1086 = arith.constant 4 : i32
    %get3A_1087 = arith.index_cast %get3A_1086 : i32 to index
    %get3A_1088 = arith.constant 160 : index
    %get3A_1089 = tpu.vector_load %arg7[%get3A_1087, %get3A_1088] {strides = array<i32>} : memref<32x256xf32, #tpu.memory_space<vmem>>, vector<1x16xf32>,
    %get3A_1090 = vector.shape_cast %get3A_1089 : vector<1x16xf32> to vector<16xf32>
    %add3A_1091 = arith.addf %add3A_1085, %get3A_1090 : vector<16xf32>
    %get3A_1092 = arith.constant 5 : i32
    %get3A_1093 = arith.index_cast %get3A_1092 : i32 to index
    %get3A_1094 = arith.constant 160 : index
    %get3A_1095 = tpu.vector_load %arg7[%get3A_1093, %get3A_1094] {strides = array<i32>} : memref<32x256xf32, #tpu.memory_space<vmem>>, vector<1x16xf32>,
    %get3A_1096 = vector.shape_cast %get3A_1095 : vector<1x16xf32> to vector<16xf32>
    %add3A_1097 = arith.addf %add3A_1091, %get3A_1096 : vector<16xf32>
    %get3A_1098 = arith.constant 6 : i32
    %get3A_1099 = arith.index_cast %get3A_1098 : i32 to index
    %get3A_1100 = arith.constant 160 : index
    %get3A_1101 = tpu.vector_load %arg7[%get3A_1099, %get3A_1100] {strides = array<i32>} : memref<32x256xf32, #tpu.memory_space<vmem>>, vector<1x16xf32>,
    %get3A_1102 = vector.shape_cast %get3A_1101 : vector<1x16xf32> to vector<16xf32>
    %add3A_1103 = arith.addf %add3A_1097, %get3A_1102 : vector<16xf32>
    %get3A_1104 = arith.constant 7 : i32
    %get3A_1105 = arith.index_cast %get3A_1104 : i32 to index
    %get3A_1106 = arith.constant 160 : index
    %get3A_1107 = tpu.vector_load %arg7[%get3A_1105, %get3A_1106] {strides = array<i32>} : memref<32x256xf32, #tpu.memory_space<vmem>>, vector<1x16xf32>,
    %get3A_1108 = vector.shape_cast %get3A_1107 : vector<1x16xf32> to vector<16xf32>
    %add3A_1109 = arith.addf %add3A_1103, %get3A_1108 : vector<16xf32>
    %get3A_1110 = arith.constant 8 : i32
    %get3A_1111 = arith.index_cast %get3A_1110 : i32 to index
    %get3A_1112 = arith.constant 160 : index
    %get3A_1113 = tpu.vector_load %arg7[%get3A_1111, %get3A_1112] {strides = array<i32>} : memref<32x256xf32, #tpu.memory_space<vmem>>, vector<1x16xf32>,
    %get3A_1114 = vector.shape_cast %get3A_1113 : vector<1x16xf32> to vector<16xf32>
    %add3A_1115 = arith.addf %add3A_1109, %get3A_1114 : vector<16xf32>
    %get3A_1116 = arith.constant 9 : i32
    %get3A_1117 = arith.index_cast %get3A_1116 : i32 to index
    %get3A_1118 = arith.constant 160 : index
    %get3A_1119 = tpu.vector_load %arg7[%get3A_1117, %get3A_1118] {strides = array<i32>} : memref<32x256xf32, #tpu.memory_space<vmem>>, vector<1x16xf32>,
    %get3A_1120 = vector.shape_cast %get3A_1119 : vector<1x16xf32> to vector<16xf32>
    %add3A_1121 = arith.addf %add3A_1115, %get3A_1120 : vector<16xf32>
    %get3A_1122 = arith.constant 10 : i32
    %get3A_1123 = arith.index_cast %get3A_1122 : i32 to index
    %get3A_1124 = arith.constant 160 : index
    %get3A_1125 = tpu.vector_load %arg7[%get3A_1123, %get3A_1124] {strides = array<i32>} : memref<32x256xf32, #tpu.memory_space<vmem>>, vector<1x16xf32>,
    %get3A_1126 = vector.shape_cast %get3A_1125 : vector<1x16xf32> to vector<16xf32>
    %add3A_1127 = arith.addf %add3A_1121, %get3A_1126 : vector<16xf32>
    %get3A_1128 = arith.constant 11 : i32
    %get3A_1129 = arith.index_cast %get3A_1128 : i32 to index
    %get3A_1130 = arith.constant 160 : index
    %get3A_1131 = tpu.vector_load %arg7[%get3A_1129, %get3A_1130] {strides = array<i32>} : memref<32x256xf32, #tpu.memory_space<vmem>>, vector<1x16xf32>,
    %get3A_1132 = vector.shape_cast %get3A_1131 : vector<1x16xf32> to vector<16xf32>
    %add3A_1133 = arith.addf %add3A_1127, %get3A_1132 : vector<16xf32>
    %get3A_1134 = arith.constant 12 : i32
    %get3A_1135 = arith.index_cast %get3A_1134 : i32 to index
    %get3A_1136 = arith.constant 160 : index
    %get3A_1137 = tpu.vector_load %arg7[%get3A_1135, %get3A_1136] {strides = array<i32>} : memref<32x256xf32, #tpu.memory_space<vmem>>, vector<1x16xf32>,
    %get3A_1138 = vector.shape_cast %get3A_1137 : vector<1x16xf32> to vector<16xf32>
    %add3A_1139 = arith.addf %add3A_1133, %get3A_1138 : vector<16xf32>
    %get3A_1140 = arith.constant 13 : i32
    %get3A_1141 = arith.index_cast %get3A_1140 : i32 to index
    %get3A_1142 = arith.constant 160 : index
    %get3A_1143 = tpu.vector_load %arg7[%get3A_1141, %get3A_1142] {strides = array<i32>} : memref<32x256xf32, #tpu.memory_space<vmem>>, vector<1x16xf32>,
    %get3A_1144 = vector.shape_cast %get3A_1143 : vector<1x16xf32> to vector<16xf32>
    %add3A_1145 = arith.addf %add3A_1139, %get3A_1144 : vector<16xf32>
    %get3A_1146 = arith.constant 14 : i32
    %get3A_1147 = arith.index_cast %get3A_1146 : i32 to index
    %get3A_1148 = arith.constant 160 : index
    %get3A_1149 = tpu.vector_load %arg7[%get3A_1147, %get3A_1148] {strides = array<i32>} : memref<32x256xf32, #tpu.memory_space<vmem>>, vector<1x16xf32>,
    %get3A_1150 = vector.shape_cast %get3A_1149 : vector<1x16xf32> to vector<16xf32>
    %add3A_1151 = arith.addf %add3A_1145, %get3A_1150 : vector<16xf32>
    %get3A_1152 = arith.constant 15 : i32
    %get3A_1153 = arith.index_cast %get3A_1152 : i32 to index
    %get3A_1154 = arith.constant 160 : index
    %get3A_1155 = tpu.vector_load %arg7[%get3A_1153, %get3A_1154] {strides = array<i32>} : memref<32x256xf32, #tpu.memory_space<vmem>>, vector<1x16xf32>,
    %get3A_1156 = vector.shape_cast %get3A_1155 : vector<1x16xf32> to vector<16xf32>
    %add3A_1157 = arith.addf %add3A_1151, %get3A_1156 : vector<16xf32>
    %mul3A_1158 = arith.constant 6.250000e-02 : f32
    %mul3A_1159 = vector.broadcast %mul3A_1158 : f32 to vector<16xf32>
    %mul3A_1160 = arith.mulf %add3A_1157, %mul3A_1159 : vector<16xf32>
    %swap3A_1161 = arith.constant 0 : i32
    %swap3A_1162 = arith.index_cast %swap3A_1161 : i32 to index
    %swap3A_1163 = arith.constant 160 : index
    %swap3A_1164 = tpu.vector_load %arg8[%swap3A_1162, %swap3A_1163] {strides = array<i32>} : memref<2x256xf32, #tpu.memory_space<vmem>>, vector<1x16xf32>,
    %swap3A_1165 = vector.shape_cast %swap3A_1164 : vector<1x16xf32> to vector<16xf32>
    %swap3A_1166 = vector.shape_cast %mul3A_1160 : vector<16xf32> to vector<1x16xf32>
    tpu.vector_store %arg8[%swap3A_1162, %swap3A_1163], %swap3A_1166 {strides = array<i32>} : memref<2x256xf32, #tpu.memory_space<vmem>>, vector<1x16xf32>,
    %get3A_1167 = arith.constant 0 : i32
    %get3A_1168 = arith.index_cast %get3A_1167 : i32 to index
    %get3A_1169 = arith.constant 176 : index
    %get3A_1170 = tpu.vector_load %arg7[%get3A_1168, %get3A_1169] {strides = array<i32>} : memref<32x256xf32, #tpu.memory_space<vmem>>, vector<1x16xf32>,
    %get3A_1171 = vector.shape_cast %get3A_1170 : vector<1x16xf32> to vector<16xf32>
    %get3A_1172 = arith.constant 1 : i32
    %get3A_1173 = arith.index_cast %get3A_1172 : i32 to index
    %get3A_1174 = arith.constant 176 : index
    %get3A_1175 = tpu.vector_load %arg7[%get3A_1173, %get3A_1174] {strides = array<i32>} : memref<32x256xf32, #tpu.memory_space<vmem>>, vector<1x16xf32>,
    %get3A_1176 = vector.shape_cast %get3A_1175 : vector<1x16xf32> to vector<16xf32>
    %add3A_1177 = arith.addf %get3A_1171, %get3A_1176 : vector<16xf32>
    %get3A_1178 = arith.constant 2 : i32
    %get3A_1179 = arith.index_cast %get3A_1178 : i32 to index
    %get3A_1180 = arith.constant 176 : index
    %get3A_1181 = tpu.vector_load %arg7[%get3A_1179, %get3A_1180] {strides = array<i32>} : memref<32x256xf32, #tpu.memory_space<vmem>>, vector<1x16xf32>,
    %get3A_1182 = vector.shape_cast %get3A_1181 : vector<1x16xf32> to vector<16xf32>
    %add3A_1183 = arith.addf %add3A_1177, %get3A_1182 : vector<16xf32>
    %get3A_1184 = arith.constant 3 : i32
    %get3A_1185 = arith.index_cast %get3A_1184 : i32 to index
    %get3A_1186 = arith.constant 176 : index
    %get3A_1187 = tpu.vector_load %arg7[%get3A_1185, %get3A_1186] {strides = array<i32>} : memref<32x256xf32, #tpu.memory_space<vmem>>, vector<1x16xf32>,
    %get3A_1188 = vector.shape_cast %get3A_1187 : vector<1x16xf32> to vector<16xf32>
    %add3A_1189 = arith.addf %add3A_1183, %get3A_1188 : vector<16xf32>
    %get3A_1190 = arith.constant 4 : i32
    %get3A_1191 = arith.index_cast %get3A_1190 : i32 to index
    %get3A_1192 = arith.constant 176 : index
    %get3A_1193 = tpu.vector_load %arg7[%get3A_1191, %get3A_1192] {strides = array<i32>} : memref<32x256xf32, #tpu.memory_space<vmem>>, vector<1x16xf32>,
    %get3A_1194 = vector.shape_cast %get3A_1193 : vector<1x16xf32> to vector<16xf32>
    %add3A_1195 = arith.addf %add3A_1189, %get3A_1194 : vector<16xf32>
    %get3A_1196 = arith.constant 5 : i32
    %get3A_1197 = arith.index_cast %get3A_1196 : i32 to index
    %get3A_1198 = arith.constant 176 : index
    %get3A_1199 = tpu.vector_load %arg7[%get3A_1197, %get3A_1198] {strides = array<i32>} : memref<32x256xf32, #tpu.memory_space<vmem>>, vector<1x16xf32>,
    %get3A_1200 = vector.shape_cast %get3A_1199 : vector<1x16xf32> to vector<16xf32>
    %add3A_1201 = arith.addf %add3A_1195, %get3A_1200 : vector<16xf32>
    %get3A_1202 = arith.constant 6 : i32
    %get3A_1203 = arith.index_cast %get3A_1202 : i32 to index
    %get3A_1204 = arith.constant 176 : index
    %get3A_1205 = tpu.vector_load %arg7[%get3A_1203, %get3A_1204] {strides = array<i32>} : memref<32x256xf32, #tpu.memory_space<vmem>>, vector<1x16xf32>,
    %get3A_1206 = vector.shape_cast %get3A_1205 : vector<1x16xf32> to vector<16xf32>
    %add3A_1207 = arith.addf %add3A_1201, %get3A_1206 : vector<16xf32>
    %get3A_1208 = arith.constant 7 : i32
    %get3A_1209 = arith.index_cast %get3A_1208 : i32 to index
    %get3A_1210 = arith.constant 176 : index
    %get3A_1211 = tpu.vector_load %arg7[%get3A_1209, %get3A_1210] {strides = array<i32>} : memref<32x256xf32, #tpu.memory_space<vmem>>, vector<1x16xf32>,
    %get3A_1212 = vector.shape_cast %get3A_1211 : vector<1x16xf32> to vector<16xf32>
    %add3A_1213 = arith.addf %add3A_1207, %get3A_1212 : vector<16xf32>
    %get3A_1214 = arith.constant 8 : i32
    %get3A_1215 = arith.index_cast %get3A_1214 : i32 to index
    %get3A_1216 = arith.constant 176 : index
    %get3A_1217 = tpu.vector_load %arg7[%get3A_1215, %get3A_1216] {strides = array<i32>} : memref<32x256xf32, #tpu.memory_space<vmem>>, vector<1x16xf32>,
    %get3A_1218 = vector.shape_cast %get3A_1217 : vector<1x16xf32> to vector<16xf32>
    %add3A_1219 = arith.addf %add3A_1213, %get3A_1218 : vector<16xf32>
    %get3A_1220 = arith.constant 9 : i32
    %get3A_1221 = arith.index_cast %get3A_1220 : i32 to index
    %get3A_1222 = arith.constant 176 : index
    %get3A_1223 = tpu.vector_load %arg7[%get3A_1221, %get3A_1222] {strides = array<i32>} : memref<32x256xf32, #tpu.memory_space<vmem>>, vector<1x16xf32>,
    %get3A_1224 = vector.shape_cast %get3A_1223 : vector<1x16xf32> to vector<16xf32>
    %add3A_1225 = arith.addf %add3A_1219, %get3A_1224 : vector<16xf32>
    %get3A_1226 = arith.constant 10 : i32
    %get3A_1227 = arith.index_cast %get3A_1226 : i32 to index
    %get3A_1228 = arith.constant 176 : index
    %get3A_1229 = tpu.vector_load %arg7[%get3A_1227, %get3A_1228] {strides = array<i32>} : memref<32x256xf32, #tpu.memory_space<vmem>>, vector<1x16xf32>,
    %get3A_1230 = vector.shape_cast %get3A_1229 : vector<1x16xf32> to vector<16xf32>
    %add3A_1231 = arith.addf %add3A_1225, %get3A_1230 : vector<16xf32>
    %get3A_1232 = arith.constant 11 : i32
    %get3A_1233 = arith.index_cast %get3A_1232 : i32 to index
    %get3A_1234 = arith.constant 176 : index
    %get3A_1235 = tpu.vector_load %arg7[%get3A_1233, %get3A_1234] {strides = array<i32>} : memref<32x256xf32, #tpu.memory_space<vmem>>, vector<1x16xf32>,
    %get3A_1236 = vector.shape_cast %get3A_1235 : vector<1x16xf32> to vector<16xf32>
    %add3A_1237 = arith.addf %add3A_1231, %get3A_1236 : vector<16xf32>
    %get3A_1238 = arith.constant 12 : i32
    %get3A_1239 = arith.index_cast %get3A_1238 : i32 to index
    %get3A_1240 = arith.constant 176 : index
    %get3A_1241 = tpu.vector_load %arg7[%get3A_1239, %get3A_1240] {strides = array<i32>} : memref<32x256xf32, #tpu.memory_space<vmem>>, vector<1x16xf32>,
    %get3A_1242 = vector.shape_cast %get3A_1241 : vector<1x16xf32> to vector<16xf32>
    %add3A_1243 = arith.addf %add3A_1237, %get3A_1242 : vector<16xf32>
    %get3A_1244 = arith.constant 13 : i32
    %get3A_1245 = arith.index_cast %get3A_1244 : i32 to index
    %get3A_1246 = arith.constant 176 : index
    %get3A_1247 = tpu.vector_load %arg7[%get3A_1245, %get3A_1246] {strides = array<i32>} : memref<32x256xf32, #tpu.memory_space<vmem>>, vector<1x16xf32>,
    %get3A_1248 = vector.shape_cast %get3A_1247 : vector<1x16xf32> to vector<16xf32>
    %add3A_1249 = arith.addf %add3A_1243, %get3A_1248 : vector<16xf32>
    %get3A_1250 = arith.constant 14 : i32
    %get3A_1251 = arith.index_cast %get3A_1250 : i32 to index
    %get3A_1252 = arith.constant 176 : index
    %get3A_1253 = tpu.vector_load %arg7[%get3A_1251, %get3A_1252] {strides = array<i32>} : memref<32x256xf32, #tpu.memory_space<vmem>>, vector<1x16xf32>,
    %get3A_1254 = vector.shape_cast %get3A_1253 : vector<1x16xf32> to vector<16xf32>
    %add3A_1255 = arith.addf %add3A_1249, %get3A_1254 : vector<16xf32>
    %get3A_1256 = arith.constant 15 : i32
    %get3A_1257 = arith.index_cast %get3A_1256 : i32 to index
    %get3A_1258 = arith.constant 176 : index
    %get3A_1259 = tpu.vector_load %arg7[%get3A_1257, %get3A_1258] {strides = array<i32>} : memref<32x256xf32, #tpu.memory_space<vmem>>, vector<1x16xf32>,
    %get3A_1260 = vector.shape_cast %get3A_1259 : vector<1x16xf32> to vector<16xf32>
    %add3A_1261 = arith.addf %add3A_1255, %get3A_1260 : vector<16xf32>
    %mul3A_1262 = arith.constant 6.250000e-02 : f32
    %mul3A_1263 = vector.broadcast %mul3A_1262 : f32 to vector<16xf32>
    %mul3A_1264 = arith.mulf %add3A_1261, %mul3A_1263 : vector<16xf32>
    %swap3A_1265 = arith.constant 0 : i32
    %swap3A_1266 = arith.index_cast %swap3A_1265 : i32 to index
    %swap3A_1267 = arith.constant 176 : index
    %swap3A_1268 = tpu.vector_load %arg8[%swap3A_1266, %swap3A_1267] {strides = array<i32>} : memref<2x256xf32, #tpu.memory_space<vmem>>, vector<1x16xf32>,
    %swap3A_1269 = vector.shape_cast %swap3A_1268 : vector<1x16xf32> to vector<16xf32>
    %swap3A_1270 = vector.shape_cast %mul3A_1264 : vector<16xf32> to vector<1x16xf32>
    tpu.vector_store %arg8[%swap3A_1266, %swap3A_1267], %swap3A_1270 {strides = array<i32>} : memref<2x256xf32, #tpu.memory_space<vmem>>, vector<1x16xf32>,
    %get3A_1271 = arith.constant 0 : i32
    %get3A_1272 = arith.index_cast %get3A_1271 : i32 to index
    %get3A_1273 = arith.constant 192 : index
    %get3A_1274 = tpu.vector_load %arg7[%get3A_1272, %get3A_1273] {strides = array<i32>} : memref<32x256xf32, #tpu.memory_space<vmem>>, vector<1x16xf32>,
    %get3A_1275 = vector.shape_cast %get3A_1274 : vector<1x16xf32> to vector<16xf32>
    %get3A_1276 = arith.constant 1 : i32
    %get3A_1277 = arith.index_cast %get3A_1276 : i32 to index
    %get3A_1278 = arith.constant 192 : index
    %get3A_1279 = tpu.vector_load %arg7[%get3A_1277, %get3A_1278] {strides = array<i32>} : memref<32x256xf32, #tpu.memory_space<vmem>>, vector<1x16xf32>,
    %get3A_1280 = vector.shape_cast %get3A_1279 : vector<1x16xf32> to vector<16xf32>
    %add3A_1281 = arith.addf %get3A_1275, %get3A_1280 : vector<16xf32>
    %get3A_1282 = arith.constant 2 : i32
    %get3A_1283 = arith.index_cast %get3A_1282 : i32 to index
    %get3A_1284 = arith.constant 192 : index
    %get3A_1285 = tpu.vector_load %arg7[%get3A_1283, %get3A_1284] {strides = array<i32>} : memref<32x256xf32, #tpu.memory_space<vmem>>, vector<1x16xf32>,
    %get3A_1286 = vector.shape_cast %get3A_1285 : vector<1x16xf32> to vector<16xf32>
    %add3A_1287 = arith.addf %add3A_1281, %get3A_1286 : vector<16xf32>
    %get3A_1288 = arith.constant 3 : i32
    %get3A_1289 = arith.index_cast %get3A_1288 : i32 to index
    %get3A_1290 = arith.constant 192 : index
    %get3A_1291 = tpu.vector_load %arg7[%get3A_1289, %get3A_1290] {strides = array<i32>} : memref<32x256xf32, #tpu.memory_space<vmem>>, vector<1x16xf32>,
    %get3A_1292 = vector.shape_cast %get3A_1291 : vector<1x16xf32> to vector<16xf32>
    %add3A_1293 = arith.addf %add3A_1287, %get3A_1292 : vector<16xf32>
    %get3A_1294 = arith.constant 4 : i32
    %get3A_1295 = arith.index_cast %get3A_1294 : i32 to index
    %get3A_1296 = arith.constant 192 : index
    %get3A_1297 = tpu.vector_load %arg7[%get3A_1295, %get3A_1296] {strides = array<i32>} : memref<32x256xf32, #tpu.memory_space<vmem>>, vector<1x16xf32>,
    %get3A_1298 = vector.shape_cast %get3A_1297 : vector<1x16xf32> to vector<16xf32>
    %add3A_1299 = arith.addf %add3A_1293, %get3A_1298 : vector<16xf32>
    %get3A_1300 = arith.constant 5 : i32
    %get3A_1301 = arith.index_cast %get3A_1300 : i32 to index
    %get3A_1302 = arith.constant 192 : index
    %get3A_1303 = tpu.vector_load %arg7[%get3A_1301, %get3A_1302] {strides = array<i32>} : memref<32x256xf32, #tpu.memory_space<vmem>>, vector<1x16xf32>,
    %get3A_1304 = vector.shape_cast %get3A_1303 : vector<1x16xf32> to vector<16xf32>
    %add3A_1305 = arith.addf %add3A_1299, %get3A_1304 : vector<16xf32>
    %get3A_1306 = arith.constant 6 : i32
    %get3A_1307 = arith.index_cast %get3A_1306 : i32 to index
    %get3A_1308 = arith.constant 192 : index
    %get3A_1309 = tpu.vector_load %arg7[%get3A_1307, %get3A_1308] {strides = array<i32>} : memref<32x256xf32, #tpu.memory_space<vmem>>, vector<1x16xf32>,
    %get3A_1310 = vector.shape_cast %get3A_1309 : vector<1x16xf32> to vector<16xf32>
    %add3A_1311 = arith.addf %add3A_1305, %get3A_1310 : vector<16xf32>
    %get3A_1312 = arith.constant 7 : i32
    %get3A_1313 = arith.index_cast %get3A_1312 : i32 to index
    %get3A_1314 = arith.constant 192 : index
    %get3A_1315 = tpu.vector_load %arg7[%get3A_1313, %get3A_1314] {strides = array<i32>} : memref<32x256xf32, #tpu.memory_space<vmem>>, vector<1x16xf32>,
    %get3A_1316 = vector.shape_cast %get3A_1315 : vector<1x16xf32> to vector<16xf32>
    %add3A_1317 = arith.addf %add3A_1311, %get3A_1316 : vector<16xf32>
    %get3A_1318 = arith.constant 8 : i32
    %get3A_1319 = arith.index_cast %get3A_1318 : i32 to index
    %get3A_1320 = arith.constant 192 : index
    %get3A_1321 = tpu.vector_load %arg7[%get3A_1319, %get3A_1320] {strides = array<i32>} : memref<32x256xf32, #tpu.memory_space<vmem>>, vector<1x16xf32>,
    %get3A_1322 = vector.shape_cast %get3A_1321 : vector<1x16xf32> to vector<16xf32>
    %add3A_1323 = arith.addf %add3A_1317, %get3A_1322 : vector<16xf32>
    %get3A_1324 = arith.constant 9 : i32
    %get3A_1325 = arith.index_cast %get3A_1324 : i32 to index
    %get3A_1326 = arith.constant 192 : index
    %get3A_1327 = tpu.vector_load %arg7[%get3A_1325, %get3A_1326] {strides = array<i32>} : memref<32x256xf32, #tpu.memory_space<vmem>>, vector<1x16xf32>,
    %get3A_1328 = vector.shape_cast %get3A_1327 : vector<1x16xf32> to vector<16xf32>
    %add3A_1329 = arith.addf %add3A_1323, %get3A_1328 : vector<16xf32>
    %get3A_1330 = arith.constant 10 : i32
    %get3A_1331 = arith.index_cast %get3A_1330 : i32 to index
    %get3A_1332 = arith.constant 192 : index
    %get3A_1333 = tpu.vector_load %arg7[%get3A_1331, %get3A_1332] {strides = array<i32>} : memref<32x256xf32, #tpu.memory_space<vmem>>, vector<1x16xf32>,
    %get3A_1334 = vector.shape_cast %get3A_1333 : vector<1x16xf32> to vector<16xf32>
    %add3A_1335 = arith.addf %add3A_1329, %get3A_1334 : vector<16xf32>
    %get3A_1336 = arith.constant 11 : i32
    %get3A_1337 = arith.index_cast %get3A_1336 : i32 to index
    %get3A_1338 = arith.constant 192 : index
    %get3A_1339 = tpu.vector_load %arg7[%get3A_1337, %get3A_1338] {strides = array<i32>} : memref<32x256xf32, #tpu.memory_space<vmem>>, vector<1x16xf32>,
    %get3A_1340 = vector.shape_cast %get3A_1339 : vector<1x16xf32> to vector<16xf32>
    %add3A_1341 = arith.addf %add3A_1335, %get3A_1340 : vector<16xf32>
    %get3A_1342 = arith.constant 12 : i32
    %get3A_1343 = arith.index_cast %get3A_1342 : i32 to index
    %get3A_1344 = arith.constant 192 : index
    %get3A_1345 = tpu.vector_load %arg7[%get3A_1343, %get3A_1344] {strides = array<i32>} : memref<32x256xf32, #tpu.memory_space<vmem>>, vector<1x16xf32>,
    %get3A_1346 = vector.shape_cast %get3A_1345 : vector<1x16xf32> to vector<16xf32>
    %add3A_1347 = arith.addf %add3A_1341, %get3A_1346 : vector<16xf32>
    %get3A_1348 = arith.constant 13 : i32
    %get3A_1349 = arith.index_cast %get3A_1348 : i32 to index
    %get3A_1350 = arith.constant 192 : index
    %get3A_1351 = tpu.vector_load %arg7[%get3A_1349, %get3A_1350] {strides = array<i32>} : memref<32x256xf32, #tpu.memory_space<vmem>>, vector<1x16xf32>,
    %get3A_1352 = vector.shape_cast %get3A_1351 : vector<1x16xf32> to vector<16xf32>
    %add3A_1353 = arith.addf %add3A_1347, %get3A_1352 : vector<16xf32>
    %get3A_1354 = arith.constant 14 : i32
    %get3A_1355 = arith.index_cast %get3A_1354 : i32 to index
    %get3A_1356 = arith.constant 192 : index
    %get3A_1357 = tpu.vector_load %arg7[%get3A_1355, %get3A_1356] {strides = array<i32>} : memref<32x256xf32, #tpu.memory_space<vmem>>, vector<1x16xf32>,
    %get3A_1358 = vector.shape_cast %get3A_1357 : vector<1x16xf32> to vector<16xf32>
    %add3A_1359 = arith.addf %add3A_1353, %get3A_1358 : vector<16xf32>
    %get3A_1360 = arith.constant 15 : i32
    %get3A_1361 = arith.index_cast %get3A_1360 : i32 to index
    %get3A_1362 = arith.constant 192 : index
    %get3A_1363 = tpu.vector_load %arg7[%get3A_1361, %get3A_1362] {strides = array<i32>} : memref<32x256xf32, #tpu.memory_space<vmem>>, vector<1x16xf32>,
    %get3A_1364 = vector.shape_cast %get3A_1363 : vector<1x16xf32> to vector<16xf32>
    %add3A_1365 = arith.addf %add3A_1359, %get3A_1364 : vector<16xf32>
    %mul3A_1366 = arith.constant 6.250000e-02 : f32
    %mul3A_1367 = vector.broadcast %mul3A_1366 : f32 to vector<16xf32>
    %mul3A_1368 = arith.mulf %add3A_1365, %mul3A_1367 : vector<16xf32>
    %swap3A_1369 = arith.constant 0 : i32
    %swap3A_1370 = arith.index_cast %swap3A_1369 : i32 to index
    %swap3A_1371 = arith.constant 192 : index
    %swap3A_1372 = tpu.vector_load %arg8[%swap3A_1370, %swap3A_1371] {strides = array<i32>} : memref<2x256xf32, #tpu.memory_space<vmem>>, vector<1x16xf32>,
    %swap3A_1373 = vector.shape_cast %swap3A_1372 : vector<1x16xf32> to vector<16xf32>
    %swap3A_1374 = vector.shape_cast %mul3A_1368 : vector<16xf32> to vector<1x16xf32>
    tpu.vector_store %arg8[%swap3A_1370, %swap3A_1371], %swap3A_1374 {strides = array<i32>} : memref<2x256xf32, #tpu.memory_space<vmem>>, vector<1x16xf32>,
    %get3A_1375 = arith.constant 0 : i32
    %get3A_1376 = arith.index_cast %get3A_1375 : i32 to index
    %get3A_1377 = arith.constant 208 : index
    %get3A_1378 = tpu.vector_load %arg7[%get3A_1376, %get3A_1377] {strides = array<i32>} : memref<32x256xf32, #tpu.memory_space<vmem>>, vector<1x16xf32>,
    %get3A_1379 = vector.shape_cast %get3A_1378 : vector<1x16xf32> to vector<16xf32>
    %get3A_1380 = arith.constant 1 : i32
    %get3A_1381 = arith.index_cast %get3A_1380 : i32 to index
    %get3A_1382 = arith.constant 208 : index
    %get3A_1383 = tpu.vector_load %arg7[%get3A_1381, %get3A_1382] {strides = array<i32>} : memref<32x256xf32, #tpu.memory_space<vmem>>, vector<1x16xf32>,
    %get3A_1384 = vector.shape_cast %get3A_1383 : vector<1x16xf32> to vector<16xf32>
    %add3A_1385 = arith.addf %get3A_1379, %get3A_1384 : vector<16xf32>
    %get3A_1386 = arith.constant 2 : i32
    %get3A_1387 = arith.index_cast %get3A_1386 : i32 to index
    %get3A_1388 = arith.constant 208 : index
    %get3A_1389 = tpu.vector_load %arg7[%get3A_1387, %get3A_1388] {strides = array<i32>} : memref<32x256xf32, #tpu.memory_space<vmem>>, vector<1x16xf32>,
    %get3A_1390 = vector.shape_cast %get3A_1389 : vector<1x16xf32> to vector<16xf32>
    %add3A_1391 = arith.addf %add3A_1385, %get3A_1390 : vector<16xf32>
    %get3A_1392 = arith.constant 3 : i32
    %get3A_1393 = arith.index_cast %get3A_1392 : i32 to index
    %get3A_1394 = arith.constant 208 : index
    %get3A_1395 = tpu.vector_load %arg7[%get3A_1393, %get3A_1394] {strides = array<i32>} : memref<32x256xf32, #tpu.memory_space<vmem>>, vector<1x16xf32>,
    %get3A_1396 = vector.shape_cast %get3A_1395 : vector<1x16xf32> to vector<16xf32>
    %add3A_1397 = arith.addf %add3A_1391, %get3A_1396 : vector<16xf32>
    %get3A_1398 = arith.constant 4 : i32
    %get3A_1399 = arith.index_cast %get3A_1398 : i32 to index
    %get3A_1400 = arith.constant 208 : index
    %get3A_1401 = tpu.vector_load %arg7[%get3A_1399, %get3A_1400] {strides = array<i32>} : memref<32x256xf32, #tpu.memory_space<vmem>>, vector<1x16xf32>,
    %get3A_1402 = vector.shape_cast %get3A_1401 : vector<1x16xf32> to vector<16xf32>
    %add3A_1403 = arith.addf %add3A_1397, %get3A_1402 : vector<16xf32>
    %get3A_1404 = arith.constant 5 : i32
    %get3A_1405 = arith.index_cast %get3A_1404 : i32 to index
    %get3A_1406 = arith.constant 208 : index
    %get3A_1407 = tpu.vector_load %arg7[%get3A_1405, %get3A_1406] {strides = array<i32>} : memref<32x256xf32, #tpu.memory_space<vmem>>, vector<1x16xf32>,
    %get3A_1408 = vector.shape_cast %get3A_1407 : vector<1x16xf32> to vector<16xf32>
    %add3A_1409 = arith.addf %add3A_1403, %get3A_1408 : vector<16xf32>
    %get3A_1410 = arith.constant 6 : i32
    %get3A_1411 = arith.index_cast %get3A_1410 : i32 to index
    %get3A_1412 = arith.constant 208 : index
    %get3A_1413 = tpu.vector_load %arg7[%get3A_1411, %get3A_1412] {strides = array<i32>} : memref<32x256xf32, #tpu.memory_space<vmem>>, vector<1x16xf32>,
    %get3A_1414 = vector.shape_cast %get3A_1413 : vector<1x16xf32> to vector<16xf32>
    %add3A_1415 = arith.addf %add3A_1409, %get3A_1414 : vector<16xf32>
    %get3A_1416 = arith.constant 7 : i32
    %get3A_1417 = arith.index_cast %get3A_1416 : i32 to index
    %get3A_1418 = arith.constant 208 : index
    %get3A_1419 = tpu.vector_load %arg7[%get3A_1417, %get3A_1418] {strides = array<i32>} : memref<32x256xf32, #tpu.memory_space<vmem>>, vector<1x16xf32>,
    %get3A_1420 = vector.shape_cast %get3A_1419 : vector<1x16xf32> to vector<16xf32>
    %add3A_1421 = arith.addf %add3A_1415, %get3A_1420 : vector<16xf32>
    %get3A_1422 = arith.constant 8 : i32
    %get3A_1423 = arith.index_cast %get3A_1422 : i32 to index
    %get3A_1424 = arith.constant 208 : index
    %get3A_1425 = tpu.vector_load %arg7[%get3A_1423, %get3A_1424] {strides = array<i32>} : memref<32x256xf32, #tpu.memory_space<vmem>>, vector<1x16xf32>,
    %get3A_1426 = vector.shape_cast %get3A_1425 : vector<1x16xf32> to vector<16xf32>
    %add3A_1427 = arith.addf %add3A_1421, %get3A_1426 : vector<16xf32>
    %get3A_1428 = arith.constant 9 : i32
    %get3A_1429 = arith.index_cast %get3A_1428 : i32 to index
    %get3A_1430 = arith.constant 208 : index
    %get3A_1431 = tpu.vector_load %arg7[%get3A_1429, %get3A_1430] {strides = array<i32>} : memref<32x256xf32, #tpu.memory_space<vmem>>, vector<1x16xf32>,
    %get3A_1432 = vector.shape_cast %get3A_1431 : vector<1x16xf32> to vector<16xf32>
    %add3A_1433 = arith.addf %add3A_1427, %get3A_1432 : vector<16xf32>
    %get3A_1434 = arith.constant 10 : i32
    %get3A_1435 = arith.index_cast %get3A_1434 : i32 to index
    %get3A_1436 = arith.constant 208 : index
    %get3A_1437 = tpu.vector_load %arg7[%get3A_1435, %get3A_1436] {strides = array<i32>} : memref<32x256xf32, #tpu.memory_space<vmem>>, vector<1x16xf32>,
    %get3A_1438 = vector.shape_cast %get3A_1437 : vector<1x16xf32> to vector<16xf32>
    %add3A_1439 = arith.addf %add3A_1433, %get3A_1438 : vector<16xf32>
    %get3A_1440 = arith.constant 11 : i32
    %get3A_1441 = arith.index_cast %get3A_1440 : i32 to index
    %get3A_1442 = arith.constant 208 : index
    %get3A_1443 = tpu.vector_load %arg7[%get3A_1441, %get3A_1442] {strides = array<i32>} : memref<32x256xf32, #tpu.memory_space<vmem>>, vector<1x16xf32>,
    %get3A_1444 = vector.shape_cast %get3A_1443 : vector<1x16xf32> to vector<16xf32>
    %add3A_1445 = arith.addf %add3A_1439, %get3A_1444 : vector<16xf32>
    %get3A_1446 = arith.constant 12 : i32
    %get3A_1447 = arith.index_cast %get3A_1446 : i32 to index
    %get3A_1448 = arith.constant 208 : index
    %get3A_1449 = tpu.vector_load %arg7[%get3A_1447, %get3A_1448] {strides = array<i32>} : memref<32x256xf32, #tpu.memory_space<vmem>>, vector<1x16xf32>,
    %get3A_1450 = vector.shape_cast %get3A_1449 : vector<1x16xf32> to vector<16xf32>
    %add3A_1451 = arith.addf %add3A_1445, %get3A_1450 : vector<16xf32>
    %get3A_1452 = arith.constant 13 : i32
    %get3A_1453 = arith.index_cast %get3A_1452 : i32 to index
    %get3A_1454 = arith.constant 208 : index
    %get3A_1455 = tpu.vector_load %arg7[%get3A_1453, %get3A_1454] {strides = array<i32>} : memref<32x256xf32, #tpu.memory_space<vmem>>, vector<1x16xf32>,
    %get3A_1456 = vector.shape_cast %get3A_1455 : vector<1x16xf32> to vector<16xf32>
    %add3A_1457 = arith.addf %add3A_1451, %get3A_1456 : vector<16xf32>
    %get3A_1458 = arith.constant 14 : i32
    %get3A_1459 = arith.index_cast %get3A_1458 : i32 to index
    %get3A_1460 = arith.constant 208 : index
    %get3A_1461 = tpu.vector_load %arg7[%get3A_1459, %get3A_1460] {strides = array<i32>} : memref<32x256xf32, #tpu.memory_space<vmem>>, vector<1x16xf32>,
    %get3A_1462 = vector.shape_cast %get3A_1461 : vector<1x16xf32> to vector<16xf32>
    %add3A_1463 = arith.addf %add3A_1457, %get3A_1462 : vector<16xf32>
    %get3A_1464 = arith.constant 15 : i32
    %get3A_1465 = arith.index_cast %get3A_1464 : i32 to index
    %get3A_1466 = arith.constant 208 : index
    %get3A_1467 = tpu.vector_load %arg7[%get3A_1465, %get3A_1466] {strides = array<i32>} : memref<32x256xf32, #tpu.memory_space<vmem>>, vector<1x16xf32>,
    %get3A_1468 = vector.shape_cast %get3A_1467 : vector<1x16xf32> to vector<16xf32>
    %add3A_1469 = arith.addf %add3A_1463, %get3A_1468 : vector<16xf32>
    %mul3A_1470 = arith.constant 6.250000e-02 : f32
    %mul3A_1471 = vector.broadcast %mul3A_1470 : f32 to vector<16xf32>
    %mul3A_1472 = arith.mulf %add3A_1469, %mul3A_1471 : vector<16xf32>
    %swap3A_1473 = arith.constant 0 : i32
    %swap3A_1474 = arith.index_cast %swap3A_1473 : i32 to index
    %swap3A_1475 = arith.constant 208 : index
    %swap3A_1476 = tpu.vector_load %arg8[%swap3A_1474, %swap3A_1475] {strides = array<i32>} : memref<2x256xf32, #tpu.memory_space<vmem>>, vector<1x16xf32>,
    %swap3A_1477 = vector.shape_cast %swap3A_1476 : vector<1x16xf32> to vector<16xf32>
    %swap3A_1478 = vector.shape_cast %mul3A_1472 : vector<16xf32> to vector<1x16xf32>
    tpu.vector_store %arg8[%swap3A_1474, %swap3A_1475], %swap3A_1478 {strides = array<i32>} : memref<2x256xf32, #tpu.memory_space<vmem>>, vector<1x16xf32>,
    %get3A_1479 = arith.constant 0 : i32
    %get3A_1480 = arith.index_cast %get3A_1479 : i32 to index
    %get3A_1481 = arith.constant 224 : index
    %get3A_1482 = tpu.vector_load %arg7[%get3A_1480, %get3A_1481] {strides = array<i32>} : memref<32x256xf32, #tpu.memory_space<vmem>>, vector<1x16xf32>,
    %get3A_1483 = vector.shape_cast %get3A_1482 : vector<1x16xf32> to vector<16xf32>
    %get3A_1484 = arith.constant 1 : i32
    %get3A_1485 = arith.index_cast %get3A_1484 : i32 to index
    %get3A_1486 = arith.constant 224 : index
    %get3A_1487 = tpu.vector_load %arg7[%get3A_1485, %get3A_1486] {strides = array<i32>} : memref<32x256xf32, #tpu.memory_space<vmem>>, vector<1x16xf32>,
    %get3A_1488 = vector.shape_cast %get3A_1487 : vector<1x16xf32> to vector<16xf32>
    %add3A_1489 = arith.addf %get3A_1483, %get3A_1488 : vector<16xf32>
    %get3A_1490 = arith.constant 2 : i32
    %get3A_1491 = arith.index_cast %get3A_1490 : i32 to index
    %get3A_1492 = arith.constant 224 : index
    %get3A_1493 = tpu.vector_load %arg7[%get3A_1491, %get3A_1492] {strides = array<i32>} : memref<32x256xf32, #tpu.memory_space<vmem>>, vector<1x16xf32>,
    %get3A_1494 = vector.shape_cast %get3A_1493 : vector<1x16xf32> to vector<16xf32>
    %add3A_1495 = arith.addf %add3A_1489, %get3A_1494 : vector<16xf32>
    %get3A_1496 = arith.constant 3 : i32
    %get3A_1497 = arith.index_cast %get3A_1496 : i32 to index
    %get3A_1498 = arith.constant 224 : index
    %get3A_1499 = tpu.vector_load %arg7[%get3A_1497, %get3A_1498] {strides = array<i32>} : memref<32x256xf32, #tpu.memory_space<vmem>>, vector<1x16xf32>,
    %get3A_1500 = vector.shape_cast %get3A_1499 : vector<1x16xf32> to vector<16xf32>
    %add3A_1501 = arith.addf %add3A_1495, %get3A_1500 : vector<16xf32>
    %get3A_1502 = arith.constant 4 : i32
    %get3A_1503 = arith.index_cast %get3A_1502 : i32 to index
    %get3A_1504 = arith.constant 224 : index
    %get3A_1505 = tpu.vector_load %arg7[%get3A_1503, %get3A_1504] {strides = array<i32>} : memref<32x256xf32, #tpu.memory_space<vmem>>, vector<1x16xf32>,
    %get3A_1506 = vector.shape_cast %get3A_1505 : vector<1x16xf32> to vector<16xf32>
    %add3A_1507 = arith.addf %add3A_1501, %get3A_1506 : vector<16xf32>
    %get3A_1508 = arith.constant 5 : i32
    %get3A_1509 = arith.index_cast %get3A_1508 : i32 to index
    %get3A_1510 = arith.constant 224 : index
    %get3A_1511 = tpu.vector_load %arg7[%get3A_1509, %get3A_1510] {strides = array<i32>} : memref<32x256xf32, #tpu.memory_space<vmem>>, vector<1x16xf32>,
    %get3A_1512 = vector.shape_cast %get3A_1511 : vector<1x16xf32> to vector<16xf32>
    %add3A_1513 = arith.addf %add3A_1507, %get3A_1512 : vector<16xf32>
    %get3A_1514 = arith.constant 6 : i32
    %get3A_1515 = arith.index_cast %get3A_1514 : i32 to index
    %get3A_1516 = arith.constant 224 : index
    %get3A_1517 = tpu.vector_load %arg7[%get3A_1515, %get3A_1516] {strides = array<i32>} : memref<32x256xf32, #tpu.memory_space<vmem>>, vector<1x16xf32>,
    %get3A_1518 = vector.shape_cast %get3A_1517 : vector<1x16xf32> to vector<16xf32>
    %add3A_1519 = arith.addf %add3A_1513, %get3A_1518 : vector<16xf32>
    %get3A_1520 = arith.constant 7 : i32
    %get3A_1521 = arith.index_cast %get3A_1520 : i32 to index
    %get3A_1522 = arith.constant 224 : index
    %get3A_1523 = tpu.vector_load %arg7[%get3A_1521, %get3A_1522] {strides = array<i32>} : memref<32x256xf32, #tpu.memory_space<vmem>>, vector<1x16xf32>,
    %get3A_1524 = vector.shape_cast %get3A_1523 : vector<1x16xf32> to vector<16xf32>
    %add3A_1525 = arith.addf %add3A_1519, %get3A_1524 : vector<16xf32>
    %get3A_1526 = arith.constant 8 : i32
    %get3A_1527 = arith.index_cast %get3A_1526 : i32 to index
    %get3A_1528 = arith.constant 224 : index
    %get3A_1529 = tpu.vector_load %arg7[%get3A_1527, %get3A_1528] {strides = array<i32>} : memref<32x256xf32, #tpu.memory_space<vmem>>, vector<1x16xf32>,
    %get3A_1530 = vector.shape_cast %get3A_1529 : vector<1x16xf32> to vector<16xf32>
    %add3A_1531 = arith.addf %add3A_1525, %get3A_1530 : vector<16xf32>
    %get3A_1532 = arith.constant 9 : i32
    %get3A_1533 = arith.index_cast %get3A_1532 : i32 to index
    %get3A_1534 = arith.constant 224 : index
    %get3A_1535 = tpu.vector_load %arg7[%get3A_1533, %get3A_1534] {strides = array<i32>} : memref<32x256xf32, #tpu.memory_space<vmem>>, vector<1x16xf32>,
    %get3A_1536 = vector.shape_cast %get3A_1535 : vector<1x16xf32> to vector<16xf32>
    %add3A_1537 = arith.addf %add3A_1531, %get3A_1536 : vector<16xf32>
    %get3A_1538 = arith.constant 10 : i32
    %get3A_1539 = arith.index_cast %get3A_1538 : i32 to index
    %get3A_1540 = arith.constant 224 : index
    %get3A_1541 = tpu.vector_load %arg7[%get3A_1539, %get3A_1540] {strides = array<i32>} : memref<32x256xf32, #tpu.memory_space<vmem>>, vector<1x16xf32>,
    %get3A_1542 = vector.shape_cast %get3A_1541 : vector<1x16xf32> to vector<16xf32>
    %add3A_1543 = arith.addf %add3A_1537, %get3A_1542 : vector<16xf32>
    %get3A_1544 = arith.constant 11 : i32
    %get3A_1545 = arith.index_cast %get3A_1544 : i32 to index
    %get3A_1546 = arith.constant 224 : index
    %get3A_1547 = tpu.vector_load %arg7[%get3A_1545, %get3A_1546] {strides = array<i32>} : memref<32x256xf32, #tpu.memory_space<vmem>>, vector<1x16xf32>,
    %get3A_1548 = vector.shape_cast %get3A_1547 : vector<1x16xf32> to vector<16xf32>
    %add3A_1549 = arith.addf %add3A_1543, %get3A_1548 : vector<16xf32>
    %get3A_1550 = arith.constant 12 : i32
    %get3A_1551 = arith.index_cast %get3A_1550 : i32 to index
    %get3A_1552 = arith.constant 224 : index
    %get3A_1553 = tpu.vector_load %arg7[%get3A_1551, %get3A_1552] {strides = array<i32>} : memref<32x256xf32, #tpu.memory_space<vmem>>, vector<1x16xf32>,
    %get3A_1554 = vector.shape_cast %get3A_1553 : vector<1x16xf32> to vector<16xf32>
    %add3A_1555 = arith.addf %add3A_1549, %get3A_1554 : vector<16xf32>
    %get3A_1556 = arith.constant 13 : i32
    %get3A_1557 = arith.index_cast %get3A_1556 : i32 to index
    %get3A_1558 = arith.constant 224 : index
    %get3A_1559 = tpu.vector_load %arg7[%get3A_1557, %get3A_1558] {strides = array<i32>} : memref<32x256xf32, #tpu.memory_space<vmem>>, vector<1x16xf32>,
    %get3A_1560 = vector.shape_cast %get3A_1559 : vector<1x16xf32> to vector<16xf32>
    %add3A_1561 = arith.addf %add3A_1555, %get3A_1560 : vector<16xf32>
    %get3A_1562 = arith.constant 14 : i32
    %get3A_1563 = arith.index_cast %get3A_1562 : i32 to index
    %get3A_1564 = arith.constant 224 : index
    %get3A_1565 = tpu.vector_load %arg7[%get3A_1563, %get3A_1564] {strides = array<i32>} : memref<32x256xf32, #tpu.memory_space<vmem>>, vector<1x16xf32>,
    %get3A_1566 = vector.shape_cast %get3A_1565 : vector<1x16xf32> to vector<16xf32>
    %add3A_1567 = arith.addf %add3A_1561, %get3A_1566 : vector<16xf32>
    %get3A_1568 = arith.constant 15 : i32
    %get3A_1569 = arith.index_cast %get3A_1568 : i32 to index
    %get3A_1570 = arith.constant 224 : index
    %get3A_1571 = tpu.vector_load %arg7[%get3A_1569, %get3A_1570] {strides = array<i32>} : memref<32x256xf32, #tpu.memory_space<vmem>>, vector<1x16xf32>,
    %get3A_1572 = vector.shape_cast %get3A_1571 : vector<1x16xf32> to vector<16xf32>
    %add3A_1573 = arith.addf %add3A_1567, %get3A_1572 : vector<16xf32>
    %mul3A_1574 = arith.constant 6.250000e-02 : f32
    %mul3A_1575 = vector.broadcast %mul3A_1574 : f32 to vector<16xf32>
    %mul3A_1576 = arith.mulf %add3A_1573, %mul3A_1575 : vector<16xf32>
    %swap3A_1577 = arith.constant 0 : i32
    %swap3A_1578 = arith.index_cast %swap3A_1577 : i32 to index
    %swap3A_1579 = arith.constant 224 : index
    %swap3A_1580 = tpu.vector_load %arg8[%swap3A_1578, %swap3A_1579] {strides = array<i32>} : memref<2x256xf32, #tpu.memory_space<vmem>>, vector<1x16xf32>,
    %swap3A_1581 = vector.shape_cast %swap3A_1580 : vector<1x16xf32> to vector<16xf32>
    %swap3A_1582 = vector.shape_cast %mul3A_1576 : vector<16xf32> to vector<1x16xf32>
    tpu.vector_store %arg8[%swap3A_1578, %swap3A_1579], %swap3A_1582 {strides = array<i32>} : memref<2x256xf32, #tpu.memory_space<vmem>>, vector<1x16xf32>,
    %get3A_1583 = arith.constant 0 : i32
    %get3A_1584 = arith.index_cast %get3A_1583 : i32 to index
    %get3A_1585 = arith.constant 240 : index
    %get3A_1586 = tpu.vector_load %arg7[%get3A_1584, %get3A_1585] {strides = array<i32>} : memref<32x256xf32, #tpu.memory_space<vmem>>, vector<1x16xf32>,
    %get3A_1587 = vector.shape_cast %get3A_1586 : vector<1x16xf32> to vector<16xf32>
    %get3A_1588 = arith.constant 1 : i32
    %get3A_1589 = arith.index_cast %get3A_1588 : i32 to index
    %get3A_1590 = arith.constant 240 : index
    %get3A_1591 = tpu.vector_load %arg7[%get3A_1589, %get3A_1590] {strides = array<i32>} : memref<32x256xf32, #tpu.memory_space<vmem>>, vector<1x16xf32>,
    %get3A_1592 = vector.shape_cast %get3A_1591 : vector<1x16xf32> to vector<16xf32>
    %add3A_1593 = arith.addf %get3A_1587, %get3A_1592 : vector<16xf32>
    %get3A_1594 = arith.constant 2 : i32
    %get3A_1595 = arith.index_cast %get3A_1594 : i32 to index
    %get3A_1596 = arith.constant 240 : index
    %get3A_1597 = tpu.vector_load %arg7[%get3A_1595, %get3A_1596] {strides = array<i32>} : memref<32x256xf32, #tpu.memory_space<vmem>>, vector<1x16xf32>,
    %get3A_1598 = vector.shape_cast %get3A_1597 : vector<1x16xf32> to vector<16xf32>
    %add3A_1599 = arith.addf %add3A_1593, %get3A_1598 : vector<16xf32>
    %get3A_1600 = arith.constant 3 : i32
    %get3A_1601 = arith.index_cast %get3A_1600 : i32 to index
    %get3A_1602 = arith.constant 240 : index
    %get3A_1603 = tpu.vector_load %arg7[%get3A_1601, %get3A_1602] {strides = array<i32>} : memref<32x256xf32, #tpu.memory_space<vmem>>, vector<1x16xf32>,
    %get3A_1604 = vector.shape_cast %get3A_1603 : vector<1x16xf32> to vector<16xf32>
    %add3A_1605 = arith.addf %add3A_1599, %get3A_1604 : vector<16xf32>
    %get3A_1606 = arith.constant 4 : i32
    %get3A_1607 = arith.index_cast %get3A_1606 : i32 to index
    %get3A_1608 = arith.constant 240 : index
    %get3A_1609 = tpu.vector_load %arg7[%get3A_1607, %get3A_1608] {strides = array<i32>} : memref<32x256xf32, #tpu.memory_space<vmem>>, vector<1x16xf32>,
    %get3A_1610 = vector.shape_cast %get3A_1609 : vector<1x16xf32> to vector<16xf32>
    %add3A_1611 = arith.addf %add3A_1605, %get3A_1610 : vector<16xf32>
    %get3A_1612 = arith.constant 5 : i32
    %get3A_1613 = arith.index_cast %get3A_1612 : i32 to index
    %get3A_1614 = arith.constant 240 : index
    %get3A_1615 = tpu.vector_load %arg7[%get3A_1613, %get3A_1614] {strides = array<i32>} : memref<32x256xf32, #tpu.memory_space<vmem>>, vector<1x16xf32>,
    %get3A_1616 = vector.shape_cast %get3A_1615 : vector<1x16xf32> to vector<16xf32>
    %add3A_1617 = arith.addf %add3A_1611, %get3A_1616 : vector<16xf32>
    %get3A_1618 = arith.constant 6 : i32
    %get3A_1619 = arith.index_cast %get3A_1618 : i32 to index
    %get3A_1620 = arith.constant 240 : index
    %get3A_1621 = tpu.vector_load %arg7[%get3A_1619, %get3A_1620] {strides = array<i32>} : memref<32x256xf32, #tpu.memory_space<vmem>>, vector<1x16xf32>,
    %get3A_1622 = vector.shape_cast %get3A_1621 : vector<1x16xf32> to vector<16xf32>
    %add3A_1623 = arith.addf %add3A_1617, %get3A_1622 : vector<16xf32>
    %get3A_1624 = arith.constant 7 : i32
    %get3A_1625 = arith.index_cast %get3A_1624 : i32 to index
    %get3A_1626 = arith.constant 240 : index
    %get3A_1627 = tpu.vector_load %arg7[%get3A_1625, %get3A_1626] {strides = array<i32>} : memref<32x256xf32, #tpu.memory_space<vmem>>, vector<1x16xf32>,
    %get3A_1628 = vector.shape_cast %get3A_1627 : vector<1x16xf32> to vector<16xf32>
    %add3A_1629 = arith.addf %add3A_1623, %get3A_1628 : vector<16xf32>
    %get3A_1630 = arith.constant 8 : i32
    %get3A_1631 = arith.index_cast %get3A_1630 : i32 to index
    %get3A_1632 = arith.constant 240 : index
    %get3A_1633 = tpu.vector_load %arg7[%get3A_1631, %get3A_1632] {strides = array<i32>} : memref<32x256xf32, #tpu.memory_space<vmem>>, vector<1x16xf32>,
    %get3A_1634 = vector.shape_cast %get3A_1633 : vector<1x16xf32> to vector<16xf32>
    %add3A_1635 = arith.addf %add3A_1629, %get3A_1634 : vector<16xf32>
    %get3A_1636 = arith.constant 9 : i32
    %get3A_1637 = arith.index_cast %get3A_1636 : i32 to index
    %get3A_1638 = arith.constant 240 : index
    %get3A_1639 = tpu.vector_load %arg7[%get3A_1637, %get3A_1638] {strides = array<i32>} : memref<32x256xf32, #tpu.memory_space<vmem>>, vector<1x16xf32>,
    %get3A_1640 = vector.shape_cast %get3A_1639 : vector<1x16xf32> to vector<16xf32>
    %add3A_1641 = arith.addf %add3A_1635, %get3A_1640 : vector<16xf32>
    %get3A_1642 = arith.constant 10 : i32
    %get3A_1643 = arith.index_cast %get3A_1642 : i32 to index
    %get3A_1644 = arith.constant 240 : index
    %get3A_1645 = tpu.vector_load %arg7[%get3A_1643, %get3A_1644] {strides = array<i32>} : memref<32x256xf32, #tpu.memory_space<vmem>>, vector<1x16xf32>,
    %get3A_1646 = vector.shape_cast %get3A_1645 : vector<1x16xf32> to vector<16xf32>
    %add3A_1647 = arith.addf %add3A_1641, %get3A_1646 : vector<16xf32>
    %get3A_1648 = arith.constant 11 : i32
    %get3A_1649 = arith.index_cast %get3A_1648 : i32 to index
    %get3A_1650 = arith.constant 240 : index
    %get3A_1651 = tpu.vector_load %arg7[%get3A_1649, %get3A_1650] {strides = array<i32>} : memref<32x256xf32, #tpu.memory_space<vmem>>, vector<1x16xf32>,
    %get3A_1652 = vector.shape_cast %get3A_1651 : vector<1x16xf32> to vector<16xf32>
    %add3A_1653 = arith.addf %add3A_1647, %get3A_1652 : vector<16xf32>
    %get3A_1654 = arith.constant 12 : i32
    %get3A_1655 = arith.index_cast %get3A_1654 : i32 to index
    %get3A_1656 = arith.constant 240 : index
    %get3A_1657 = tpu.vector_load %arg7[%get3A_1655, %get3A_1656] {strides = array<i32>} : memref<32x256xf32, #tpu.memory_space<vmem>>, vector<1x16xf32>,
    %get3A_1658 = vector.shape_cast %get3A_1657 : vector<1x16xf32> to vector<16xf32>
    %add3A_1659 = arith.addf %add3A_1653, %get3A_1658 : vector<16xf32>
    %get3A_1660 = arith.constant 13 : i32
    %get3A_1661 = arith.index_cast %get3A_1660 : i32 to index
    %get3A_1662 = arith.constant 240 : index
    %get3A_1663 = tpu.vector_load %arg7[%get3A_1661, %get3A_1662] {strides = array<i32>} : memref<32x256xf32, #tpu.memory_space<vmem>>, vector<1x16xf32>,
    %get3A_1664 = vector.shape_cast %get3A_1663 : vector<1x16xf32> to vector<16xf32>
    %add3A_1665 = arith.addf %add3A_1659, %get3A_1664 : vector<16xf32>
    %get3A_1666 = arith.constant 14 : i32
    %get3A_1667 = arith.index_cast %get3A_1666 : i32 to index
    %get3A_1668 = arith.constant 240 : index
    %get3A_1669 = tpu.vector_load %arg7[%get3A_1667, %get3A_1668] {strides = array<i32>} : memref<32x256xf32, #tpu.memory_space<vmem>>, vector<1x16xf32>,
    %get3A_1670 = vector.shape_cast %get3A_1669 : vector<1x16xf32> to vector<16xf32>
    %add3A_1671 = arith.addf %add3A_1665, %get3A_1670 : vector<16xf32>
    %get3A_1672 = arith.constant 15 : i32
    %get3A_1673 = arith.index_cast %get3A_1672 : i32 to index
    %get3A_1674 = arith.constant 240 : index
    %get3A_1675 = tpu.vector_load %arg7[%get3A_1673, %get3A_1674] {strides = array<i32>} : memref<32x256xf32, #tpu.memory_space<vmem>>, vector<1x16xf32>,
    %get3A_1676 = vector.shape_cast %get3A_1675 : vector<1x16xf32> to vector<16xf32>
    %add3A_1677 = arith.addf %add3A_1671, %get3A_1676 : vector<16xf32>
    %mul3A_1678 = arith.constant 6.250000e-02 : f32
    %mul3A_1679 = vector.broadcast %mul3A_1678 : f32 to vector<16xf32>
    %mul3A_1680 = arith.mulf %add3A_1677, %mul3A_1679 : vector<16xf32>
    %swap3A_1681 = arith.constant 0 : i32
    %swap3A_1682 = arith.index_cast %swap3A_1681 : i32 to index
    %swap3A_1683 = arith.constant 240 : index
    %swap3A_1684 = tpu.vector_load %arg8[%swap3A_1682, %swap3A_1683] {strides = array<i32>} : memref<2x256xf32, #tpu.memory_space<vmem>>, vector<1x16xf32>,
    %swap3A_1685 = vector.shape_cast %swap3A_1684 : vector<1x16xf32> to vector<16xf32>
    %swap3A_1686 = vector.shape_cast %mul3A_1680 : vector<16xf32> to vector<1x16xf32>
    tpu.vector_store %arg8[%swap3A_1682, %swap3A_1683], %swap3A_1686 {strides = array<i32>} : memref<2x256xf32, #tpu.memory_space<vmem>>, vector<1x16xf32>,
    %get3A_1687 = arith.constant 16 : i32
    %get3A_1688 = arith.index_cast %get3A_1687 : i32 to index
    %get3A_1689 = arith.constant 0 : index
    %get3A_1690 = tpu.vector_load %arg7[%get3A_1688, %get3A_1689] {strides = array<i32>} : memref<32x256xf32, #tpu.memory_space<vmem>>, vector<1x16xf32>,
    %get3A_1691 = vector.shape_cast %get3A_1690 : vector<1x16xf32> to vector<16xf32>
    %get3A_1692 = arith.constant 17 : i32
    %get3A_1693 = arith.index_cast %get3A_1692 : i32 to index
    %get3A_1694 = arith.constant 0 : index
    %get3A_1695 = tpu.vector_load %arg7[%get3A_1693, %get3A_1694] {strides = array<i32>} : memref<32x256xf32, #tpu.memory_space<vmem>>, vector<1x16xf32>,
    %get3A_1696 = vector.shape_cast %get3A_1695 : vector<1x16xf32> to vector<16xf32>
    %add3A_1697 = arith.addf %get3A_1691, %get3A_1696 : vector<16xf32>
    %get3A_1698 = arith.constant 18 : i32
    %get3A_1699 = arith.index_cast %get3A_1698 : i32 to index
    %get3A_1700 = arith.constant 0 : index
    %get3A_1701 = tpu.vector_load %arg7[%get3A_1699, %get3A_1700] {strides = array<i32>} : memref<32x256xf32, #tpu.memory_space<vmem>>, vector<1x16xf32>,
    %get3A_1702 = vector.shape_cast %get3A_1701 : vector<1x16xf32> to vector<16xf32>
    %add3A_1703 = arith.addf %add3A_1697, %get3A_1702 : vector<16xf32>
    %get3A_1704 = arith.constant 19 : i32
    %get3A_1705 = arith.index_cast %get3A_1704 : i32 to index
    %get3A_1706 = arith.constant 0 : index
    %get3A_1707 = tpu.vector_load %arg7[%get3A_1705, %get3A_1706] {strides = array<i32>} : memref<32x256xf32, #tpu.memory_space<vmem>>, vector<1x16xf32>,
    %get3A_1708 = vector.shape_cast %get3A_1707 : vector<1x16xf32> to vector<16xf32>
    %add3A_1709 = arith.addf %add3A_1703, %get3A_1708 : vector<16xf32>
    %get3A_1710 = arith.constant 20 : i32
    %get3A_1711 = arith.index_cast %get3A_1710 : i32 to index
    %get3A_1712 = arith.constant 0 : index
    %get3A_1713 = tpu.vector_load %arg7[%get3A_1711, %get3A_1712] {strides = array<i32>} : memref<32x256xf32, #tpu.memory_space<vmem>>, vector<1x16xf32>,
    %get3A_1714 = vector.shape_cast %get3A_1713 : vector<1x16xf32> to vector<16xf32>
    %add3A_1715 = arith.addf %add3A_1709, %get3A_1714 : vector<16xf32>
    %get3A_1716 = arith.constant 21 : i32
    %get3A_1717 = arith.index_cast %get3A_1716 : i32 to index
    %get3A_1718 = arith.constant 0 : index
    %get3A_1719 = tpu.vector_load %arg7[%get3A_1717, %get3A_1718] {strides = array<i32>} : memref<32x256xf32, #tpu.memory_space<vmem>>, vector<1x16xf32>,
    %get3A_1720 = vector.shape_cast %get3A_1719 : vector<1x16xf32> to vector<16xf32>
    %add3A_1721 = arith.addf %add3A_1715, %get3A_1720 : vector<16xf32>
    %get3A_1722 = arith.constant 22 : i32
    %get3A_1723 = arith.index_cast %get3A_1722 : i32 to index
    %get3A_1724 = arith.constant 0 : index
    %get3A_1725 = tpu.vector_load %arg7[%get3A_1723, %get3A_1724] {strides = array<i32>} : memref<32x256xf32, #tpu.memory_space<vmem>>, vector<1x16xf32>,
    %get3A_1726 = vector.shape_cast %get3A_1725 : vector<1x16xf32> to vector<16xf32>
    %add3A_1727 = arith.addf %add3A_1721, %get3A_1726 : vector<16xf32>
    %get3A_1728 = arith.constant 23 : i32
    %get3A_1729 = arith.index_cast %get3A_1728 : i32 to index
    %get3A_1730 = arith.constant 0 : index
    %get3A_1731 = tpu.vector_load %arg7[%get3A_1729, %get3A_1730] {strides = array<i32>} : memref<32x256xf32, #tpu.memory_space<vmem>>, vector<1x16xf32>,
    %get3A_1732 = vector.shape_cast %get3A_1731 : vector<1x16xf32> to vector<16xf32>
    %add3A_1733 = arith.addf %add3A_1727, %get3A_1732 : vector<16xf32>
    %get3A_1734 = arith.constant 24 : i32
    %get3A_1735 = arith.index_cast %get3A_1734 : i32 to index
    %get3A_1736 = arith.constant 0 : index
    %get3A_1737 = tpu.vector_load %arg7[%get3A_1735, %get3A_1736] {strides = array<i32>} : memref<32x256xf32, #tpu.memory_space<vmem>>, vector<1x16xf32>,
    %get3A_1738 = vector.shape_cast %get3A_1737 : vector<1x16xf32> to vector<16xf32>
    %add3A_1739 = arith.addf %add3A_1733, %get3A_1738 : vector<16xf32>
    %get3A_1740 = arith.constant 25 : i32
    %get3A_1741 = arith.index_cast %get3A_1740 : i32 to index
    %get3A_1742 = arith.constant 0 : index
    %get3A_1743 = tpu.vector_load %arg7[%get3A_1741, %get3A_1742] {strides = array<i32>} : memref<32x256xf32, #tpu.memory_space<vmem>>, vector<1x16xf32>,
    %get3A_1744 = vector.shape_cast %get3A_1743 : vector<1x16xf32> to vector<16xf32>
    %add3A_1745 = arith.addf %add3A_1739, %get3A_1744 : vector<16xf32>
    %get3A_1746 = arith.constant 26 : i32
    %get3A_1747 = arith.index_cast %get3A_1746 : i32 to index
    %get3A_1748 = arith.constant 0 : index
    %get3A_1749 = tpu.vector_load %arg7[%get3A_1747, %get3A_1748] {strides = array<i32>} : memref<32x256xf32, #tpu.memory_space<vmem>>, vector<1x16xf32>,
    %get3A_1750 = vector.shape_cast %get3A_1749 : vector<1x16xf32> to vector<16xf32>
    %add3A_1751 = arith.addf %add3A_1745, %get3A_1750 : vector<16xf32>
    %get3A_1752 = arith.constant 27 : i32
    %get3A_1753 = arith.index_cast %get3A_1752 : i32 to index
    %get3A_1754 = arith.constant 0 : index
    %get3A_1755 = tpu.vector_load %arg7[%get3A_1753, %get3A_1754] {strides = array<i32>} : memref<32x256xf32, #tpu.memory_space<vmem>>, vector<1x16xf32>,
    %get3A_1756 = vector.shape_cast %get3A_1755 : vector<1x16xf32> to vector<16xf32>
    %add3A_1757 = arith.addf %add3A_1751, %get3A_1756 : vector<16xf32>
    %get3A_1758 = arith.constant 28 : i32
    %get3A_1759 = arith.index_cast %get3A_1758 : i32 to index
    %get3A_1760 = arith.constant 0 : index
    %get3A_1761 = tpu.vector_load %arg7[%get3A_1759, %get3A_1760] {strides = array<i32>} : memref<32x256xf32, #tpu.memory_space<vmem>>, vector<1x16xf32>,
    %get3A_1762 = vector.shape_cast %get3A_1761 : vector<1x16xf32> to vector<16xf32>
    %add3A_1763 = arith.addf %add3A_1757, %get3A_1762 : vector<16xf32>
    %get3A_1764 = arith.constant 29 : i32
    %get3A_1765 = arith.index_cast %get3A_1764 : i32 to index
    %get3A_1766 = arith.constant 0 : index
    %get3A_1767 = tpu.vector_load %arg7[%get3A_1765, %get3A_1766] {strides = array<i32>} : memref<32x256xf32, #tpu.memory_space<vmem>>, vector<1x16xf32>,
    %get3A_1768 = vector.shape_cast %get3A_1767 : vector<1x16xf32> to vector<16xf32>
    %add3A_1769 = arith.addf %add3A_1763, %get3A_1768 : vector<16xf32>
    %get3A_1770 = arith.constant 30 : i32
    %get3A_1771 = arith.index_cast %get3A_1770 : i32 to index
    %get3A_1772 = arith.constant 0 : index
    %get3A_1773 = tpu.vector_load %arg7[%get3A_1771, %get3A_1772] {strides = array<i32>} : memref<32x256xf32, #tpu.memory_space<vmem>>, vector<1x16xf32>,
    %get3A_1774 = vector.shape_cast %get3A_1773 : vector<1x16xf32> to vector<16xf32>
    %add3A_1775 = arith.addf %add3A_1769, %get3A_1774 : vector<16xf32>
    %get3A_1776 = arith.constant 31 : i32
    %get3A_1777 = arith.index_cast %get3A_1776 : i32 to index
    %get3A_1778 = arith.constant 0 : index
    %get3A_1779 = tpu.vector_load %arg7[%get3A_1777, %get3A_1778] {strides = array<i32>} : memref<32x256xf32, #tpu.memory_space<vmem>>, vector<1x16xf32>,
    %get3A_1780 = vector.shape_cast %get3A_1779 : vector<1x16xf32> to vector<16xf32>
    %add3A_1781 = arith.addf %add3A_1775, %get3A_1780 : vector<16xf32>
    %mul3A_1782 = arith.constant 6.250000e-02 : f32
    %mul3A_1783 = vector.broadcast %mul3A_1782 : f32 to vector<16xf32>
    %mul3A_1784 = arith.mulf %add3A_1781, %mul3A_1783 : vector<16xf32>
    %swap3A_1785 = arith.constant 1 : i32
    %swap3A_1786 = arith.index_cast %swap3A_1785 : i32 to index
    %swap3A_1787 = arith.constant 0 : index
    %swap3A_1788 = tpu.vector_load %arg8[%swap3A_1786, %swap3A_1787] {strides = array<i32>} : memref<2x256xf32, #tpu.memory_space<vmem>>, vector<1x16xf32>,
    %swap3A_1789 = vector.shape_cast %swap3A_1788 : vector<1x16xf32> to vector<16xf32>
    %swap3A_1790 = vector.shape_cast %mul3A_1784 : vector<16xf32> to vector<1x16xf32>
    tpu.vector_store %arg8[%swap3A_1786, %swap3A_1787], %swap3A_1790 {strides = array<i32>} : memref<2x256xf32, #tpu.memory_space<vmem>>, vector<1x16xf32>,
    %get3A_1791 = arith.constant 16 : i32
    %get3A_1792 = arith.index_cast %get3A_1791 : i32 to index
    %get3A_1793 = arith.constant 16 : index
    %get3A_1794 = tpu.vector_load %arg7[%get3A_1792, %get3A_1793] {strides = array<i32>} : memref<32x256xf32, #tpu.memory_space<vmem>>, vector<1x16xf32>,
    %get3A_1795 = vector.shape_cast %get3A_1794 : vector<1x16xf32> to vector<16xf32>
    %get3A_1796 = arith.constant 17 : i32
    %get3A_1797 = arith.index_cast %get3A_1796 : i32 to index
    %get3A_1798 = arith.constant 16 : index
    %get3A_1799 = tpu.vector_load %arg7[%get3A_1797, %get3A_1798] {strides = array<i32>} : memref<32x256xf32, #tpu.memory_space<vmem>>, vector<1x16xf32>,
    %get3A_1800 = vector.shape_cast %get3A_1799 : vector<1x16xf32> to vector<16xf32>
    %add3A_1801 = arith.addf %get3A_1795, %get3A_1800 : vector<16xf32>
    %get3A_1802 = arith.constant 18 : i32
    %get3A_1803 = arith.index_cast %get3A_1802 : i32 to index
    %get3A_1804 = arith.constant 16 : index
    %get3A_1805 = tpu.vector_load %arg7[%get3A_1803, %get3A_1804] {strides = array<i32>} : memref<32x256xf32, #tpu.memory_space<vmem>>, vector<1x16xf32>,
    %get3A_1806 = vector.shape_cast %get3A_1805 : vector<1x16xf32> to vector<16xf32>
    %add3A_1807 = arith.addf %add3A_1801, %get3A_1806 : vector<16xf32>
    %get3A_1808 = arith.constant 19 : i32
    %get3A_1809 = arith.index_cast %get3A_1808 : i32 to index
    %get3A_1810 = arith.constant 16 : index
    %get3A_1811 = tpu.vector_load %arg7[%get3A_1809, %get3A_1810] {strides = array<i32>} : memref<32x256xf32, #tpu.memory_space<vmem>>, vector<1x16xf32>,
    %get3A_1812 = vector.shape_cast %get3A_1811 : vector<1x16xf32> to vector<16xf32>
    %add3A_1813 = arith.addf %add3A_1807, %get3A_1812 : vector<16xf32>
    %get3A_1814 = arith.constant 20 : i32
    %get3A_1815 = arith.index_cast %get3A_1814 : i32 to index
    %get3A_1816 = arith.constant 16 : index
    %get3A_1817 = tpu.vector_load %arg7[%get3A_1815, %get3A_1816] {strides = array<i32>} : memref<32x256xf32, #tpu.memory_space<vmem>>, vector<1x16xf32>,
    %get3A_1818 = vector.shape_cast %get3A_1817 : vector<1x16xf32> to vector<16xf32>
    %add3A_1819 = arith.addf %add3A_1813, %get3A_1818 : vector<16xf32>
    %get3A_1820 = arith.constant 21 : i32
    %get3A_1821 = arith.index_cast %get3A_1820 : i32 to index
    %get3A_1822 = arith.constant 16 : index
    %get3A_1823 = tpu.vector_load %arg7[%get3A_1821, %get3A_1822] {strides = array<i32>} : memref<32x256xf32, #tpu.memory_space<vmem>>, vector<1x16xf32>,
    %get3A_1824 = vector.shape_cast %get3A_1823 : vector<1x16xf32> to vector<16xf32>
    %add3A_1825 = arith.addf %add3A_1819, %get3A_1824 : vector<16xf32>
    %get3A_1826 = arith.constant 22 : i32
    %get3A_1827 = arith.index_cast %get3A_1826 : i32 to index
    %get3A_1828 = arith.constant 16 : index
    %get3A_1829 = tpu.vector_load %arg7[%get3A_1827, %get3A_1828] {strides = array<i32>} : memref<32x256xf32, #tpu.memory_space<vmem>>, vector<1x16xf32>,
    %get3A_1830 = vector.shape_cast %get3A_1829 : vector<1x16xf32> to vector<16xf32>
    %add3A_1831 = arith.addf %add3A_1825, %get3A_1830 : vector<16xf32>
    %get3A_1832 = arith.constant 23 : i32
    %get3A_1833 = arith.index_cast %get3A_1832 : i32 to index
    %get3A_1834 = arith.constant 16 : index
    %get3A_1835 = tpu.vector_load %arg7[%get3A_1833, %get3A_1834] {strides = array<i32>} : memref<32x256xf32, #tpu.memory_space<vmem>>, vector<1x16xf32>,
    %get3A_1836 = vector.shape_cast %get3A_1835 : vector<1x16xf32> to vector<16xf32>
    %add3A_1837 = arith.addf %add3A_1831, %get3A_1836 : vector<16xf32>
    %get3A_1838 = arith.constant 24 : i32
    %get3A_1839 = arith.index_cast %get3A_1838 : i32 to index
    %get3A_1840 = arith.constant 16 : index
    %get3A_1841 = tpu.vector_load %arg7[%get3A_1839, %get3A_1840] {strides = array<i32>} : memref<32x256xf32, #tpu.memory_space<vmem>>, vector<1x16xf32>,
    %get3A_1842 = vector.shape_cast %get3A_1841 : vector<1x16xf32> to vector<16xf32>
    %add3A_1843 = arith.addf %add3A_1837, %get3A_1842 : vector<16xf32>
    %get3A_1844 = arith.constant 25 : i32
    %get3A_1845 = arith.index_cast %get3A_1844 : i32 to index
    %get3A_1846 = arith.constant 16 : index
    %get3A_1847 = tpu.vector_load %arg7[%get3A_1845, %get3A_1846] {strides = array<i32>} : memref<32x256xf32, #tpu.memory_space<vmem>>, vector<1x16xf32>,
    %get3A_1848 = vector.shape_cast %get3A_1847 : vector<1x16xf32> to vector<16xf32>
    %add3A_1849 = arith.addf %add3A_1843, %get3A_1848 : vector<16xf32>
    %get3A_1850 = arith.constant 26 : i32
    %get3A_1851 = arith.index_cast %get3A_1850 : i32 to index
    %get3A_1852 = arith.constant 16 : index
    %get3A_1853 = tpu.vector_load %arg7[%get3A_1851, %get3A_1852] {strides = array<i32>} : memref<32x256xf32, #tpu.memory_space<vmem>>, vector<1x16xf32>,
    %get3A_1854 = vector.shape_cast %get3A_1853 : vector<1x16xf32> to vector<16xf32>
    %add3A_1855 = arith.addf %add3A_1849, %get3A_1854 : vector<16xf32>
    %get3A_1856 = arith.constant 27 : i32
    %get3A_1857 = arith.index_cast %get3A_1856 : i32 to index
    %get3A_1858 = arith.constant 16 : index
    %get3A_1859 = tpu.vector_load %arg7[%get3A_1857, %get3A_1858] {strides = array<i32>} : memref<32x256xf32, #tpu.memory_space<vmem>>, vector<1x16xf32>,
    %get3A_1860 = vector.shape_cast %get3A_1859 : vector<1x16xf32> to vector<16xf32>
    %add3A_1861 = arith.addf %add3A_1855, %get3A_1860 : vector<16xf32>
    %get3A_1862 = arith.constant 28 : i32
    %get3A_1863 = arith.index_cast %get3A_1862 : i32 to index
    %get3A_1864 = arith.constant 16 : index
    %get3A_1865 = tpu.vector_load %arg7[%get3A_1863, %get3A_1864] {strides = array<i32>} : memref<32x256xf32, #tpu.memory_space<vmem>>, vector<1x16xf32>,
    %get3A_1866 = vector.shape_cast %get3A_1865 : vector<1x16xf32> to vector<16xf32>
    %add3A_1867 = arith.addf %add3A_1861, %get3A_1866 : vector<16xf32>
    %get3A_1868 = arith.constant 29 : i32
    %get3A_1869 = arith.index_cast %get3A_1868 : i32 to index
    %get3A_1870 = arith.constant 16 : index
    %get3A_1871 = tpu.vector_load %arg7[%get3A_1869, %get3A_1870] {strides = array<i32>} : memref<32x256xf32, #tpu.memory_space<vmem>>, vector<1x16xf32>,
    %get3A_1872 = vector.shape_cast %get3A_1871 : vector<1x16xf32> to vector<16xf32>
    %add3A_1873 = arith.addf %add3A_1867, %get3A_1872 : vector<16xf32>
    %get3A_1874 = arith.constant 30 : i32
    %get3A_1875 = arith.index_cast %get3A_1874 : i32 to index
    %get3A_1876 = arith.constant 16 : index
    %get3A_1877 = tpu.vector_load %arg7[%get3A_1875, %get3A_1876] {strides = array<i32>} : memref<32x256xf32, #tpu.memory_space<vmem>>, vector<1x16xf32>,
    %get3A_1878 = vector.shape_cast %get3A_1877 : vector<1x16xf32> to vector<16xf32>
    %add3A_1879 = arith.addf %add3A_1873, %get3A_1878 : vector<16xf32>
    %get3A_1880 = arith.constant 31 : i32
    %get3A_1881 = arith.index_cast %get3A_1880 : i32 to index
    %get3A_1882 = arith.constant 16 : index
    %get3A_1883 = tpu.vector_load %arg7[%get3A_1881, %get3A_1882] {strides = array<i32>} : memref<32x256xf32, #tpu.memory_space<vmem>>, vector<1x16xf32>,
    %get3A_1884 = vector.shape_cast %get3A_1883 : vector<1x16xf32> to vector<16xf32>
    %add3A_1885 = arith.addf %add3A_1879, %get3A_1884 : vector<16xf32>
    %mul3A_1886 = arith.constant 6.250000e-02 : f32
    %mul3A_1887 = vector.broadcast %mul3A_1886 : f32 to vector<16xf32>
    %mul3A_1888 = arith.mulf %add3A_1885, %mul3A_1887 : vector<16xf32>
    %swap3A_1889 = arith.constant 1 : i32
    %swap3A_1890 = arith.index_cast %swap3A_1889 : i32 to index
    %swap3A_1891 = arith.constant 16 : index
    %swap3A_1892 = tpu.vector_load %arg8[%swap3A_1890, %swap3A_1891] {strides = array<i32>} : memref<2x256xf32, #tpu.memory_space<vmem>>, vector<1x16xf32>,
    %swap3A_1893 = vector.shape_cast %swap3A_1892 : vector<1x16xf32> to vector<16xf32>
    %swap3A_1894 = vector.shape_cast %mul3A_1888 : vector<16xf32> to vector<1x16xf32>
    tpu.vector_store %arg8[%swap3A_1890, %swap3A_1891], %swap3A_1894 {strides = array<i32>} : memref<2x256xf32, #tpu.memory_space<vmem>>, vector<1x16xf32>,
    %get3A_1895 = arith.constant 16 : i32
    %get3A_1896 = arith.index_cast %get3A_1895 : i32 to index
    %get3A_1897 = arith.constant 32 : index
    %get3A_1898 = tpu.vector_load %arg7[%get3A_1896, %get3A_1897] {strides = array<i32>} : memref<32x256xf32, #tpu.memory_space<vmem>>, vector<1x16xf32>,
    %get3A_1899 = vector.shape_cast %get3A_1898 : vector<1x16xf32> to vector<16xf32>
    %get3A_1900 = arith.constant 17 : i32
    %get3A_1901 = arith.index_cast %get3A_1900 : i32 to index
    %get3A_1902 = arith.constant 32 : index
    %get3A_1903 = tpu.vector_load %arg7[%get3A_1901, %get3A_1902] {strides = array<i32>} : memref<32x256xf32, #tpu.memory_space<vmem>>, vector<1x16xf32>,
    %get3A_1904 = vector.shape_cast %get3A_1903 : vector<1x16xf32> to vector<16xf32>
    %add3A_1905 = arith.addf %get3A_1899, %get3A_1904 : vector<16xf32>
    %get3A_1906 = arith.constant 18 : i32
    %get3A_1907 = arith.index_cast %get3A_1906 : i32 to index
    %get3A_1908 = arith.constant 32 : index
    %get3A_1909 = tpu.vector_load %arg7[%get3A_1907, %get3A_1908] {strides = array<i32>} : memref<32x256xf32, #tpu.memory_space<vmem>>, vector<1x16xf32>,
    %get3A_1910 = vector.shape_cast %get3A_1909 : vector<1x16xf32> to vector<16xf32>
    %add3A_1911 = arith.addf %add3A_1905, %get3A_1910 : vector<16xf32>
    %get3A_1912 = arith.constant 19 : i32
    %get3A_1913 = arith.index_cast %get3A_1912 : i32 to index
    %get3A_1914 = arith.constant 32 : index
    %get3A_1915 = tpu.vector_load %arg7[%get3A_1913, %get3A_1914] {strides = array<i32>} : memref<32x256xf32, #tpu.memory_space<vmem>>, vector<1x16xf32>,
    %get3A_1916 = vector.shape_cast %get3A_1915 : vector<1x16xf32> to vector<16xf32>
    %add3A_1917 = arith.addf %add3A_1911, %get3A_1916 : vector<16xf32>
    %get3A_1918 = arith.constant 20 : i32
    %get3A_1919 = arith.index_cast %get3A_1918 : i32 to index
    %get3A_1920 = arith.constant 32 : index
    %get3A_1921 = tpu.vector_load %arg7[%get3A_1919, %get3A_1920] {strides = array<i32>} : memref<32x256xf32, #tpu.memory_space<vmem>>, vector<1x16xf32>,
    %get3A_1922 = vector.shape_cast %get3A_1921 : vector<1x16xf32> to vector<16xf32>
    %add3A_1923 = arith.addf %add3A_1917, %get3A_1922 : vector<16xf32>
    %get3A_1924 = arith.constant 21 : i32
    %get3A_1925 = arith.index_cast %get3A_1924 : i32 to index
    %get3A_1926 = arith.constant 32 : index
    %get3A_1927 = tpu.vector_load %arg7[%get3A_1925, %get3A_1926] {strides = array<i32>} : memref<32x256xf32, #tpu.memory_space<vmem>>, vector<1x16xf32>,
    %get3A_1928 = vector.shape_cast %get3A_1927 : vector<1x16xf32> to vector<16xf32>
    %add3A_1929 = arith.addf %add3A_1923, %get3A_1928 : vector<16xf32>
    %get3A_1930 = arith.constant 22 : i32
    %get3A_1931 = arith.index_cast %get3A_1930 : i32 to index
    %get3A_1932 = arith.constant 32 : index
    %get3A_1933 = tpu.vector_load %arg7[%get3A_1931, %get3A_1932] {strides = array<i32>} : memref<32x256xf32, #tpu.memory_space<vmem>>, vector<1x16xf32>,
    %get3A_1934 = vector.shape_cast %get3A_1933 : vector<1x16xf32> to vector<16xf32>
    %add3A_1935 = arith.addf %add3A_1929, %get3A_1934 : vector<16xf32>
    %get3A_1936 = arith.constant 23 : i32
    %get3A_1937 = arith.index_cast %get3A_1936 : i32 to index
    %get3A_1938 = arith.constant 32 : index
    %get3A_1939 = tpu.vector_load %arg7[%get3A_1937, %get3A_1938] {strides = array<i32>} : memref<32x256xf32, #tpu.memory_space<vmem>>, vector<1x16xf32>,
    %get3A_1940 = vector.shape_cast %get3A_1939 : vector<1x16xf32> to vector<16xf32>
    %add3A_1941 = arith.addf %add3A_1935, %get3A_1940 : vector<16xf32>
    %get3A_1942 = arith.constant 24 : i32
    %get3A_1943 = arith.index_cast %get3A_1942 : i32 to index
    %get3A_1944 = arith.constant 32 : index
    %get3A_1945 = tpu.vector_load %arg7[%get3A_1943, %get3A_1944] {strides = array<i32>} : memref<32x256xf32, #tpu.memory_space<vmem>>, vector<1x16xf32>,
    %get3A_1946 = vector.shape_cast %get3A_1945 : vector<1x16xf32> to vector<16xf32>
    %add3A_1947 = arith.addf %add3A_1941, %get3A_1946 : vector<16xf32>
    %get3A_1948 = arith.constant 25 : i32
    %get3A_1949 = arith.index_cast %get3A_1948 : i32 to index
    %get3A_1950 = arith.constant 32 : index
    %get3A_1951 = tpu.vector_load %arg7[%get3A_1949, %get3A_1950] {strides = array<i32>} : memref<32x256xf32, #tpu.memory_space<vmem>>, vector<1x16xf32>,
    %get3A_1952 = vector.shape_cast %get3A_1951 : vector<1x16xf32> to vector<16xf32>
    %add3A_1953 = arith.addf %add3A_1947, %get3A_1952 : vector<16xf32>
    %get3A_1954 = arith.constant 26 : i32
    %get3A_1955 = arith.index_cast %get3A_1954 : i32 to index
    %get3A_1956 = arith.constant 32 : index
    %get3A_1957 = tpu.vector_load %arg7[%get3A_1955, %get3A_1956] {strides = array<i32>} : memref<32x256xf32, #tpu.memory_space<vmem>>, vector<1x16xf32>,
    %get3A_1958 = vector.shape_cast %get3A_1957 : vector<1x16xf32> to vector<16xf32>
    %add3A_1959 = arith.addf %add3A_1953, %get3A_1958 : vector<16xf32>
    %get3A_1960 = arith.constant 27 : i32
    %get3A_1961 = arith.index_cast %get3A_1960 : i32 to index
    %get3A_1962 = arith.constant 32 : index
    %get3A_1963 = tpu.vector_load %arg7[%get3A_1961, %get3A_1962] {strides = array<i32>} : memref<32x256xf32, #tpu.memory_space<vmem>>, vector<1x16xf32>,
    %get3A_1964 = vector.shape_cast %get3A_1963 : vector<1x16xf32> to vector<16xf32>
    %add3A_1965 = arith.addf %add3A_1959, %get3A_1964 : vector<16xf32>
    %get3A_1966 = arith.constant 28 : i32
    %get3A_1967 = arith.index_cast %get3A_1966 : i32 to index
    %get3A_1968 = arith.constant 32 : index
    %get3A_1969 = tpu.vector_load %arg7[%get3A_1967, %get3A_1968] {strides = array<i32>} : memref<32x256xf32, #tpu.memory_space<vmem>>, vector<1x16xf32>,
    %get3A_1970 = vector.shape_cast %get3A_1969 : vector<1x16xf32> to vector<16xf32>
    %add3A_1971 = arith.addf %add3A_1965, %get3A_1970 : vector<16xf32>
    %get3A_1972 = arith.constant 29 : i32
    %get3A_1973 = arith.index_cast %get3A_1972 : i32 to index
    %get3A_1974 = arith.constant 32 : index
    %get3A_1975 = tpu.vector_load %arg7[%get3A_1973, %get3A_1974] {strides = array<i32>} : memref<32x256xf32, #tpu.memory_space<vmem>>, vector<1x16xf32>,
    %get3A_1976 = vector.shape_cast %get3A_1975 : vector<1x16xf32> to vector<16xf32>
    %add3A_1977 = arith.addf %add3A_1971, %get3A_1976 : vector<16xf32>
    %get3A_1978 = arith.constant 30 : i32
    %get3A_1979 = arith.index_cast %get3A_1978 : i32 to index
    %get3A_1980 = arith.constant 32 : index
    %get3A_1981 = tpu.vector_load %arg7[%get3A_1979, %get3A_1980] {strides = array<i32>} : memref<32x256xf32, #tpu.memory_space<vmem>>, vector<1x16xf32>,
    %get3A_1982 = vector.shape_cast %get3A_1981 : vector<1x16xf32> to vector<16xf32>
    %add3A_1983 = arith.addf %add3A_1977, %get3A_1982 : vector<16xf32>
    %get3A_1984 = arith.constant 31 : i32
    %get3A_1985 = arith.index_cast %get3A_1984 : i32 to index
    %get3A_1986 = arith.constant 32 : index
    %get3A_1987 = tpu.vector_load %arg7[%get3A_1985, %get3A_1986] {strides = array<i32>} : memref<32x256xf32, #tpu.memory_space<vmem>>, vector<1x16xf32>,
    %get3A_1988 = vector.shape_cast %get3A_1987 : vector<1x16xf32> to vector<16xf32>
    %add3A_1989 = arith.addf %add3A_1983, %get3A_1988 : vector<16xf32>
    %mul3A_1990 = arith.constant 6.250000e-02 : f32
    %mul3A_1991 = vector.broadcast %mul3A_1990 : f32 to vector<16xf32>
    %mul3A_1992 = arith.mulf %add3A_1989, %mul3A_1991 : vector<16xf32>
    %swap3A_1993 = arith.constant 1 : i32
    %swap3A_1994 = arith.index_cast %swap3A_1993 : i32 to index
    %swap3A_1995 = arith.constant 32 : index
    %swap3A_1996 = tpu.vector_load %arg8[%swap3A_1994, %swap3A_1995] {strides = array<i32>} : memref<2x256xf32, #tpu.memory_space<vmem>>, vector<1x16xf32>,
    %swap3A_1997 = vector.shape_cast %swap3A_1996 : vector<1x16xf32> to vector<16xf32>
    %swap3A_1998 = vector.shape_cast %mul3A_1992 : vector<16xf32> to vector<1x16xf32>
    tpu.vector_store %arg8[%swap3A_1994, %swap3A_1995], %swap3A_1998 {strides = array<i32>} : memref<2x256xf32, #tpu.memory_space<vmem>>, vector<1x16xf32>,
    %get3A_1999 = arith.constant 16 : i32
    %get3A_2000 = arith.index_cast %get3A_1999 : i32 to index
    %get3A_2001 = arith.constant 48 : index
    %get3A_2002 = tpu.vector_load %arg7[%get3A_2000, %get3A_2001] {strides = array<i32>} : memref<32x256xf32, #tpu.memory_space<vmem>>, vector<1x16xf32>,
    %get3A_2003 = vector.shape_cast %get3A_2002 : vector<1x16xf32> to vector<16xf32>
    %get3A_2004 = arith.constant 17 : i32
    %get3A_2005 = arith.index_cast %get3A_2004 : i32 to index
    %get3A_2006 = arith.constant 48 : index
    %get3A_2007 = tpu.vector_load %arg7[%get3A_2005, %get3A_2006] {strides = array<i32>} : memref<32x256xf32, #tpu.memory_space<vmem>>, vector<1x16xf32>,
    %get3A_2008 = vector.shape_cast %get3A_2007 : vector<1x16xf32> to vector<16xf32>
    %add3A_2009 = arith.addf %get3A_2003, %get3A_2008 : vector<16xf32>
    %get3A_2010 = arith.constant 18 : i32
    %get3A_2011 = arith.index_cast %get3A_2010 : i32 to index
    %get3A_2012 = arith.constant 48 : index
    %get3A_2013 = tpu.vector_load %arg7[%get3A_2011, %get3A_2012] {strides = array<i32>} : memref<32x256xf32, #tpu.memory_space<vmem>>, vector<1x16xf32>,
    %get3A_2014 = vector.shape_cast %get3A_2013 : vector<1x16xf32> to vector<16xf32>
    %add3A_2015 = arith.addf %add3A_2009, %get3A_2014 : vector<16xf32>
    %get3A_2016 = arith.constant 19 : i32
    %get3A_2017 = arith.index_cast %get3A_2016 : i32 to index
    %get3A_2018 = arith.constant 48 : index
    %get3A_2019 = tpu.vector_load %arg7[%get3A_2017, %get3A_2018] {strides = array<i32>} : memref<32x256xf32, #tpu.memory_space<vmem>>, vector<1x16xf32>,
    %get3A_2020 = vector.shape_cast %get3A_2019 : vector<1x16xf32> to vector<16xf32>
    %add3A_2021 = arith.addf %add3A_2015, %get3A_2020 : vector<16xf32>
    %get3A_2022 = arith.constant 20 : i32
    %get3A_2023 = arith.index_cast %get3A_2022 : i32 to index
    %get3A_2024 = arith.constant 48 : index
    %get3A_2025 = tpu.vector_load %arg7[%get3A_2023, %get3A_2024] {strides = array<i32>} : memref<32x256xf32, #tpu.memory_space<vmem>>, vector<1x16xf32>,
    %get3A_2026 = vector.shape_cast %get3A_2025 : vector<1x16xf32> to vector<16xf32>
    %add3A_2027 = arith.addf %add3A_2021, %get3A_2026 : vector<16xf32>
    %get3A_2028 = arith.constant 21 : i32
    %get3A_2029 = arith.index_cast %get3A_2028 : i32 to index
    %get3A_2030 = arith.constant 48 : index
    %get3A_2031 = tpu.vector_load %arg7[%get3A_2029, %get3A_2030] {strides = array<i32>} : memref<32x256xf32, #tpu.memory_space<vmem>>, vector<1x16xf32>,
    %get3A_2032 = vector.shape_cast %get3A_2031 : vector<1x16xf32> to vector<16xf32>
    %add3A_2033 = arith.addf %add3A_2027, %get3A_2032 : vector<16xf32>
    %get3A_2034 = arith.constant 22 : i32
    %get3A_2035 = arith.index_cast %get3A_2034 : i32 to index
    %get3A_2036 = arith.constant 48 : index
    %get3A_2037 = tpu.vector_load %arg7[%get3A_2035, %get3A_2036] {strides = array<i32>} : memref<32x256xf32, #tpu.memory_space<vmem>>, vector<1x16xf32>,
    %get3A_2038 = vector.shape_cast %get3A_2037 : vector<1x16xf32> to vector<16xf32>
    %add3A_2039 = arith.addf %add3A_2033, %get3A_2038 : vector<16xf32>
    %get3A_2040 = arith.constant 23 : i32
    %get3A_2041 = arith.index_cast %get3A_2040 : i32 to index
    %get3A_2042 = arith.constant 48 : index
    %get3A_2043 = tpu.vector_load %arg7[%get3A_2041, %get3A_2042] {strides = array<i32>} : memref<32x256xf32, #tpu.memory_space<vmem>>, vector<1x16xf32>,
    %get3A_2044 = vector.shape_cast %get3A_2043 : vector<1x16xf32> to vector<16xf32>
    %add3A_2045 = arith.addf %add3A_2039, %get3A_2044 : vector<16xf32>
    %get3A_2046 = arith.constant 24 : i32
    %get3A_2047 = arith.index_cast %get3A_2046 : i32 to index
    %get3A_2048 = arith.constant 48 : index
    %get3A_2049 = tpu.vector_load %arg7[%get3A_2047, %get3A_2048] {strides = array<i32>} : memref<32x256xf32, #tpu.memory_space<vmem>>, vector<1x16xf32>,
    %get3A_2050 = vector.shape_cast %get3A_2049 : vector<1x16xf32> to vector<16xf32>
    %add3A_2051 = arith.addf %add3A_2045, %get3A_2050 : vector<16xf32>
    %get3A_2052 = arith.constant 25 : i32
    %get3A_2053 = arith.index_cast %get3A_2052 : i32 to index
    %get3A_2054 = arith.constant 48 : index
    %get3A_2055 = tpu.vector_load %arg7[%get3A_2053, %get3A_2054] {strides = array<i32>} : memref<32x256xf32, #tpu.memory_space<vmem>>, vector<1x16xf32>,
    %get3A_2056 = vector.shape_cast %get3A_2055 : vector<1x16xf32> to vector<16xf32>
    %add3A_2057 = arith.addf %add3A_2051, %get3A_2056 : vector<16xf32>
    %get3A_2058 = arith.constant 26 : i32
    %get3A_2059 = arith.index_cast %get3A_2058 : i32 to index
    %get3A_2060 = arith.constant 48 : index
    %get3A_2061 = tpu.vector_load %arg7[%get3A_2059, %get3A_2060] {strides = array<i32>} : memref<32x256xf32, #tpu.memory_space<vmem>>, vector<1x16xf32>,
    %get3A_2062 = vector.shape_cast %get3A_2061 : vector<1x16xf32> to vector<16xf32>
    %add3A_2063 = arith.addf %add3A_2057, %get3A_2062 : vector<16xf32>
    %get3A_2064 = arith.constant 27 : i32
    %get3A_2065 = arith.index_cast %get3A_2064 : i32 to index
    %get3A_2066 = arith.constant 48 : index
    %get3A_2067 = tpu.vector_load %arg7[%get3A_2065, %get3A_2066] {strides = array<i32>} : memref<32x256xf32, #tpu.memory_space<vmem>>, vector<1x16xf32>,
    %get3A_2068 = vector.shape_cast %get3A_2067 : vector<1x16xf32> to vector<16xf32>
    %add3A_2069 = arith.addf %add3A_2063, %get3A_2068 : vector<16xf32>
    %get3A_2070 = arith.constant 28 : i32
    %get3A_2071 = arith.index_cast %get3A_2070 : i32 to index
    %get3A_2072 = arith.constant 48 : index
    %get3A_2073 = tpu.vector_load %arg7[%get3A_2071, %get3A_2072] {strides = array<i32>} : memref<32x256xf32, #tpu.memory_space<vmem>>, vector<1x16xf32>,
    %get3A_2074 = vector.shape_cast %get3A_2073 : vector<1x16xf32> to vector<16xf32>
    %add3A_2075 = arith.addf %add3A_2069, %get3A_2074 : vector<16xf32>
    %get3A_2076 = arith.constant 29 : i32
    %get3A_2077 = arith.index_cast %get3A_2076 : i32 to index
    %get3A_2078 = arith.constant 48 : index
    %get3A_2079 = tpu.vector_load %arg7[%get3A_2077, %get3A_2078] {strides = array<i32>} : memref<32x256xf32, #tpu.memory_space<vmem>>, vector<1x16xf32>,
    %get3A_2080 = vector.shape_cast %get3A_2079 : vector<1x16xf32> to vector<16xf32>
    %add3A_2081 = arith.addf %add3A_2075, %get3A_2080 : vector<16xf32>
    %get3A_2082 = arith.constant 30 : i32
    %get3A_2083 = arith.index_cast %get3A_2082 : i32 to index
    %get3A_2084 = arith.constant 48 : index
    %get3A_2085 = tpu.vector_load %arg7[%get3A_2083, %get3A_2084] {strides = array<i32>} : memref<32x256xf32, #tpu.memory_space<vmem>>, vector<1x16xf32>,
    %get3A_2086 = vector.shape_cast %get3A_2085 : vector<1x16xf32> to vector<16xf32>
    %add3A_2087 = arith.addf %add3A_2081, %get3A_2086 : vector<16xf32>
    %get3A_2088 = arith.constant 31 : i32
    %get3A_2089 = arith.index_cast %get3A_2088 : i32 to index
    %get3A_2090 = arith.constant 48 : index
    %get3A_2091 = tpu.vector_load %arg7[%get3A_2089, %get3A_2090] {strides = array<i32>} : memref<32x256xf32, #tpu.memory_space<vmem>>, vector<1x16xf32>,
    %get3A_2092 = vector.shape_cast %get3A_2091 : vector<1x16xf32> to vector<16xf32>
    %add3A_2093 = arith.addf %add3A_2087, %get3A_2092 : vector<16xf32>
    %mul3A_2094 = arith.constant 6.250000e-02 : f32
    %mul3A_2095 = vector.broadcast %mul3A_2094 : f32 to vector<16xf32>
    %mul3A_2096 = arith.mulf %add3A_2093, %mul3A_2095 : vector<16xf32>
    %swap3A_2097 = arith.constant 1 : i32
    %swap3A_2098 = arith.index_cast %swap3A_2097 : i32 to index
    %swap3A_2099 = arith.constant 48 : index
    %swap3A_2100 = tpu.vector_load %arg8[%swap3A_2098, %swap3A_2099] {strides = array<i32>} : memref<2x256xf32, #tpu.memory_space<vmem>>, vector<1x16xf32>,
    %swap3A_2101 = vector.shape_cast %swap3A_2100 : vector<1x16xf32> to vector<16xf32>
    %swap3A_2102 = vector.shape_cast %mul3A_2096 : vector<16xf32> to vector<1x16xf32>
    tpu.vector_store %arg8[%swap3A_2098, %swap3A_2099], %swap3A_2102 {strides = array<i32>} : memref<2x256xf32, #tpu.memory_space<vmem>>, vector<1x16xf32>,
    %get3A_2103 = arith.constant 16 : i32
    %get3A_2104 = arith.index_cast %get3A_2103 : i32 to index
    %get3A_2105 = arith.constant 64 : index
    %get3A_2106 = tpu.vector_load %arg7[%get3A_2104, %get3A_2105] {strides = array<i32>} : memref<32x256xf32, #tpu.memory_space<vmem>>, vector<1x16xf32>,
    %get3A_2107 = vector.shape_cast %get3A_2106 : vector<1x16xf32> to vector<16xf32>
    %get3A_2108 = arith.constant 17 : i32
    %get3A_2109 = arith.index_cast %get3A_2108 : i32 to index
    %get3A_2110 = arith.constant 64 : index
    %get3A_2111 = tpu.vector_load %arg7[%get3A_2109, %get3A_2110] {strides = array<i32>} : memref<32x256xf32, #tpu.memory_space<vmem>>, vector<1x16xf32>,
    %get3A_2112 = vector.shape_cast %get3A_2111 : vector<1x16xf32> to vector<16xf32>
    %add3A_2113 = arith.addf %get3A_2107, %get3A_2112 : vector<16xf32>
    %get3A_2114 = arith.constant 18 : i32
    %get3A_2115 = arith.index_cast %get3A_2114 : i32 to index
    %get3A_2116 = arith.constant 64 : index
    %get3A_2117 = tpu.vector_load %arg7[%get3A_2115, %get3A_2116] {strides = array<i32>} : memref<32x256xf32, #tpu.memory_space<vmem>>, vector<1x16xf32>,
    %get3A_2118 = vector.shape_cast %get3A_2117 : vector<1x16xf32> to vector<16xf32>
    %add3A_2119 = arith.addf %add3A_2113, %get3A_2118 : vector<16xf32>
    %get3A_2120 = arith.constant 19 : i32
    %get3A_2121 = arith.index_cast %get3A_2120 : i32 to index
    %get3A_2122 = arith.constant 64 : index
    %get3A_2123 = tpu.vector_load %arg7[%get3A_2121, %get3A_2122] {strides = array<i32>} : memref<32x256xf32, #tpu.memory_space<vmem>>, vector<1x16xf32>,
    %get3A_2124 = vector.shape_cast %get3A_2123 : vector<1x16xf32> to vector<16xf32>
    %add3A_2125 = arith.addf %add3A_2119, %get3A_2124 : vector<16xf32>
    %get3A_2126 = arith.constant 20 : i32
    %get3A_2127 = arith.index_cast %get3A_2126 : i32 to index
    %get3A_2128 = arith.constant 64 : index
    %get3A_2129 = tpu.vector_load %arg7[%get3A_2127, %get3A_2128] {strides = array<i32>} : memref<32x256xf32, #tpu.memory_space<vmem>>, vector<1x16xf32>,
    %get3A_2130 = vector.shape_cast %get3A_2129 : vector<1x16xf32> to vector<16xf32>
    %add3A_2131 = arith.addf %add3A_2125, %get3A_2130 : vector<16xf32>
    %get3A_2132 = arith.constant 21 : i32
    %get3A_2133 = arith.index_cast %get3A_2132 : i32 to index
    %get3A_2134 = arith.constant 64 : index
    %get3A_2135 = tpu.vector_load %arg7[%get3A_2133, %get3A_2134] {strides = array<i32>} : memref<32x256xf32, #tpu.memory_space<vmem>>, vector<1x16xf32>,
    %get3A_2136 = vector.shape_cast %get3A_2135 : vector<1x16xf32> to vector<16xf32>
    %add3A_2137 = arith.addf %add3A_2131, %get3A_2136 : vector<16xf32>
    %get3A_2138 = arith.constant 22 : i32
    %get3A_2139 = arith.index_cast %get3A_2138 : i32 to index
    %get3A_2140 = arith.constant 64 : index
    %get3A_2141 = tpu.vector_load %arg7[%get3A_2139, %get3A_2140] {strides = array<i32>} : memref<32x256xf32, #tpu.memory_space<vmem>>, vector<1x16xf32>,
    %get3A_2142 = vector.shape_cast %get3A_2141 : vector<1x16xf32> to vector<16xf32>
    %add3A_2143 = arith.addf %add3A_2137, %get3A_2142 : vector<16xf32>
    %get3A_2144 = arith.constant 23 : i32
    %get3A_2145 = arith.index_cast %get3A_2144 : i32 to index
    %get3A_2146 = arith.constant 64 : index
    %get3A_2147 = tpu.vector_load %arg7[%get3A_2145, %get3A_2146] {strides = array<i32>} : memref<32x256xf32, #tpu.memory_space<vmem>>, vector<1x16xf32>,
    %get3A_2148 = vector.shape_cast %get3A_2147 : vector<1x16xf32> to vector<16xf32>
    %add3A_2149 = arith.addf %add3A_2143, %get3A_2148 : vector<16xf32>
    %get3A_2150 = arith.constant 24 : i32
    %get3A_2151 = arith.index_cast %get3A_2150 : i32 to index
    %get3A_2152 = arith.constant 64 : index
    %get3A_2153 = tpu.vector_load %arg7[%get3A_2151, %get3A_2152] {strides = array<i32>} : memref<32x256xf32, #tpu.memory_space<vmem>>, vector<1x16xf32>,
    %get3A_2154 = vector.shape_cast %get3A_2153 : vector<1x16xf32> to vector<16xf32>
    %add3A_2155 = arith.addf %add3A_2149, %get3A_2154 : vector<16xf32>
    %get3A_2156 = arith.constant 25 : i32
    %get3A_2157 = arith.index_cast %get3A_2156 : i32 to index
    %get3A_2158 = arith.constant 64 : index
    %get3A_2159 = tpu.vector_load %arg7[%get3A_2157, %get3A_2158] {strides = array<i32>} : memref<32x256xf32, #tpu.memory_space<vmem>>, vector<1x16xf32>,
    %get3A_2160 = vector.shape_cast %get3A_2159 : vector<1x16xf32> to vector<16xf32>
    %add3A_2161 = arith.addf %add3A_2155, %get3A_2160 : vector<16xf32>
    %get3A_2162 = arith.constant 26 : i32
    %get3A_2163 = arith.index_cast %get3A_2162 : i32 to index
    %get3A_2164 = arith.constant 64 : index
    %get3A_2165 = tpu.vector_load %arg7[%get3A_2163, %get3A_2164] {strides = array<i32>} : memref<32x256xf32, #tpu.memory_space<vmem>>, vector<1x16xf32>,
    %get3A_2166 = vector.shape_cast %get3A_2165 : vector<1x16xf32> to vector<16xf32>
    %add3A_2167 = arith.addf %add3A_2161, %get3A_2166 : vector<16xf32>
    %get3A_2168 = arith.constant 27 : i32
    %get3A_2169 = arith.index_cast %get3A_2168 : i32 to index
    %get3A_2170 = arith.constant 64 : index
    %get3A_2171 = tpu.vector_load %arg7[%get3A_2169, %get3A_2170] {strides = array<i32>} : memref<32x256xf32, #tpu.memory_space<vmem>>, vector<1x16xf32>,
    %get3A_2172 = vector.shape_cast %get3A_2171 : vector<1x16xf32> to vector<16xf32>
    %add3A_2173 = arith.addf %add3A_2167, %get3A_2172 : vector<16xf32>
    %get3A_2174 = arith.constant 28 : i32
    %get3A_2175 = arith.index_cast %get3A_2174 : i32 to index
    %get3A_2176 = arith.constant 64 : index
    %get3A_2177 = tpu.vector_load %arg7[%get3A_2175, %get3A_2176] {strides = array<i32>} : memref<32x256xf32, #tpu.memory_space<vmem>>, vector<1x16xf32>,
    %get3A_2178 = vector.shape_cast %get3A_2177 : vector<1x16xf32> to vector<16xf32>
    %add3A_2179 = arith.addf %add3A_2173, %get3A_2178 : vector<16xf32>
    %get3A_2180 = arith.constant 29 : i32
    %get3A_2181 = arith.index_cast %get3A_2180 : i32 to index
    %get3A_2182 = arith.constant 64 : index
    %get3A_2183 = tpu.vector_load %arg7[%get3A_2181, %get3A_2182] {strides = array<i32>} : memref<32x256xf32, #tpu.memory_space<vmem>>, vector<1x16xf32>,
    %get3A_2184 = vector.shape_cast %get3A_2183 : vector<1x16xf32> to vector<16xf32>
    %add3A_2185 = arith.addf %add3A_2179, %get3A_2184 : vector<16xf32>
    %get3A_2186 = arith.constant 30 : i32
    %get3A_2187 = arith.index_cast %get3A_2186 : i32 to index
    %get3A_2188 = arith.constant 64 : index
    %get3A_2189 = tpu.vector_load %arg7[%get3A_2187, %get3A_2188] {strides = array<i32>} : memref<32x256xf32, #tpu.memory_space<vmem>>, vector<1x16xf32>,
    %get3A_2190 = vector.shape_cast %get3A_2189 : vector<1x16xf32> to vector<16xf32>
    %add3A_2191 = arith.addf %add3A_2185, %get3A_2190 : vector<16xf32>
    %get3A_2192 = arith.constant 31 : i32
    %get3A_2193 = arith.index_cast %get3A_2192 : i32 to index
    %get3A_2194 = arith.constant 64 : index
    %get3A_2195 = tpu.vector_load %arg7[%get3A_2193, %get3A_2194] {strides = array<i32>} : memref<32x256xf32, #tpu.memory_space<vmem>>, vector<1x16xf32>,
    %get3A_2196 = vector.shape_cast %get3A_2195 : vector<1x16xf32> to vector<16xf32>
    %add3A_2197 = arith.addf %add3A_2191, %get3A_2196 : vector<16xf32>
    %mul3A_2198 = arith.constant 6.250000e-02 : f32
    %mul3A_2199 = vector.broadcast %mul3A_2198 : f32 to vector<16xf32>
    %mul3A_2200 = arith.mulf %add3A_2197, %mul3A_2199 : vector<16xf32>
    %swap3A_2201 = arith.constant 1 : i32
    %swap3A_2202 = arith.index_cast %swap3A_2201 : i32 to index
    %swap3A_2203 = arith.constant 64 : index
    %swap3A_2204 = tpu.vector_load %arg8[%swap3A_2202, %swap3A_2203] {strides = array<i32>} : memref<2x256xf32, #tpu.memory_space<vmem>>, vector<1x16xf32>,
    %swap3A_2205 = vector.shape_cast %swap3A_2204 : vector<1x16xf32> to vector<16xf32>
    %swap3A_2206 = vector.shape_cast %mul3A_2200 : vector<16xf32> to vector<1x16xf32>
    tpu.vector_store %arg8[%swap3A_2202, %swap3A_2203], %swap3A_2206 {strides = array<i32>} : memref<2x256xf32, #tpu.memory_space<vmem>>, vector<1x16xf32>,
    %get3A_2207 = arith.constant 16 : i32
    %get3A_2208 = arith.index_cast %get3A_2207 : i32 to index
    %get3A_2209 = arith.constant 80 : index
    %get3A_2210 = tpu.vector_load %arg7[%get3A_2208, %get3A_2209] {strides = array<i32>} : memref<32x256xf32, #tpu.memory_space<vmem>>, vector<1x16xf32>,
    %get3A_2211 = vector.shape_cast %get3A_2210 : vector<1x16xf32> to vector<16xf32>
    %get3A_2212 = arith.constant 17 : i32
    %get3A_2213 = arith.index_cast %get3A_2212 : i32 to index
    %get3A_2214 = arith.constant 80 : index
    %get3A_2215 = tpu.vector_load %arg7[%get3A_2213, %get3A_2214] {strides = array<i32>} : memref<32x256xf32, #tpu.memory_space<vmem>>, vector<1x16xf32>,
    %get3A_2216 = vector.shape_cast %get3A_2215 : vector<1x16xf32> to vector<16xf32>
    %add3A_2217 = arith.addf %get3A_2211, %get3A_2216 : vector<16xf32>
    %get3A_2218 = arith.constant 18 : i32
    %get3A_2219 = arith.index_cast %get3A_2218 : i32 to index
    %get3A_2220 = arith.constant 80 : index
    %get3A_2221 = tpu.vector_load %arg7[%get3A_2219, %get3A_2220] {strides = array<i32>} : memref<32x256xf32, #tpu.memory_space<vmem>>, vector<1x16xf32>,
    %get3A_2222 = vector.shape_cast %get3A_2221 : vector<1x16xf32> to vector<16xf32>
    %add3A_2223 = arith.addf %add3A_2217, %get3A_2222 : vector<16xf32>
    %get3A_2224 = arith.constant 19 : i32
    %get3A_2225 = arith.index_cast %get3A_2224 : i32 to index
    %get3A_2226 = arith.constant 80 : index
    %get3A_2227 = tpu.vector_load %arg7[%get3A_2225, %get3A_2226] {strides = array<i32>} : memref<32x256xf32, #tpu.memory_space<vmem>>, vector<1x16xf32>,
    %get3A_2228 = vector.shape_cast %get3A_2227 : vector<1x16xf32> to vector<16xf32>
    %add3A_2229 = arith.addf %add3A_2223, %get3A_2228 : vector<16xf32>
    %get3A_2230 = arith.constant 20 : i32
    %get3A_2231 = arith.index_cast %get3A_2230 : i32 to index
    %get3A_2232 = arith.constant 80 : index
    %get3A_2233 = tpu.vector_load %arg7[%get3A_2231, %get3A_2232] {strides = array<i32>} : memref<32x256xf32, #tpu.memory_space<vmem>>, vector<1x16xf32>,
    %get3A_2234 = vector.shape_cast %get3A_2233 : vector<1x16xf32> to vector<16xf32>
    %add3A_2235 = arith.addf %add3A_2229, %get3A_2234 : vector<16xf32>
    %get3A_2236 = arith.constant 21 : i32
    %get3A_2237 = arith.index_cast %get3A_2236 : i32 to index
    %get3A_2238 = arith.constant 80 : index
    %get3A_2239 = tpu.vector_load %arg7[%get3A_2237, %get3A_2238] {strides = array<i32>} : memref<32x256xf32, #tpu.memory_space<vmem>>, vector<1x16xf32>,
    %get3A_2240 = vector.shape_cast %get3A_2239 : vector<1x16xf32> to vector<16xf32>
    %add3A_2241 = arith.addf %add3A_2235, %get3A_2240 : vector<16xf32>
    %get3A_2242 = arith.constant 22 : i32
    %get3A_2243 = arith.index_cast %get3A_2242 : i32 to index
    %get3A_2244 = arith.constant 80 : index
    %get3A_2245 = tpu.vector_load %arg7[%get3A_2243, %get3A_2244] {strides = array<i32>} : memref<32x256xf32, #tpu.memory_space<vmem>>, vector<1x16xf32>,
    %get3A_2246 = vector.shape_cast %get3A_2245 : vector<1x16xf32> to vector<16xf32>
    %add3A_2247 = arith.addf %add3A_2241, %get3A_2246 : vector<16xf32>
    %get3A_2248 = arith.constant 23 : i32
    %get3A_2249 = arith.index_cast %get3A_2248 : i32 to index
    %get3A_2250 = arith.constant 80 : index
    %get3A_2251 = tpu.vector_load %arg7[%get3A_2249, %get3A_2250] {strides = array<i32>} : memref<32x256xf32, #tpu.memory_space<vmem>>, vector<1x16xf32>,
    %get3A_2252 = vector.shape_cast %get3A_2251 : vector<1x16xf32> to vector<16xf32>
    %add3A_2253 = arith.addf %add3A_2247, %get3A_2252 : vector<16xf32>
    %get3A_2254 = arith.constant 24 : i32
    %get3A_2255 = arith.index_cast %get3A_2254 : i32 to index
    %get3A_2256 = arith.constant 80 : index
    %get3A_2257 = tpu.vector_load %arg7[%get3A_2255, %get3A_2256] {strides = array<i32>} : memref<32x256xf32, #tpu.memory_space<vmem>>, vector<1x16xf32>,
    %get3A_2258 = vector.shape_cast %get3A_2257 : vector<1x16xf32> to vector<16xf32>
    %add3A_2259 = arith.addf %add3A_2253, %get3A_2258 : vector<16xf32>
    %get3A_2260 = arith.constant 25 : i32
    %get3A_2261 = arith.index_cast %get3A_2260 : i32 to index
    %get3A_2262 = arith.constant 80 : index
    %get3A_2263 = tpu.vector_load %arg7[%get3A_2261, %get3A_2262] {strides = array<i32>} : memref<32x256xf32, #tpu.memory_space<vmem>>, vector<1x16xf32>,
    %get3A_2264 = vector.shape_cast %get3A_2263 : vector<1x16xf32> to vector<16xf32>
    %add3A_2265 = arith.addf %add3A_2259, %get3A_2264 : vector<16xf32>
    %get3A_2266 = arith.constant 26 : i32
    %get3A_2267 = arith.index_cast %get3A_2266 : i32 to index
    %get3A_2268 = arith.constant 80 : index
    %get3A_2269 = tpu.vector_load %arg7[%get3A_2267, %get3A_2268] {strides = array<i32>} : memref<32x256xf32, #tpu.memory_space<vmem>>, vector<1x16xf32>,
    %get3A_2270 = vector.shape_cast %get3A_2269 : vector<1x16xf32> to vector<16xf32>
    %add3A_2271 = arith.addf %add3A_2265, %get3A_2270 : vector<16xf32>
    %get3A_2272 = arith.constant 27 : i32
    %get3A_2273 = arith.index_cast %get3A_2272 : i32 to index
    %get3A_2274 = arith.constant 80 : index
    %get3A_2275 = tpu.vector_load %arg7[%get3A_2273, %get3A_2274] {strides = array<i32>} : memref<32x256xf32, #tpu.memory_space<vmem>>, vector<1x16xf32>,
    %get3A_2276 = vector.shape_cast %get3A_2275 : vector<1x16xf32> to vector<16xf32>
    %add3A_2277 = arith.addf %add3A_2271, %get3A_2276 : vector<16xf32>
    %get3A_2278 = arith.constant 28 : i32
    %get3A_2279 = arith.index_cast %get3A_2278 : i32 to index
    %get3A_2280 = arith.constant 80 : index
    %get3A_2281 = tpu.vector_load %arg7[%get3A_2279, %get3A_2280] {strides = array<i32>} : memref<32x256xf32, #tpu.memory_space<vmem>>, vector<1x16xf32>,
    %get3A_2282 = vector.shape_cast %get3A_2281 : vector<1x16xf32> to vector<16xf32>
    %add3A_2283 = arith.addf %add3A_2277, %get3A_2282 : vector<16xf32>
    %get3A_2284 = arith.constant 29 : i32
    %get3A_2285 = arith.index_cast %get3A_2284 : i32 to index
    %get3A_2286 = arith.constant 80 : index
    %get3A_2287 = tpu.vector_load %arg7[%get3A_2285, %get3A_2286] {strides = array<i32>} : memref<32x256xf32, #tpu.memory_space<vmem>>, vector<1x16xf32>,
    %get3A_2288 = vector.shape_cast %get3A_2287 : vector<1x16xf32> to vector<16xf32>
    %add3A_2289 = arith.addf %add3A_2283, %get3A_2288 : vector<16xf32>
    %get3A_2290 = arith.constant 30 : i32
    %get3A_2291 = arith.index_cast %get3A_2290 : i32 to index
    %get3A_2292 = arith.constant 80 : index
    %get3A_2293 = tpu.vector_load %arg7[%get3A_2291, %get3A_2292] {strides = array<i32>} : memref<32x256xf32, #tpu.memory_space<vmem>>, vector<1x16xf32>,
    %get3A_2294 = vector.shape_cast %get3A_2293 : vector<1x16xf32> to vector<16xf32>
    %add3A_2295 = arith.addf %add3A_2289, %get3A_2294 : vector<16xf32>
    %get3A_2296 = arith.constant 31 : i32
    %get3A_2297 = arith.index_cast %get3A_2296 : i32 to index
    %get3A_2298 = arith.constant 80 : index
    %get3A_2299 = tpu.vector_load %arg7[%get3A_2297, %get3A_2298] {strides = array<i32>} : memref<32x256xf32, #tpu.memory_space<vmem>>, vector<1x16xf32>,
    %get3A_2300 = vector.shape_cast %get3A_2299 : vector<1x16xf32> to vector<16xf32>
    %add3A_2301 = arith.addf %add3A_2295, %get3A_2300 : vector<16xf32>
    %mul3A_2302 = arith.constant 6.250000e-02 : f32
    %mul3A_2303 = vector.broadcast %mul3A_2302 : f32 to vector<16xf32>
    %mul3A_2304 = arith.mulf %add3A_2301, %mul3A_2303 : vector<16xf32>
    %swap3A_2305 = arith.constant 1 : i32
    %swap3A_2306 = arith.index_cast %swap3A_2305 : i32 to index
    %swap3A_2307 = arith.constant 80 : index
    %swap3A_2308 = tpu.vector_load %arg8[%swap3A_2306, %swap3A_2307] {strides = array<i32>} : memref<2x256xf32, #tpu.memory_space<vmem>>, vector<1x16xf32>,
    %swap3A_2309 = vector.shape_cast %swap3A_2308 : vector<1x16xf32> to vector<16xf32>
    %swap3A_2310 = vector.shape_cast %mul3A_2304 : vector<16xf32> to vector<1x16xf32>
    tpu.vector_store %arg8[%swap3A_2306, %swap3A_2307], %swap3A_2310 {strides = array<i32>} : memref<2x256xf32, #tpu.memory_space<vmem>>, vector<1x16xf32>,
    %get3A_2311 = arith.constant 16 : i32
    %get3A_2312 = arith.index_cast %get3A_2311 : i32 to index
    %get3A_2313 = arith.constant 96 : index
    %get3A_2314 = tpu.vector_load %arg7[%get3A_2312, %get3A_2313] {strides = array<i32>} : memref<32x256xf32, #tpu.memory_space<vmem>>, vector<1x16xf32>,
    %get3A_2315 = vector.shape_cast %get3A_2314 : vector<1x16xf32> to vector<16xf32>
    %get3A_2316 = arith.constant 17 : i32
    %get3A_2317 = arith.index_cast %get3A_2316 : i32 to index
    %get3A_2318 = arith.constant 96 : index
    %get3A_2319 = tpu.vector_load %arg7[%get3A_2317, %get3A_2318] {strides = array<i32>} : memref<32x256xf32, #tpu.memory_space<vmem>>, vector<1x16xf32>,
    %get3A_2320 = vector.shape_cast %get3A_2319 : vector<1x16xf32> to vector<16xf32>
    %add3A_2321 = arith.addf %get3A_2315, %get3A_2320 : vector<16xf32>
    %get3A_2322 = arith.constant 18 : i32
    %get3A_2323 = arith.index_cast %get3A_2322 : i32 to index
    %get3A_2324 = arith.constant 96 : index
    %get3A_2325 = tpu.vector_load %arg7[%get3A_2323, %get3A_2324] {strides = array<i32>} : memref<32x256xf32, #tpu.memory_space<vmem>>, vector<1x16xf32>,
    %get3A_2326 = vector.shape_cast %get3A_2325 : vector<1x16xf32> to vector<16xf32>
    %add3A_2327 = arith.addf %add3A_2321, %get3A_2326 : vector<16xf32>
    %get3A_2328 = arith.constant 19 : i32
    %get3A_2329 = arith.index_cast %get3A_2328 : i32 to index
    %get3A_2330 = arith.constant 96 : index
    %get3A_2331 = tpu.vector_load %arg7[%get3A_2329, %get3A_2330] {strides = array<i32>} : memref<32x256xf32, #tpu.memory_space<vmem>>, vector<1x16xf32>,
    %get3A_2332 = vector.shape_cast %get3A_2331 : vector<1x16xf32> to vector<16xf32>
    %add3A_2333 = arith.addf %add3A_2327, %get3A_2332 : vector<16xf32>
    %get3A_2334 = arith.constant 20 : i32
    %get3A_2335 = arith.index_cast %get3A_2334 : i32 to index
    %get3A_2336 = arith.constant 96 : index
    %get3A_2337 = tpu.vector_load %arg7[%get3A_2335, %get3A_2336] {strides = array<i32>} : memref<32x256xf32, #tpu.memory_space<vmem>>, vector<1x16xf32>,
    %get3A_2338 = vector.shape_cast %get3A_2337 : vector<1x16xf32> to vector<16xf32>
    %add3A_2339 = arith.addf %add3A_2333, %get3A_2338 : vector<16xf32>
    %get3A_2340 = arith.constant 21 : i32
    %get3A_2341 = arith.index_cast %get3A_2340 : i32 to index
    %get3A_2342 = arith.constant 96 : index
    %get3A_2343 = tpu.vector_load %arg7[%get3A_2341, %get3A_2342] {strides = array<i32>} : memref<32x256xf32, #tpu.memory_space<vmem>>, vector<1x16xf32>,
    %get3A_2344 = vector.shape_cast %get3A_2343 : vector<1x16xf32> to vector<16xf32>
    %add3A_2345 = arith.addf %add3A_2339, %get3A_2344 : vector<16xf32>
    %get3A_2346 = arith.constant 22 : i32
    %get3A_2347 = arith.index_cast %get3A_2346 : i32 to index
    %get3A_2348 = arith.constant 96 : index
    %get3A_2349 = tpu.vector_load %arg7[%get3A_2347, %get3A_2348] {strides = array<i32>} : memref<32x256xf32, #tpu.memory_space<vmem>>, vector<1x16xf32>,
    %get3A_2350 = vector.shape_cast %get3A_2349 : vector<1x16xf32> to vector<16xf32>
    %add3A_2351 = arith.addf %add3A_2345, %get3A_2350 : vector<16xf32>
    %get3A_2352 = arith.constant 23 : i32
    %get3A_2353 = arith.index_cast %get3A_2352 : i32 to index
    %get3A_2354 = arith.constant 96 : index
    %get3A_2355 = tpu.vector_load %arg7[%get3A_2353, %get3A_2354] {strides = array<i32>} : memref<32x256xf32, #tpu.memory_space<vmem>>, vector<1x16xf32>,
    %get3A_2356 = vector.shape_cast %get3A_2355 : vector<1x16xf32> to vector<16xf32>
    %add3A_2357 = arith.addf %add3A_2351, %get3A_2356 : vector<16xf32>
    %get3A_2358 = arith.constant 24 : i32
    %get3A_2359 = arith.index_cast %get3A_2358 : i32 to index
    %get3A_2360 = arith.constant 96 : index
    %get3A_2361 = tpu.vector_load %arg7[%get3A_2359, %get3A_2360] {strides = array<i32>} : memref<32x256xf32, #tpu.memory_space<vmem>>, vector<1x16xf32>,
    %get3A_2362 = vector.shape_cast %get3A_2361 : vector<1x16xf32> to vector<16xf32>
    %add3A_2363 = arith.addf %add3A_2357, %get3A_2362 : vector<16xf32>
    %get3A_2364 = arith.constant 25 : i32
    %get3A_2365 = arith.index_cast %get3A_2364 : i32 to index
    %get3A_2366 = arith.constant 96 : index
    %get3A_2367 = tpu.vector_load %arg7[%get3A_2365, %get3A_2366] {strides = array<i32>} : memref<32x256xf32, #tpu.memory_space<vmem>>, vector<1x16xf32>,
    %get3A_2368 = vector.shape_cast %get3A_2367 : vector<1x16xf32> to vector<16xf32>
    %add3A_2369 = arith.addf %add3A_2363, %get3A_2368 : vector<16xf32>
    %get3A_2370 = arith.constant 26 : i32
    %get3A_2371 = arith.index_cast %get3A_2370 : i32 to index
    %get3A_2372 = arith.constant 96 : index
    %get3A_2373 = tpu.vector_load %arg7[%get3A_2371, %get3A_2372] {strides = array<i32>} : memref<32x256xf32, #tpu.memory_space<vmem>>, vector<1x16xf32>,
    %get3A_2374 = vector.shape_cast %get3A_2373 : vector<1x16xf32> to vector<16xf32>
    %add3A_2375 = arith.addf %add3A_2369, %get3A_2374 : vector<16xf32>
    %get3A_2376 = arith.constant 27 : i32
    %get3A_2377 = arith.index_cast %get3A_2376 : i32 to index
    %get3A_2378 = arith.constant 96 : index
    %get3A_2379 = tpu.vector_load %arg7[%get3A_2377, %get3A_2378] {strides = array<i32>} : memref<32x256xf32, #tpu.memory_space<vmem>>, vector<1x16xf32>,
    %get3A_2380 = vector.shape_cast %get3A_2379 : vector<1x16xf32> to vector<16xf32>
    %add3A_2381 = arith.addf %add3A_2375, %get3A_2380 : vector<16xf32>
    %get3A_2382 = arith.constant 28 : i32
    %get3A_2383 = arith.index_cast %get3A_2382 : i32 to index
    %get3A_2384 = arith.constant 96 : index
    %get3A_2385 = tpu.vector_load %arg7[%get3A_2383, %get3A_2384] {strides = array<i32>} : memref<32x256xf32, #tpu.memory_space<vmem>>, vector<1x16xf32>,
    %get3A_2386 = vector.shape_cast %get3A_2385 : vector<1x16xf32> to vector<16xf32>
    %add3A_2387 = arith.addf %add3A_2381, %get3A_2386 : vector<16xf32>
    %get3A_2388 = arith.constant 29 : i32
    %get3A_2389 = arith.index_cast %get3A_2388 : i32 to index
    %get3A_2390 = arith.constant 96 : index
    %get3A_2391 = tpu.vector_load %arg7[%get3A_2389, %get3A_2390] {strides = array<i32>} : memref<32x256xf32, #tpu.memory_space<vmem>>, vector<1x16xf32>,
    %get3A_2392 = vector.shape_cast %get3A_2391 : vector<1x16xf32> to vector<16xf32>
    %add3A_2393 = arith.addf %add3A_2387, %get3A_2392 : vector<16xf32>
    %get3A_2394 = arith.constant 30 : i32
    %get3A_2395 = arith.index_cast %get3A_2394 : i32 to index
    %get3A_2396 = arith.constant 96 : index
    %get3A_2397 = tpu.vector_load %arg7[%get3A_2395, %get3A_2396] {strides = array<i32>} : memref<32x256xf32, #tpu.memory_space<vmem>>, vector<1x16xf32>,
    %get3A_2398 = vector.shape_cast %get3A_2397 : vector<1x16xf32> to vector<16xf32>
    %add3A_2399 = arith.addf %add3A_2393, %get3A_2398 : vector<16xf32>
    %get3A_2400 = arith.constant 31 : i32
    %get3A_2401 = arith.index_cast %get3A_2400 : i32 to index
    %get3A_2402 = arith.constant 96 : index
    %get3A_2403 = tpu.vector_load %arg7[%get3A_2401, %get3A_2402] {strides = array<i32>} : memref<32x256xf32, #tpu.memory_space<vmem>>, vector<1x16xf32>,
    %get3A_2404 = vector.shape_cast %get3A_2403 : vector<1x16xf32> to vector<16xf32>
    %add3A_2405 = arith.addf %add3A_2399, %get3A_2404 : vector<16xf32>
    %mul3A_2406 = arith.constant 6.250000e-02 : f32
    %mul3A_2407 = vector.broadcast %mul3A_2406 : f32 to vector<16xf32>
    %mul3A_2408 = arith.mulf %add3A_2405, %mul3A_2407 : vector<16xf32>
    %swap3A_2409 = arith.constant 1 : i32
    %swap3A_2410 = arith.index_cast %swap3A_2409 : i32 to index
    %swap3A_2411 = arith.constant 96 : index
    %swap3A_2412 = tpu.vector_load %arg8[%swap3A_2410, %swap3A_2411] {strides = array<i32>} : memref<2x256xf32, #tpu.memory_space<vmem>>, vector<1x16xf32>,
    %swap3A_2413 = vector.shape_cast %swap3A_2412 : vector<1x16xf32> to vector<16xf32>
    %swap3A_2414 = vector.shape_cast %mul3A_2408 : vector<16xf32> to vector<1x16xf32>
    tpu.vector_store %arg8[%swap3A_2410, %swap3A_2411], %swap3A_2414 {strides = array<i32>} : memref<2x256xf32, #tpu.memory_space<vmem>>, vector<1x16xf32>,
    %get3A_2415 = arith.constant 16 : i32
    %get3A_2416 = arith.index_cast %get3A_2415 : i32 to index
    %get3A_2417 = arith.constant 112 : index
    %get3A_2418 = tpu.vector_load %arg7[%get3A_2416, %get3A_2417] {strides = array<i32>} : memref<32x256xf32, #tpu.memory_space<vmem>>, vector<1x16xf32>,
    %get3A_2419 = vector.shape_cast %get3A_2418 : vector<1x16xf32> to vector<16xf32>
    %get3A_2420 = arith.constant 17 : i32
    %get3A_2421 = arith.index_cast %get3A_2420 : i32 to index
    %get3A_2422 = arith.constant 112 : index
    %get3A_2423 = tpu.vector_load %arg7[%get3A_2421, %get3A_2422] {strides = array<i32>} : memref<32x256xf32, #tpu.memory_space<vmem>>, vector<1x16xf32>,
    %get3A_2424 = vector.shape_cast %get3A_2423 : vector<1x16xf32> to vector<16xf32>
    %add3A_2425 = arith.addf %get3A_2419, %get3A_2424 : vector<16xf32>
    %get3A_2426 = arith.constant 18 : i32
    %get3A_2427 = arith.index_cast %get3A_2426 : i32 to index
    %get3A_2428 = arith.constant 112 : index
    %get3A_2429 = tpu.vector_load %arg7[%get3A_2427, %get3A_2428] {strides = array<i32>} : memref<32x256xf32, #tpu.memory_space<vmem>>, vector<1x16xf32>,
    %get3A_2430 = vector.shape_cast %get3A_2429 : vector<1x16xf32> to vector<16xf32>
    %add3A_2431 = arith.addf %add3A_2425, %get3A_2430 : vector<16xf32>
    %get3A_2432 = arith.constant 19 : i32
    %get3A_2433 = arith.index_cast %get3A_2432 : i32 to index
    %get3A_2434 = arith.constant 112 : index
    %get3A_2435 = tpu.vector_load %arg7[%get3A_2433, %get3A_2434] {strides = array<i32>} : memref<32x256xf32, #tpu.memory_space<vmem>>, vector<1x16xf32>,
    %get3A_2436 = vector.shape_cast %get3A_2435 : vector<1x16xf32> to vector<16xf32>
    %add3A_2437 = arith.addf %add3A_2431, %get3A_2436 : vector<16xf32>
    %get3A_2438 = arith.constant 20 : i32
    %get3A_2439 = arith.index_cast %get3A_2438 : i32 to index
    %get3A_2440 = arith.constant 112 : index
    %get3A_2441 = tpu.vector_load %arg7[%get3A_2439, %get3A_2440] {strides = array<i32>} : memref<32x256xf32, #tpu.memory_space<vmem>>, vector<1x16xf32>,
    %get3A_2442 = vector.shape_cast %get3A_2441 : vector<1x16xf32> to vector<16xf32>
    %add3A_2443 = arith.addf %add3A_2437, %get3A_2442 : vector<16xf32>
    %get3A_2444 = arith.constant 21 : i32
    %get3A_2445 = arith.index_cast %get3A_2444 : i32 to index
    %get3A_2446 = arith.constant 112 : index
    %get3A_2447 = tpu.vector_load %arg7[%get3A_2445, %get3A_2446] {strides = array<i32>} : memref<32x256xf32, #tpu.memory_space<vmem>>, vector<1x16xf32>,
    %get3A_2448 = vector.shape_cast %get3A_2447 : vector<1x16xf32> to vector<16xf32>
    %add3A_2449 = arith.addf %add3A_2443, %get3A_2448 : vector<16xf32>
    %get3A_2450 = arith.constant 22 : i32
    %get3A_2451 = arith.index_cast %get3A_2450 : i32 to index
    %get3A_2452 = arith.constant 112 : index
    %get3A_2453 = tpu.vector_load %arg7[%get3A_2451, %get3A_2452] {strides = array<i32>} : memref<32x256xf32, #tpu.memory_space<vmem>>, vector<1x16xf32>,
    %get3A_2454 = vector.shape_cast %get3A_2453 : vector<1x16xf32> to vector<16xf32>
    %add3A_2455 = arith.addf %add3A_2449, %get3A_2454 : vector<16xf32>
    %get3A_2456 = arith.constant 23 : i32
    %get3A_2457 = arith.index_cast %get3A_2456 : i32 to index
    %get3A_2458 = arith.constant 112 : index
    %get3A_2459 = tpu.vector_load %arg7[%get3A_2457, %get3A_2458] {strides = array<i32>} : memref<32x256xf32, #tpu.memory_space<vmem>>, vector<1x16xf32>,
    %get3A_2460 = vector.shape_cast %get3A_2459 : vector<1x16xf32> to vector<16xf32>
    %add3A_2461 = arith.addf %add3A_2455, %get3A_2460 : vector<16xf32>
    %get3A_2462 = arith.constant 24 : i32
    %get3A_2463 = arith.index_cast %get3A_2462 : i32 to index
    %get3A_2464 = arith.constant 112 : index
    %get3A_2465 = tpu.vector_load %arg7[%get3A_2463, %get3A_2464] {strides = array<i32>} : memref<32x256xf32, #tpu.memory_space<vmem>>, vector<1x16xf32>,
    %get3A_2466 = vector.shape_cast %get3A_2465 : vector<1x16xf32> to vector<16xf32>
    %add3A_2467 = arith.addf %add3A_2461, %get3A_2466 : vector<16xf32>
    %get3A_2468 = arith.constant 25 : i32
    %get3A_2469 = arith.index_cast %get3A_2468 : i32 to index
    %get3A_2470 = arith.constant 112 : index
    %get3A_2471 = tpu.vector_load %arg7[%get3A_2469, %get3A_2470] {strides = array<i32>} : memref<32x256xf32, #tpu.memory_space<vmem>>, vector<1x16xf32>,
    %get3A_2472 = vector.shape_cast %get3A_2471 : vector<1x16xf32> to vector<16xf32>
    %add3A_2473 = arith.addf %add3A_2467, %get3A_2472 : vector<16xf32>
    %get3A_2474 = arith.constant 26 : i32
    %get3A_2475 = arith.index_cast %get3A_2474 : i32 to index
    %get3A_2476 = arith.constant 112 : index
    %get3A_2477 = tpu.vector_load %arg7[%get3A_2475, %get3A_2476] {strides = array<i32>} : memref<32x256xf32, #tpu.memory_space<vmem>>, vector<1x16xf32>,
    %get3A_2478 = vector.shape_cast %get3A_2477 : vector<1x16xf32> to vector<16xf32>
    %add3A_2479 = arith.addf %add3A_2473, %get3A_2478 : vector<16xf32>
    %get3A_2480 = arith.constant 27 : i32
    %get3A_2481 = arith.index_cast %get3A_2480 : i32 to index
    %get3A_2482 = arith.constant 112 : index
    %get3A_2483 = tpu.vector_load %arg7[%get3A_2481, %get3A_2482] {strides = array<i32>} : memref<32x256xf32, #tpu.memory_space<vmem>>, vector<1x16xf32>,
    %get3A_2484 = vector.shape_cast %get3A_2483 : vector<1x16xf32> to vector<16xf32>
    %add3A_2485 = arith.addf %add3A_2479, %get3A_2484 : vector<16xf32>
    %get3A_2486 = arith.constant 28 : i32
    %get3A_2487 = arith.index_cast %get3A_2486 : i32 to index
    %get3A_2488 = arith.constant 112 : index
    %get3A_2489 = tpu.vector_load %arg7[%get3A_2487, %get3A_2488] {strides = array<i32>} : memref<32x256xf32, #tpu.memory_space<vmem>>, vector<1x16xf32>,
    %get3A_2490 = vector.shape_cast %get3A_2489 : vector<1x16xf32> to vector<16xf32>
    %add3A_2491 = arith.addf %add3A_2485, %get3A_2490 : vector<16xf32>
    %get3A_2492 = arith.constant 29 : i32
    %get3A_2493 = arith.index_cast %get3A_2492 : i32 to index
    %get3A_2494 = arith.constant 112 : index
    %get3A_2495 = tpu.vector_load %arg7[%get3A_2493, %get3A_2494] {strides = array<i32>} : memref<32x256xf32, #tpu.memory_space<vmem>>, vector<1x16xf32>,
    %get3A_2496 = vector.shape_cast %get3A_2495 : vector<1x16xf32> to vector<16xf32>
    %add3A_2497 = arith.addf %add3A_2491, %get3A_2496 : vector<16xf32>
    %get3A_2498 = arith.constant 30 : i32
    %get3A_2499 = arith.index_cast %get3A_2498 : i32 to index
    %get3A_2500 = arith.constant 112 : index
    %get3A_2501 = tpu.vector_load %arg7[%get3A_2499, %get3A_2500] {strides = array<i32>} : memref<32x256xf32, #tpu.memory_space<vmem>>, vector<1x16xf32>,
    %get3A_2502 = vector.shape_cast %get3A_2501 : vector<1x16xf32> to vector<16xf32>
    %add3A_2503 = arith.addf %add3A_2497, %get3A_2502 : vector<16xf32>
    %get3A_2504 = arith.constant 31 : i32
    %get3A_2505 = arith.index_cast %get3A_2504 : i32 to index
    %get3A_2506 = arith.constant 112 : index
    %get3A_2507 = tpu.vector_load %arg7[%get3A_2505, %get3A_2506] {strides = array<i32>} : memref<32x256xf32, #tpu.memory_space<vmem>>, vector<1x16xf32>,
    %get3A_2508 = vector.shape_cast %get3A_2507 : vector<1x16xf32> to vector<16xf32>
    %add3A_2509 = arith.addf %add3A_2503, %get3A_2508 : vector<16xf32>
    %mul3A_2510 = arith.constant 6.250000e-02 : f32
    %mul3A_2511 = vector.broadcast %mul3A_2510 : f32 to vector<16xf32>
    %mul3A_2512 = arith.mulf %add3A_2509, %mul3A_2511 : vector<16xf32>
    %swap3A_2513 = arith.constant 1 : i32
    %swap3A_2514 = arith.index_cast %swap3A_2513 : i32 to index
    %swap3A_2515 = arith.constant 112 : index
    %swap3A_2516 = tpu.vector_load %arg8[%swap3A_2514, %swap3A_2515] {strides = array<i32>} : memref<2x256xf32, #tpu.memory_space<vmem>>, vector<1x16xf32>,
    %swap3A_2517 = vector.shape_cast %swap3A_2516 : vector<1x16xf32> to vector<16xf32>
    %swap3A_2518 = vector.shape_cast %mul3A_2512 : vector<16xf32> to vector<1x16xf32>
    tpu.vector_store %arg8[%swap3A_2514, %swap3A_2515], %swap3A_2518 {strides = array<i32>} : memref<2x256xf32, #tpu.memory_space<vmem>>, vector<1x16xf32>,
    %get3A_2519 = arith.constant 16 : i32
    %get3A_2520 = arith.index_cast %get3A_2519 : i32 to index
    %get3A_2521 = arith.constant 128 : index
    %get3A_2522 = tpu.vector_load %arg7[%get3A_2520, %get3A_2521] {strides = array<i32>} : memref<32x256xf32, #tpu.memory_space<vmem>>, vector<1x16xf32>,
    %get3A_2523 = vector.shape_cast %get3A_2522 : vector<1x16xf32> to vector<16xf32>
    %get3A_2524 = arith.constant 17 : i32
    %get3A_2525 = arith.index_cast %get3A_2524 : i32 to index
    %get3A_2526 = arith.constant 128 : index
    %get3A_2527 = tpu.vector_load %arg7[%get3A_2525, %get3A_2526] {strides = array<i32>} : memref<32x256xf32, #tpu.memory_space<vmem>>, vector<1x16xf32>,
    %get3A_2528 = vector.shape_cast %get3A_2527 : vector<1x16xf32> to vector<16xf32>
    %add3A_2529 = arith.addf %get3A_2523, %get3A_2528 : vector<16xf32>
    %get3A_2530 = arith.constant 18 : i32
    %get3A_2531 = arith.index_cast %get3A_2530 : i32 to index
    %get3A_2532 = arith.constant 128 : index
    %get3A_2533 = tpu.vector_load %arg7[%get3A_2531, %get3A_2532] {strides = array<i32>} : memref<32x256xf32, #tpu.memory_space<vmem>>, vector<1x16xf32>,
    %get3A_2534 = vector.shape_cast %get3A_2533 : vector<1x16xf32> to vector<16xf32>
    %add3A_2535 = arith.addf %add3A_2529, %get3A_2534 : vector<16xf32>
    %get3A_2536 = arith.constant 19 : i32
    %get3A_2537 = arith.index_cast %get3A_2536 : i32 to index
    %get3A_2538 = arith.constant 128 : index
    %get3A_2539 = tpu.vector_load %arg7[%get3A_2537, %get3A_2538] {strides = array<i32>} : memref<32x256xf32, #tpu.memory_space<vmem>>, vector<1x16xf32>,
    %get3A_2540 = vector.shape_cast %get3A_2539 : vector<1x16xf32> to vector<16xf32>
    %add3A_2541 = arith.addf %add3A_2535, %get3A_2540 : vector<16xf32>
    %get3A_2542 = arith.constant 20 : i32
    %get3A_2543 = arith.index_cast %get3A_2542 : i32 to index
    %get3A_2544 = arith.constant 128 : index
    %get3A_2545 = tpu.vector_load %arg7[%get3A_2543, %get3A_2544] {strides = array<i32>} : memref<32x256xf32, #tpu.memory_space<vmem>>, vector<1x16xf32>,
    %get3A_2546 = vector.shape_cast %get3A_2545 : vector<1x16xf32> to vector<16xf32>
    %add3A_2547 = arith.addf %add3A_2541, %get3A_2546 : vector<16xf32>
    %get3A_2548 = arith.constant 21 : i32
    %get3A_2549 = arith.index_cast %get3A_2548 : i32 to index
    %get3A_2550 = arith.constant 128 : index
    %get3A_2551 = tpu.vector_load %arg7[%get3A_2549, %get3A_2550] {strides = array<i32>} : memref<32x256xf32, #tpu.memory_space<vmem>>, vector<1x16xf32>,
    %get3A_2552 = vector.shape_cast %get3A_2551 : vector<1x16xf32> to vector<16xf32>
    %add3A_2553 = arith.addf %add3A_2547, %get3A_2552 : vector<16xf32>
    %get3A_2554 = arith.constant 22 : i32
    %get3A_2555 = arith.index_cast %get3A_2554 : i32 to index
    %get3A_2556 = arith.constant 128 : index
    %get3A_2557 = tpu.vector_load %arg7[%get3A_2555, %get3A_2556] {strides = array<i32>} : memref<32x256xf32, #tpu.memory_space<vmem>>, vector<1x16xf32>,
    %get3A_2558 = vector.shape_cast %get3A_2557 : vector<1x16xf32> to vector<16xf32>
    %add3A_2559 = arith.addf %add3A_2553, %get3A_2558 : vector<16xf32>
    %get3A_2560 = arith.constant 23 : i32
    %get3A_2561 = arith.index_cast %get3A_2560 : i32 to index
    %get3A_2562 = arith.constant 128 : index
    %get3A_2563 = tpu.vector_load %arg7[%get3A_2561, %get3A_2562] {strides = array<i32>} : memref<32x256xf32, #tpu.memory_space<vmem>>, vector<1x16xf32>,
    %get3A_2564 = vector.shape_cast %get3A_2563 : vector<1x16xf32> to vector<16xf32>
    %add3A_2565 = arith.addf %add3A_2559, %get3A_2564 : vector<16xf32>
    %get3A_2566 = arith.constant 24 : i32
    %get3A_2567 = arith.index_cast %get3A_2566 : i32 to index
    %get3A_2568 = arith.constant 128 : index
    %get3A_2569 = tpu.vector_load %arg7[%get3A_2567, %get3A_2568] {strides = array<i32>} : memref<32x256xf32, #tpu.memory_space<vmem>>, vector<1x16xf32>,
    %get3A_2570 = vector.shape_cast %get3A_2569 : vector<1x16xf32> to vector<16xf32>
    %add3A_2571 = arith.addf %add3A_2565, %get3A_2570 : vector<16xf32>
    %get3A_2572 = arith.constant 25 : i32
    %get3A_2573 = arith.index_cast %get3A_2572 : i32 to index
    %get3A_2574 = arith.constant 128 : index
    %get3A_2575 = tpu.vector_load %arg7[%get3A_2573, %get3A_2574] {strides = array<i32>} : memref<32x256xf32, #tpu.memory_space<vmem>>, vector<1x16xf32>,
    %get3A_2576 = vector.shape_cast %get3A_2575 : vector<1x16xf32> to vector<16xf32>
    %add3A_2577 = arith.addf %add3A_2571, %get3A_2576 : vector<16xf32>
    %get3A_2578 = arith.constant 26 : i32
    %get3A_2579 = arith.index_cast %get3A_2578 : i32 to index
    %get3A_2580 = arith.constant 128 : index
    %get3A_2581 = tpu.vector_load %arg7[%get3A_2579, %get3A_2580] {strides = array<i32>} : memref<32x256xf32, #tpu.memory_space<vmem>>, vector<1x16xf32>,
    %get3A_2582 = vector.shape_cast %get3A_2581 : vector<1x16xf32> to vector<16xf32>
    %add3A_2583 = arith.addf %add3A_2577, %get3A_2582 : vector<16xf32>
    %get3A_2584 = arith.constant 27 : i32
    %get3A_2585 = arith.index_cast %get3A_2584 : i32 to index
    %get3A_2586 = arith.constant 128 : index
    %get3A_2587 = tpu.vector_load %arg7[%get3A_2585, %get3A_2586] {strides = array<i32>} : memref<32x256xf32, #tpu.memory_space<vmem>>, vector<1x16xf32>,
    %get3A_2588 = vector.shape_cast %get3A_2587 : vector<1x16xf32> to vector<16xf32>
    %add3A_2589 = arith.addf %add3A_2583, %get3A_2588 : vector<16xf32>
    %get3A_2590 = arith.constant 28 : i32
    %get3A_2591 = arith.index_cast %get3A_2590 : i32 to index
    %get3A_2592 = arith.constant 128 : index
    %get3A_2593 = tpu.vector_load %arg7[%get3A_2591, %get3A_2592] {strides = array<i32>} : memref<32x256xf32, #tpu.memory_space<vmem>>, vector<1x16xf32>,
    %get3A_2594 = vector.shape_cast %get3A_2593 : vector<1x16xf32> to vector<16xf32>
    %add3A_2595 = arith.addf %add3A_2589, %get3A_2594 : vector<16xf32>
    %get3A_2596 = arith.constant 29 : i32
    %get3A_2597 = arith.index_cast %get3A_2596 : i32 to index
    %get3A_2598 = arith.constant 128 : index
    %get3A_2599 = tpu.vector_load %arg7[%get3A_2597, %get3A_2598] {strides = array<i32>} : memref<32x256xf32, #tpu.memory_space<vmem>>, vector<1x16xf32>,
    %get3A_2600 = vector.shape_cast %get3A_2599 : vector<1x16xf32> to vector<16xf32>
    %add3A_2601 = arith.addf %add3A_2595, %get3A_2600 : vector<16xf32>
    %get3A_2602 = arith.constant 30 : i32
    %get3A_2603 = arith.index_cast %get3A_2602 : i32 to index
    %get3A_2604 = arith.constant 128 : index
    %get3A_2605 = tpu.vector_load %arg7[%get3A_2603, %get3A_2604] {strides = array<i32>} : memref<32x256xf32, #tpu.memory_space<vmem>>, vector<1x16xf32>,
    %get3A_2606 = vector.shape_cast %get3A_2605 : vector<1x16xf32> to vector<16xf32>
    %add3A_2607 = arith.addf %add3A_2601, %get3A_2606 : vector<16xf32>
    %get3A_2608 = arith.constant 31 : i32
    %get3A_2609 = arith.index_cast %get3A_2608 : i32 to index
    %get3A_2610 = arith.constant 128 : index
    %get3A_2611 = tpu.vector_load %arg7[%get3A_2609, %get3A_2610] {strides = array<i32>} : memref<32x256xf32, #tpu.memory_space<vmem>>, vector<1x16xf32>,
    %get3A_2612 = vector.shape_cast %get3A_2611 : vector<1x16xf32> to vector<16xf32>
    %add3A_2613 = arith.addf %add3A_2607, %get3A_2612 : vector<16xf32>
    %mul3A_2614 = arith.constant 6.250000e-02 : f32
    %mul3A_2615 = vector.broadcast %mul3A_2614 : f32 to vector<16xf32>
    %mul3A_2616 = arith.mulf %add3A_2613, %mul3A_2615 : vector<16xf32>
    %swap3A_2617 = arith.constant 1 : i32
    %swap3A_2618 = arith.index_cast %swap3A_2617 : i32 to index
    %swap3A_2619 = arith.constant 128 : index
    %swap3A_2620 = tpu.vector_load %arg8[%swap3A_2618, %swap3A_2619] {strides = array<i32>} : memref<2x256xf32, #tpu.memory_space<vmem>>, vector<1x16xf32>,
    %swap3A_2621 = vector.shape_cast %swap3A_2620 : vector<1x16xf32> to vector<16xf32>
    %swap3A_2622 = vector.shape_cast %mul3A_2616 : vector<16xf32> to vector<1x16xf32>
    tpu.vector_store %arg8[%swap3A_2618, %swap3A_2619], %swap3A_2622 {strides = array<i32>} : memref<2x256xf32, #tpu.memory_space<vmem>>, vector<1x16xf32>,
    %get3A_2623 = arith.constant 16 : i32
    %get3A_2624 = arith.index_cast %get3A_2623 : i32 to index
    %get3A_2625 = arith.constant 144 : index
    %get3A_2626 = tpu.vector_load %arg7[%get3A_2624, %get3A_2625] {strides = array<i32>} : memref<32x256xf32, #tpu.memory_space<vmem>>, vector<1x16xf32>,
    %get3A_2627 = vector.shape_cast %get3A_2626 : vector<1x16xf32> to vector<16xf32>
    %get3A_2628 = arith.constant 17 : i32
    %get3A_2629 = arith.index_cast %get3A_2628 : i32 to index
    %get3A_2630 = arith.constant 144 : index
    %get3A_2631 = tpu.vector_load %arg7[%get3A_2629, %get3A_2630] {strides = array<i32>} : memref<32x256xf32, #tpu.memory_space<vmem>>, vector<1x16xf32>,
    %get3A_2632 = vector.shape_cast %get3A_2631 : vector<1x16xf32> to vector<16xf32>
    %add3A_2633 = arith.addf %get3A_2627, %get3A_2632 : vector<16xf32>
    %get3A_2634 = arith.constant 18 : i32
    %get3A_2635 = arith.index_cast %get3A_2634 : i32 to index
    %get3A_2636 = arith.constant 144 : index
    %get3A_2637 = tpu.vector_load %arg7[%get3A_2635, %get3A_2636] {strides = array<i32>} : memref<32x256xf32, #tpu.memory_space<vmem>>, vector<1x16xf32>,
    %get3A_2638 = vector.shape_cast %get3A_2637 : vector<1x16xf32> to vector<16xf32>
    %add3A_2639 = arith.addf %add3A_2633, %get3A_2638 : vector<16xf32>
    %get3A_2640 = arith.constant 19 : i32
    %get3A_2641 = arith.index_cast %get3A_2640 : i32 to index
    %get3A_2642 = arith.constant 144 : index
    %get3A_2643 = tpu.vector_load %arg7[%get3A_2641, %get3A_2642] {strides = array<i32>} : memref<32x256xf32, #tpu.memory_space<vmem>>, vector<1x16xf32>,
    %get3A_2644 = vector.shape_cast %get3A_2643 : vector<1x16xf32> to vector<16xf32>
    %add3A_2645 = arith.addf %add3A_2639, %get3A_2644 : vector<16xf32>
    %get3A_2646 = arith.constant 20 : i32
    %get3A_2647 = arith.index_cast %get3A_2646 : i32 to index
    %get3A_2648 = arith.constant 144 : index
    %get3A_2649 = tpu.vector_load %arg7[%get3A_2647, %get3A_2648] {strides = array<i32>} : memref<32x256xf32, #tpu.memory_space<vmem>>, vector<1x16xf32>,
    %get3A_2650 = vector.shape_cast %get3A_2649 : vector<1x16xf32> to vector<16xf32>
    %add3A_2651 = arith.addf %add3A_2645, %get3A_2650 : vector<16xf32>
    %get3A_2652 = arith.constant 21 : i32
    %get3A_2653 = arith.index_cast %get3A_2652 : i32 to index
    %get3A_2654 = arith.constant 144 : index
    %get3A_2655 = tpu.vector_load %arg7[%get3A_2653, %get3A_2654] {strides = array<i32>} : memref<32x256xf32, #tpu.memory_space<vmem>>, vector<1x16xf32>,
    %get3A_2656 = vector.shape_cast %get3A_2655 : vector<1x16xf32> to vector<16xf32>
    %add3A_2657 = arith.addf %add3A_2651, %get3A_2656 : vector<16xf32>
    %get3A_2658 = arith.constant 22 : i32
    %get3A_2659 = arith.index_cast %get3A_2658 : i32 to index
    %get3A_2660 = arith.constant 144 : index
    %get3A_2661 = tpu.vector_load %arg7[%get3A_2659, %get3A_2660] {strides = array<i32>} : memref<32x256xf32, #tpu.memory_space<vmem>>, vector<1x16xf32>,
    %get3A_2662 = vector.shape_cast %get3A_2661 : vector<1x16xf32> to vector<16xf32>
    %add3A_2663 = arith.addf %add3A_2657, %get3A_2662 : vector<16xf32>
    %get3A_2664 = arith.constant 23 : i32
    %get3A_2665 = arith.index_cast %get3A_2664 : i32 to index
    %get3A_2666 = arith.constant 144 : index
    %get3A_2667 = tpu.vector_load %arg7[%get3A_2665, %get3A_2666] {strides = array<i32>} : memref<32x256xf32, #tpu.memory_space<vmem>>, vector<1x16xf32>,
    %get3A_2668 = vector.shape_cast %get3A_2667 : vector<1x16xf32> to vector<16xf32>
    %add3A_2669 = arith.addf %add3A_2663, %get3A_2668 : vector<16xf32>
    %get3A_2670 = arith.constant 24 : i32
    %get3A_2671 = arith.index_cast %get3A_2670 : i32 to index
    %get3A_2672 = arith.constant 144 : index
    %get3A_2673 = tpu.vector_load %arg7[%get3A_2671, %get3A_2672] {strides = array<i32>} : memref<32x256xf32, #tpu.memory_space<vmem>>, vector<1x16xf32>,
    %get3A_2674 = vector.shape_cast %get3A_2673 : vector<1x16xf32> to vector<16xf32>
    %add3A_2675 = arith.addf %add3A_2669, %get3A_2674 : vector<16xf32>
    %get3A_2676 = arith.constant 25 : i32
    %get3A_2677 = arith.index_cast %get3A_2676 : i32 to index
    %get3A_2678 = arith.constant 144 : index
    %get3A_2679 = tpu.vector_load %arg7[%get3A_2677, %get3A_2678] {strides = array<i32>} : memref<32x256xf32, #tpu.memory_space<vmem>>, vector<1x16xf32>,
    %get3A_2680 = vector.shape_cast %get3A_2679 : vector<1x16xf32> to vector<16xf32>
    %add3A_2681 = arith.addf %add3A_2675, %get3A_2680 : vector<16xf32>
    %get3A_2682 = arith.constant 26 : i32
    %get3A_2683 = arith.index_cast %get3A_2682 : i32 to index
    %get3A_2684 = arith.constant 144 : index
    %get3A_2685 = tpu.vector_load %arg7[%get3A_2683, %get3A_2684] {strides = array<i32>} : memref<32x256xf32, #tpu.memory_space<vmem>>, vector<1x16xf32>,
    %get3A_2686 = vector.shape_cast %get3A_2685 : vector<1x16xf32> to vector<16xf32>
    %add3A_2687 = arith.addf %add3A_2681, %get3A_2686 : vector<16xf32>
    %get3A_2688 = arith.constant 27 : i32
    %get3A_2689 = arith.index_cast %get3A_2688 : i32 to index
    %get3A_2690 = arith.constant 144 : index
    %get3A_2691 = tpu.vector_load %arg7[%get3A_2689, %get3A_2690] {strides = array<i32>} : memref<32x256xf32, #tpu.memory_space<vmem>>, vector<1x16xf32>,
    %get3A_2692 = vector.shape_cast %get3A_2691 : vector<1x16xf32> to vector<16xf32>
    %add3A_2693 = arith.addf %add3A_2687, %get3A_2692 : vector<16xf32>
    %get3A_2694 = arith.constant 28 : i32
    %get3A_2695 = arith.index_cast %get3A_2694 : i32 to index
    %get3A_2696 = arith.constant 144 : index
    %get3A_2697 = tpu.vector_load %arg7[%get3A_2695, %get3A_2696] {strides = array<i32>} : memref<32x256xf32, #tpu.memory_space<vmem>>, vector<1x16xf32>,
    %get3A_2698 = vector.shape_cast %get3A_2697 : vector<1x16xf32> to vector<16xf32>
    %add3A_2699 = arith.addf %add3A_2693, %get3A_2698 : vector<16xf32>
    %get3A_2700 = arith.constant 29 : i32
    %get3A_2701 = arith.index_cast %get3A_2700 : i32 to index
    %get3A_2702 = arith.constant 144 : index
    %get3A_2703 = tpu.vector_load %arg7[%get3A_2701, %get3A_2702] {strides = array<i32>} : memref<32x256xf32, #tpu.memory_space<vmem>>, vector<1x16xf32>,
    %get3A_2704 = vector.shape_cast %get3A_2703 : vector<1x16xf32> to vector<16xf32>
    %add3A_2705 = arith.addf %add3A_2699, %get3A_2704 : vector<16xf32>
    %get3A_2706 = arith.constant 30 : i32
    %get3A_2707 = arith.index_cast %get3A_2706 : i32 to index
    %get3A_2708 = arith.constant 144 : index
    %get3A_2709 = tpu.vector_load %arg7[%get3A_2707, %get3A_2708] {strides = array<i32>} : memref<32x256xf32, #tpu.memory_space<vmem>>, vector<1x16xf32>,
    %get3A_2710 = vector.shape_cast %get3A_2709 : vector<1x16xf32> to vector<16xf32>
    %add3A_2711 = arith.addf %add3A_2705, %get3A_2710 : vector<16xf32>
    %get3A_2712 = arith.constant 31 : i32
    %get3A_2713 = arith.index_cast %get3A_2712 : i32 to index
    %get3A_2714 = arith.constant 144 : index
    %get3A_2715 = tpu.vector_load %arg7[%get3A_2713, %get3A_2714] {strides = array<i32>} : memref<32x256xf32, #tpu.memory_space<vmem>>, vector<1x16xf32>,
    %get3A_2716 = vector.shape_cast %get3A_2715 : vector<1x16xf32> to vector<16xf32>
    %add3A_2717 = arith.addf %add3A_2711, %get3A_2716 : vector<16xf32>
    %mul3A_2718 = arith.constant 6.250000e-02 : f32
    %mul3A_2719 = vector.broadcast %mul3A_2718 : f32 to vector<16xf32>
    %mul3A_2720 = arith.mulf %add3A_2717, %mul3A_2719 : vector<16xf32>
    %swap3A_2721 = arith.constant 1 : i32
    %swap3A_2722 = arith.index_cast %swap3A_2721 : i32 to index
    %swap3A_2723 = arith.constant 144 : index
    %swap3A_2724 = tpu.vector_load %arg8[%swap3A_2722, %swap3A_2723] {strides = array<i32>} : memref<2x256xf32, #tpu.memory_space<vmem>>, vector<1x16xf32>,
    %swap3A_2725 = vector.shape_cast %swap3A_2724 : vector<1x16xf32> to vector<16xf32>
    %swap3A_2726 = vector.shape_cast %mul3A_2720 : vector<16xf32> to vector<1x16xf32>
    tpu.vector_store %arg8[%swap3A_2722, %swap3A_2723], %swap3A_2726 {strides = array<i32>} : memref<2x256xf32, #tpu.memory_space<vmem>>, vector<1x16xf32>,
    %get3A_2727 = arith.constant 16 : i32
    %get3A_2728 = arith.index_cast %get3A_2727 : i32 to index
    %get3A_2729 = arith.constant 160 : index
    %get3A_2730 = tpu.vector_load %arg7[%get3A_2728, %get3A_2729] {strides = array<i32>} : memref<32x256xf32, #tpu.memory_space<vmem>>, vector<1x16xf32>,
    %get3A_2731 = vector.shape_cast %get3A_2730 : vector<1x16xf32> to vector<16xf32>
    %get3A_2732 = arith.constant 17 : i32
    %get3A_2733 = arith.index_cast %get3A_2732 : i32 to index
    %get3A_2734 = arith.constant 160 : index
    %get3A_2735 = tpu.vector_load %arg7[%get3A_2733, %get3A_2734] {strides = array<i32>} : memref<32x256xf32, #tpu.memory_space<vmem>>, vector<1x16xf32>,
    %get3A_2736 = vector.shape_cast %get3A_2735 : vector<1x16xf32> to vector<16xf32>
    %add3A_2737 = arith.addf %get3A_2731, %get3A_2736 : vector<16xf32>
    %get3A_2738 = arith.constant 18 : i32
    %get3A_2739 = arith.index_cast %get3A_2738 : i32 to index
    %get3A_2740 = arith.constant 160 : index
    %get3A_2741 = tpu.vector_load %arg7[%get3A_2739, %get3A_2740] {strides = array<i32>} : memref<32x256xf32, #tpu.memory_space<vmem>>, vector<1x16xf32>,
    %get3A_2742 = vector.shape_cast %get3A_2741 : vector<1x16xf32> to vector<16xf32>
    %add3A_2743 = arith.addf %add3A_2737, %get3A_2742 : vector<16xf32>
    %get3A_2744 = arith.constant 19 : i32
    %get3A_2745 = arith.index_cast %get3A_2744 : i32 to index
    %get3A_2746 = arith.constant 160 : index
    %get3A_2747 = tpu.vector_load %arg7[%get3A_2745, %get3A_2746] {strides = array<i32>} : memref<32x256xf32, #tpu.memory_space<vmem>>, vector<1x16xf32>,
    %get3A_2748 = vector.shape_cast %get3A_2747 : vector<1x16xf32> to vector<16xf32>
    %add3A_2749 = arith.addf %add3A_2743, %get3A_2748 : vector<16xf32>
    %get3A_2750 = arith.constant 20 : i32
    %get3A_2751 = arith.index_cast %get3A_2750 : i32 to index
    %get3A_2752 = arith.constant 160 : index
    %get3A_2753 = tpu.vector_load %arg7[%get3A_2751, %get3A_2752] {strides = array<i32>} : memref<32x256xf32, #tpu.memory_space<vmem>>, vector<1x16xf32>,
    %get3A_2754 = vector.shape_cast %get3A_2753 : vector<1x16xf32> to vector<16xf32>
    %add3A_2755 = arith.addf %add3A_2749, %get3A_2754 : vector<16xf32>
    %get3A_2756 = arith.constant 21 : i32
    %get3A_2757 = arith.index_cast %get3A_2756 : i32 to index
    %get3A_2758 = arith.constant 160 : index
    %get3A_2759 = tpu.vector_load %arg7[%get3A_2757, %get3A_2758] {strides = array<i32>} : memref<32x256xf32, #tpu.memory_space<vmem>>, vector<1x16xf32>,
    %get3A_2760 = vector.shape_cast %get3A_2759 : vector<1x16xf32> to vector<16xf32>
    %add3A_2761 = arith.addf %add3A_2755, %get3A_2760 : vector<16xf32>
    %get3A_2762 = arith.constant 22 : i32
    %get3A_2763 = arith.index_cast %get3A_2762 : i32 to index
    %get3A_2764 = arith.constant 160 : index
    %get3A_2765 = tpu.vector_load %arg7[%get3A_2763, %get3A_2764] {strides = array<i32>} : memref<32x256xf32, #tpu.memory_space<vmem>>, vector<1x16xf32>,
    %get3A_2766 = vector.shape_cast %get3A_2765 : vector<1x16xf32> to vector<16xf32>
    %add3A_2767 = arith.addf %add3A_2761, %get3A_2766 : vector<16xf32>
    %get3A_2768 = arith.constant 23 : i32
    %get3A_2769 = arith.index_cast %get3A_2768 : i32 to index
    %get3A_2770 = arith.constant 160 : index
    %get3A_2771 = tpu.vector_load %arg7[%get3A_2769, %get3A_2770] {strides = array<i32>} : memref<32x256xf32, #tpu.memory_space<vmem>>, vector<1x16xf32>,
    %get3A_2772 = vector.shape_cast %get3A_2771 : vector<1x16xf32> to vector<16xf32>
    %add3A_2773 = arith.addf %add3A_2767, %get3A_2772 : vector<16xf32>
    %get3A_2774 = arith.constant 24 : i32
    %get3A_2775 = arith.index_cast %get3A_2774 : i32 to index
    %get3A_2776 = arith.constant 160 : index
    %get3A_2777 = tpu.vector_load %arg7[%get3A_2775, %get3A_2776] {strides = array<i32>} : memref<32x256xf32, #tpu.memory_space<vmem>>, vector<1x16xf32>,
    %get3A_2778 = vector.shape_cast %get3A_2777 : vector<1x16xf32> to vector<16xf32>
    %add3A_2779 = arith.addf %add3A_2773, %get3A_2778 : vector<16xf32>
    %get3A_2780 = arith.constant 25 : i32
    %get3A_2781 = arith.index_cast %get3A_2780 : i32 to index
    %get3A_2782 = arith.constant 160 : index
    %get3A_2783 = tpu.vector_load %arg7[%get3A_2781, %get3A_2782] {strides = array<i32>} : memref<32x256xf32, #tpu.memory_space<vmem>>, vector<1x16xf32>,
    %get3A_2784 = vector.shape_cast %get3A_2783 : vector<1x16xf32> to vector<16xf32>
    %add3A_2785 = arith.addf %add3A_2779, %get3A_2784 : vector<16xf32>
    %get3A_2786 = arith.constant 26 : i32
    %get3A_2787 = arith.index_cast %get3A_2786 : i32 to index
    %get3A_2788 = arith.constant 160 : index
    %get3A_2789 = tpu.vector_load %arg7[%get3A_2787, %get3A_2788] {strides = array<i32>} : memref<32x256xf32, #tpu.memory_space<vmem>>, vector<1x16xf32>,
    %get3A_2790 = vector.shape_cast %get3A_2789 : vector<1x16xf32> to vector<16xf32>
    %add3A_2791 = arith.addf %add3A_2785, %get3A_2790 : vector<16xf32>
    %get3A_2792 = arith.constant 27 : i32
    %get3A_2793 = arith.index_cast %get3A_2792 : i32 to index
    %get3A_2794 = arith.constant 160 : index
    %get3A_2795 = tpu.vector_load %arg7[%get3A_2793, %get3A_2794] {strides = array<i32>} : memref<32x256xf32, #tpu.memory_space<vmem>>, vector<1x16xf32>,
    %get3A_2796 = vector.shape_cast %get3A_2795 : vector<1x16xf32> to vector<16xf32>
    %add3A_2797 = arith.addf %add3A_2791, %get3A_2796 : vector<16xf32>
    %get3A_2798 = arith.constant 28 : i32
    %get3A_2799 = arith.index_cast %get3A_2798 : i32 to index
    %get3A_2800 = arith.constant 160 : index
    %get3A_2801 = tpu.vector_load %arg7[%get3A_2799, %get3A_2800] {strides = array<i32>} : memref<32x256xf32, #tpu.memory_space<vmem>>, vector<1x16xf32>,
    %get3A_2802 = vector.shape_cast %get3A_2801 : vector<1x16xf32> to vector<16xf32>
    %add3A_2803 = arith.addf %add3A_2797, %get3A_2802 : vector<16xf32>
    %get3A_2804 = arith.constant 29 : i32
    %get3A_2805 = arith.index_cast %get3A_2804 : i32 to index
    %get3A_2806 = arith.constant 160 : index
    %get3A_2807 = tpu.vector_load %arg7[%get3A_2805, %get3A_2806] {strides = array<i32>} : memref<32x256xf32, #tpu.memory_space<vmem>>, vector<1x16xf32>,
    %get3A_2808 = vector.shape_cast %get3A_2807 : vector<1x16xf32> to vector<16xf32>
    %add3A_2809 = arith.addf %add3A_2803, %get3A_2808 : vector<16xf32>
    %get3A_2810 = arith.constant 30 : i32
    %get3A_2811 = arith.index_cast %get3A_2810 : i32 to index
    %get3A_2812 = arith.constant 160 : index
    %get3A_2813 = tpu.vector_load %arg7[%get3A_2811, %get3A_2812] {strides = array<i32>} : memref<32x256xf32, #tpu.memory_space<vmem>>, vector<1x16xf32>,
    %get3A_2814 = vector.shape_cast %get3A_2813 : vector<1x16xf32> to vector<16xf32>
    %add3A_2815 = arith.addf %add3A_2809, %get3A_2814 : vector<16xf32>
    %get3A_2816 = arith.constant 31 : i32
    %get3A_2817 = arith.index_cast %get3A_2816 : i32 to index
    %get3A_2818 = arith.constant 160 : index
    %get3A_2819 = tpu.vector_load %arg7[%get3A_2817, %get3A_2818] {strides = array<i32>} : memref<32x256xf32, #tpu.memory_space<vmem>>, vector<1x16xf32>,
    %get3A_2820 = vector.shape_cast %get3A_2819 : vector<1x16xf32> to vector<16xf32>
    %add3A_2821 = arith.addf %add3A_2815, %get3A_2820 : vector<16xf32>
    %mul3A_2822 = arith.constant 6.250000e-02 : f32
    %mul3A_2823 = vector.broadcast %mul3A_2822 : f32 to vector<16xf32>
    %mul3A_2824 = arith.mulf %add3A_2821, %mul3A_2823 : vector<16xf32>
    %swap3A_2825 = arith.constant 1 : i32
    %swap3A_2826 = arith.index_cast %swap3A_2825 : i32 to index
    %swap3A_2827 = arith.constant 160 : index
    %swap3A_2828 = tpu.vector_load %arg8[%swap3A_2826, %swap3A_2827] {strides = array<i32>} : memref<2x256xf32, #tpu.memory_space<vmem>>, vector<1x16xf32>,
    %swap3A_2829 = vector.shape_cast %swap3A_2828 : vector<1x16xf32> to vector<16xf32>
    %swap3A_2830 = vector.shape_cast %mul3A_2824 : vector<16xf32> to vector<1x16xf32>
    tpu.vector_store %arg8[%swap3A_2826, %swap3A_2827], %swap3A_2830 {strides = array<i32>} : memref<2x256xf32, #tpu.memory_space<vmem>>, vector<1x16xf32>,
    %get3A_2831 = arith.constant 16 : i32
    %get3A_2832 = arith.index_cast %get3A_2831 : i32 to index
    %get3A_2833 = arith.constant 176 : index
    %get3A_2834 = tpu.vector_load %arg7[%get3A_2832, %get3A_2833] {strides = array<i32>} : memref<32x256xf32, #tpu.memory_space<vmem>>, vector<1x16xf32>,
    %get3A_2835 = vector.shape_cast %get3A_2834 : vector<1x16xf32> to vector<16xf32>
    %get3A_2836 = arith.constant 17 : i32
    %get3A_2837 = arith.index_cast %get3A_2836 : i32 to index
    %get3A_2838 = arith.constant 176 : index
    %get3A_2839 = tpu.vector_load %arg7[%get3A_2837, %get3A_2838] {strides = array<i32>} : memref<32x256xf32, #tpu.memory_space<vmem>>, vector<1x16xf32>,
    %get3A_2840 = vector.shape_cast %get3A_2839 : vector<1x16xf32> to vector<16xf32>
    %add3A_2841 = arith.addf %get3A_2835, %get3A_2840 : vector<16xf32>
    %get3A_2842 = arith.constant 18 : i32
    %get3A_2843 = arith.index_cast %get3A_2842 : i32 to index
    %get3A_2844 = arith.constant 176 : index
    %get3A_2845 = tpu.vector_load %arg7[%get3A_2843, %get3A_2844] {strides = array<i32>} : memref<32x256xf32, #tpu.memory_space<vmem>>, vector<1x16xf32>,
    %get3A_2846 = vector.shape_cast %get3A_2845 : vector<1x16xf32> to vector<16xf32>
    %add3A_2847 = arith.addf %add3A_2841, %get3A_2846 : vector<16xf32>
    %get3A_2848 = arith.constant 19 : i32
    %get3A_2849 = arith.index_cast %get3A_2848 : i32 to index
    %get3A_2850 = arith.constant 176 : index
    %get3A_2851 = tpu.vector_load %arg7[%get3A_2849, %get3A_2850] {strides = array<i32>} : memref<32x256xf32, #tpu.memory_space<vmem>>, vector<1x16xf32>,
    %get3A_2852 = vector.shape_cast %get3A_2851 : vector<1x16xf32> to vector<16xf32>
    %add3A_2853 = arith.addf %add3A_2847, %get3A_2852 : vector<16xf32>
    %get3A_2854 = arith.constant 20 : i32
    %get3A_2855 = arith.index_cast %get3A_2854 : i32 to index
    %get3A_2856 = arith.constant 176 : index
    %get3A_2857 = tpu.vector_load %arg7[%get3A_2855, %get3A_2856] {strides = array<i32>} : memref<32x256xf32, #tpu.memory_space<vmem>>, vector<1x16xf32>,
    %get3A_2858 = vector.shape_cast %get3A_2857 : vector<1x16xf32> to vector<16xf32>
    %add3A_2859 = arith.addf %add3A_2853, %get3A_2858 : vector<16xf32>
    %get3A_2860 = arith.constant 21 : i32
    %get3A_2861 = arith.index_cast %get3A_2860 : i32 to index
    %get3A_2862 = arith.constant 176 : index
    %get3A_2863 = tpu.vector_load %arg7[%get3A_2861, %get3A_2862] {strides = array<i32>} : memref<32x256xf32, #tpu.memory_space<vmem>>, vector<1x16xf32>,
    %get3A_2864 = vector.shape_cast %get3A_2863 : vector<1x16xf32> to vector<16xf32>
    %add3A_2865 = arith.addf %add3A_2859, %get3A_2864 : vector<16xf32>
    %get3A_2866 = arith.constant 22 : i32
    %get3A_2867 = arith.index_cast %get3A_2866 : i32 to index
    %get3A_2868 = arith.constant 176 : index
    %get3A_2869 = tpu.vector_load %arg7[%get3A_2867, %get3A_2868] {strides = array<i32>} : memref<32x256xf32, #tpu.memory_space<vmem>>, vector<1x16xf32>,
    %get3A_2870 = vector.shape_cast %get3A_2869 : vector<1x16xf32> to vector<16xf32>
    %add3A_2871 = arith.addf %add3A_2865, %get3A_2870 : vector<16xf32>
    %get3A_2872 = arith.constant 23 : i32
    %get3A_2873 = arith.index_cast %get3A_2872 : i32 to index
    %get3A_2874 = arith.constant 176 : index
    %get3A_2875 = tpu.vector_load %arg7[%get3A_2873, %get3A_2874] {strides = array<i32>} : memref<32x256xf32, #tpu.memory_space<vmem>>, vector<1x16xf32>,
    %get3A_2876 = vector.shape_cast %get3A_2875 : vector<1x16xf32> to vector<16xf32>
    %add3A_2877 = arith.addf %add3A_2871, %get3A_2876 : vector<16xf32>
    %get3A_2878 = arith.constant 24 : i32
    %get3A_2879 = arith.index_cast %get3A_2878 : i32 to index
    %get3A_2880 = arith.constant 176 : index
    %get3A_2881 = tpu.vector_load %arg7[%get3A_2879, %get3A_2880] {strides = array<i32>} : memref<32x256xf32, #tpu.memory_space<vmem>>, vector<1x16xf32>,
    %get3A_2882 = vector.shape_cast %get3A_2881 : vector<1x16xf32> to vector<16xf32>
    %add3A_2883 = arith.addf %add3A_2877, %get3A_2882 : vector<16xf32>
    %get3A_2884 = arith.constant 25 : i32
    %get3A_2885 = arith.index_cast %get3A_2884 : i32 to index
    %get3A_2886 = arith.constant 176 : index
    %get3A_2887 = tpu.vector_load %arg7[%get3A_2885, %get3A_2886] {strides = array<i32>} : memref<32x256xf32, #tpu.memory_space<vmem>>, vector<1x16xf32>,
    %get3A_2888 = vector.shape_cast %get3A_2887 : vector<1x16xf32> to vector<16xf32>
    %add3A_2889 = arith.addf %add3A_2883, %get3A_2888 : vector<16xf32>
    %get3A_2890 = arith.constant 26 : i32
    %get3A_2891 = arith.index_cast %get3A_2890 : i32 to index
    %get3A_2892 = arith.constant 176 : index
    %get3A_2893 = tpu.vector_load %arg7[%get3A_2891, %get3A_2892] {strides = array<i32>} : memref<32x256xf32, #tpu.memory_space<vmem>>, vector<1x16xf32>,
    %get3A_2894 = vector.shape_cast %get3A_2893 : vector<1x16xf32> to vector<16xf32>
    %add3A_2895 = arith.addf %add3A_2889, %get3A_2894 : vector<16xf32>
    %get3A_2896 = arith.constant 27 : i32
    %get3A_2897 = arith.index_cast %get3A_2896 : i32 to index
    %get3A_2898 = arith.constant 176 : index
    %get3A_2899 = tpu.vector_load %arg7[%get3A_2897, %get3A_2898] {strides = array<i32>} : memref<32x256xf32, #tpu.memory_space<vmem>>, vector<1x16xf32>,
    %get3A_2900 = vector.shape_cast %get3A_2899 : vector<1x16xf32> to vector<16xf32>
    %add3A_2901 = arith.addf %add3A_2895, %get3A_2900 : vector<16xf32>
    %get3A_2902 = arith.constant 28 : i32
    %get3A_2903 = arith.index_cast %get3A_2902 : i32 to index
    %get3A_2904 = arith.constant 176 : index
    %get3A_2905 = tpu.vector_load %arg7[%get3A_2903, %get3A_2904] {strides = array<i32>} : memref<32x256xf32, #tpu.memory_space<vmem>>, vector<1x16xf32>,
    %get3A_2906 = vector.shape_cast %get3A_2905 : vector<1x16xf32> to vector<16xf32>
    %add3A_2907 = arith.addf %add3A_2901, %get3A_2906 : vector<16xf32>
    %get3A_2908 = arith.constant 29 : i32
    %get3A_2909 = arith.index_cast %get3A_2908 : i32 to index
    %get3A_2910 = arith.constant 176 : index
    %get3A_2911 = tpu.vector_load %arg7[%get3A_2909, %get3A_2910] {strides = array<i32>} : memref<32x256xf32, #tpu.memory_space<vmem>>, vector<1x16xf32>,
    %get3A_2912 = vector.shape_cast %get3A_2911 : vector<1x16xf32> to vector<16xf32>
    %add3A_2913 = arith.addf %add3A_2907, %get3A_2912 : vector<16xf32>
    %get3A_2914 = arith.constant 30 : i32
    %get3A_2915 = arith.index_cast %get3A_2914 : i32 to index
    %get3A_2916 = arith.constant 176 : index
    %get3A_2917 = tpu.vector_load %arg7[%get3A_2915, %get3A_2916] {strides = array<i32>} : memref<32x256xf32, #tpu.memory_space<vmem>>, vector<1x16xf32>,
    %get3A_2918 = vector.shape_cast %get3A_2917 : vector<1x16xf32> to vector<16xf32>
    %add3A_2919 = arith.addf %add3A_2913, %get3A_2918 : vector<16xf32>
    %get3A_2920 = arith.constant 31 : i32
    %get3A_2921 = arith.index_cast %get3A_2920 : i32 to index
    %get3A_2922 = arith.constant 176 : index
    %get3A_2923 = tpu.vector_load %arg7[%get3A_2921, %get3A_2922] {strides = array<i32>} : memref<32x256xf32, #tpu.memory_space<vmem>>, vector<1x16xf32>,
    %get3A_2924 = vector.shape_cast %get3A_2923 : vector<1x16xf32> to vector<16xf32>
    %add3A_2925 = arith.addf %add3A_2919, %get3A_2924 : vector<16xf32>
    %mul3A_2926 = arith.constant 6.250000e-02 : f32
    %mul3A_2927 = vector.broadcast %mul3A_2926 : f32 to vector<16xf32>
    %mul3A_2928 = arith.mulf %add3A_2925, %mul3A_2927 : vector<16xf32>
    %swap3A_2929 = arith.constant 1 : i32
    %swap3A_2930 = arith.index_cast %swap3A_2929 : i32 to index
    %swap3A_2931 = arith.constant 176 : index
    %swap3A_2932 = tpu.vector_load %arg8[%swap3A_2930, %swap3A_2931] {strides = array<i32>} : memref<2x256xf32, #tpu.memory_space<vmem>>, vector<1x16xf32>,
    %swap3A_2933 = vector.shape_cast %swap3A_2932 : vector<1x16xf32> to vector<16xf32>
    %swap3A_2934 = vector.shape_cast %mul3A_2928 : vector<16xf32> to vector<1x16xf32>
    tpu.vector_store %arg8[%swap3A_2930, %swap3A_2931], %swap3A_2934 {strides = array<i32>} : memref<2x256xf32, #tpu.memory_space<vmem>>, vector<1x16xf32>,
    %get3A_2935 = arith.constant 16 : i32
    %get3A_2936 = arith.index_cast %get3A_2935 : i32 to index
    %get3A_2937 = arith.constant 192 : index
    %get3A_2938 = tpu.vector_load %arg7[%get3A_2936, %get3A_2937] {strides = array<i32>} : memref<32x256xf32, #tpu.memory_space<vmem>>, vector<1x16xf32>,
    %get3A_2939 = vector.shape_cast %get3A_2938 : vector<1x16xf32> to vector<16xf32>
    %get3A_2940 = arith.constant 17 : i32
    %get3A_2941 = arith.index_cast %get3A_2940 : i32 to index
    %get3A_2942 = arith.constant 192 : index
    %get3A_2943 = tpu.vector_load %arg7[%get3A_2941, %get3A_2942] {strides = array<i32>} : memref<32x256xf32, #tpu.memory_space<vmem>>, vector<1x16xf32>,
    %get3A_2944 = vector.shape_cast %get3A_2943 : vector<1x16xf32> to vector<16xf32>
    %add3A_2945 = arith.addf %get3A_2939, %get3A_2944 : vector<16xf32>
    %get3A_2946 = arith.constant 18 : i32
    %get3A_2947 = arith.index_cast %get3A_2946 : i32 to index
    %get3A_2948 = arith.constant 192 : index
    %get3A_2949 = tpu.vector_load %arg7[%get3A_2947, %get3A_2948] {strides = array<i32>} : memref<32x256xf32, #tpu.memory_space<vmem>>, vector<1x16xf32>,
    %get3A_2950 = vector.shape_cast %get3A_2949 : vector<1x16xf32> to vector<16xf32>
    %add3A_2951 = arith.addf %add3A_2945, %get3A_2950 : vector<16xf32>
    %get3A_2952 = arith.constant 19 : i32
    %get3A_2953 = arith.index_cast %get3A_2952 : i32 to index
    %get3A_2954 = arith.constant 192 : index
    %get3A_2955 = tpu.vector_load %arg7[%get3A_2953, %get3A_2954] {strides = array<i32>} : memref<32x256xf32, #tpu.memory_space<vmem>>, vector<1x16xf32>,
    %get3A_2956 = vector.shape_cast %get3A_2955 : vector<1x16xf32> to vector<16xf32>
    %add3A_2957 = arith.addf %add3A_2951, %get3A_2956 : vector<16xf32>
    %get3A_2958 = arith.constant 20 : i32
    %get3A_2959 = arith.index_cast %get3A_2958 : i32 to index
    %get3A_2960 = arith.constant 192 : index
    %get3A_2961 = tpu.vector_load %arg7[%get3A_2959, %get3A_2960] {strides = array<i32>} : memref<32x256xf32, #tpu.memory_space<vmem>>, vector<1x16xf32>,
    %get3A_2962 = vector.shape_cast %get3A_2961 : vector<1x16xf32> to vector<16xf32>
    %add3A_2963 = arith.addf %add3A_2957, %get3A_2962 : vector<16xf32>
    %get3A_2964 = arith.constant 21 : i32
    %get3A_2965 = arith.index_cast %get3A_2964 : i32 to index
    %get3A_2966 = arith.constant 192 : index
    %get3A_2967 = tpu.vector_load %arg7[%get3A_2965, %get3A_2966] {strides = array<i32>} : memref<32x256xf32, #tpu.memory_space<vmem>>, vector<1x16xf32>,
    %get3A_2968 = vector.shape_cast %get3A_2967 : vector<1x16xf32> to vector<16xf32>
    %add3A_2969 = arith.addf %add3A_2963, %get3A_2968 : vector<16xf32>
    %get3A_2970 = arith.constant 22 : i32
    %get3A_2971 = arith.index_cast %get3A_2970 : i32 to index
    %get3A_2972 = arith.constant 192 : index
    %get3A_2973 = tpu.vector_load %arg7[%get3A_2971, %get3A_2972] {strides = array<i32>} : memref<32x256xf32, #tpu.memory_space<vmem>>, vector<1x16xf32>,
    %get3A_2974 = vector.shape_cast %get3A_2973 : vector<1x16xf32> to vector<16xf32>
    %add3A_2975 = arith.addf %add3A_2969, %get3A_2974 : vector<16xf32>
    %get3A_2976 = arith.constant 23 : i32
    %get3A_2977 = arith.index_cast %get3A_2976 : i32 to index
    %get3A_2978 = arith.constant 192 : index
    %get3A_2979 = tpu.vector_load %arg7[%get3A_2977, %get3A_2978] {strides = array<i32>} : memref<32x256xf32, #tpu.memory_space<vmem>>, vector<1x16xf32>,
    %get3A_2980 = vector.shape_cast %get3A_2979 : vector<1x16xf32> to vector<16xf32>
    %add3A_2981 = arith.addf %add3A_2975, %get3A_2980 : vector<16xf32>
    %get3A_2982 = arith.constant 24 : i32
    %get3A_2983 = arith.index_cast %get3A_2982 : i32 to index
    %get3A_2984 = arith.constant 192 : index
    %get3A_2985 = tpu.vector_load %arg7[%get3A_2983, %get3A_2984] {strides = array<i32>} : memref<32x256xf32, #tpu.memory_space<vmem>>, vector<1x16xf32>,
    %get3A_2986 = vector.shape_cast %get3A_2985 : vector<1x16xf32> to vector<16xf32>
    %add3A_2987 = arith.addf %add3A_2981, %get3A_2986 : vector<16xf32>
    %get3A_2988 = arith.constant 25 : i32
    %get3A_2989 = arith.index_cast %get3A_2988 : i32 to index
    %get3A_2990 = arith.constant 192 : index
    %get3A_2991 = tpu.vector_load %arg7[%get3A_2989, %get3A_2990] {strides = array<i32>} : memref<32x256xf32, #tpu.memory_space<vmem>>, vector<1x16xf32>,
    %get3A_2992 = vector.shape_cast %get3A_2991 : vector<1x16xf32> to vector<16xf32>
    %add3A_2993 = arith.addf %add3A_2987, %get3A_2992 : vector<16xf32>
    %get3A_2994 = arith.constant 26 : i32
    %get3A_2995 = arith.index_cast %get3A_2994 : i32 to index
    %get3A_2996 = arith.constant 192 : index
    %get3A_2997 = tpu.vector_load %arg7[%get3A_2995, %get3A_2996] {strides = array<i32>} : memref<32x256xf32, #tpu.memory_space<vmem>>, vector<1x16xf32>,
    %get3A_2998 = vector.shape_cast %get3A_2997 : vector<1x16xf32> to vector<16xf32>
    %add3A_2999 = arith.addf %add3A_2993, %get3A_2998 : vector<16xf32>
    %get3A_3000 = arith.constant 27 : i32
    %get3A_3001 = arith.index_cast %get3A_3000 : i32 to index
    %get3A_3002 = arith.constant 192 : index
    %get3A_3003 = tpu.vector_load %arg7[%get3A_3001, %get3A_3002] {strides = array<i32>} : memref<32x256xf32, #tpu.memory_space<vmem>>, vector<1x16xf32>,
    %get3A_3004 = vector.shape_cast %get3A_3003 : vector<1x16xf32> to vector<16xf32>
    %add3A_3005 = arith.addf %add3A_2999, %get3A_3004 : vector<16xf32>
    %get3A_3006 = arith.constant 28 : i32
    %get3A_3007 = arith.index_cast %get3A_3006 : i32 to index
    %get3A_3008 = arith.constant 192 : index
    %get3A_3009 = tpu.vector_load %arg7[%get3A_3007, %get3A_3008] {strides = array<i32>} : memref<32x256xf32, #tpu.memory_space<vmem>>, vector<1x16xf32>,
    %get3A_3010 = vector.shape_cast %get3A_3009 : vector<1x16xf32> to vector<16xf32>
    %add3A_3011 = arith.addf %add3A_3005, %get3A_3010 : vector<16xf32>
    %get3A_3012 = arith.constant 29 : i32
    %get3A_3013 = arith.index_cast %get3A_3012 : i32 to index
    %get3A_3014 = arith.constant 192 : index
    %get3A_3015 = tpu.vector_load %arg7[%get3A_3013, %get3A_3014] {strides = array<i32>} : memref<32x256xf32, #tpu.memory_space<vmem>>, vector<1x16xf32>,
    %get3A_3016 = vector.shape_cast %get3A_3015 : vector<1x16xf32> to vector<16xf32>
    %add3A_3017 = arith.addf %add3A_3011, %get3A_3016 : vector<16xf32>
    %get3A_3018 = arith.constant 30 : i32
    %get3A_3019 = arith.index_cast %get3A_3018 : i32 to index
    %get3A_3020 = arith.constant 192 : index
    %get3A_3021 = tpu.vector_load %arg7[%get3A_3019, %get3A_3020] {strides = array<i32>} : memref<32x256xf32, #tpu.memory_space<vmem>>, vector<1x16xf32>,
    %get3A_3022 = vector.shape_cast %get3A_3021 : vector<1x16xf32> to vector<16xf32>
    %add3A_3023 = arith.addf %add3A_3017, %get3A_3022 : vector<16xf32>
    %get3A_3024 = arith.constant 31 : i32
    %get3A_3025 = arith.index_cast %get3A_3024 : i32 to index
    %get3A_3026 = arith.constant 192 : index
    %get3A_3027 = tpu.vector_load %arg7[%get3A_3025, %get3A_3026] {strides = array<i32>} : memref<32x256xf32, #tpu.memory_space<vmem>>, vector<1x16xf32>,
    %get3A_3028 = vector.shape_cast %get3A_3027 : vector<1x16xf32> to vector<16xf32>
    %add3A_3029 = arith.addf %add3A_3023, %get3A_3028 : vector<16xf32>
    %mul3A_3030 = arith.constant 6.250000e-02 : f32
    %mul3A_3031 = vector.broadcast %mul3A_3030 : f32 to vector<16xf32>
    %mul3A_3032 = arith.mulf %add3A_3029, %mul3A_3031 : vector<16xf32>
    %swap3A_3033 = arith.constant 1 : i32
    %swap3A_3034 = arith.index_cast %swap3A_3033 : i32 to index
    %swap3A_3035 = arith.constant 192 : index
    %swap3A_3036 = tpu.vector_load %arg8[%swap3A_3034, %swap3A_3035] {strides = array<i32>} : memref<2x256xf32, #tpu.memory_space<vmem>>, vector<1x16xf32>,
    %swap3A_3037 = vector.shape_cast %swap3A_3036 : vector<1x16xf32> to vector<16xf32>
    %swap3A_3038 = vector.shape_cast %mul3A_3032 : vector<16xf32> to vector<1x16xf32>
    tpu.vector_store %arg8[%swap3A_3034, %swap3A_3035], %swap3A_3038 {strides = array<i32>} : memref<2x256xf32, #tpu.memory_space<vmem>>, vector<1x16xf32>,
    %get3A_3039 = arith.constant 16 : i32
    %get3A_3040 = arith.index_cast %get3A_3039 : i32 to index
    %get3A_3041 = arith.constant 208 : index
    %get3A_3042 = tpu.vector_load %arg7[%get3A_3040, %get3A_3041] {strides = array<i32>} : memref<32x256xf32, #tpu.memory_space<vmem>>, vector<1x16xf32>,
    %get3A_3043 = vector.shape_cast %get3A_3042 : vector<1x16xf32> to vector<16xf32>
    %get3A_3044 = arith.constant 17 : i32
    %get3A_3045 = arith.index_cast %get3A_3044 : i32 to index
    %get3A_3046 = arith.constant 208 : index
    %get3A_3047 = tpu.vector_load %arg7[%get3A_3045, %get3A_3046] {strides = array<i32>} : memref<32x256xf32, #tpu.memory_space<vmem>>, vector<1x16xf32>,
    %get3A_3048 = vector.shape_cast %get3A_3047 : vector<1x16xf32> to vector<16xf32>
    %add3A_3049 = arith.addf %get3A_3043, %get3A_3048 : vector<16xf32>
    %get3A_3050 = arith.constant 18 : i32
    %get3A_3051 = arith.index_cast %get3A_3050 : i32 to index
    %get3A_3052 = arith.constant 208 : index
    %get3A_3053 = tpu.vector_load %arg7[%get3A_3051, %get3A_3052] {strides = array<i32>} : memref<32x256xf32, #tpu.memory_space<vmem>>, vector<1x16xf32>,
    %get3A_3054 = vector.shape_cast %get3A_3053 : vector<1x16xf32> to vector<16xf32>
    %add3A_3055 = arith.addf %add3A_3049, %get3A_3054 : vector<16xf32>
    %get3A_3056 = arith.constant 19 : i32
    %get3A_3057 = arith.index_cast %get3A_3056 : i32 to index
    %get3A_3058 = arith.constant 208 : index
    %get3A_3059 = tpu.vector_load %arg7[%get3A_3057, %get3A_3058] {strides = array<i32>} : memref<32x256xf32, #tpu.memory_space<vmem>>, vector<1x16xf32>,
    %get3A_3060 = vector.shape_cast %get3A_3059 : vector<1x16xf32> to vector<16xf32>
    %add3A_3061 = arith.addf %add3A_3055, %get3A_3060 : vector<16xf32>
    %get3A_3062 = arith.constant 20 : i32
    %get3A_3063 = arith.index_cast %get3A_3062 : i32 to index
    %get3A_3064 = arith.constant 208 : index
    %get3A_3065 = tpu.vector_load %arg7[%get3A_3063, %get3A_3064] {strides = array<i32>} : memref<32x256xf32, #tpu.memory_space<vmem>>, vector<1x16xf32>,
    %get3A_3066 = vector.shape_cast %get3A_3065 : vector<1x16xf32> to vector<16xf32>
    %add3A_3067 = arith.addf %add3A_3061, %get3A_3066 : vector<16xf32>
    %get3A_3068 = arith.constant 21 : i32
    %get3A_3069 = arith.index_cast %get3A_3068 : i32 to index
    %get3A_3070 = arith.constant 208 : index
    %get3A_3071 = tpu.vector_load %arg7[%get3A_3069, %get3A_3070] {strides = array<i32>} : memref<32x256xf32, #tpu.memory_space<vmem>>, vector<1x16xf32>,
    %get3A_3072 = vector.shape_cast %get3A_3071 : vector<1x16xf32> to vector<16xf32>
    %add3A_3073 = arith.addf %add3A_3067, %get3A_3072 : vector<16xf32>
    %get3A_3074 = arith.constant 22 : i32
    %get3A_3075 = arith.index_cast %get3A_3074 : i32 to index
    %get3A_3076 = arith.constant 208 : index
    %get3A_3077 = tpu.vector_load %arg7[%get3A_3075, %get3A_3076] {strides = array<i32>} : memref<32x256xf32, #tpu.memory_space<vmem>>, vector<1x16xf32>,
    %get3A_3078 = vector.shape_cast %get3A_3077 : vector<1x16xf32> to vector<16xf32>
    %add3A_3079 = arith.addf %add3A_3073, %get3A_3078 : vector<16xf32>
    %get3A_3080 = arith.constant 23 : i32
    %get3A_3081 = arith.index_cast %get3A_3080 : i32 to index
    %get3A_3082 = arith.constant 208 : index
    %get3A_3083 = tpu.vector_load %arg7[%get3A_3081, %get3A_3082] {strides = array<i32>} : memref<32x256xf32, #tpu.memory_space<vmem>>, vector<1x16xf32>,
    %get3A_3084 = vector.shape_cast %get3A_3083 : vector<1x16xf32> to vector<16xf32>
    %add3A_3085 = arith.addf %add3A_3079, %get3A_3084 : vector<16xf32>
    %get3A_3086 = arith.constant 24 : i32
    %get3A_3087 = arith.index_cast %get3A_3086 : i32 to index
    %get3A_3088 = arith.constant 208 : index
    %get3A_3089 = tpu.vector_load %arg7[%get3A_3087, %get3A_3088] {strides = array<i32>} : memref<32x256xf32, #tpu.memory_space<vmem>>, vector<1x16xf32>,
    %get3A_3090 = vector.shape_cast %get3A_3089 : vector<1x16xf32> to vector<16xf32>
    %add3A_3091 = arith.addf %add3A_3085, %get3A_3090 : vector<16xf32>
    %get3A_3092 = arith.constant 25 : i32
    %get3A_3093 = arith.index_cast %get3A_3092 : i32 to index
    %get3A_3094 = arith.constant 208 : index
    %get3A_3095 = tpu.vector_load %arg7[%get3A_3093, %get3A_3094] {strides = array<i32>} : memref<32x256xf32, #tpu.memory_space<vmem>>, vector<1x16xf32>,
    %get3A_3096 = vector.shape_cast %get3A_3095 : vector<1x16xf32> to vector<16xf32>
    %add3A_3097 = arith.addf %add3A_3091, %get3A_3096 : vector<16xf32>
    %get3A_3098 = arith.constant 26 : i32
    %get3A_3099 = arith.index_cast %get3A_3098 : i32 to index
    %get3A_3100 = arith.constant 208 : index
    %get3A_3101 = tpu.vector_load %arg7[%get3A_3099, %get3A_3100] {strides = array<i32>} : memref<32x256xf32, #tpu.memory_space<vmem>>, vector<1x16xf32>,
    %get3A_3102 = vector.shape_cast %get3A_3101 : vector<1x16xf32> to vector<16xf32>
    %add3A_3103 = arith.addf %add3A_3097, %get3A_3102 : vector<16xf32>
    %get3A_3104 = arith.constant 27 : i32
    %get3A_3105 = arith.index_cast %get3A_3104 : i32 to index
    %get3A_3106 = arith.constant 208 : index
    %get3A_3107 = tpu.vector_load %arg7[%get3A_3105, %get3A_3106] {strides = array<i32>} : memref<32x256xf32, #tpu.memory_space<vmem>>, vector<1x16xf32>,
    %get3A_3108 = vector.shape_cast %get3A_3107 : vector<1x16xf32> to vector<16xf32>
    %add3A_3109 = arith.addf %add3A_3103, %get3A_3108 : vector<16xf32>
    %get3A_3110 = arith.constant 28 : i32
    %get3A_3111 = arith.index_cast %get3A_3110 : i32 to index
    %get3A_3112 = arith.constant 208 : index
    %get3A_3113 = tpu.vector_load %arg7[%get3A_3111, %get3A_3112] {strides = array<i32>} : memref<32x256xf32, #tpu.memory_space<vmem>>, vector<1x16xf32>,
    %get3A_3114 = vector.shape_cast %get3A_3113 : vector<1x16xf32> to vector<16xf32>
    %add3A_3115 = arith.addf %add3A_3109, %get3A_3114 : vector<16xf32>
    %get3A_3116 = arith.constant 29 : i32
    %get3A_3117 = arith.index_cast %get3A_3116 : i32 to index
    %get3A_3118 = arith.constant 208 : index
    %get3A_3119 = tpu.vector_load %arg7[%get3A_3117, %get3A_3118] {strides = array<i32>} : memref<32x256xf32, #tpu.memory_space<vmem>>, vector<1x16xf32>,
    %get3A_3120 = vector.shape_cast %get3A_3119 : vector<1x16xf32> to vector<16xf32>
    %add3A_3121 = arith.addf %add3A_3115, %get3A_3120 : vector<16xf32>
    %get3A_3122 = arith.constant 30 : i32
    %get3A_3123 = arith.index_cast %get3A_3122 : i32 to index
    %get3A_3124 = arith.constant 208 : index
    %get3A_3125 = tpu.vector_load %arg7[%get3A_3123, %get3A_3124] {strides = array<i32>} : memref<32x256xf32, #tpu.memory_space<vmem>>, vector<1x16xf32>,
    %get3A_3126 = vector.shape_cast %get3A_3125 : vector<1x16xf32> to vector<16xf32>
    %add3A_3127 = arith.addf %add3A_3121, %get3A_3126 : vector<16xf32>
    %get3A_3128 = arith.constant 31 : i32
    %get3A_3129 = arith.index_cast %get3A_3128 : i32 to index
    %get3A_3130 = arith.constant 208 : index
    %get3A_3131 = tpu.vector_load %arg7[%get3A_3129, %get3A_3130] {strides = array<i32>} : memref<32x256xf32, #tpu.memory_space<vmem>>, vector<1x16xf32>,
    %get3A_3132 = vector.shape_cast %get3A_3131 : vector<1x16xf32> to vector<16xf32>
    %add3A_3133 = arith.addf %add3A_3127, %get3A_3132 : vector<16xf32>
    %mul3A_3134 = arith.constant 6.250000e-02 : f32
    %mul3A_3135 = vector.broadcast %mul3A_3134 : f32 to vector<16xf32>
    %mul3A_3136 = arith.mulf %add3A_3133, %mul3A_3135 : vector<16xf32>
    %swap3A_3137 = arith.constant 1 : i32
    %swap3A_3138 = arith.index_cast %swap3A_3137 : i32 to index
    %swap3A_3139 = arith.constant 208 : index
    %swap3A_3140 = tpu.vector_load %arg8[%swap3A_3138, %swap3A_3139] {strides = array<i32>} : memref<2x256xf32, #tpu.memory_space<vmem>>, vector<1x16xf32>,
    %swap3A_3141 = vector.shape_cast %swap3A_3140 : vector<1x16xf32> to vector<16xf32>
    %swap3A_3142 = vector.shape_cast %mul3A_3136 : vector<16xf32> to vector<1x16xf32>
    tpu.vector_store %arg8[%swap3A_3138, %swap3A_3139], %swap3A_3142 {strides = array<i32>} : memref<2x256xf32, #tpu.memory_space<vmem>>, vector<1x16xf32>,
    %get3A_3143 = arith.constant 16 : i32
    %get3A_3144 = arith.index_cast %get3A_3143 : i32 to index
    %get3A_3145 = arith.constant 224 : index
    %get3A_3146 = tpu.vector_load %arg7[%get3A_3144, %get3A_3145] {strides = array<i32>} : memref<32x256xf32, #tpu.memory_space<vmem>>, vector<1x16xf32>,
    %get3A_3147 = vector.shape_cast %get3A_3146 : vector<1x16xf32> to vector<16xf32>
    %get3A_3148 = arith.constant 17 : i32
    %get3A_3149 = arith.index_cast %get3A_3148 : i32 to index
    %get3A_3150 = arith.constant 224 : index
    %get3A_3151 = tpu.vector_load %arg7[%get3A_3149, %get3A_3150] {strides = array<i32>} : memref<32x256xf32, #tpu.memory_space<vmem>>, vector<1x16xf32>,
    %get3A_3152 = vector.shape_cast %get3A_3151 : vector<1x16xf32> to vector<16xf32>
    %add3A_3153 = arith.addf %get3A_3147, %get3A_3152 : vector<16xf32>
    %get3A_3154 = arith.constant 18 : i32
    %get3A_3155 = arith.index_cast %get3A_3154 : i32 to index
    %get3A_3156 = arith.constant 224 : index
    %get3A_3157 = tpu.vector_load %arg7[%get3A_3155, %get3A_3156] {strides = array<i32>} : memref<32x256xf32, #tpu.memory_space<vmem>>, vector<1x16xf32>,
    %get3A_3158 = vector.shape_cast %get3A_3157 : vector<1x16xf32> to vector<16xf32>
    %add3A_3159 = arith.addf %add3A_3153, %get3A_3158 : vector<16xf32>
    %get3A_3160 = arith.constant 19 : i32
    %get3A_3161 = arith.index_cast %get3A_3160 : i32 to index
    %get3A_3162 = arith.constant 224 : index
    %get3A_3163 = tpu.vector_load %arg7[%get3A_3161, %get3A_3162] {strides = array<i32>} : memref<32x256xf32, #tpu.memory_space<vmem>>, vector<1x16xf32>,
    %get3A_3164 = vector.shape_cast %get3A_3163 : vector<1x16xf32> to vector<16xf32>
    %add3A_3165 = arith.addf %add3A_3159, %get3A_3164 : vector<16xf32>
    %get3A_3166 = arith.constant 20 : i32
    %get3A_3167 = arith.index_cast %get3A_3166 : i32 to index
    %get3A_3168 = arith.constant 224 : index
    %get3A_3169 = tpu.vector_load %arg7[%get3A_3167, %get3A_3168] {strides = array<i32>} : memref<32x256xf32, #tpu.memory_space<vmem>>, vector<1x16xf32>,
    %get3A_3170 = vector.shape_cast %get3A_3169 : vector<1x16xf32> to vector<16xf32>
    %add3A_3171 = arith.addf %add3A_3165, %get3A_3170 : vector<16xf32>
    %get3A_3172 = arith.constant 21 : i32
    %get3A_3173 = arith.index_cast %get3A_3172 : i32 to index
    %get3A_3174 = arith.constant 224 : index
    %get3A_3175 = tpu.vector_load %arg7[%get3A_3173, %get3A_3174] {strides = array<i32>} : memref<32x256xf32, #tpu.memory_space<vmem>>, vector<1x16xf32>,
    %get3A_3176 = vector.shape_cast %get3A_3175 : vector<1x16xf32> to vector<16xf32>
    %add3A_3177 = arith.addf %add3A_3171, %get3A_3176 : vector<16xf32>
    %get3A_3178 = arith.constant 22 : i32
    %get3A_3179 = arith.index_cast %get3A_3178 : i32 to index
    %get3A_3180 = arith.constant 224 : index
    %get3A_3181 = tpu.vector_load %arg7[%get3A_3179, %get3A_3180] {strides = array<i32>} : memref<32x256xf32, #tpu.memory_space<vmem>>, vector<1x16xf32>,
    %get3A_3182 = vector.shape_cast %get3A_3181 : vector<1x16xf32> to vector<16xf32>
    %add3A_3183 = arith.addf %add3A_3177, %get3A_3182 : vector<16xf32>
    %get3A_3184 = arith.constant 23 : i32
    %get3A_3185 = arith.index_cast %get3A_3184 : i32 to index
    %get3A_3186 = arith.constant 224 : index
    %get3A_3187 = tpu.vector_load %arg7[%get3A_3185, %get3A_3186] {strides = array<i32>} : memref<32x256xf32, #tpu.memory_space<vmem>>, vector<1x16xf32>,
    %get3A_3188 = vector.shape_cast %get3A_3187 : vector<1x16xf32> to vector<16xf32>
    %add3A_3189 = arith.addf %add3A_3183, %get3A_3188 : vector<16xf32>
    %get3A_3190 = arith.constant 24 : i32
    %get3A_3191 = arith.index_cast %get3A_3190 : i32 to index
    %get3A_3192 = arith.constant 224 : index
    %get3A_3193 = tpu.vector_load %arg7[%get3A_3191, %get3A_3192] {strides = array<i32>} : memref<32x256xf32, #tpu.memory_space<vmem>>, vector<1x16xf32>,
    %get3A_3194 = vector.shape_cast %get3A_3193 : vector<1x16xf32> to vector<16xf32>
    %add3A_3195 = arith.addf %add3A_3189, %get3A_3194 : vector<16xf32>
    %get3A_3196 = arith.constant 25 : i32
    %get3A_3197 = arith.index_cast %get3A_3196 : i32 to index
    %get3A_3198 = arith.constant 224 : index
    %get3A_3199 = tpu.vector_load %arg7[%get3A_3197, %get3A_3198] {strides = array<i32>} : memref<32x256xf32, #tpu.memory_space<vmem>>, vector<1x16xf32>,
    %get3A_3200 = vector.shape_cast %get3A_3199 : vector<1x16xf32> to vector<16xf32>
    %add3A_3201 = arith.addf %add3A_3195, %get3A_3200 : vector<16xf32>
    %get3A_3202 = arith.constant 26 : i32
    %get3A_3203 = arith.index_cast %get3A_3202 : i32 to index
    %get3A_3204 = arith.constant 224 : index
    %get3A_3205 = tpu.vector_load %arg7[%get3A_3203, %get3A_3204] {strides = array<i32>} : memref<32x256xf32, #tpu.memory_space<vmem>>, vector<1x16xf32>,
    %get3A_3206 = vector.shape_cast %get3A_3205 : vector<1x16xf32> to vector<16xf32>
    %add3A_3207 = arith.addf %add3A_3201, %get3A_3206 : vector<16xf32>
    %get3A_3208 = arith.constant 27 : i32
    %get3A_3209 = arith.index_cast %get3A_3208 : i32 to index
    %get3A_3210 = arith.constant 224 : index
    %get3A_3211 = tpu.vector_load %arg7[%get3A_3209, %get3A_3210] {strides = array<i32>} : memref<32x256xf32, #tpu.memory_space<vmem>>, vector<1x16xf32>,
    %get3A_3212 = vector.shape_cast %get3A_3211 : vector<1x16xf32> to vector<16xf32>
    %add3A_3213 = arith.addf %add3A_3207, %get3A_3212 : vector<16xf32>
    %get3A_3214 = arith.constant 28 : i32
    %get3A_3215 = arith.index_cast %get3A_3214 : i32 to index
    %get3A_3216 = arith.constant 224 : index
    %get3A_3217 = tpu.vector_load %arg7[%get3A_3215, %get3A_3216] {strides = array<i32>} : memref<32x256xf32, #tpu.memory_space<vmem>>, vector<1x16xf32>,
    %get3A_3218 = vector.shape_cast %get3A_3217 : vector<1x16xf32> to vector<16xf32>
    %add3A_3219 = arith.addf %add3A_3213, %get3A_3218 : vector<16xf32>
    %get3A_3220 = arith.constant 29 : i32
    %get3A_3221 = arith.index_cast %get3A_3220 : i32 to index
    %get3A_3222 = arith.constant 224 : index
    %get3A_3223 = tpu.vector_load %arg7[%get3A_3221, %get3A_3222] {strides = array<i32>} : memref<32x256xf32, #tpu.memory_space<vmem>>, vector<1x16xf32>,
    %get3A_3224 = vector.shape_cast %get3A_3223 : vector<1x16xf32> to vector<16xf32>
    %add3A_3225 = arith.addf %add3A_3219, %get3A_3224 : vector<16xf32>
    %get3A_3226 = arith.constant 30 : i32
    %get3A_3227 = arith.index_cast %get3A_3226 : i32 to index
    %get3A_3228 = arith.constant 224 : index
    %get3A_3229 = tpu.vector_load %arg7[%get3A_3227, %get3A_3228] {strides = array<i32>} : memref<32x256xf32, #tpu.memory_space<vmem>>, vector<1x16xf32>,
    %get3A_3230 = vector.shape_cast %get3A_3229 : vector<1x16xf32> to vector<16xf32>
    %add3A_3231 = arith.addf %add3A_3225, %get3A_3230 : vector<16xf32>
    %get3A_3232 = arith.constant 31 : i32
    %get3A_3233 = arith.index_cast %get3A_3232 : i32 to index
    %get3A_3234 = arith.constant 224 : index
    %get3A_3235 = tpu.vector_load %arg7[%get3A_3233, %get3A_3234] {strides = array<i32>} : memref<32x256xf32, #tpu.memory_space<vmem>>, vector<1x16xf32>,
    %get3A_3236 = vector.shape_cast %get3A_3235 : vector<1x16xf32> to vector<16xf32>
    %add3A_3237 = arith.addf %add3A_3231, %get3A_3236 : vector<16xf32>
    %mul3A_3238 = arith.constant 6.250000e-02 : f32
    %mul3A_3239 = vector.broadcast %mul3A_3238 : f32 to vector<16xf32>
    %mul3A_3240 = arith.mulf %add3A_3237, %mul3A_3239 : vector<16xf32>
    %swap3A_3241 = arith.constant 1 : i32
    %swap3A_3242 = arith.index_cast %swap3A_3241 : i32 to index
    %swap3A_3243 = arith.constant 224 : index
    %swap3A_3244 = tpu.vector_load %arg8[%swap3A_3242, %swap3A_3243] {strides = array<i32>} : memref<2x256xf32, #tpu.memory_space<vmem>>, vector<1x16xf32>,
    %swap3A_3245 = vector.shape_cast %swap3A_3244 : vector<1x16xf32> to vector<16xf32>
    %swap3A_3246 = vector.shape_cast %mul3A_3240 : vector<16xf32> to vector<1x16xf32>
    tpu.vector_store %arg8[%swap3A_3242, %swap3A_3243], %swap3A_3246 {strides = array<i32>} : memref<2x256xf32, #tpu.memory_space<vmem>>, vector<1x16xf32>,
    %get3A_3247 = arith.constant 16 : i32
    %get3A_3248 = arith.index_cast %get3A_3247 : i32 to index
    %get3A_3249 = arith.constant 240 : index
    %get3A_3250 = tpu.vector_load %arg7[%get3A_3248, %get3A_3249] {strides = array<i32>} : memref<32x256xf32, #tpu.memory_space<vmem>>, vector<1x16xf32>,
    %get3A_3251 = vector.shape_cast %get3A_3250 : vector<1x16xf32> to vector<16xf32>
    %get3A_3252 = arith.constant 17 : i32
    %get3A_3253 = arith.index_cast %get3A_3252 : i32 to index
    %get3A_3254 = arith.constant 240 : index
    %get3A_3255 = tpu.vector_load %arg7[%get3A_3253, %get3A_3254] {strides = array<i32>} : memref<32x256xf32, #tpu.memory_space<vmem>>, vector<1x16xf32>,
    %get3A_3256 = vector.shape_cast %get3A_3255 : vector<1x16xf32> to vector<16xf32>
    %add3A_3257 = arith.addf %get3A_3251, %get3A_3256 : vector<16xf32>
    %get3A_3258 = arith.constant 18 : i32
    %get3A_3259 = arith.index_cast %get3A_3258 : i32 to index
    %get3A_3260 = arith.constant 240 : index
    %get3A_3261 = tpu.vector_load %arg7[%get3A_3259, %get3A_3260] {strides = array<i32>} : memref<32x256xf32, #tpu.memory_space<vmem>>, vector<1x16xf32>,
    %get3A_3262 = vector.shape_cast %get3A_3261 : vector<1x16xf32> to vector<16xf32>
    %add3A_3263 = arith.addf %add3A_3257, %get3A_3262 : vector<16xf32>
    %get3A_3264 = arith.constant 19 : i32
    %get3A_3265 = arith.index_cast %get3A_3264 : i32 to index
    %get3A_3266 = arith.constant 240 : index
    %get3A_3267 = tpu.vector_load %arg7[%get3A_3265, %get3A_3266] {strides = array<i32>} : memref<32x256xf32, #tpu.memory_space<vmem>>, vector<1x16xf32>,
    %get3A_3268 = vector.shape_cast %get3A_3267 : vector<1x16xf32> to vector<16xf32>
    %add3A_3269 = arith.addf %add3A_3263, %get3A_3268 : vector<16xf32>
    %get3A_3270 = arith.constant 20 : i32
    %get3A_3271 = arith.index_cast %get3A_3270 : i32 to index
    %get3A_3272 = arith.constant 240 : index
    %get3A_3273 = tpu.vector_load %arg7[%get3A_3271, %get3A_3272] {strides = array<i32>} : memref<32x256xf32, #tpu.memory_space<vmem>>, vector<1x16xf32>,
    %get3A_3274 = vector.shape_cast %get3A_3273 : vector<1x16xf32> to vector<16xf32>
    %add3A_3275 = arith.addf %add3A_3269, %get3A_3274 : vector<16xf32>
    %get3A_3276 = arith.constant 21 : i32
    %get3A_3277 = arith.index_cast %get3A_3276 : i32 to index
    %get3A_3278 = arith.constant 240 : index
    %get3A_3279 = tpu.vector_load %arg7[%get3A_3277, %get3A_3278] {strides = array<i32>} : memref<32x256xf32, #tpu.memory_space<vmem>>, vector<1x16xf32>,
    %get3A_3280 = vector.shape_cast %get3A_3279 : vector<1x16xf32> to vector<16xf32>
    %add3A_3281 = arith.addf %add3A_3275, %get3A_3280 : vector<16xf32>
    %get3A_3282 = arith.constant 22 : i32
    %get3A_3283 = arith.index_cast %get3A_3282 : i32 to index
    %get3A_3284 = arith.constant 240 : index
    %get3A_3285 = tpu.vector_load %arg7[%get3A_3283, %get3A_3284] {strides = array<i32>} : memref<32x256xf32, #tpu.memory_space<vmem>>, vector<1x16xf32>,
    %get3A_3286 = vector.shape_cast %get3A_3285 : vector<1x16xf32> to vector<16xf32>
    %add3A_3287 = arith.addf %add3A_3281, %get3A_3286 : vector<16xf32>
    %get3A_3288 = arith.constant 23 : i32
    %get3A_3289 = arith.index_cast %get3A_3288 : i32 to index
    %get3A_3290 = arith.constant 240 : index
    %get3A_3291 = tpu.vector_load %arg7[%get3A_3289, %get3A_3290] {strides = array<i32>} : memref<32x256xf32, #tpu.memory_space<vmem>>, vector<1x16xf32>,
    %get3A_3292 = vector.shape_cast %get3A_3291 : vector<1x16xf32> to vector<16xf32>
    %add3A_3293 = arith.addf %add3A_3287, %get3A_3292 : vector<16xf32>
    %get3A_3294 = arith.constant 24 : i32
    %get3A_3295 = arith.index_cast %get3A_3294 : i32 to index
    %get3A_3296 = arith.constant 240 : index
    %get3A_3297 = tpu.vector_load %arg7[%get3A_3295, %get3A_3296] {strides = array<i32>} : memref<32x256xf32, #tpu.memory_space<vmem>>, vector<1x16xf32>,
    %get3A_3298 = vector.shape_cast %get3A_3297 : vector<1x16xf32> to vector<16xf32>
    %add3A_3299 = arith.addf %add3A_3293, %get3A_3298 : vector<16xf32>
    %get3A_3300 = arith.constant 25 : i32
    %get3A_3301 = arith.index_cast %get3A_3300 : i32 to index
    %get3A_3302 = arith.constant 240 : index
    %get3A_3303 = tpu.vector_load %arg7[%get3A_3301, %get3A_3302] {strides = array<i32>} : memref<32x256xf32, #tpu.memory_space<vmem>>, vector<1x16xf32>,
    %get3A_3304 = vector.shape_cast %get3A_3303 : vector<1x16xf32> to vector<16xf32>
    %add3A_3305 = arith.addf %add3A_3299, %get3A_3304 : vector<16xf32>
    %get3A_3306 = arith.constant 26 : i32
    %get3A_3307 = arith.index_cast %get3A_3306 : i32 to index
    %get3A_3308 = arith.constant 240 : index
    %get3A_3309 = tpu.vector_load %arg7[%get3A_3307, %get3A_3308] {strides = array<i32>} : memref<32x256xf32, #tpu.memory_space<vmem>>, vector<1x16xf32>,
    %get3A_3310 = vector.shape_cast %get3A_3309 : vector<1x16xf32> to vector<16xf32>
    %add3A_3311 = arith.addf %add3A_3305, %get3A_3310 : vector<16xf32>
    %get3A_3312 = arith.constant 27 : i32
    %get3A_3313 = arith.index_cast %get3A_3312 : i32 to index
    %get3A_3314 = arith.constant 240 : index
    %get3A_3315 = tpu.vector_load %arg7[%get3A_3313, %get3A_3314] {strides = array<i32>} : memref<32x256xf32, #tpu.memory_space<vmem>>, vector<1x16xf32>,
    %get3A_3316 = vector.shape_cast %get3A_3315 : vector<1x16xf32> to vector<16xf32>
    %add3A_3317 = arith.addf %add3A_3311, %get3A_3316 : vector<16xf32>
    %get3A_3318 = arith.constant 28 : i32
    %get3A_3319 = arith.index_cast %get3A_3318 : i32 to index
    %get3A_3320 = arith.constant 240 : index
    %get3A_3321 = tpu.vector_load %arg7[%get3A_3319, %get3A_3320] {strides = array<i32>} : memref<32x256xf32, #tpu.memory_space<vmem>>, vector<1x16xf32>,
    %get3A_3322 = vector.shape_cast %get3A_3321 : vector<1x16xf32> to vector<16xf32>
    %add3A_3323 = arith.addf %add3A_3317, %get3A_3322 : vector<16xf32>
    %get3A_3324 = arith.constant 29 : i32
    %get3A_3325 = arith.index_cast %get3A_3324 : i32 to index
    %get3A_3326 = arith.constant 240 : index
    %get3A_3327 = tpu.vector_load %arg7[%get3A_3325, %get3A_3326] {strides = array<i32>} : memref<32x256xf32, #tpu.memory_space<vmem>>, vector<1x16xf32>,
    %get3A_3328 = vector.shape_cast %get3A_3327 : vector<1x16xf32> to vector<16xf32>
    %add3A_3329 = arith.addf %add3A_3323, %get3A_3328 : vector<16xf32>
    %get3A_3330 = arith.constant 30 : i32
    %get3A_3331 = arith.index_cast %get3A_3330 : i32 to index
    %get3A_3332 = arith.constant 240 : index
    %get3A_3333 = tpu.vector_load %arg7[%get3A_3331, %get3A_3332] {strides = array<i32>} : memref<32x256xf32, #tpu.memory_space<vmem>>, vector<1x16xf32>,
    %get3A_3334 = vector.shape_cast %get3A_3333 : vector<1x16xf32> to vector<16xf32>
    %add3A_3335 = arith.addf %add3A_3329, %get3A_3334 : vector<16xf32>
    %get3A_3336 = arith.constant 31 : i32
    %get3A_3337 = arith.index_cast %get3A_3336 : i32 to index
    %get3A_3338 = arith.constant 240 : index
    %get3A_3339 = tpu.vector_load %arg7[%get3A_3337, %get3A_3338] {strides = array<i32>} : memref<32x256xf32, #tpu.memory_space<vmem>>, vector<1x16xf32>,
    %get3A_3340 = vector.shape_cast %get3A_3339 : vector<1x16xf32> to vector<16xf32>
    %add3A_3341 = arith.addf %add3A_3335, %get3A_3340 : vector<16xf32>
    %mul3A_3342 = arith.constant 6.250000e-02 : f32
    %mul3A_3343 = vector.broadcast %mul3A_3342 : f32 to vector<16xf32>
    %mul3A_3344 = arith.mulf %add3A_3341, %mul3A_3343 : vector<16xf32>
    %swap3A_3345 = arith.constant 1 : i32
    %swap3A_3346 = arith.index_cast %swap3A_3345 : i32 to index
    %swap3A_3347 = arith.constant 240 : index
    %swap3A_3348 = tpu.vector_load %arg8[%swap3A_3346, %swap3A_3347] {strides = array<i32>} : memref<2x256xf32, #tpu.memory_space<vmem>>, vector<1x16xf32>,
    %swap3A_3349 = vector.shape_cast %swap3A_3348 : vector<1x16xf32> to vector<16xf32>
    %swap3A_3350 = vector.shape_cast %mul3A_3344 : vector<16xf32> to vector<1x16xf32>
    tpu.vector_store %arg8[%swap3A_3346, %swap3A_3347], %swap3A_3350 {strides = array<i32>} : memref<2x256xf32, #tpu.memory_space<vmem>>, vector<1x16xf32>,
    "tpu.region"() ({
      %run_scoped3A = tpu.sem_alloc : memref<!tpu.dma_semaphore, #tpu.memory_space<semaphore_mem>>
      %dma_start3A_3351 = arith.constant 0 : i32
      %dma_start3A_3352 = tpu.memref_slice %arg4[%mul3A_2, %dma_start3A_3351] : memref<64x256xf32, #tpu.memory_space<hbm>> -> memref<2x256xf32, #tpu.memory_space<hbm>>
      %dma_start3A_3353 = arith.constant 0 : i32
      %dma_start3A_3354 = tpu.memref_slice %arg4[%mul3A_2, %dma_start3A_3353] : memref<64x256xf32, #tpu.memory_space<hbm>> -> memref<2x256xf32, #tpu.memory_space<hbm>>
      tpu.enqueue_dma source(%arg8 : memref<2x256xf32, #tpu.memory_space<vmem>>) target(%dma_start3A_3354 : memref<2x256xf32, #tpu.memory_space<hbm>>) target_semaphore(%run_scoped3A : memref<!tpu.dma_semaphore, #tpu.memory_space<semaphore_mem>>)
      %dma_wait3A_3355 = arith.constant 0 : i32
      %dma_wait3A_3356 = tpu.memref_slice %arg4[%mul3A_2, %dma_wait3A_3355] : memref<64x256xf32, #tpu.memory_space<hbm>> -> memref<2x256xf32, #tpu.memory_space<hbm>>
      %dma_wait3A_3357 = arith.constant 0 : i32
      %dma_wait3A_3358 = tpu.memref_slice %arg4[%mul3A_2, %dma_wait3A_3357] : memref<64x256xf32, #tpu.memory_space<hbm>> -> memref<2x256xf32, #tpu.memory_space<hbm>>
      tpu.wait_dma2 semaphore(%run_scoped3A : memref<!tpu.dma_semaphore, #tpu.memory_space<semaphore_mem>>) src(%arg8 : memref<2x256xf32, #tpu.memory_space<vmem>>) dst(%dma_wait3A_3358 : memref<2x256xf32, #tpu.memory_space<hbm>>)
      tpu.yield
    }) : () -> ()
    return
  }
}

module attributes {stable_mosaic.version = 14 : i64} {
  func.func @_dist_argmin_body(%arg0: i32, %arg1: i32, %arg2: memref<64x16x256xf32, #tpu.memory_space<vmem>>, %arg3: memref<1x8192x256xf32, #tpu.memory_space<vmem>>, %arg4: memref<64x16xi32, #tpu.memory_space<vmem>>, %arg5: memref<64x1xf32, #tpu.memory_space<vmem>>, %arg6: memref<64x1xi32, #tpu.memory_space<vmem>>) attributes {dimension_semantics = [#tpu.dimension_semantics<arbitrary>, #tpu.dimension_semantics<arbitrary>], iteration_bounds = array<i64: 16, 1>, scalar_prefetch = 0 : i64, scratch_operands = 2 : i64, tpu.core_type = #tpu.core_type<tc>, window_params = [{pipeline_mode = #tpu.pipeline_mode<synchronous>, transform_indices = @transform_0, window_bounds = array<i64: 64, 16, 256>}, {transform_indices = @transform_1, window_bounds = array<i64: 1, 8192, 256>}, {pipeline_mode = #tpu.pipeline_mode<synchronous>, transform_indices = @transform_2, window_bounds = array<i64: 64, 16>}]} {
    %get3A = arith.constant 0 : index
    %get3A_0 = arith.index_cast %arg0 : i32 to index
    %get3A_1 = arith.constant 0 : index
    %get3A_2 = vector.load %arg2[%get3A, %get3A_0, %get3A_1] : memref<64x16x256xf32, #tpu.memory_space<vmem>>, vector<64x1x256xf32>
    %get3A_3 = vector.shape_cast %get3A_2 : vector<64x1x256xf32> to vector<64x256xf32>
    %eq3A = arith.constant 0 : i32
    %eq3A_4 = arith.cmpi eq, %arg1, %eq3A : i32
    %convert_element_type3A = arith.extui %eq3A_4 : i1 to i32
    %cond3A = arith.constant 0 : i32
    %cond3A_5 = arith.cmpi ne, %convert_element_type3A, %cond3A : i32
    scf.if %cond3A_5 {
      %broadcast_in_dim3A_58 = arith.constant 0x7F800000 : f32
      %broadcast_in_dim3A_59 = vector.broadcast %broadcast_in_dim3A_58 : f32 to vector<64x1xf32>
      %swap3A_60 = arith.constant 0 : index
      %swap3A_61 = arith.constant 0 : index
      %swap3A_62 = vector.load %arg5[%swap3A_60, %swap3A_61] : memref<64x1xf32, #tpu.memory_space<vmem>>, vector<64x1xf32>
      tpu.vector_store %arg5[%swap3A_60, %swap3A_61], %broadcast_in_dim3A_59 {strides = array<i32>} : memref<64x1xf32, #tpu.memory_space<vmem>>, vector<64x1xf32>,
      %broadcast_in_dim3A_63 = arith.constant 0 : i32
      %broadcast_in_dim3A_64 = vector.broadcast %broadcast_in_dim3A_63 : i32 to vector<64x1xi32>
      %swap3A_65 = arith.constant 0 : index
      %swap3A_66 = arith.constant 0 : index
      %swap3A_67 = vector.load %arg6[%swap3A_65, %swap3A_66] : memref<64x1xi32, #tpu.memory_space<vmem>>, vector<64x1xi32>
      tpu.vector_store %arg6[%swap3A_65, %swap3A_66], %broadcast_in_dim3A_64 {strides = array<i32>} : memref<64x1xi32, #tpu.memory_space<vmem>>, vector<64x1xi32>,
    } else {
    }
    %get3A_6 = arith.constant 0 : index
    %get3A_7 = arith.constant 0 : index
    %get3A_8 = arith.constant 0 : index
    %get3A_9 = vector.load %arg3[%get3A_6, %get3A_7, %get3A_8] : memref<1x8192x256xf32, #tpu.memory_space<vmem>>, vector<1x8192x256xf32>
    %get3A_10 = vector.shape_cast %get3A_9 : vector<1x8192x256xf32> to vector<8192x256xf32>
    %dot_general3A = arith.constant dense<0.000000e+00> : vector<64x8192xf32>
    %dot_general3A_11 = tpu.matmul %get3A_3, %get3A_10, %dot_general3A {dimension_numbers = #tpu.dot_dimension_numbers<[1], [1], [0], [0], [0, 0, 1, 0], [], []>, transpose_lhs_hint = false} : vector<64x256xf32>, vector<8192x256xf32>, vector<64x8192xf32> -> vector<64x8192xf32>
    %broadcast_in_dim3A = arith.constant 1.000000e+00 : f32
    %broadcast_in_dim3A_12 = vector.broadcast %broadcast_in_dim3A : f32 to vector<1x256xf32>
    %mul3A = arith.mulf %get3A_10, %get3A_10 : vector<8192x256xf32>
    %convert_element_type3A_13 = arith.truncf %mul3A : vector<8192x256xf32> to vector<8192x256xbf16>
    %convert_element_type3A_14 = arith.extf %convert_element_type3A_13 : vector<8192x256xbf16> to vector<8192x256xf32>
    %sub3A = arith.subf %mul3A, %convert_element_type3A_14 : vector<8192x256xf32>
    %dot_general3A_15 = arith.constant dense<0.000000e+00> : vector<1x8192xf32>
    %dot_general3A_16 = tpu.matmul %broadcast_in_dim3A_12, %convert_element_type3A_14, %dot_general3A_15 {dimension_numbers = #tpu.dot_dimension_numbers<[1], [1], [0], [0], [0, 0, 1, 0], [], []>, transpose_lhs_hint = false} : vector<1x256xf32>, vector<8192x256xf32>, vector<1x8192xf32> -> vector<1x8192xf32>
    %dot_general3A_17 = arith.constant dense<0.000000e+00> : vector<1x8192xf32>
    %dot_general3A_18 = tpu.matmul %broadcast_in_dim3A_12, %sub3A, %dot_general3A_17 {dimension_numbers = #tpu.dot_dimension_numbers<[1], [1], [0], [0], [0, 0, 1, 0], [], []>, transpose_lhs_hint = false} : vector<1x256xf32>, vector<8192x256xf32>, vector<1x8192xf32> -> vector<1x8192xf32>
    %add3A = arith.addf %dot_general3A_16, %dot_general3A_18 : vector<1x8192xf32>
    %mul3A_19 = arith.mulf %get3A_3, %get3A_3 : vector<64x256xf32>
    %reduce_sum3A = arith.constant dense<0.000000e+00> : vector<64xf32>
    %reduce_sum3A_20 = vector.multi_reduction <add>, %mul3A_19, %reduce_sum3A [1] : vector<64x256xf32> to vector<64xf32>
    %broadcast_in_dim3A_21 = vector.shape_cast %reduce_sum3A_20 : vector<64xf32> to vector<64x1xf32>
    %mul3A_22 = arith.constant 2.000000e+00 : f32
    %mul3A_23 = vector.broadcast %mul3A_22 : f32 to vector<64x8192xf32>
    %mul3A_24 = arith.mulf %mul3A_23, %dot_general3A_11 : vector<64x8192xf32>
    %sub3A_25 = vector.broadcast %add3A : vector<1x8192xf32> to vector<64x8192xf32>
    %sub3A_26 = arith.subf %sub3A_25, %mul3A_24 : vector<64x8192xf32>
    %add3A_27 = vector.broadcast %broadcast_in_dim3A_21 : vector<64x1xf32> to vector<64x8192xf32>
    %add3A_28 = arith.addf %add3A_27, %sub3A_26 : vector<64x8192xf32>
    %max3A = arith.constant 0.000000e+00 : f32
    %max3A_29 = vector.broadcast %max3A : f32 to vector<64x8192xf32>
    %max3A_30 = arith.maximumf %add3A_28, %max3A_29 : vector<64x8192xf32>
    %reduce_min3A = arith.constant dense<0x7F800000> : vector<64xf32>
    %reduce_min3A_31 = vector.multi_reduction <minimumf>, %max3A_30, %reduce_min3A [1] : vector<64x8192xf32> to vector<64xf32>
    %broadcast_in_dim3A_32 = vector.shape_cast %reduce_min3A_31 : vector<64xf32> to vector<64x1xf32>
    %argmin3A = tpu.reduce_index %max3A_30 {axis = 1 : i32, kind = #tpu.reduction_kind<arg_min>} : vector<64x8192xf32> -> vector<64xi32>
    %broadcast_in_dim3A_33 = vector.shape_cast %argmin3A : vector<64xi32> to vector<64x1xi32>
    %mul3A_34 = arith.constant 8192 : i32
    %mul3A_35 = arith.muli %arg1, %mul3A_34 : i32
    %add3A_36 = vector.broadcast %mul3A_35 : i32 to vector<64x1xi32>
    %add3A_37 = arith.addi %broadcast_in_dim3A_33, %add3A_36 : vector<64x1xi32>
    %get3A_38 = arith.constant 0 : index
    %get3A_39 = arith.constant 0 : index
    %get3A_40 = vector.load %arg5[%get3A_38, %get3A_39] : memref<64x1xf32, #tpu.memory_space<vmem>>, vector<64x1xf32>
    %lt3A = arith.cmpf olt, %broadcast_in_dim3A_32, %get3A_40 : vector<64x1xf32>
    %get3A_41 = arith.constant 0 : index
    %get3A_42 = arith.constant 0 : index
    %get3A_43 = vector.load %arg6[%get3A_41, %get3A_42] : memref<64x1xi32, #tpu.memory_space<vmem>>, vector<64x1xi32>
    %select_n3A = arith.select %lt3A, %add3A_37, %get3A_43 : vector<64x1xi1>, vector<64x1xi32>
    %swap3A = arith.constant 0 : index
    %swap3A_44 = arith.constant 0 : index
    %swap3A_45 = vector.load %arg6[%swap3A, %swap3A_44] : memref<64x1xi32, #tpu.memory_space<vmem>>, vector<64x1xi32>
    tpu.vector_store %arg6[%swap3A, %swap3A_44], %select_n3A {strides = array<i32>} : memref<64x1xi32, #tpu.memory_space<vmem>>, vector<64x1xi32>,
    %get3A_46 = arith.constant 0 : index
    %get3A_47 = arith.constant 0 : index
    %get3A_48 = vector.load %arg5[%get3A_46, %get3A_47] : memref<64x1xf32, #tpu.memory_space<vmem>>, vector<64x1xf32>
    %select_n3A_49 = arith.select %lt3A, %broadcast_in_dim3A_32, %get3A_48 : vector<64x1xi1>, vector<64x1xf32>
    %swap3A_50 = arith.constant 0 : index
    %swap3A_51 = arith.constant 0 : index
    %swap3A_52 = vector.load %arg5[%swap3A_50, %swap3A_51] : memref<64x1xf32, #tpu.memory_space<vmem>>, vector<64x1xf32>
    tpu.vector_store %arg5[%swap3A_50, %swap3A_51], %select_n3A_49 {strides = array<i32>} : memref<64x1xf32, #tpu.memory_space<vmem>>, vector<64x1xf32>,
    %eq3A_53 = arith.constant 0 : i32
    %eq3A_54 = arith.cmpi eq, %arg1, %eq3A_53 : i32
    %convert_element_type3A_55 = arith.extui %eq3A_54 : i1 to i32
    %cond3A_56 = arith.constant 0 : i32
    %cond3A_57 = arith.cmpi ne, %convert_element_type3A_55, %cond3A_56 : i32
    scf.if %cond3A_57 {
      %iota3A = tpu.iota {dimensions = array<i32: 1>} : vector<64x16xi32>
      %eq3A_58 = vector.broadcast %arg0 : i32 to vector<64x16xi32>
      %eq3A_59 = arith.cmpi eq, %iota3A, %eq3A_58 : vector<64x16xi32>
      %get3A_60 = arith.constant 0 : index
      %get3A_61 = arith.constant 0 : index
      %get3A_62 = vector.load %arg6[%get3A_60, %get3A_61] : memref<64x1xi32, #tpu.memory_space<vmem>>, vector<64x1xi32>
      %mul3A_63 = arith.constant 8192 : i32
      %mul3A_64 = arith.muli %arg0, %mul3A_63 : i32
      %add3A_65 = vector.broadcast %mul3A_64 : i32 to vector<64x1xi32>
      %add3A_66 = arith.addi %get3A_62, %add3A_65 : vector<64x1xi32>
      %get3A_67 = arith.constant 0 : index
      %get3A_68 = arith.constant 0 : index
      %get3A_69 = vector.load %arg4[%get3A_67, %get3A_68] : memref<64x16xi32, #tpu.memory_space<vmem>>, vector<64x16xi32>
      %broadcast_in_dim3A_70 = vector.shape_cast %add3A_66 : vector<64x1xi32> to vector<64x1xi32>
      %broadcast_in_dim3A_71 = vector.broadcast %broadcast_in_dim3A_70 : vector<64x1xi32> to vector<64x16xi32>
      %select_n3A_72 = arith.select %eq3A_59, %broadcast_in_dim3A_71, %get3A_69 : vector<64x16xi1>, vector<64x16xi32>
      %swap3A_73 = arith.constant 0 : index
      %swap3A_74 = arith.constant 0 : index
      %swap3A_75 = vector.load %arg4[%swap3A_73, %swap3A_74] : memref<64x16xi32, #tpu.memory_space<vmem>>, vector<64x16xi32>
      tpu.vector_store %arg4[%swap3A_73, %swap3A_74], %select_n3A_72 {strides = array<i32>} : memref<64x16xi32, #tpu.memory_space<vmem>>, vector<64x16xi32>,
    } else {
    }
    return
  }
  func.func @transform_0(%arg0: i32, %arg1: i32) -> (i32, i32, i32) {
    %c0_i32 = arith.constant 0 : i32
    %c0_i32_0 = arith.constant 0 : i32
    %c0_i32_1 = arith.constant 0 : i32
    %c0_i32_2 = arith.constant 0 : i32
    return %c0_i32, %c0_i32_0, %c0_i32_1 : i32, i32, i32
  }
  func.func @transform_1(%arg0: i32, %arg1: i32) -> (i32, i32, i32) {
    %c0_i32 = arith.constant 0 : i32
    %c0_i32_0 = arith.constant 0 : i32
    return %arg0, %arg1, %c0_i32 : i32, i32, i32
  }
  func.func @transform_2(%arg0: i32, %arg1: i32) -> (i32, i32) {
    %c0_i32 = arith.constant 0 : i32
    %c0_i32_0 = arith.constant 0 : i32
    %c0_i32_1 = arith.constant 0 : i32
    return %c0_i32, %c0_i32_0 : i32, i32
  }
}

</mosaic_0001>

<sc_bundles>
// kernel: kernel.4.cloned.1.call-start
scs
__scs_entry_jumppad:
0x0: {  	(pc) =	sbr.rel $0x88, $3  }
0x1: {  	(tag) =	ssettag $0x0;
	lr =	simm.s32 $0x1  }
0x2: {  	[smem:$0x3F9E] =	sst lr;
	_ =	strace $0xD0000000  }
0x3: {  	_ = 	snop  }
0x4: {  	_ = 	snop  }
0x5: {  	_ = 	snop  }
0x6: {  	_ = 	snop  }
0x7: {  	_ = 	snop  }
__scs_overlays_trampoline_lowered:
0x8: {  	[smem:$0x3FAD] =	sst s0  }
0x9: {  	[smem:$0x3FAE] =	sst s1  }
0xa: {  	[smem:$0x3FAF] =	sst s2  }
0xb: {  	[smem:$0x3FB0] =	sst s3  }
0xc: {  	[smem:$0x3FB1] =	sst s4  }
0xd: {  	[smem:$0x3FB2] =	sst s5  }
0xe: {  	[smem:$0x3FB3] =	sst s6  }
0xf: {  	[smem:$0x3FB4] =	sst s7  }
0x10: {  	[smem:$0x3FB5] =	sst s8  }
0x11: {  	[smem:$0x3FB6] =	sst s9;
	s0 =	simm.s32 @!p0 $0x0  }
0x12: {  	s1 =	sld [smem:$0x3F9C];
	s0 =	simm.s32 @p0 $0x1  }
0x13: {  	[smem:$0x3FB7] =	sst s0;
	s0 =	simm.s32 @!p1 $0x0  }
0x14: {  	s2 =	sld [smem:$0x3F9B];
	s0 =	simm.s32 @p1 $0x1  }
0x15: {  	[smem:$0x3FB8] =	sst s0;
	s0 =	simm.s32 @!p2 $0x0  }
0x16: {  	s3 =	sld [smem:$0x3FDB];
	s0 =	simm.s32 @p2 $0x1  }
0x17: {  	s4 =	simm.s32 $0x1BF5;
	[smem:$0x3FBA] =	sst s0  }
0x18: {  	s0 =	sld [smem:$0x3F9D];
	_ =	swait.ge [sflag:s4], $0x0  }
0x19: {  	s7 =	sld [smem:$0x3F9E]  }
0x1a: {  	s8 =	sadd.s32 $0xFFFFE003, lr  }
0x1b: {  	s9 =	sadd.s32 $0xFFFFFEF7, lr;
	s5 =	simm.s32 $0xFFFFFFFF;
	p2 =	slt.u32 s8, $0xFFFFF086  }
0x1c: {  	p1 =	slt.u32 s9, $0xF7A;
	s5 =	simm.s32 @!p2 $0x0  }
0x1d: {  	s5 =	simm.s32 @p1 $0x1;
	p0 =	seq.s32 s7, s2  }
0x1e: {  	s7 =	smul.u32 @!p0 $0xF7A, s2;
	p2 =	seq.s32 @!p0 s5, $0x0  }
0x1f: {  	s9 =	smul.u32 $0xF7A, s1;
	s8 =	simm.s32 @!p0 $0x1BF5;
	p2 =	por !p2, p0  }
0x20: {  	[sflag:s8] =	ssyncset.s32 @!p0 $0xFFFFF086;
	s6 =	sadd.s32 @!p0 s3, s7;
	s7 =	simm.s32 @!p0 $0x108  }
0x21: {  	s3 =	sadd.s32 s3, s9;
	s6 =	sadd.s32 @!p0 $0x88, s6;
	s7 =	simm.s32 @p2 $0x1082  }
0x22: {  	[simem:s7], [sflag:s8] =	dma.local @!p0 [hbm:s6], $0xF7A  }
0x23: {  	s9 =	sor.u32 $0xD0000000, s2;
	s6 =	simm.s32 $0x108;
	_ =	swait.ge @!p0 [sflag:s8], $0x0  }
0x24: {  	s3 =	sadd.s32 $0x88, s3;
	s6 =	simm.s32 @!p1 $0x1082;
	[sflag:s4] =	ssyncset.s32 $0xFFFFF086  }
0x25: {  	[simem:s6], [sflag:s4] =	dma.local [hbm:s3], $0xF7A  }
0x26: {  	[smem:$0x3F9E] =	sst s1;
	(tag) =	ssettag s2;
	_ =	strace s9  }
0x27: {  	s1 =	sld [smem:$0x3FAE]  }
0x28: {  	s2 =	sld [smem:$0x3FAF]  }
0x29: {  	s4 =	sld [smem:$0x3FB1]  }
0x2a: {  	p0 =	seq.s32 s5, $0x0;
	s5 =	sld [smem:$0x3FB2]  }
0x2b: {  	s6 =	sld [smem:$0x3FB3]  }
0x2c: {  	s7 =	sld [smem:$0x3FB4]  }
0x2d: {  	s3 =	simm.s32 $0x108;
	s8 =	sld [smem:$0x3FB5]  }
0x2e: {  	s3 =	simm.s32 @!p0 $0x1082;
	s9 =	sld [smem:$0x3FB6]  }
0x2f: {  	lr =	sadd.s32 s0, s3;
	s0 =	sld [smem:$0x3FAD]  }
0x30: {  	s3 =	sld [smem:$0x3FB0]  }
0x31: {  	[smem:$0x3FB9] =	sst s10  }
0x32: {  	s10 =	sld [smem:$0x3FB7];
	_ =	sdelay $0x3  }
0x33: {  	p0 =	seq.s32 s10, $0x1;
	s10 =	sld [smem:$0x3FB9];
	_ =	sdelay $0x3  }
0x34: {  	[smem:$0x3FB9] =	sst s10  }
0x35: {  	s10 =	sld [smem:$0x3FB8];
	_ =	sdelay $0x3  }
0x36: {  	p1 =	seq.s32 s10, $0x1;
	s10 =	sld [smem:$0x3FB9];
	_ =	sdelay $0x3  }
0x37: {  	[smem:$0x3FB9] =	sst s10  }
0x38: {  	s10 =	sld [smem:$0x3FBA]  }
0x39: {  	_ = 	snop;
	(pc) =	sbr.ind lr, $3  }
0x3a: {  	_ = 	snop  }
0x3b: {  	_ = 	snop  }
0x3c: {  	p2 =	seq.s32 s10, $0x1;
	s10 =	sld [smem:$0x3FB9]  }
0x3d: {  	_ =	shalt  }
0x3e: {  	_ =	shalt  }
0x3f: {  	_ =	shalt  }
0x40: {  	_ =	shalt  }
0x41: {  	_ =	shalt  }
0x42: {  	_ =	shalt  }
0x43: {  	_ =	shalt  }
0x44: {  	_ =	shalt  }
0x45: {  	_ =	shalt  }
0x46: {  	_ =	shalt  }
0x47: {  	_ =	shalt  }
0x48: {  	_ =	shalt  }
0x49: {  	_ =	shalt  }
0x4a: {  	_ =	shalt  }
0x4b: {  	_ =	shalt  }
0x4c: {  	_ =	shalt  }
0x4d: {  	_ =	shalt  }
0x4e: {  	_ =	shalt  }
0x4f: {  	_ =	shalt  }
0x50: {  	_ =	shalt  }
0x51: {  	_ =	shalt  }
0x52: {  	_ =	shalt  }
0x53: {  	_ =	shalt  }
0x54: {  	_ =	shalt  }
0x55: {  	_ =	shalt  }
0x56: {  	_ =	shalt  }
0x57: {  	_ =	shalt  }
0x58: {  	_ =	shalt  }
0x59: {  	_ =	shalt  }
0x5a: {  	_ =	shalt  }
0x5b: {  	_ =	shalt  }
0x5c: {  	_ =	shalt  }
0x5d: {  	_ =	shalt  }
0x5e: {  	_ =	shalt  }
0x5f: {  	_ =	shalt  }
0x60: {  	_ =	shalt  }
0x61: {  	_ =	shalt  }
0x62: {  	_ =	shalt  }
0x63: {  	_ =	shalt  }
0x64: {  	_ =	shalt  }
0x65: {  	_ =	shalt  }
0x66: {  	_ =	shalt  }
0x67: {  	_ =	shalt  }
0x68: {  	_ =	shalt  }
0x69: {  	_ =	shalt  }
0x6a: {  	_ =	shalt  }
0x6b: {  	_ =	shalt  }
0x6c: {  	_ =	shalt  }
0x6d: {  	_ =	shalt  }
0x6e: {  	_ =	shalt  }
0x6f: {  	_ =	shalt  }
0x70: {  	_ =	shalt  }
0x71: {  	_ =	shalt  }
0x72: {  	_ =	shalt  }
0x73: {  	_ =	shalt  }
0x74: {  	_ =	shalt  }
0x75: {  	_ =	shalt  }
0x76: {  	_ =	shalt  }
0x77: {  	_ =	shalt  }
0x78: {  	_ =	shalt  }
0x79: {  	_ =	shalt  }
0x7a: {  	_ =	shalt  }
0x7b: {  	_ =	shalt  }
0x7c: {  	_ =	shalt  }
0x7d: {  	_ =	shalt  }
0x7e: {  	_ =	shalt  }
0x7f: {  	_ =	shalt  }
0x80: {  	_ =	shalt  }
0x81: {  	_ =	shalt  }
0x82: {  	_ =	shalt  }
0x83: {  	_ =	shalt  }
0x84: {  	_ =	shalt  }
0x85: {  	_ =	shalt  }
0x86: {  	_ =	shalt  }
0x87: {  	_ =	shalt  }
.Lfunc_end0:
.L_simem_size_0:
called_computation_lowered:
.L_overlay_start_0:
0x88: {  	s2 =	sld [smem:$0x3FD9]  }
0x89: {  	s3 =	sld [smem:$0x3FFE];
	_ =	sdelay $0x1  }
0x8a: {  	s1 =	srdreg.scid  }
0x8b: {  	s0 =	sand.u32 $0x1, s1  }
0x8c: {  	s17 =	sshll.u32 s0, $0xA;
	s2 =	sadd.s32 s3, s2  }
0x8d: {  	s2 =	sadd.s32 s2, s17  }
0x8e: {  	[smem:$0x3FC5] =	sst s2  }
0x8f: {  	_ = 	snop  }
0x90: {  	s2 =	sld [smem:$0x3FC7]  }
0x91: {  	s18 =	sld [smem:$0x3FD0];
	(tm) =	ssettm $0x1  }
0x92: {  	s4 =	sld [smem:$0x3FFB];
	_ =	sdelay $0x3  }
0x93: {  	_ =	strace s4  }
0x94: {  	s4 =	sld [smem:$0x3FFC];
	_ =	sdelay $0x3  }
0x95: {  	_ =	strace s4  }
0x96: {  	s4 =	sld [smem:$0x3FFD];
	_ =	sdelay $0x3  }
0x97: {  	_ =	strace s4  }
0x98: {  	_ =	strace $0x8FFFFFFF  }
0x99: {  	s19 =	sld [smem:$0x3FDB];
	_ =	sdelay $0x1  }
0x9a: {  	s5 =	simm.s32 $_scs_section_size  }
0x9b: {  	s6 =	simm.s32 $_size__tile_overlayer_lowered;
	s7 =	simm.s32 $_tile_overlayer_lowered  }
0x9c: {  	s22 =	simm.s32 $0x1BFF;
	s21 =	sshll.u32 s7, $0x1;
	s4 =	sadd.s32 s5, s19  }
0x9d: {  	s8 =	simm.s32 $0x0;
	s20 =	sshll.u32 s6, $0x1;
	s6 =	sadd.s32 s21, s4  }
0x9e: {  	[timem:s8], [sflag:s22] =	dma.local [hbm:s6], s20  }
0x9f: {  	_ =	swait.ge [sflag:s22], s20  }
0xa0: {  	s5 =	ssub.s32 $0x0, s20;
	[sflag:s22] =	ssyncset.done $0x0  }
0xa1: {  	[sflag:s22] =	ssyncadd.s32 s5;
	_ =	sdelay $0x1  }
0xa2: {  	s23 =	simm.s32 $0x1B8B  }
0xa3: {  	_ =	swait.ge [sflag:s23], $0x1  }
0xa4: {  	[sflag:s23] =	ssyncset.done $0x0  }
0xa5: {  	s25 =	simm.s32 $0x1B8E;
	s24 =	sld [smem:$0x3FFE];
	[sflag:s23] =	ssyncadd.s32 $0xFFFFFFFF  }
0xa6: {  	s26 =	simm.s32 $execute0_lowered;
	[smem:$0x3FD2] =	sst s25  }
0xa7: {  	s6 =	sshll.u32 s26, $0x1;
	_ =	strace $0x80000046;
	[dreg:$0x1] =	wrdreg $0xFFFFFFFF  }
0xa8: {  	s28 =	simm.s32 $_size_execute0_lowered;
	s4 =	sadd.s32 s4, s6;
	[dreg:$0x0] =	wrdreg $0x0  }
0xa9: {  	s6 =	sshll.u32 s28, $0x1;
	[dreg:$0x2] =	wrdreg s4  }
0xaa: {  	[dreg:$0x3] =	wrdreg s6  }
0xab: {  	[dreg:$0x4] =	wrdreg $0xC0  }
0xac: {  	_ =	task [dreg:s8], $0x5FFFF  }
0xad: {  	[dreg:$0x1] =	wrdreg $0xFFFFFFFF  }
0xae: {  	[dreg:$0x0] =	wrdreg $0x60  }
0xaf: {  	[dreg:$0x2] =	wrdreg s24  }
0xb0: {  	[dreg:$0x3] =	wrdreg s2  }
0xb1: {  	[dreg:$0x4] =	wrdreg s18  }
0xb2: {  	[dreg:$0x5] =	wrdreg $0x9  }
0xb3: {  	_ =	task.clear_ibuf [dreg:s8], $0x6FFFF;
	_ =	strace $0x90000046  }
0xb4: {  	s29 =	simm.s32 $0x9;
	_ =	strace $0x80000048  }
0xb5: {  	_ =	swait.ge [sflag:s29], $0x1  }
0xb6: {  	[sflag:s29] =	ssyncadd.s32 $0xFFFFFFFF  }
0xb7: {  	_ =	strace $0x90000048  }
0xb8: {  	_ =	sfence  }
0xb9: {  	s30 =	sld [smem:$0x0];
	_ =	sdelay $0x2  }
0xba: {  	s31 =	sshll.u32 s1, $0xD;
	s1 =	sshrl.u32 s1, $0x2  }
0xbb: {  	s3 =	sand.u32 $0x4000, s31;
	s1 =	sadd.s32 s1, s30  }
0xbc: {  	s0 =	sor.u32 s3, s0;
	s1 =	sshll.u32 s1, $0x11  }
0xbd: {  	s0 =	sor.u32 s1, s0  }
0xbe: {  	s0 =	sadd.s32 $0x8F2B, s0  }
0xbf: {  	[sflag:s0] =	ssyncadd.remote.s32 $0x1  }
0xc0: {  	_ =	sfence.sel $0xFFFF  }
0xc1: {  	[dreg:$0x0] =	wrdreg $0xFFFFFFFF;
	(pc) =	sbr.abs _section_cstart, $3  }
0xc2: {  	[dreg:$0x1] =	wrdreg $0xFFFFFFFF  }
0xc3: {  	_ =	task.clear_ibuf [dreg:s8], $0x2FFFF;
	_ =	strace $0x9FFFFFFF  }
0xc4: {  	(tm) =	ssettm $0x7FFFFFFF  }
0xc5: {  	_ =	shalt  }
tec
execute0_lowered:
.L_overlay_start_1:
0x0: {  	(tag) =	ssettag $0x1  }
0x1: {  	s4 =	rddreg [dreg:$0x0]  }
0x2: {  	s1 =	rddreg [dreg:$0x1]  }
0x3: {  	s5 =	rddreg [dreg:$0x2]  }
0x4: {  	s0 =	rddreg [dreg:$0x3]  }
0x5: {  	s3 =	simm.s32 $0x0;
	s6 =	srdreg.scid;
	s2 =	stileid.u32  }
0x6: {  	s11 =	simm.s32 $0x1980;
	s12 =	simm.s32 $0x1;
	s13 =	simm.s32 $0x100  }
0x7: {  	s14 =	simm.s32 $0x400;
	s15 =	simm.s32 $0x2180;
	[smem:$0x7FF] =	sst s3  }
0x8: {  	s6 =	sand.u32 $0x1, s6;
	s7 =	sshll.u32 s2, $0x9;
	s9 =	sshrl.u32 s2, $0x1  }
0x9: {  	s8 =	sshll.u32 s6, $0x8;
	s7 =	sand.u32 $0x200, s7;
	_ =	strace $0x80000047  }
0xa: {  	s10 =	sshll.u32 s9, $0xA;
	s6 =	ssub.s32 $0x2, s6;
	s7 =	sor.u32 s8, s7  }
0xb: {  	v0 =	vlaneseq.u32;
	s9 =	sshll.u32 s9, $0xB;
	s31 =	sshrl.u32 s6, $0x1;
	s8 =	sor.u32 s10, s7  }
0xc: {  	v1 =	vand.u32 $0x7, v0;
	v63 =	vshrl.u32 v0, $0x3;
	s7 =	sor.u32 s9, s7;
	s6 =	ssub.s32 s6, s31;
	s9 =	simm.s32 $0x980  }
0xd: {  	v0 =	vor.u32 $0x8, v0;
	[tilespmem:$0x1FFD0] =	vst v1;
	v1 =	vmul.u32 $0x8, v63;
	s10 =	simm.s32 $0x1180;
	s8 =	sshrl.u32 s8, $0x3;
	s7 =	sshrl.u32 s7, $0x3  }
0xe: {  	[tilespmem:$0x1FFF0] =	vst v0;
	s6 =	smax.u32 s6, $0x1;
	s4 =	sadd.s32 s8, s4;
	s5 =	sadd.s32 s5, s7  }
0xf: {  	vm0 =	vmmov $0xffff;
	[tilespmem:$0x1FFE0] =	vst v1;
	s7 =	simm.s32 $0x2;
	s8 =	simm.s32 $0x180;
	s4 =	sadd.s32 $0x800, s4  }
.LBB2_1:
0x10: {  	[tilespmem:s3], [sflag:$0x2] =	stream.linear.gather [hbm4b:s4+s3], $0x100, $0x38;
	[tilespmem:$0x2380] =	vst v63  }
0x11: {  	_ =	swait.ge [sflag:s7], $0x100  }
0x12: {  	[sflag:s7] =	ssyncset.done $0x0  }
0x13: {  	[sflag:s7] =	ssyncadd.s32 $0xFFFFFF00  }
0x14: {  	v0 =	vld [tilespmem:$0x0];
	_ =	sdelay $0x2  }
0x15: {  	v4 =	vld [tilespmem:$0x1FFD0]  }
0x16: {  	v5 =	vld [tilespmem:$0x1FFE0]  }
0x17: {  	v6 =	vld [tilespmem:$0x1FFF0];
	v1 =	vshll.u32 v0, $0x1  }
0x18: {  	v2 =	vand.u32 $0x7, v0;
	v1 =	vand.u32 $0xFFFFFFF0, v1  }
0x19: {  	v1 =	vor.u32 v2, v1  }
0x1a: {  	v2 =	vperm.xlane v1, v4  }
0x1b: {  	v3 =	vld [tilespmem:$0x80]  }
0x1c: {  	v1 =	vperm.xlane v1, v6;
	v2 =	vadd.s32 v5, v2;
	_ =	sdelay $0x1  }
0x1d: {  	v1 =	vadd.s32 v5, v1  }
0x1e: {  	[tilespmem:$0x100] =	vst v0  }
0x1f: {  	[tilespmem:$0x110] =	vst v3  }
0x20: {  	[tilespmem:s8], [sflag:$0x1] =	stream.indirect_vreg.gather [hbm4b:s1+s3], $0x80, v2, vm0, $0xb8;
	[tilespmem:$0x2380] =	vst v63  }
0x21: {  	_ = 	snop  }
0x22: {  	[tilespmem:s9], [sflag:$0x1] =	stream.indirect_vreg.gather [hbm4b:s1+s3], $0x80, v1, vm0, $0xb8;
	[tilespmem:$0x2380] =	vst v63  }
0x23: {  	v41 =	vld [tilespmem:$0x110];
	_ =	sdelay $0x4  }
0x24: {  	v42 =	vshll.u32 v41, $0x1  }
0x25: {  	v0 =	vand.u32 $0x7, v41;
	v1 =	vand.u32 $0xFFFFFFF0, v42  }
0x26: {  	v0 =	vor.u32 v0, v1  }
0x27: {  	v1 =	vperm.xlane v0, v4;
	_ =	sdelay $0x1  }
0x28: {  	v0 =	vperm.xlane v0, v6;
	v1 =	vadd.s32 v5, v1;
	_ =	sdelay $0x1  }
0x29: {  	v0 =	vadd.s32 v5, v0;
	_ =	sdelay $0x2  }
0x2a: {  	[tilespmem:s10], [sflag:$0x1] =	stream.indirect_vreg.gather [hbm4b:s1+s3], $0x80, v1, vm0, $0xb8;
	[tilespmem:$0x2380] =	vst v63  }
0x2b: {  	_ = 	snop  }
0x2c: {  	[tilespmem:s11], [sflag:$0x1] =	stream.indirect_vreg.gather [hbm4b:s1+s3], $0x80, v0, vm0, $0xb8;
	[tilespmem:$0x2380] =	vst v63  }
0x2d: {  	_ =	swait.ge [sflag:s12], $0x2000  }
0x2e: {  	[sflag:s12] =	ssyncset.done $0x0  }
0x2f: {  	[sflag:s12] =	ssyncadd.s32 $0xFFFFE000  }
0x30: {  	v43 =	vld [tilespmem:$0x180]  }
0x31: {  	v44 =	vld [tilespmem:$0x200]  }
0x32: {  	v45 =	vld [tilespmem:$0x280]  }
0x33: {  	v46 =	vld [tilespmem:$0x300]  }
0x34: {  	v47 =	vld [tilespmem:$0x380]  }
0x35: {  	v48 =	vld [tilespmem:$0x400]  }
0x36: {  	v49 =	vld [tilespmem:$0x190]  }
0x37: {  	v7 =	vld [tilespmem:$0x210]  }
0x38: {  	v8 =	vld [tilespmem:$0x480]  }
0x39: {  	v9 =	vld [tilespmem:$0x290]  }
0x3a: {  	v10 =	vld [tilespmem:$0x500]  }
0x3b: {  	v50 =	vld [tilespmem:$0x310]  }
0x3c: {  	v11 =	vld [tilespmem:$0x980]  }
0x3d: {  	v51 =	vld [tilespmem:$0x390]  }
0x3e: {  	v52 =	vld [tilespmem:$0xA00]  }
0x3f: {  	v53 =	vld [tilespmem:$0x410]  }
0x40: {  	v54 =	vld [tilespmem:$0xA80]  }
0x41: {  	v55 =	vld [tilespmem:$0x490]  }
0x42: {  	v56 =	vld [tilespmem:$0xB00]  }
0x43: {  	v57 =	vld [tilespmem:$0x510]  }
0x44: {  	v58 =	vld [tilespmem:$0xB80]  }
0x45: {  	v59 =	vld [tilespmem:$0x990]  }
0x46: {  	v60 =	vld [tilespmem:$0xC00]  }
0x47: {  	v61 =	vld [tilespmem:$0xA10]  }
0x48: {  	v62 =	vld [tilespmem:$0xC80]  }
0x49: {  	v63 =	vld [tilespmem:$0xA90]  }
0x4a: {  	v12 =	vld [tilespmem:$0xD00]  }
0x4b: {  	v13 =	vld [tilespmem:$0xB10]  }
0x4c: {  	v14 =	vld [tilespmem:$0xB90]  }
0x4d: {  	v15 =	vld [tilespmem:$0xC10]  }
0x4e: {  	v16 =	vld [tilespmem:$0xC90]  }
0x4f: {  	v17 =	vld [tilespmem:$0xD10]  }
0x50: {  	v25 =	vld [tilespmem:$0x1A0]  }
0x51: {  	v20 =	vld [tilespmem:$0x220]  }
0x52: {  	v26 =	vld [tilespmem:$0x2A0]  }
0x53: {  	v30 =	vld [tilespmem:$0x320]  }
0x54: {  	v34 =	vld [tilespmem:$0x3A0]  }
0x55: {  	v36 =	vld [tilespmem:$0x420]  }
0x56: {  	v39 =	vld [tilespmem:$0x4A0]  }
0x57: {  	v24 =	vld [tilespmem:$0xBA0]  }
0x58: {  	v27 =	vld [tilespmem:$0xC20]  }
0x59: {  	v28 =	vld [tilespmem:$0xCA0]  }
0x5a: {  	v29 =	vld [tilespmem:$0xD20]  }
0x5b: {  	v2 =	vld [tilespmem:$0x1B0]  }
0x5c: {  	v4 =	vld [tilespmem:$0x2B0];
	v0 =	vadd.f32 v44, v43  }
0x5d: {  	v19 =	vld [tilespmem:$0xA30];
	v6 =	vadd.f32 v7, v49  }
0x5e: {  	v33 =	vld [tilespmem:$0xB30];
	v0 =	vadd.f32 v45, v0  }
0x5f: {  	v37 =	vld [tilespmem:$0xBB0];
	v6 =	vadd.f32 v9, v6  }
0x60: {  	v41 =	vld [tilespmem:$0xC30];
	v0 =	vadd.f32 v46, v0  }
0x61: {  	v31 =	vld [tilespmem:$0x340];
	v1 =	vadd.f32 v50, v6  }
0x62: {  	v32 =	vld [tilespmem:$0x3C0];
	v0 =	vadd.f32 v47, v0  }
0x63: {  	v35 =	vld [tilespmem:$0x440];
	v1 =	vadd.f32 v51, v1  }
0x64: {  	v38 =	vld [tilespmem:$0x4C0];
	v0 =	vadd.f32 v48, v0  }
0x65: {  	v40 =	vld [tilespmem:$0x540];
	v1 =	vadd.f32 v53, v1  }
0x66: {  	v42 =	vld [tilespmem:$0x9C0];
	v0 =	vadd.f32 v8, v0  }
0x67: {  	v44 =	vld [tilespmem:$0x520];
	v1 =	vadd.f32 v55, v1  }
0x68: {  	v7 =	vld [tilespmem:$0x3B0];
	v0 =	vadd.f32 v10, v0  }
0x69: {  	[tilespmem:$0x1EEC0] =	vst v27;
	v27 =	vld [tilespmem:$0xAB0];
	v1 =	vadd.f32 v57, v1  }
0x6a: {  	v49 =	vld [tilespmem:$0xCB0];
	v0 =	vadd.f32 v11, v0  }
0x6b: {  	v43 =	vld [tilespmem:$0xA40];
	v1 =	vadd.f32 v59, v1  }
0x6c: {  	v9 =	vld [tilespmem:$0x430];
	v0 =	vadd.f32 v52, v0  }
0x6d: {  	v45 =	vld [tilespmem:$0xAC0];
	v1 =	vadd.f32 v61, v1  }
0x6e: {  	[tilespmem:$0x1EEB0] =	vst v24;
	v6 =	vld [tilespmem:$0x330];
	v0 =	vadd.f32 v54, v0  }
0x6f: {  	[tilespmem:$0x1EED0] =	vst v28;
	v46 =	vld [tilespmem:$0x240];
	v1 =	vadd.f32 v63, v1  }
0x70: {  	[tilespmem:$0x1EEE0] =	vst v29;
	v50 =	vld [tilespmem:$0xBC0];
	v0 =	vadd.f32 v56, v0  }
0x71: {  	[tilespmem:$0x1EEF0] =	vst v31;
	v51 =	vld [tilespmem:$0x1C0];
	v1 =	vadd.f32 v13, v1  }
0x72: {  	[tilespmem:$0x1EF00] =	vst v32;
	v47 =	vld [tilespmem:$0xB40];
	v0 =	vadd.f32 v58, v0  }
0x73: {  	[tilespmem:$0x1EF10] =	vst v35;
	v48 =	vld [tilespmem:$0x9A0];
	v1 =	vadd.f32 v14, v1  }
0x74: {  	[tilespmem:$0x1EF20] =	vst v38;
	v55 =	vld [tilespmem:$0xB20];
	v0 =	vadd.f32 v60, v0  }
0x75: {  	[tilespmem:$0x1EF40] =	vst v40;
	v57 =	vld [tilespmem:$0xAA0];
	v1 =	vadd.f32 v15, v1  }
0x76: {  	[tilespmem:$0x1EF60] =	vst v42;
	v52 =	vld [tilespmem:$0xC40];
	v0 =	vadd.f32 v62, v0  }
0x77: {  	[tilespmem:$0x1EF80] =	vst v43;
	v59 =	vld [tilespmem:$0x2C0];
	v1 =	vadd.f32 v16, v1  }
0x78: {  	[tilespmem:$0x1EFB0] =	vst v45;
	v54 =	vld [tilespmem:$0xA20];
	v0 =	vadd.f32 v12, v0  }
0x79: {  	[tilespmem:$0x1F020] =	vst v50;
	v56 =	vld [tilespmem:$0xD30];
	v1 =	vadd.f32 v17, v1  }
0x7a: {  	[tilespmem:$0x1EFE0] =	vst v47;
	v14 =	vld [tilespmem:$0x530];
	v0 =	vmul.f32 $6.250000000e-02, v0  }
0x7b: {  	[tilespmem:$0x1F060] =	vst v52;
	v12 =	vld [tilespmem:$0x4B0];
	v1 =	vmul.f32 $6.250000000e-02, v1  }
0x7c: {  	v17 =	vld [tilespmem:$0x9B0];
	[tilespmem:$0x2180] =	vst v0  }
0x7d: {  	[tilespmem:$0x2190] =	vst v1;
	v0 =	vld [tilespmem:$0x230]  }
0x7e: {  	v1 =	vld [tilespmem:$0xCC0]  }
0x7f: {  	v52 =	vld [tilespmem:$0xBF0];
	_ =	sdelay $0x4  }
0x80: {  	[tilespmem:$0x1F090] =	vst v52;
	v52 =	vld [tilespmem:$0x780];
	_ =	sdelay $0x4  }
0x81: {  	[tilespmem:$0x1F1C0] =	vst v52;
	v52 =	vld [tilespmem:$0xF80];
	_ =	sdelay $0x4  }
0x82: {  	[tilespmem:$0x1F3A0] =	vst v52;
	v52 =	vld [tilespmem:$0x790];
	_ =	sdelay $0x4  }
0x83: {  	[tilespmem:$0x1F1E0] =	vst v52;
	v52 =	vld [tilespmem:$0xF90];
	_ =	sdelay $0x4  }
0x84: {  	[tilespmem:$0x1F3C0] =	vst v52;
	v52 =	vld [tilespmem:$0x8A0];
	_ =	sdelay $0x4  }
0x85: {  	[tilespmem:$0x1F270] =	vst v52;
	v52 =	vld [tilespmem:$0xF20];
	_ =	sdelay $0x4  }
0x86: {  	[tilespmem:$0x1F3B0] =	vst v52;
	v52 =	vld [tilespmem:$0x830];
	_ =	sdelay $0x4  }
0x87: {  	[tilespmem:$0x1F250] =	vst v52;
	v52 =	vld [tilespmem:$0x8B0];
	_ =	sdelay $0x4  }
0x88: {  	[tilespmem:$0x1F290] =	vst v52;
	v52 =	vld [tilespmem:$0x930];
	_ =	sdelay $0x4  }
0x89: {  	[tilespmem:$0x1F2D0] =	vst v52;
	v52 =	vld [tilespmem:$0xDB0];
	_ =	sdelay $0x4  }
0x8a: {  	[tilespmem:$0x1F310] =	vst v52;
	v52 =	vld [tilespmem:$0xE30];
	_ =	sdelay $0x4  }
0x8b: {  	[tilespmem:$0x1F350] =	vst v52;
	v52 =	vld [tilespmem:$0xEB0];
	_ =	sdelay $0x4  }
0x8c: {  	[tilespmem:$0x1F390] =	vst v52;
	v52 =	vld [tilespmem:$0xF30];
	_ =	sdelay $0x4  }
0x8d: {  	[tilespmem:$0x1F3D0] =	vst v52;
	v52 =	vld [tilespmem:$0xFB0];
	_ =	sdelay $0x4  }
0x8e: {  	[tilespmem:$0x1F410] =	vst v52;
	v52 =	vld [tilespmem:$0x1030];
	_ =	sdelay $0x4  }
0x8f: {  	[tilespmem:$0x1F450] =	vst v52;
	v52 =	vld [tilespmem:$0x10B0];
	_ =	sdelay $0x4  }
0x90: {  	[tilespmem:$0x1F490] =	vst v52;
	v52 =	vld [tilespmem:$0x1130];
	_ =	sdelay $0x4  }
0x91: {  	[tilespmem:$0x1F4D0] =	vst v52;
	v52 =	vld [tilespmem:$0x5C0];
	_ =	sdelay $0x4  }
0x92: {  	[tilespmem:$0x1F4B0] =	vst v52;
	v52 =	vld [tilespmem:$0x640];
	_ =	sdelay $0x4  }
0x93: {  	[tilespmem:$0x1F4C0] =	vst v52;
	v52 =	vld [tilespmem:$0x6C0];
	_ =	sdelay $0x4  }
0x94: {  	[tilespmem:$0x1F500] =	vst v52;
	v52 =	vld [tilespmem:$0x740];
	_ =	sdelay $0x4  }
0x95: {  	[tilespmem:$0x1F560] =	vst v52;
	v52 =	vld [tilespmem:$0x7C0];
	_ =	sdelay $0x4  }
0x96: {  	[tilespmem:$0x1F5A0] =	vst v52;
	v52 =	vld [tilespmem:$0x840];
	_ =	sdelay $0x4  }
0x97: {  	[tilespmem:$0x1F5E0] =	vst v52;
	v52 =	vld [tilespmem:$0x8C0];
	_ =	sdelay $0x4  }
0x98: {  	[tilespmem:$0x1F620] =	vst v52;
	v52 =	vld [tilespmem:$0x940];
	_ =	sdelay $0x4  }
0x99: {  	[tilespmem:$0x1F660] =	vst v52;
	v52 =	vld [tilespmem:$0xDC0];
	_ =	sdelay $0x4  }
0x9a: {  	[tilespmem:$0x1F6A0] =	vst v52;
	v52 =	vld [tilespmem:$0xE40];
	_ =	sdelay $0x4  }
0x9b: {  	[tilespmem:$0x1F6E0] =	vst v52;
	v52 =	vld [tilespmem:$0xEC0];
	_ =	sdelay $0x4  }
0x9c: {  	[tilespmem:$0x1F720] =	vst v52;
	v52 =	vld [tilespmem:$0xF40];
	_ =	sdelay $0x4  }
0x9d: {  	[tilespmem:$0x1F760] =	vst v52;
	v52 =	vld [tilespmem:$0xFC0];
	_ =	sdelay $0x4  }
0x9e: {  	[tilespmem:$0x1F7A0] =	vst v52;
	v52 =	vld [tilespmem:$0x1040];
	_ =	sdelay $0x4  }
0x9f: {  	[tilespmem:$0x1F7E0] =	vst v52;
	v52 =	vld [tilespmem:$0x10C0];
	_ =	sdelay $0x4  }
0xa0: {  	[tilespmem:$0x1F820] =	vst v52;
	v52 =	vld [tilespmem:$0x1140];
	_ =	sdelay $0x4  }
0xa1: {  	[tilespmem:$0x1F860] =	vst v52;
	v52 =	vld [tilespmem:$0x5D0];
	_ =	sdelay $0x4  }
0xa2: {  	[tilespmem:$0x1F4E0] =	vst v52;
	v52 =	vld [tilespmem:$0x650];
	_ =	sdelay $0x4  }
0xa3: {  	[tilespmem:$0x1F4F0] =	vst v52;
	v52 =	vld [tilespmem:$0x6D0];
	_ =	sdelay $0x4  }
0xa4: {  	[tilespmem:$0x1F530] =	vst v52;
	v52 =	vld [tilespmem:$0x750];
	_ =	sdelay $0x4  }
0xa5: {  	[tilespmem:$0x1F580] =	vst v52;
	v52 =	vld [tilespmem:$0x7D0];
	_ =	sdelay $0x4  }
0xa6: {  	[tilespmem:$0x1F5C0] =	vst v52;
	v52 =	vld [tilespmem:$0x850];
	_ =	sdelay $0x4  }
0xa7: {  	[tilespmem:$0x1F600] =	vst v52;
	v52 =	vld [tilespmem:$0x8D0];
	_ =	sdelay $0x4  }
0xa8: {  	[tilespmem:$0x1F640] =	vst v52;
	v52 =	vld [tilespmem:$0x950];
	_ =	sdelay $0x4  }
0xa9: {  	[tilespmem:$0x1F680] =	vst v52;
	v52 =	vld [tilespmem:$0xDD0];
	_ =	sdelay $0x4  }
0xaa: {  	[tilespmem:$0x1F6C0] =	vst v52;
	v52 =	vld [tilespmem:$0xE50];
	_ =	sdelay $0x4  }
0xab: {  	[tilespmem:$0x1F700] =	vst v52;
	v52 =	vld [tilespmem:$0xED0];
	_ =	sdelay $0x4  }
0xac: {  	[tilespmem:$0x1F740] =	vst v52;
	v52 =	vld [tilespmem:$0xF50];
	_ =	sdelay $0x4  }
0xad: {  	[tilespmem:$0x1F780] =	vst v52;
	v52 =	vld [tilespmem:$0xFD0];
	_ =	sdelay $0x4  }
0xae: {  	[tilespmem:$0x1F7C0] =	vst v52;
	v52 =	vld [tilespmem:$0x1050];
	_ =	sdelay $0x4  }
0xaf: {  	[tilespmem:$0x1F800] =	vst v52;
	v52 =	vld [tilespmem:$0x10D0];
	_ =	sdelay $0x4  }
0xb0: {  	[tilespmem:$0x1F840] =	vst v52;
	v52 =	vld [tilespmem:$0x1150];
	_ =	sdelay $0x4  }
0xb1: {  	[tilespmem:$0x1F880] =	vst v52;
	v52 =	vld [tilespmem:$0x5E0];
	_ =	sdelay $0x4  }
0xb2: {  	[tilespmem:$0x1F510] =	vst v52;
	v52 =	vld [tilespmem:$0x660];
	_ =	sdelay $0x4  }
0xb3: {  	[tilespmem:$0x1F520] =	vst v52;
	v52 =	vld [tilespmem:$0x6E0];
	_ =	sdelay $0x4  }
0xb4: {  	[tilespmem:$0x1F570] =	vst v52;
	v52 =	vld [tilespmem:$0x760];
	_ =	sdelay $0x4  }
0xb5: {  	[tilespmem:$0x1F5B0] =	vst v52;
	v52 =	vld [tilespmem:$0x7E0];
	_ =	sdelay $0x4  }
0xb6: {  	[tilespmem:$0x1F5F0] =	vst v52;
	v52 =	vld [tilespmem:$0x860];
	_ =	sdelay $0x4  }
0xb7: {  	[tilespmem:$0x1F630] =	vst v52;
	v52 =	vld [tilespmem:$0x8E0];
	_ =	sdelay $0x4  }
0xb8: {  	[tilespmem:$0x1F670] =	vst v52;
	v52 =	vld [tilespmem:$0x960];
	_ =	sdelay $0x4  }
0xb9: {  	[tilespmem:$0x1F6B0] =	vst v52;
	v52 =	vld [tilespmem:$0xDE0];
	_ =	sdelay $0x4  }
0xba: {  	[tilespmem:$0x1F6F0] =	vst v52;
	v52 =	vld [tilespmem:$0xE60];
	_ =	sdelay $0x4  }
0xbb: {  	[tilespmem:$0x1F730] =	vst v52;
	v52 =	vld [tilespmem:$0xEE0];
	_ =	sdelay $0x4  }
0xbc: {  	[tilespmem:$0x1F770] =	vst v52;
	v52 =	vld [tilespmem:$0xF60];
	_ =	sdelay $0x4  }
0xbd: {  	[tilespmem:$0x1F7B0] =	vst v52;
	v52 =	vld [tilespmem:$0xFE0];
	_ =	sdelay $0x4  }
0xbe: {  	[tilespmem:$0x1F7F0] =	vst v52;
	v52 =	vld [tilespmem:$0x1060];
	_ =	sdelay $0x4  }
0xbf: {  	[tilespmem:$0x1F830] =	vst v52;
	v52 =	vld [tilespmem:$0x10E0];
	_ =	sdelay $0x4  }
0xc0: {  	[tilespmem:$0x1F870] =	vst v52;
	v52 =	vld [tilespmem:$0x1160];
	_ =	sdelay $0x4  }
0xc1: {  	[tilespmem:$0x1F8A0] =	vst v52;
	v52 =	vld [tilespmem:$0x5F0];
	_ =	sdelay $0x4  }
0xc2: {  	[tilespmem:$0x1F540] =	vst v52;
	v52 =	vld [tilespmem:$0x670];
	_ =	sdelay $0x4  }
0xc3: {  	[tilespmem:$0x1F550] =	vst v52;
	v52 =	vld [tilespmem:$0x6F0];
	_ =	sdelay $0x2  }
0xc4: {  	v53 =	vld [tilespmem:$0xD40]  }
0xc5: {  	v28 =	vld [tilespmem:$0x1D0]  }
0xc6: {  	[tilespmem:$0x1F590] =	vst v52;
	v52 =	vld [tilespmem:$0x770]  }
0xc7: {  	v22 =	vld [tilespmem:$0x250]  }
0xc8: {  	v31 =	vld [tilespmem:$0x2D0]  }
0xc9: {  	v40 =	vld [tilespmem:$0x350]  }
0xca: {  	v62 =	vld [tilespmem:$0x450]  }
0xcb: {  	[tilespmem:$0x1F5D0] =	vst v52;
	v52 =	vld [tilespmem:$0x7F0]  }
0xcc: {  	v58 =	vld [tilespmem:$0x4D0]  }
0xcd: {  	v60 =	vld [tilespmem:$0x550]  }
0xce: {  	v61 =	vld [tilespmem:$0x9D0]  }
0xcf: {  	v63 =	vld [tilespmem:$0xA50]  }
0xd0: {  	[tilespmem:$0x1F610] =	vst v52;
	v52 =	vld [tilespmem:$0x870]  }
0xd1: {  	v5 =	vld [tilespmem:$0xAD0]  }
0xd2: {  	v8 =	vld [tilespmem:$0xB50]  }
0xd3: {  	v10 =	vld [tilespmem:$0xBD0]  }
0xd4: {  	v11 =	vld [tilespmem:$0xC50]  }
0xd5: {  	[tilespmem:$0x1F650] =	vst v52;
	v52 =	vld [tilespmem:$0x8F0]  }
0xd6: {  	v13 =	vld [tilespmem:$0xCD0]  }
0xd7: {  	v15 =	vld [tilespmem:$0xD50]  }
0xd8: {  	v18 =	vld [tilespmem:$0x360]  }
0xd9: {  	v29 =	vld [tilespmem:$0x3E0]  }
0xda: {  	[tilespmem:$0x1F690] =	vst v52;
	v52 =	vld [tilespmem:$0x970]  }
0xdb: {  	v38 =	vld [tilespmem:$0x460]  }
0xdc: {  	v45 =	vld [tilespmem:$0x4E0]  }
0xdd: {  	v16 =	vld [tilespmem:$0x9E0]  }
0xde: {  	v21 =	vld [tilespmem:$0xA60]  }
0xdf: {  	[tilespmem:$0x1F6D0] =	vst v52;
	v52 =	vld [tilespmem:$0xDF0]  }
0xe0: {  	v23 =	vld [tilespmem:$0xAE0]  }
0xe1: {  	v24 =	vld [tilespmem:$0xB60]  }
0xe2: {  	v32 =	vld [tilespmem:$0xBE0]  }
0xe3: {  	v35 =	vld [tilespmem:$0xC60]  }
0xe4: {  	[tilespmem:$0x1F710] =	vst v52;
	v52 =	vld [tilespmem:$0xE70]  }
0xe5: {  	v42 =	vld [tilespmem:$0xCE0]  }
0xe6: {  	v43 =	vld [tilespmem:$0xD60]  }
0xe7: {  	v3 =	vld [tilespmem:$0x1F0]  }
0xe8: {  	v50 =	vld [tilespmem:$0xA70]  }
0xe9: {  	v20 =	vadd.f32 v20, v25;
	[tilespmem:$0x1F750] =	vst v52;
	v52 =	vld [tilespmem:$0xEF0]  }
0xea: {  	v47 =	vld [tilespmem:$0xB70]  }
0xeb: {  	v25 =	vadd.f32 v26, v20;
	v26 =	vld [tilespmem:$0x1510]  }
0xec: {  	v20 =	vld [tilespmem:$0x1A10]  }
0xed: {  	v0 =	vadd.f32 v0, v2;
	v2 =	vadd.f32 v30, v25;
	v25 =	vld [tilespmem:$0x1A90]  }
0xee: {  	[tilespmem:$0x1F790] =	vst v52;
	v52 =	vld [tilespmem:$0xF70]  }
0xef: {  	v30 =	vld [tilespmem:$0x1B90]  }
0xf0: {  	[tilespmem:$0x1F0E0] =	vst v53;
	v53 =	vld [tilespmem:$0x3D0]  }
0xf1: {  	[tilespmem:$0x1F080] =	vst v11;
	v11 =	vld [tilespmem:$0x1E0]  }
0xf2: {  	[tilespmem:$0x1F040] =	vst v10;
	v10 =	vld [tilespmem:$0x260]  }
0xf3: {  	[tilespmem:$0x1F7D0] =	vst v52;
	v52 =	vld [tilespmem:$0xFF0]  }
0xf4: {  	[tilespmem:$0x1F100] =	vst v15;
	v15 =	vld [tilespmem:$0x2E0]  }
0xf5: {  	[tilespmem:$0x1EF30] =	vst v58;
	v58 =	vld [tilespmem:$0x560]  }
0xf6: {  	[tilespmem:$0x1F0A0] =	vst v1;
	v1 =	vld [tilespmem:$0x270]  }
0xf7: {  	[tilespmem:$0x1EFD0] =	vst v5;
	v5 =	vld [tilespmem:$0x2F0]  }
0xf8: {  	[tilespmem:$0x1F810] =	vst v52;
	v52 =	vld [tilespmem:$0x1070]  }
0xf9: {  	[tilespmem:$0x1F000] =	vst v8;
	v8 =	vld [tilespmem:$0x370]  }
0xfa: {  	[tilespmem:$0x1F0C0] =	vst v13;
	v13 =	vld [tilespmem:$0x3F0]  }
0xfb: {  	[tilespmem:$0x1EF90] =	vst v16;
	v16 =	vld [tilespmem:$0x470]  }
0xfc: {  	[tilespmem:$0x1EFC0] =	vst v21;
	v21 =	vld [tilespmem:$0x4F0]  }
0xfd: {  	[tilespmem:$0x1F850] =	vst v52;
	v52 =	vld [tilespmem:$0x10F0]  }
0xfe: {  	[tilespmem:$0x1F070] =	vst v32;
	v32 =	vld [tilespmem:$0x570]  }
0xff: {  	[tilespmem:$0x1F0F0] =	vst v42;
	v42 =	vld [tilespmem:$0x9F0]  }
0x100: {  	[tilespmem:$0x1EFF0] =	vst v23;
	v23 =	vld [tilespmem:$0xAF0]  }
0x101: {  	[tilespmem:$0x1EF50] =	vst v60;
	v60 =	vld [tilespmem:$0xC70]  }
0x102: {  	[tilespmem:$0x1F890] =	vst v52;
	v52 =	vld [tilespmem:$0x1170]  }
0x103: {  	[tilespmem:$0x1EF70] =	vst v61;
	v61 =	vld [tilespmem:$0xCF0]  }
0x104: {  	[tilespmem:$0x1EFA0] =	vst v63;
	v63 =	vld [tilespmem:$0xD70]  }
0x105: {  	[tilespmem:$0x1F030] =	vst v24;
	v24 =	vld [tilespmem:$0x580]  }
0x106: {  	[tilespmem:$0x1F0B0] =	vst v35;
	v35 =	vld [tilespmem:$0x600]  }
0x107: {  	[tilespmem:$0x1F8D0] =	vst v52;
	v52 =	vld [tilespmem:$0x1180]  }
0x108: {  	[tilespmem:$0x1F120] =	vst v43;
	v43 =	vld [tilespmem:$0x680]  }
0x109: {  	[tilespmem:$0x1F050] =	vst v47;
	v47 =	vld [tilespmem:$0x700]  }
0x10a: {  	[tilespmem:$0x1FA00] =	vst v26;
	v26 =	vld [tilespmem:$0x1B10]  }
0x10b: {  	[tilespmem:$0x1FA40] =	vst v20;
	v20 =	vld [tilespmem:$0x13A0]  }
0x10c: {  	v2 =	vadd.f32 v34, v2;
	[tilespmem:$0x1F8B0] =	vst v52;
	v52 =	vld [tilespmem:$0x1200]  }
0x10d: {  	v34 =	vld [tilespmem:$0x1C10]  }
0x10e: {  	v2 =	vadd.f32 v36, v2;
	v36 =	vld [tilespmem:$0x1C90]  }
0x10f: {  	[tilespmem:$0x1FA70] =	vst v25;
	v25 =	vld [tilespmem:$0x1320]  }
0x110: {  	[tilespmem:$0x1FAC0] =	vst v30;
	v30 =	vld [tilespmem:$0x1EEB0]  }
0x111: {  	[tilespmem:$0x1F8C0] =	vst v52;
	v52 =	vld [tilespmem:$0x1280]  }
0x112: {  	[tilespmem:$0x1F0D0] =	vst v60;
	v60 =	vld [tilespmem:$0x800]  }
0x113: {  	[tilespmem:$0x1F110] =	vst v61;
	v61 =	vld [tilespmem:$0x880]  }
0x114: {  	[tilespmem:$0x1F150] =	vst v63;
	v63 =	vld [tilespmem:$0x900]  }
0x115: {  	[tilespmem:$0x1F130] =	vst v24;
	v24 =	vld [tilespmem:$0xD80]  }
0x116: {  	[tilespmem:$0x1F900] =	vst v52;
	v52 =	vld [tilespmem:$0x1300]  }
0x117: {  	[tilespmem:$0x1F140] =	vst v35;
	v35 =	vld [tilespmem:$0xE00]  }
0x118: {  	[tilespmem:$0x1F180] =	vst v43;
	v43 =	vld [tilespmem:$0xE80]  }
0x119: {  	[tilespmem:$0x1F1A0] =	vst v47;
	v47 =	vld [tilespmem:$0xF00]  }
0x11a: {  	[tilespmem:$0x1F010] =	vst v23;
	v23 =	vld [tilespmem:$0x630]  }
0x11b: {  	[tilespmem:$0x1F940] =	vst v52;
	v52 =	vld [tilespmem:$0x1380]  }
0x11c: {  	v0 =	vadd.f32 v4, v0;
	[tilespmem:$0x1FA90] =	vst v26;
	v26 =	vld [tilespmem:$0x14A0]  }
0x11d: {  	v2 =	vadd.f32 v39, v2;
	v39 =	vld [tilespmem:$0x1EED0]  }
0x11e: {  	v0 =	vadd.f32 v6, v0;
	[tilespmem:$0x1F9A0] =	vst v20;
	v20 =	vld [tilespmem:$0x12B0]  }
0x11f: {  	v3 =	vadd.f32 v1, v3;
	v1 =	vld [tilespmem:$0x1430]  }
0x120: {  	v0 =	vadd.f32 v7, v0;
	[tilespmem:$0x1F970] =	vst v52;
	v52 =	vld [tilespmem:$0x1400]  }
0x121: {  	[tilespmem:$0x1FAE0] =	vst v34;
	v34 =	vld [tilespmem:$0x1420]  }
0x122: {  	v0 =	vadd.f32 v9, v0;
	v9 =	vld [tilespmem:$0x11A0]  }
0x123: {  	v2 =	vadd.f32 v44, v2;
	v44 =	vld [tilespmem:$0x1520]  }
0x124: {  	[tilespmem:$0x1FB00] =	vst v36;
	v36 =	vld [tilespmem:$0x1EEC0]  }
0x125: {  	[tilespmem:$0x1F990] =	vst v52;
	v52 =	vld [tilespmem:$0x1480]  }
0x126: {  	v0 =	vadd.f32 v12, v0;
	v12 =	vld [tilespmem:$0x1220]  }
0x127: {  	v2 =	vadd.f32 v48, v2;
	v48 =	vld [tilespmem:$0x19A0]  }
0x128: {  	[tilespmem:$0x1F1F0] =	vst v60;
	v60 =	vld [tilespmem:$0x1000]  }
0x129: {  	[tilespmem:$0x1F220] =	vst v61;
	v61 =	vld [tilespmem:$0x1080]  }
0x12a: {  	[tilespmem:$0x1F9C0] =	vst v52;
	v52 =	vld [tilespmem:$0x1500]  }
0x12b: {  	[tilespmem:$0x1F260] =	vst v63;
	v63 =	vld [tilespmem:$0x1100]  }
0x12c: {  	[tilespmem:$0x1F2A0] =	vst v24;
	v24 =	vld [tilespmem:$0x590]  }
0x12d: {  	[tilespmem:$0x1F2E0] =	vst v35;
	v35 =	vld [tilespmem:$0x610]  }
0x12e: {  	[tilespmem:$0x1F320] =	vst v43;
	v43 =	vld [tilespmem:$0x690]  }
0x12f: {  	[tilespmem:$0x1F9E0] =	vst v52;
	v52 =	vld [tilespmem:$0x1980]  }
0x130: {  	[tilespmem:$0x1F360] =	vst v47;
	v47 =	vld [tilespmem:$0x710]  }
0x131: {  	v3 =	vadd.f32 v5, v3;
	[tilespmem:$0x1F9F0] =	vst v26;
	v26 =	vld [tilespmem:$0x1EEF0]  }
0x132: {  	v0 =	vadd.f32 v14, v0;
	v14 =	vld [tilespmem:$0x12A0]  }
0x133: {  	v3 =	vadd.f32 v8, v3;
	v2 =	vadd.f32 v54, v2;
	v54 =	vld [tilespmem:$0x1EEE0]  }
0x134: {  	[tilespmem:$0x1FA10] =	vst v52;
	v52 =	vld [tilespmem:$0x1A00]  }
0x135: {  	v3 =	vadd.f32 v13, v3;
	v13 =	vld [tilespmem:$0x1B30]  }
0x136: {  	v0 =	vadd.f32 v17, v0;
	v2 =	vadd.f32 v57, v2;
	v17 =	vld [tilespmem:$0x1C20]  }
0x137: {  	v57 =	vadd.f32 v22, v28;
	v22 =	vadd.f32 v10, v11;
	v10 =	vld [tilespmem:$0x14B0]  }
0x138: {  	v11 =	vld [tilespmem:$0x1AB0]  }
0x139: {  	[tilespmem:$0x1FA30] =	vst v52;
	v52 =	vld [tilespmem:$0x1A80]  }
0x13a: {  	v3 =	vadd.f32 v16, v3;
	v16 =	vld [tilespmem:$0x1EFF0]  }
0x13b: {  	[tilespmem:$0x1F920] =	vst v12;
	v12 =	vld [tilespmem:$0x1AA0]  }
0x13c: {  	[tilespmem:$0x1F3E0] =	vst v60;
	v60 =	vld [tilespmem:$0x810]  }
0x13d: {  	[tilespmem:$0x1F420] =	vst v61;
	v61 =	vld [tilespmem:$0x890]  }
0x13e: {  	[tilespmem:$0x1FA50] =	vst v52;
	v52 =	vld [tilespmem:$0x1B00]  }
0x13f: {  	[tilespmem:$0x1F460] =	vst v63;
	v63 =	vld [tilespmem:$0x910]  }
0x140: {  	[tilespmem:$0x1F160] =	vst v24;
	v24 =	vld [tilespmem:$0xD90]  }
0x141: {  	[tilespmem:$0x1F170] =	vst v35;
	v35 =	vld [tilespmem:$0xE10]  }
0x142: {  	[tilespmem:$0x1F190] =	vst v43;
	v43 =	vld [tilespmem:$0xE90]  }
0x143: {  	[tilespmem:$0x1FA80] =	vst v52;
	v52 =	vld [tilespmem:$0x1B80]  }
0x144: {  	[tilespmem:$0x1F1B0] =	vst v47;
	v47 =	vld [tilespmem:$0xF10]  }
0x145: {  	[tilespmem:$0x1F910] =	vst v9;
	v9 =	vadd.f32 v15, v22;
	v15 =	vld [tilespmem:$0x1A30]  }
0x146: {  	v3 =	vadd.f32 v21, v3;
	v21 =	vld [tilespmem:$0x1CB0]  }
0x147: {  	v22 =	vld [tilespmem:$0x1D30]  }
0x148: {  	[tilespmem:$0x1FAA0] =	vst v52;
	v52 =	vld [tilespmem:$0x1C00]  }
0x149: {  	v2 =	vadd.f32 v55, v2;
	v55 =	vadd.f32 v46, v51;
	v46 =	vld [tilespmem:$0x1EF90]  }
0x14a: {  	v0 =	vadd.f32 v19, v0;
	v51 =	vld [tilespmem:$0x1240]  }
0x14b: {  	[tilespmem:$0x1F950] =	vst v14;
	v14 =	vld [tilespmem:$0x1BA0]  }
0x14c: {  	v0 =	vadd.f32 v27, v0;
	v27 =	vld [tilespmem:$0x1A20]  }
0x14d: {  	[tilespmem:$0x1FAD0] =	vst v52;
	v52 =	vld [tilespmem:$0x1C80]  }
0x14e: {  	v2 =	vadd.f32 v30, v2;
	v30 =	vld [tilespmem:$0x1EF10]  }
0x14f: {  	v28 =	vadd.f32 v18, v9;
	v9 =	vld [tilespmem:$0x1BB0]  }
0x150: {  	v18 =	vld [tilespmem:$0x1C30]  }
0x151: {  	v19 =	vadd.f32 v59, v55;
	v55 =	vld [tilespmem:$0x1EFB0]  }
0x152: {  	[tilespmem:$0x1FAF0] =	vst v52;
	v52 =	vld [tilespmem:$0x1D00]  }
0x153: {  	v59 =	vld [tilespmem:$0x13C0]  }
0x154: {  	v3 =	vadd.f32 v32, v3;
	v32 =	vld [tilespmem:$0x1F040]  }
0x155: {  	v0 =	vadd.f32 v33, v0;
	v33 =	vld [tilespmem:$0x1B20]  }
0x156: {  	v2 =	vadd.f32 v36, v2;
	v36 =	vld [tilespmem:$0x1EF40]  }
0x157: {  	[tilespmem:$0x1FB10] =	vst v52;
	v52 =	vld [tilespmem:$0x1190]  }
0x158: {  	v7 =	vadd.f32 v26, v19;
	v19 =	vld [tilespmem:$0x1440]  }
0x159: {  	v26 =	vld [tilespmem:$0x1F000]  }
0x15a: {  	v3 =	vadd.f32 v42, v3;
	v42 =	vld [tilespmem:$0x1F090]  }
0x15b: {  	[tilespmem:$0x1F210] =	vst v60;
	v60 =	vld [tilespmem:$0x1010]  }
0x15c: {  	[tilespmem:$0x1F8E0] =	vst v52;
	v52 =	vld [tilespmem:$0x1210]  }
0x15d: {  	[tilespmem:$0x1F240] =	vst v61;
	v61 =	vld [tilespmem:$0x1090]  }
0x15e: {  	[tilespmem:$0x1F280] =	vst v63;
	v63 =	vld [tilespmem:$0x1110]  }
0x15f: {  	[tilespmem:$0x1F380] =	vst v47;
	v47 =	vld [tilespmem:$0x620]  }
0x160: {  	[tilespmem:$0x1F2C0] =	vst v24;
	v24 =	vld [tilespmem:$0x720]  }
0x161: {  	[tilespmem:$0x1F8F0] =	vst v52;
	v52 =	vld [tilespmem:$0x1290]  }
0x162: {  	[tilespmem:$0x1F300] =	vst v35;
	v35 =	vld [tilespmem:$0x7A0]  }
0x163: {  	[tilespmem:$0x1F340] =	vst v43;
	v43 =	vld [tilespmem:$0x820]  }
0x164: {  	[tilespmem:$0x1FB60] =	vst v51;
	v51 =	vld [tilespmem:$0x1B40]  }
0x165: {  	v0 =	vadd.f32 v37, v0;
	v37 =	vld [tilespmem:$0x1CA0]  }
0x166: {  	[tilespmem:$0x1F930] =	vst v52;
	v52 =	vld [tilespmem:$0x1310]  }
0x167: {  	v4 =	vadd.f32 v39, v2;
	v2 =	vld [tilespmem:$0x11B0]  }
0x168: {  	v39 =	vld [tilespmem:$0x13B0]  }
0x169: {  	v3 =	vadd.f32 v50, v3;
	v50 =	vld [tilespmem:$0x1F0B0]  }
0x16a: {  	[tilespmem:$0x1FA60] =	vst v27;
	v27 =	vld [tilespmem:$0x1EF00]  }
0x16b: {  	[tilespmem:$0x1F960] =	vst v52;
	v52 =	vld [tilespmem:$0x1390]  }
0x16c: {  	[tilespmem:$0x1FBC0] =	vst v59;
	v59 =	vld [tilespmem:$0x1F100]  }
0x16d: {  	v0 =	vadd.f32 v41, v0;
	v41 =	vld [tilespmem:$0x1D20]  }
0x16e: {  	[tilespmem:$0x1FAB0] =	vst v33;
	v33 =	vld [tilespmem:$0x1EF30]  }
0x16f: {  	[tilespmem:$0x1F440] =	vst v61;
	v61 =	vld [tilespmem:$0x5A0]  }
0x170: {  	[tilespmem:$0x1F980] =	vst v52;
	v52 =	vld [tilespmem:$0x1410]  }
0x171: {  	[tilespmem:$0x1F400] =	vst v60;
	v60 =	vld [tilespmem:$0x6A0]  }
0x172: {  	[tilespmem:$0x1F480] =	vst v63;
	v63 =	vld [tilespmem:$0x920]  }
0x173: {  	[tilespmem:$0x1F1D0] =	vst v24;
	v24 =	vld [tilespmem:$0xDA0]  }
0x174: {  	[tilespmem:$0x1F200] =	vst v35;
	v35 =	vld [tilespmem:$0xE20]  }
0x175: {  	[tilespmem:$0x1F9B0] =	vst v52;
	v52 =	vld [tilespmem:$0x1490]  }
0x176: {  	[tilespmem:$0x1F230] =	vst v43;
	v43 =	vld [tilespmem:$0xEA0]  }
0x177: {  	[tilespmem:$0x1FB20] =	vst v37;
	v37 =	vld [tilespmem:$0x1EF50]  }
0x178: {  	v5 =	vadd.f32 v27, v7;
	v27 =	vld [tilespmem:$0x1F010]  }
0x179: {  	v7 =	vadd.f32 v29, v28;
	v28 =	vld [tilespmem:$0x14C0]  }
0x17a: {  	[tilespmem:$0x1F9D0] =	vst v52;
	v52 =	vld [tilespmem:$0x1990]  }
0x17b: {  	v29 =	vld [tilespmem:$0x1F020]  }
0x17c: {  	[tilespmem:$0x1FB40] =	vst v41;
	v41 =	vld [tilespmem:$0x11C0]  }
0x17d: {  	v7 =	vadd.f32 v38, v7;
	v38 =	vld [tilespmem:$0x1EF60]  }
0x17e: {  	v5 =	vadd.f32 v30, v5;
	v30 =	vld [tilespmem:$0x1F030]  }
0x17f: {  	[tilespmem:$0x1FA20] =	vst v52;
	v52 =	vld [tilespmem:$0x1D10]  }
0x180: {  	[tilespmem:$0x1F2B0] =	vst v63;
	v63 =	vld [tilespmem:$0xFA0]  }
0x181: {  	[tilespmem:$0x1F2F0] =	vst v24;
	v24 =	vld [tilespmem:$0x1020]  }
0x182: {  	[tilespmem:$0x1F330] =	vst v35;
	v35 =	vld [tilespmem:$0x10A0]  }
0x183: {  	[tilespmem:$0x1F370] =	vst v43;
	v43 =	vld [tilespmem:$0x1120];
	v7 =	vadd.f32 v45, v7  }
0x184: {  	v45 =	vld [tilespmem:$0x1EF80];
	[tilespmem:$0x1FB30] =	vst v52;
	v52 =	vadd.f32 v49, v0  }
0x185: {  	v7 =	vadd.f32 v58, v7;
	[tilespmem:$0x1FB50] =	vst v41;
	v58 =	vld [tilespmem:$0x1EFD0]  }
0x186: {  	v41 =	vld [tilespmem:$0x1F080];
	[tilespmem:$0x1F430] =	vst v24;
	v6 =	vadd.f32 v56, v52  }
0x187: {  	[tilespmem:$0x1F470] =	vst v35;
	v24 =	vld [tilespmem:$0x5B0]  }
0x188: {  	v35 =	vld [tilespmem:$0x6B0];
	[tilespmem:$0x1FEC0] =	vst v6;
	v6 =	vadd.f32 v31, v57  }
0x189: {  	[tilespmem:$0x1F4A0] =	vst v43;
	v43 =	vld [tilespmem:$0x730]  }
0x18a: {  	v31 =	vld [tilespmem:$0x1EF20];
	v6 =	vadd.f32 v40, v6  }
0x18b: {  	[tilespmem:$0x1F3F0] =	vst v63;
	v63 =	vld [tilespmem:$0x7B0]  }
0x18c: {  	v7 =	vadd.f32 v46, v7;
	v46 =	vld [tilespmem:$0x1F0A0];
	v6 =	vadd.f32 v53, v6  }
0x18d: {  	v0 =	vadd.f32 v54, v4;
	v4 =	vld [tilespmem:$0x1330]  }
0x18e: {  	v49 =	vld [tilespmem:$0x1530];
	v6 =	vadd.f32 v62, v6  }
0x18f: {  	v40 =	vld [tilespmem:$0x1EF70];
	v5 =	vadd.f32 v31, v5  }
0x190: {  	v56 =	vld [tilespmem:$0x1EFC0];
	v6 =	vadd.f32 v33, v6  }
0x191: {  	v52 =	vld [tilespmem:$0x1EFA0];
	v5 =	vadd.f32 v36, v5  }
0x192: {  	v54 =	vld [tilespmem:$0x12C0];
	v6 =	vadd.f32 v37, v6  }
0x193: {  	v57 =	vld [tilespmem:$0x1340];
	v5 =	vadd.f32 v38, v5  }
0x194: {  	v62 =	vld [tilespmem:$0x1EFE0];
	v6 =	vadd.f32 v40, v6  }
0x195: {  	v7 =	vadd.f32 v56, v7;
	v56 =	vld [tilespmem:$0x1F0E0];
	v5 =	vadd.f32 v45, v5  }
0x196: {  	v31 =	vld [tilespmem:$0x1540];
	v6 =	vadd.f32 v52, v6  }
0x197: {  	[tilespmem:$0x1FBE0] =	vst v19;
	v36 =	vld [tilespmem:$0x19C0];
	v5 =	vadd.f32 v55, v5  }
0x198: {  	[tilespmem:$0x1FCD0] =	vst v51;
	v37 =	vld [tilespmem:$0x1F060];
	v6 =	vadd.f32 v58, v6  }
0x199: {  	[tilespmem:$0x1FC00] =	vst v28;
	v45 =	vld [tilespmem:$0x1AC0];
	v5 =	vadd.f32 v62, v5  }
0x19a: {  	[tilespmem:$0x1FEB0] =	vst v0;
	v40 =	vld [tilespmem:$0x1A40];
	v6 =	vadd.f32 v26, v6  }
0x19b: {  	[tilespmem:$0x1FB90] =	vst v54;
	v52 =	vld [tilespmem:$0x1F0C0];
	v5 =	vadd.f32 v29, v5  }
0x19c: {  	[tilespmem:$0x1FBA0] =	vst v57;
	v55 =	vld [tilespmem:$0x1BC0];
	v6 =	vadd.f32 v32, v6  }
0x19d: {  	[tilespmem:$0x1FC20] =	vst v31;
	v58 =	vld [tilespmem:$0x1C40];
	v5 =	vadd.f32 v37, v5  }
0x19e: {  	v0 =	vld [tilespmem:$0x1230];
	[tilespmem:$0x1FC40] =	vst v36;
	v6 =	vadd.f32 v41, v6  }
0x19f: {  	v54 =	vld [tilespmem:$0x1F0D0];
	[tilespmem:$0x1FCA0] =	vst v45;
	v5 =	vadd.f32 v46, v5  }
0x1a0: {  	v53 =	vld [tilespmem:$0x19B0];
	[tilespmem:$0x1FC70] =	vst v40;
	v6 =	vadd.f32 v52, v6  }
0x1a1: {  	v57 =	vld [tilespmem:$0x1F0F0];
	[tilespmem:$0x1FD00] =	vst v55;
	v5 =	vadd.f32 v56, v5  }
0x1a2: {  	v33 =	vld [tilespmem:$0x1F050];
	[tilespmem:$0x1FD30] =	vst v58;
	v6 =	vadd.f32 v59, v6  }
0x1a3: {  	v38 =	vld [tilespmem:$0x1F070];
	[tilespmem:$0x1FED0] =	vst v5  }
0x1a4: {  	v62 =	vld [tilespmem:$0x1F110];
	[tilespmem:$0x1FEE0] =	vst v6  }
0x1a5: {  	v7 =	vadd.f32 v16, v7;
	v16 =	vld [tilespmem:$0x1CC0]  }
0x1a6: {  	v19 =	vld [tilespmem:$0x1F120]  }
0x1a7: {  	v26 =	vld [tilespmem:$0x1F130]  }
0x1a8: {  	v3 =	vadd.f32 v27, v3;
	v27 =	vld [tilespmem:$0x1F140]  }
0x1a9: {  	v28 =	vld [tilespmem:$0x1D40]  }
0x1aa: {  	v29 =	vld [tilespmem:$0x1F150]  }
0x1ab: {  	v7 =	vadd.f32 v30, v7;
	v30 =	vld [tilespmem:$0x1F160]  }
0x1ac: {  	v31 =	vld [tilespmem:$0x1F170]  }
0x1ad: {  	v32 =	vld [tilespmem:$0x11D0]  }
0x1ae: {  	v3 =	vadd.f32 v33, v3;
	v33 =	vld [tilespmem:$0x1F180]  }
0x1af: {  	v37 =	vld [tilespmem:$0x1250]  }
0x1b0: {  	v7 =	vadd.f32 v38, v7;
	v38 =	vld [tilespmem:$0x1F190]  }
0x1b1: {  	v40 =	vadd.f32 v23, v24;
	v23 =	vld [tilespmem:$0x12D0]  }
0x1b2: {  	v41 =	vld [tilespmem:$0x1F1A0]  }
0x1b3: {  	v3 =	vadd.f32 v42, v3;
	v42 =	vld [tilespmem:$0x1350]  }
0x1b4: {  	v45 =	vld [tilespmem:$0x1F1B0]  }
0x1b5: {  	v46 =	vld [tilespmem:$0x13D0]  }
0x1b6: {  	v36 =	vadd.f32 v47, v61;
	v47 =	vld [tilespmem:$0x1F1C0]  }
0x1b7: {  	v7 =	vadd.f32 v50, v7;
	v50 =	vld [tilespmem:$0x1F1D0]  }
0x1b8: {  	v51 =	vld [tilespmem:$0x1450]  }
0x1b9: {  	v52 =	vld [tilespmem:$0x1F1E0]  }
0x1ba: {  	v3 =	vadd.f32 v54, v3;
	v54 =	vld [tilespmem:$0x14D0]  }
0x1bb: {  	v55 =	vld [tilespmem:$0x1F1F0]  }
0x1bc: {  	v56 =	vld [tilespmem:$0x1F200]  }
0x1bd: {  	v0 =	vadd.f32 v0, v2;
	v5 =	vadd.f32 v57, v7;
	v57 =	vld [tilespmem:$0x1550]  }
0x1be: {  	v58 =	vld [tilespmem:$0x1F210]  }
0x1bf: {  	v0 =	vadd.f32 v20, v0;
	v7 =	vadd.f32 v35, v40;
	v59 =	vld [tilespmem:$0x19D0]  }
0x1c0: {  	v6 =	vadd.f32 v60, v36;
	v60 =	vld [tilespmem:$0x1F220]  }
0x1c1: {  	v0 =	vadd.f32 v4, v0;
	v7 =	vadd.f32 v43, v7;
	v61 =	vld [tilespmem:$0x1F230]  }
0x1c2: {  	v3 =	vadd.f32 v62, v3;
	v62 =	vld [tilespmem:$0x1A50]  }
0x1c3: {  	v0 =	vadd.f32 v39, v0;
	v7 =	vadd.f32 v63, v7;
	v63 =	vld [tilespmem:$0x1F240]  }
0x1c4: {  	v24 =	vld [tilespmem:$0x1F260]  }
0x1c5: {  	v0 =	vadd.f32 v1, v0;
	v35 =	vld [tilespmem:$0x1F2C0]  }
0x1c6: {  	v36 =	vld [tilespmem:$0x1F2D0]  }
0x1c7: {  	v0 =	vadd.f32 v10, v0;
	v40 =	vld [tilespmem:$0x1F2F0]  }
0x1c8: {  	v43 =	vld [tilespmem:$0x1F310]  }
0x1c9: {  	v0 =	vadd.f32 v49, v0;
	v8 =	vld [tilespmem:$0x1F940]  }
0x1ca: {  	v39 =	vld [tilespmem:$0x1910]  }
0x1cb: {  	v0 =	vadd.f32 v53, v0;
	v20 =	vld [tilespmem:$0x1FA10]  }
0x1cc: {  	v49 =	vld [tilespmem:$0x1FA30]  }
0x1cd: {  	v0 =	vadd.f32 v15, v0;
	v53 =	vld [tilespmem:$0x2010]  }
0x1ce: {  	v10 =	vld [tilespmem:$0x1FA70]  }
0x1cf: {  	v0 =	vadd.f32 v11, v0;
	v15 =	vld [tilespmem:$0x1FA80]  }
0x1d0: {  	v11 =	vld [tilespmem:$0x1620]  }
0x1d1: {  	v0 =	vadd.f32 v13, v0;
	v13 =	vld [tilespmem:$0x16A0]  }
0x1d2: {  	[tilespmem:$0x1FD60] =	vst v16;
	v16 =	vld [tilespmem:$0x1F250]  }
0x1d3: {  	v5 =	vadd.f32 v19, v5;
	v19 =	vld [tilespmem:$0x1AD0]  }
0x1d4: {  	[tilespmem:$0x1FD90] =	vst v28;
	v28 =	vld [tilespmem:$0x1F280]  }
0x1d5: {  	v3 =	vadd.f32 v29, v3;
	v29 =	vld [tilespmem:$0x1F290]  }
0x1d6: {  	[tilespmem:$0x1FB70] =	vst v32;
	v32 =	vld [tilespmem:$0x1F2B0]  }
0x1d7: {  	[tilespmem:$0x1FB80] =	vst v37;
	v37 =	vld [tilespmem:$0x1CD0]  }
0x1d8: {  	[tilespmem:$0x1FBB0] =	vst v42;
	v42 =	vld [tilespmem:$0x1F300]  }
0x1d9: {  	[tilespmem:$0x1FBD0] =	vst v46;
	v46 =	vld [tilespmem:$0x1F330]  }
0x1da: {  	v6 =	vadd.f32 v50, v6;
	v50 =	vld [tilespmem:$0x1F350]  }
0x1db: {  	[tilespmem:$0x1FBF0] =	vst v51;
	v51 =	vld [tilespmem:$0x1F360]  }
0x1dc: {  	[tilespmem:$0x1FC10] =	vst v54;
	v54 =	vld [tilespmem:$0x1F370]  }
0x1dd: {  	[tilespmem:$0x1FC30] =	vst v57;
	v57 =	vld [tilespmem:$0x1F3A0]  }
0x1de: {  	[tilespmem:$0x1FC60] =	vst v59;
	v59 =	vld [tilespmem:$0x1F3B0]  }
0x1df: {  	[tilespmem:$0x1FC90] =	vst v62;
	v62 =	vld [tilespmem:$0x1F3D0]  }
0x1e0: {  	[tilespmem:$0x1FEF0] =	vst v5;
	v5 =	vadd.f32 v27, v26;
	v26 =	vld [tilespmem:$0x1F270]  }
0x1e1: {  	v27 =	vld [tilespmem:$0x1B50]  }
0x1e2: {  	[tilespmem:$0x1FF00] =	vst v3;
	v3 =	vadd.f32 v31, v30;
	v30 =	vld [tilespmem:$0x1BD0]  }
0x1e3: {  	v31 =	vld [tilespmem:$0x1F2A0]  }
0x1e4: {  	v6 =	vadd.f32 v56, v6;
	v56 =	vld [tilespmem:$0x1F390]  }
0x1e5: {  	v5 =	vadd.f32 v33, v5;
	v33 =	vld [tilespmem:$0x1C50]  }
0x1e6: {  	v3 =	vadd.f32 v38, v3;
	v38 =	vld [tilespmem:$0x1F2E0]  }
0x1e7: {  	v6 =	vadd.f32 v61, v6;
	v61 =	vld [tilespmem:$0x1F3C0]  }
0x1e8: {  	v7 =	vadd.f32 v16, v7;
	v16 =	vld [tilespmem:$0x1F3F0]  }
0x1e9: {  	[tilespmem:$0x1FCC0] =	vst v19;
	v19 =	vld [tilespmem:$0x1560]  }
0x1ea: {  	[tilespmem:$0x1FD80] =	vst v37;
	v37 =	vld [tilespmem:$0x1B60]  }
0x1eb: {  	v5 =	vadd.f32 v41, v5;
	v41 =	vld [tilespmem:$0x1D50]  }
0x1ec: {  	v3 =	vadd.f32 v45, v3;
	v45 =	vld [tilespmem:$0x1F320]  }
0x1ed: {  	v6 =	vadd.f32 v26, v6;
	v26 =	vld [tilespmem:$0x1F410]  }
0x1ee: {  	[tilespmem:$0x1FCF0] =	vst v27;
	v27 =	vld [tilespmem:$0x19E0]  }
0x1ef: {  	v7 =	vadd.f32 v29, v7;
	v29 =	vld [tilespmem:$0x1F430]  }
0x1f0: {  	[tilespmem:$0x1FD20] =	vst v30;
	v30 =	vld [tilespmem:$0x1A60]  }
0x1f1: {  	v5 =	vadd.f32 v47, v5;
	v47 =	vld [tilespmem:$0x1F340]  }
0x1f2: {  	v3 =	vadd.f32 v52, v3;
	v52 =	vld [tilespmem:$0x12E0]  }
0x1f3: {  	v6 =	vadd.f32 v32, v6;
	v32 =	vld [tilespmem:$0x1F450]  }
0x1f4: {  	[tilespmem:$0x1FD50] =	vst v33;
	v33 =	vld [tilespmem:$0x1AE0]  }
0x1f5: {  	v7 =	vadd.f32 v36, v7;
	v36 =	vld [tilespmem:$0x1F470]  }
0x1f6: {  	v5 =	vadd.f32 v55, v5;
	v55 =	vld [tilespmem:$0x1F380]  }
0x1f7: {  	v3 =	vadd.f32 v58, v3;
	v58 =	vld [tilespmem:$0x13E0]  }
0x1f8: {  	[tilespmem:$0x1FC50] =	vst v19;
	v19 =	vld [tilespmem:$0x1F530]  }
0x1f9: {  	[tilespmem:$0x1FD10] =	vst v37;
	v37 =	vld [tilespmem:$0x1F5E0]  }
0x1fa: {  	[tilespmem:$0x1FDB0] =	vst v41;
	v41 =	vld [tilespmem:$0x11E0]  }
0x1fb: {  	v6 =	vadd.f32 v40, v6;
	v40 =	vld [tilespmem:$0x1F480]  }
0x1fc: {  	v7 =	vadd.f32 v43, v7;
	v43 =	vld [tilespmem:$0x1BE0]  }
0x1fd: {  	v5 =	vadd.f32 v60, v5;
	v60 =	vld [tilespmem:$0x1360]  }
0x1fe: {  	v3 =	vadd.f32 v63, v3;
	v63 =	vld [tilespmem:$0x1F3E0]  }
0x1ff: {  	[tilespmem:$0x1FC80] =	vst v27;
	v27 =	vld [tilespmem:$0x1F560]  }
0x200: {  	[tilespmem:$0x1FCB0] =	vst v30;
	v30 =	vld [tilespmem:$0x1F590]  }
0x201: {  	v6 =	vadd.f32 v46, v6;
	v46 =	vld [tilespmem:$0x1F4B0]  }
0x202: {  	v7 =	vadd.f32 v50, v7;
	v50 =	vld [tilespmem:$0x1C60]  }
0x203: {  	v5 =	vadd.f32 v24, v5;
	v24 =	vld [tilespmem:$0x1F400]  }
0x204: {  	v3 =	vadd.f32 v28, v3;
	v28 =	vld [tilespmem:$0x1F420]  }
0x205: {  	[tilespmem:$0x1FCE0] =	vst v33;
	v33 =	vld [tilespmem:$0x1F5C0]  }
0x206: {  	v7 =	vadd.f32 v56, v7;
	v56 =	vld [tilespmem:$0x1460]  }
0x207: {  	v6 =	vadd.f32 v54, v6;
	v54 =	vld [tilespmem:$0x1F4E0]  }
0x208: {  	v5 =	vadd.f32 v31, v5;
	v31 =	vld [tilespmem:$0x1F440]  }
0x209: {  	v3 =	vadd.f32 v35, v3;
	v35 =	vld [tilespmem:$0x1F460]  }
0x20a: {  	[tilespmem:$0x1FD40] =	vst v43;
	v43 =	vld [tilespmem:$0x1F610]  }
0x20b: {  	v6 =	vadd.f32 v59, v6;
	v59 =	vld [tilespmem:$0x1CE0]  }
0x20c: {  	v7 =	vadd.f32 v62, v7;
	v62 =	vld [tilespmem:$0x1F510]  }
0x20d: {  	v5 =	vadd.f32 v38, v5;
	v38 =	vld [tilespmem:$0x1260]  }
0x20e: {  	v3 =	vadd.f32 v42, v3;
	v42 =	vld [tilespmem:$0x1F490]  }
0x20f: {  	[tilespmem:$0x1FD70] =	vst v50;
	v50 =	vld [tilespmem:$0x1F650]  }
0x210: {  	v6 =	vadd.f32 v16, v6;
	v16 =	vld [tilespmem:$0x1D60]  }
0x211: {  	v7 =	vadd.f32 v26, v7;
	v26 =	vld [tilespmem:$0x1F550]  }
0x212: {  	v5 =	vadd.f32 v45, v5;
	v45 =	vld [tilespmem:$0x1F4A0]  }
0x213: {  	v3 =	vadd.f32 v47, v3;
	v47 =	vld [tilespmem:$0x1F4C0]  }
0x214: {  	v6 =	vadd.f32 v29, v6;
	v29 =	vld [tilespmem:$0x1F580]  }
0x215: {  	v7 =	vadd.f32 v32, v7;
	v32 =	vld [tilespmem:$0x1F5B0]  }
0x216: {  	v3 =	vadd.f32 v55, v3;
	v55 =	vld [tilespmem:$0x14E0]  }
0x217: {  	v5 =	vadd.f32 v51, v5;
	v51 =	vld [tilespmem:$0x1F4D0]  }
0x218: {  	[tilespmem:$0x1FDA0] =	vst v59;
	v59 =	vld [tilespmem:$0x1F690]  }
0x219: {  	v38 =	vadd.f32 v38, v41;
	v41 =	vld [tilespmem:$0x1F20]  }
0x21a: {  	v5 =	vadd.f32 v57, v5;
	v57 =	vld [tilespmem:$0x1F4F0]  }
0x21b: {  	v3 =	vadd.f32 v61, v3;
	v61 =	vld [tilespmem:$0x1F500]  }
0x21c: {  	[tilespmem:$0x1FDC0] =	vst v16;
	v16 =	vld [tilespmem:$0x1F6C0]  }
0x21d: {  	v38 =	vadd.f32 v52, v38;
	v52 =	vld [tilespmem:$0x2020]  }
0x21e: {  	v5 =	vadd.f32 v63, v5;
	v63 =	vld [tilespmem:$0x1F520]  }
0x21f: {  	v3 =	vadd.f32 v24, v3;
	v24 =	vld [tilespmem:$0x1F540]  }
0x220: {  	v60 =	vadd.f32 v60, v38;
	v38 =	vld [tilespmem:$0x2120]  }
0x221: {  	v5 =	vadd.f32 v28, v5;
	v28 =	vld [tilespmem:$0x1F570]  }
0x222: {  	v3 =	vadd.f32 v31, v3;
	v31 =	vld [tilespmem:$0x1F5A0]  }
0x223: {  	v58 =	vadd.f32 v58, v60;
	v60 =	vld [tilespmem:$0x1630]  }
0x224: {  	v5 =	vadd.f32 v35, v5;
	v35 =	vld [tilespmem:$0x1F5D0]  }
0x225: {  	v3 =	vadd.f32 v40, v3;
	v40 =	vld [tilespmem:$0x1F5F0]  }
0x226: {  	v56 =	vadd.f32 v56, v58;
	v58 =	vld [tilespmem:$0x1730]  }
0x227: {  	[tilespmem:$0x1FF10] =	vst v5;
	v5 =	vadd.f32 v36, v6;
	v6 =	vadd.f32 v63, v62;
	v63 =	vld [tilespmem:$0x1270]  }
0x228: {  	v36 =	vld [tilespmem:$0x12F0]  }
0x229: {  	[tilespmem:$0x1FF20] =	vst v3;
	v3 =	vadd.f32 v42, v7;
	v7 =	vadd.f32 v26, v24;
	v24 =	vld [tilespmem:$0x1370]  }
0x22a: {  	v26 =	vld [tilespmem:$0x13F0]  }
0x22b: {  	v42 =	vld [tilespmem:$0x1F600]  }
0x22c: {  	v62 =	vld [tilespmem:$0x1F6B0]  }
0x22d: {  	v55 =	vadd.f32 v55, v56;
	v56 =	vld [tilespmem:$0x1830]  }
0x22e: {  	v6 =	vadd.f32 v28, v6;
	v28 =	vld [tilespmem:$0x14F0]  }
0x22f: {  	v5 =	vadd.f32 v45, v5;
	v45 =	vld [tilespmem:$0x1F620]  }
0x230: {  	v7 =	vadd.f32 v30, v7;
	v30 =	vld [tilespmem:$0x1570]  }
0x231: {  	v3 =	vadd.f32 v51, v3;
	v51 =	vld [tilespmem:$0x1F660]  }
0x232: {  	[tilespmem:$0x1FF30] =	vst v5;
	v5 =	vadd.f32 v47, v46;
	v46 =	vld [tilespmem:$0x1F630]  }
0x233: {  	v47 =	vld [tilespmem:$0x1F640]  }
0x234: {  	v7 =	vadd.f32 v35, v7;
	v35 =	vld [tilespmem:$0x19F0]  }
0x235: {  	[tilespmem:$0x1FF40] =	vst v3;
	v3 =	vadd.f32 v57, v54;
	v54 =	vld [tilespmem:$0x1F670]  }
0x236: {  	v57 =	vld [tilespmem:$0x1F680]  }
0x237: {  	v6 =	vadd.f32 v32, v6;
	v32 =	vld [tilespmem:$0x1F6F0]  }
0x238: {  	v3 =	vadd.f32 v19, v3;
	v19 =	vld [tilespmem:$0x11F0]  }
0x239: {  	v6 =	vadd.f32 v40, v6;
	v40 =	vld [tilespmem:$0x1A70]  }
0x23a: {  	v5 =	vadd.f32 v61, v5;
	v7 =	vadd.f32 v43, v7;
	v43 =	vld [tilespmem:$0x1AF0]  }
0x23b: {  	v61 =	vld [tilespmem:$0x1F6A0]  }
0x23c: {  	v5 =	vadd.f32 v27, v5;
	v27 =	vld [tilespmem:$0x1470]  }
0x23d: {  	v3 =	vadd.f32 v29, v3;
	v29 =	vld [tilespmem:$0x1F6D0]  }
0x23e: {  	v7 =	vadd.f32 v50, v7;
	v50 =	vld [tilespmem:$0x1C70]  }
0x23f: {  	v6 =	vadd.f32 v46, v6;
	v46 =	vld [tilespmem:$0x1BF0]  }
0x240: {  	v5 =	vadd.f32 v31, v5;
	v31 =	vld [tilespmem:$0x1F6E0]  }
0x241: {  	v3 =	vadd.f32 v33, v3;
	v33 =	vld [tilespmem:$0x1F700]  }
0x242: {  	v7 =	vadd.f32 v59, v7;
	v59 =	vld [tilespmem:$0x1F760]  }
0x243: {  	v6 =	vadd.f32 v54, v6;
	v54 =	vld [tilespmem:$0x1F740]  }
0x244: {  	v63 =	vadd.f32 v63, v19;
	v19 =	vld [tilespmem:$0x1FBA0]  }
0x245: {  	v5 =	vadd.f32 v37, v5;
	v37 =	vld [tilespmem:$0x1F710]  }
0x246: {  	v3 =	vadd.f32 v42, v3;
	v42 =	vld [tilespmem:$0x1F720]  }
0x247: {  	v6 =	vadd.f32 v62, v6;
	v62 =	vld [tilespmem:$0x1CF0]  }
0x248: {  	v7 =	vadd.f32 v29, v7;
	v29 =	vld [tilespmem:$0x1F780]  }
0x249: {  	v36 =	vadd.f32 v36, v63;
	v63 =	vld [tilespmem:$0x20A0]  }
0x24a: {  	v5 =	vadd.f32 v45, v5;
	v45 =	vld [tilespmem:$0x1B70]  }
0x24b: {  	v3 =	vadd.f32 v47, v3;
	v47 =	vld [tilespmem:$0x1F730]  }
0x24c: {  	v6 =	vadd.f32 v32, v6;
	v32 =	vld [tilespmem:$0x1F7A0]  }
0x24d: {  	v5 =	vadd.f32 v51, v5;
	v51 =	vld [tilespmem:$0x1D70]  }
0x24e: {  	v3 =	vadd.f32 v57, v3;
	v57 =	vld [tilespmem:$0x1F750]  }
0x24f: {  	v7 =	vadd.f32 v37, v7;
	v37 =	vld [tilespmem:$0x1700]  }
0x250: {  	v5 =	vadd.f32 v61, v5;
	v61 =	vld [tilespmem:$0x1580]  }
0x251: {  	v3 =	vadd.f32 v16, v3;
	v16 =	vld [tilespmem:$0x1F770]  }
0x252: {  	v6 =	vadd.f32 v47, v6;
	v47 =	vld [tilespmem:$0x1F7D0]  }
0x253: {  	v5 =	vadd.f32 v31, v5;
	v31 =	vld [tilespmem:$0x1F790]  }
0x254: {  	v3 =	vadd.f32 v33, v3;
	v33 =	vld [tilespmem:$0x1F7B0]  }
0x255: {  	v7 =	vadd.f32 v57, v7;
	v57 =	vld [tilespmem:$0x1680]  }
0x256: {  	[tilespmem:$0x1FDD0] =	vst v51;
	v51 =	vld [tilespmem:$0x1780]  }
0x257: {  	v3 =	vadd.f32 v54, v3;
	v54 =	vld [tilespmem:$0x1600]  }
0x258: {  	v5 =	vadd.f32 v42, v5;
	v42 =	vld [tilespmem:$0x1F7C0]  }
0x259: {  	[tilespmem:$0x1FDE0] =	vst v37;
	v37 =	vld [tilespmem:$0x1F820]  }
0x25a: {  	v6 =	vadd.f32 v16, v6;
	v16 =	vld [tilespmem:$0x1F7F0]  }
0x25b: {  	v5 =	vadd.f32 v59, v5;
	v59 =	vld [tilespmem:$0x1F7E0]  }
0x25c: {  	v3 =	vadd.f32 v29, v3;
	v29 =	vld [tilespmem:$0x1800]  }
0x25d: {  	v7 =	vadd.f32 v31, v7;
	v31 =	vld [tilespmem:$0x1F800]  }
0x25e: {  	v6 =	vadd.f32 v33, v6;
	v33 =	vld [tilespmem:$0x1880]  }
0x25f: {  	v5 =	vadd.f32 v32, v5;
	v32 =	vld [tilespmem:$0x1F810]  }
0x260: {  	[tilespmem:$0x1FDF0] =	vst v51;
	v51 =	vld [tilespmem:$0x1F840]  }
0x261: {  	v3 =	vadd.f32 v42, v3;
	v42 =	vld [tilespmem:$0x1F830]  }
0x262: {  	v7 =	vadd.f32 v47, v7;
	v47 =	vld [tilespmem:$0x1900]  }
0x263: {  	v6 =	vadd.f32 v16, v6;
	v16 =	vld [tilespmem:$0x1D80]  }
0x264: {  	v5 =	vadd.f32 v59, v5;
	v59 =	vld [tilespmem:$0x1F850]  }
0x265: {  	[tilespmem:$0x1FE00] =	vst v29;
	v29 =	vld [tilespmem:$0x1F860]  }
0x266: {  	v3 =	vadd.f32 v31, v3;
	v31 =	vld [tilespmem:$0x1F870]  }
0x267: {  	[tilespmem:$0x1FE10] =	vst v33;
	v33 =	vld [tilespmem:$0x1F880]  }
0x268: {  	v7 =	vadd.f32 v32, v7;
	v32 =	vld [tilespmem:$0x1E00]  }
0x269: {  	v5 =	vadd.f32 v37, v5;
	v37 =	vld [tilespmem:$0x1F890]  }
0x26a: {  	v6 =	vadd.f32 v42, v6;
	v42 =	vld [tilespmem:$0x1E80]  }
0x26b: {  	[tilespmem:$0x1FE20] =	vst v47;
	v47 =	vld [tilespmem:$0x1F8A0]  }
0x26c: {  	v3 =	vadd.f32 v51, v3;
	v51 =	vld [tilespmem:$0x1F8B0]  }
0x26d: {  	[tilespmem:$0x1FE30] =	vst v16;
	v16 =	vld [tilespmem:$0x1F00]  }
0x26e: {  	v7 =	vadd.f32 v59, v7;
	v59 =	vld [tilespmem:$0x1F8C0]  }
0x26f: {  	v5 =	vadd.f32 v29, v5;
	v29 =	vld [tilespmem:$0x1F8D0]  }
0x270: {  	v3 =	vadd.f32 v33, v3;
	v33 =	vld [tilespmem:$0x1F80]  }
0x271: {  	[tilespmem:$0x1FF50] =	vst v5;
	v5 =	vadd.f32 v31, v6;
	v31 =	vld [tilespmem:$0x1F8E0]  }
0x272: {  	[tilespmem:$0x1FE40] =	vst v32;
	v32 =	vld [tilespmem:$0x1F8F0]  }
0x273: {  	[tilespmem:$0x1FF60] =	vst v3;
	v3 =	vadd.f32 v37, v7;
	v37 =	vld [tilespmem:$0x1F900]  }
0x274: {  	[tilespmem:$0x1FE50] =	vst v42;
	v42 =	vld [tilespmem:$0x1F910]  }
0x275: {  	v7 =	vld [tilespmem:$0x2080]  }
0x276: {  	v5 =	vadd.f32 v47, v5;
	v47 =	vld [tilespmem:$0x1F920]  }
0x277: {  	[tilespmem:$0x1FE60] =	vst v16;
	v16 =	vld [tilespmem:$0x1F950]  }
0x278: {  	v3 =	vadd.f32 v29, v3;
	v29 =	vld [tilespmem:$0x2100]  }
0x279: {  	[tilespmem:$0x1FF70] =	vst v5;
	v5 =	vadd.f32 v59, v51;
	v51 =	vld [tilespmem:$0x2000]  }
0x27a: {  	v59 =	vld [tilespmem:$0x1F930]  }
0x27b: {  	[tilespmem:$0x1FE70] =	vst v33;
	v33 =	vld [tilespmem:$0x1F980]  }
0x27c: {  	[tilespmem:$0x1FF80] =	vst v3;
	v3 =	vadd.f32 v32, v31;
	v31 =	vld [tilespmem:$0x1F960]  }
0x27d: {  	v32 =	vld [tilespmem:$0x1F970]  }
0x27e: {  	v5 =	vadd.f32 v37, v5;
	v37 =	vld [tilespmem:$0x1F990]  }
0x27f: {  	[tilespmem:$0x1FE90] =	vst v7;
	v7 =	vld [tilespmem:$0x1F9E0]  }
0x280: {  	v6 =	vadd.f32 v47, v42;
	v42 =	vld [tilespmem:$0x1F9A0]  }
0x281: {  	v47 =	vld [tilespmem:$0x1F9B0]  }
0x282: {  	[tilespmem:$0x1FEA0] =	vst v29;
	v29 =	vld [tilespmem:$0x1690]  }
0x283: {  	v2 =	vadd.f32 v8, v5;
	v8 =	vld [tilespmem:$0x1F9F0]  }
0x284: {  	[tilespmem:$0x1FE80] =	vst v51;
	v51 =	vld [tilespmem:$0x1F9C0]  }
0x285: {  	v3 =	vadd.f32 v59, v3;
	v59 =	vld [tilespmem:$0x1F9D0]  }
0x286: {  	v5 =	vadd.f32 v16, v6;
	v16 =	vld [tilespmem:$0x1FA00]  }
0x287: {  	v6 =	vld [tilespmem:$0x1FB30]  }
0x288: {  	v2 =	vadd.f32 v32, v2;
	v32 =	vld [tilespmem:$0x1710]  }
0x289: {  	v3 =	vadd.f32 v31, v3;
	v31 =	vld [tilespmem:$0x1590]  }
0x28a: {  	v5 =	vadd.f32 v25, v5;
	v25 =	vld [tilespmem:$0x1610]  }
0x28b: {  	v2 =	vadd.f32 v37, v2;
	v37 =	vld [tilespmem:$0x1890]  }
0x28c: {  	v3 =	vadd.f32 v33, v3;
	v33 =	vld [tilespmem:$0x1790]  }
0x28d: {  	v4 =	vadd.f32 v42, v5;
	v42 =	vld [tilespmem:$0x1D90]  }
0x28e: {  	v2 =	vadd.f32 v51, v2;
	v51 =	vld [tilespmem:$0x1FA40]  }
0x28f: {  	v4 =	vadd.f32 v34, v4;
	v34 =	vld [tilespmem:$0x1810]  }
0x290: {  	v3 =	vadd.f32 v47, v3;
	v47 =	vld [tilespmem:$0x1FA20]  }
0x291: {  	v25 =	vadd.f32 v25, v31;
	v31 =	vld [tilespmem:$0x1DC0]  }
0x292: {  	v1 =	vadd.f32 v7, v2;
	v3 =	vadd.f32 v59, v3;
	v59 =	vld [tilespmem:$0x1FA50]  }
0x293: {  	v2 =	vadd.f32 v8, v4;
	v8 =	vld [tilespmem:$0x1FA60]  }
0x294: {  	v1 =	vadd.f32 v20, v1;
	v20 =	vld [tilespmem:$0x1FAA0]  }
0x295: {  	v2 =	vadd.f32 v44, v2;
	v44 =	vld [tilespmem:$0x1E10]  }
0x296: {  	v3 =	vadd.f32 v16, v3;
	v16 =	vld [tilespmem:$0x1FA90]  }
0x297: {  	v1 =	vadd.f32 v49, v1;
	v49 =	vld [tilespmem:$0x1F90]  }
0x298: {  	v3 =	vadd.f32 v47, v3;
	v47 =	vld [tilespmem:$0x1E90]  }
0x299: {  	v2 =	vadd.f32 v48, v2;
	v48 =	vld [tilespmem:$0x1F10]  }
0x29a: {  	v1 =	vadd.f32 v59, v1;
	v59 =	vld [tilespmem:$0x2110]  }
0x29b: {  	v3 =	vadd.f32 v51, v3;
	v51 =	vld [tilespmem:$0x2090]  }
0x29c: {  	v2 =	vadd.f32 v8, v2;
	v8 =	vld [tilespmem:$0x1FAB0]  }
0x29d: {  	v1 =	vadd.f32 v15, v1;
	v15 =	vld [tilespmem:$0x1FAD0]  }
0x29e: {  	v2 =	vadd.f32 v12, v2;
	v12 =	vld [tilespmem:$0x15A0]  }
0x29f: {  	v3 =	vadd.f32 v10, v3;
	v10 =	vld [tilespmem:$0x1FAC0]  }
0x2a0: {  	v1 =	vadd.f32 v20, v1;
	v20 =	vld [tilespmem:$0x1FAF0]  }
0x2a1: {  	v3 =	vadd.f32 v16, v3;
	v16 =	vld [tilespmem:$0x1FAE0]  }
0x2a2: {  	v2 =	vadd.f32 v8, v2;
	v8 =	vadd.f32 v9, v0;
	v9 =	vld [tilespmem:$0x1FB90]  }
0x2a3: {  	v1 =	vadd.f32 v15, v1;
	v15 =	vld [tilespmem:$0x17A0]  }
0x2a4: {  	v2 =	vadd.f32 v14, v2;
	v14 =	vld [tilespmem:$0x1720]  }
0x2a5: {  	v3 =	vadd.f32 v10, v3;
	v8 =	vadd.f32 v18, v8;
	v18 =	vld [tilespmem:$0x1920]  }
0x2a6: {  	v4 =	vadd.f32 v20, v1;
	v20 =	vld [tilespmem:$0x1FB10]  }
0x2a7: {  	v3 =	vadd.f32 v16, v3;
	v16 =	vld [tilespmem:$0x1820]  }
0x2a8: {  	v5 =	vadd.f32 v17, v2;
	v17 =	vld [tilespmem:$0x1FB00]  }
0x2a9: {  	v11 =	vadd.f32 v11, v12;
	v7 =	vadd.f32 v21, v8;
	v21 =	vld [tilespmem:$0x1FB40]  }
0x2aa: {  	v8 =	vld [tilespmem:$0x1FB80]  }
0x2ab: {  	v2 =	vld [tilespmem:$0x1E30];
	v11 =	vadd.f32 v13, v11  }
0x2ac: {  	v13 =	vld [tilespmem:$0x20C0]  }
0x2ad: {  	v14 =	vadd.f32 v14, v11;
	v11 =	vld [tilespmem:$0x2040]  }
0x2ae: {  	v1 =	vadd.f32 v20, v4;
	v4 =	vld [tilespmem:$0x1FB20]  }
0x2af: {  	v20 =	vld [tilespmem:$0x1DA0]  }
0x2b0: {  	v0 =	vadd.f32 v17, v3;
	v17 =	vld [tilespmem:$0x18A0];
	v14 =	vadd.f32 v15, v14  }
0x2b1: {  	v3 =	vld [tilespmem:$0x1F30]  }
0x2b2: {  	v0 =	vadd.f32 v6, v0;
	v14 =	vadd.f32 v16, v14;
	v16 =	vld [tilespmem:$0x1650]  }
0x2b3: {  	v5 =	vadd.f32 v4, v5;
	v4 =	vld [tilespmem:$0x1FB50]  }
0x2b4: {  	[tilespmem:$0x1FFA0] =	vst v0;
	v0 =	vadd.f32 v22, v7;
	v7 =	vld [tilespmem:$0x1FB70]  }
0x2b5: {  	v22 =	vld [tilespmem:$0x1EA0]  }
0x2b6: {  	v14 =	vadd.f32 v17, v14;
	v17 =	vld [tilespmem:$0x1750]  }
0x2b7: {  	[tilespmem:$0x1FF90] =	vst v1;
	v1 =	vadd.f32 v21, v5;
	v5 =	vld [tilespmem:$0x1FB60]  }
0x2b8: {  	v21 =	vld [tilespmem:$0x1E20]  }
0x2b9: {  	v14 =	vadd.f32 v18, v14;
	v18 =	vld [tilespmem:$0x1850]  }
0x2ba: {  	[tilespmem:$0x1FFB0] =	vst v1;
	v1 =	vld [tilespmem:$0x1930]  }
0x2bb: {  	[tilespmem:$0x1FFC0] =	vst v0;
	v0 =	vadd.f32 v8, v7;
	v7 =	vadd.f32 v24, v36;
	v36 =	vld [tilespmem:$0x15B0]  }
0x2bc: {  	v24 =	vld [tilespmem:$0x1FBE0]  }
0x2bd: {  	v8 =	vld [tilespmem:$0x1FC30]  }
0x2be: {  	v6 =	vadd.f32 v5, v4;
	v4 =	vld [tilespmem:$0x1FBB0]  }
0x2bf: {  	v5 =	vld [tilespmem:$0x1FBC0]  }
0x2c0: {  	v10 =	vadd.f32 v9, v6;
	v6 =	vld [tilespmem:$0x1FBD0]  }
0x2c1: {  	v14 =	vadd.f32 v20, v14;
	v20 =	vld [tilespmem:$0x1950];
	v0 =	vadd.f32 v23, v0  }
0x2c2: {  	v23 =	vld [tilespmem:$0x1FA0];
	v10 =	vadd.f32 v19, v10  }
0x2c3: {  	v0 =	vadd.f32 v4, v0;
	v4 =	vld [tilespmem:$0x1FBF0]  }
0x2c4: {  	v10 =	vadd.f32 v5, v10;
	v5 =	vld [tilespmem:$0x1FC00]  }
0x2c5: {  	v0 =	vadd.f32 v6, v0;
	v6 =	vld [tilespmem:$0x1FC10]  }
0x2c6: {  	v14 =	vadd.f32 v21, v14;
	v19 =	vadd.f32 v26, v7;
	v7 =	vld [tilespmem:$0x1FC20]  }
0x2c7: {  	v21 =	vld [tilespmem:$0x1E50];
	v10 =	vadd.f32 v24, v10  }
0x2c8: {  	v9 =	vld [tilespmem:$0x1FC40];
	v14 =	vadd.f32 v22, v14;
	v0 =	vadd.f32 v4, v0  }
0x2c9: {  	v22 =	vld [tilespmem:$0x1F50];
	v19 =	vadd.f32 v27, v19;
	v10 =	vadd.f32 v5, v10  }
0x2ca: {  	v5 =	vld [tilespmem:$0x1FC70];
	v0 =	vadd.f32 v6, v0  }
0x2cb: {  	v19 =	vadd.f32 v28, v19;
	v28 =	vld [tilespmem:$0x1FC50];
	v10 =	vadd.f32 v7, v10  }
0x2cc: {  	v0 =	vadd.f32 v8, v0;
	v8 =	vld [tilespmem:$0x1FCA0]  }
0x2cd: {  	v19 =	vadd.f32 v30, v19;
	v6 =	vld [tilespmem:$0x1FC80];
	v10 =	vadd.f32 v9, v10  }
0x2ce: {  	v60 =	vadd.f32 v60, v36;
	v36 =	vld [tilespmem:$0x1FDE0]  }
0x2cf: {  	v19 =	vadd.f32 v35, v19;
	v9 =	vld [tilespmem:$0x1FCB0];
	v10 =	vadd.f32 v5, v10  }
0x2d0: {  	v4 =	vld [tilespmem:$0x1FC60];
	v55 =	vadd.f32 v28, v55  }
0x2d1: {  	v19 =	vadd.f32 v40, v19;
	v10 =	vadd.f32 v8, v10;
	v8 =	vld [tilespmem:$0x1FCD0]  }
0x2d2: {  	v35 =	vld [tilespmem:$0x1FCC0];
	v55 =	vadd.f32 v6, v55  }
0x2d3: {  	v19 =	vadd.f32 v43, v19;
	v43 =	vld [tilespmem:$0x1FD00]  }
0x2d4: {  	v55 =	vadd.f32 v9, v55;
	v9 =	vld [tilespmem:$0x1FCE0]  }
0x2d5: {  	v7 =	vld [tilespmem:$0x1FC90]  }
0x2d6: {  	v10 =	vadd.f32 v8, v10;
	v8 =	vld [tilespmem:$0x1FD10]  }
0x2d7: {  	v19 =	vadd.f32 v45, v19;
	v45 =	vld [tilespmem:$0x1FD40]  }
0x2d8: {  	v0 =	vadd.f32 v4, v0;
	v10 =	vadd.f32 v43, v10;
	v43 =	vld [tilespmem:$0x1FD30]  }
0x2d9: {  	v40 =	vld [tilespmem:$0x1FCF0];
	v55 =	vadd.f32 v9, v55  }
0x2da: {  	v26 =	vld [tilespmem:$0x17B0];
	v0 =	vadd.f32 v7, v0  }
0x2db: {  	v9 =	vld [tilespmem:$0x1FD20];
	v55 =	vadd.f32 v8, v55  }
0x2dc: {  	v14 =	vadd.f32 v41, v14;
	v41 =	vld [tilespmem:$0x1870];
	v0 =	vadd.f32 v35, v0  }
0x2dd: {  	v10 =	vadd.f32 v43, v10;
	v43 =	vadd.f32 v45, v55;
	v55 =	vld [tilespmem:$0x1FD60]  }
0x2de: {  	v27 =	vld [tilespmem:$0x18B0];
	v0 =	vadd.f32 v40, v0  }
0x2df: {  	v24 =	vld [tilespmem:$0x16B0]  }
0x2e0: {  	v0 =	vadd.f32 v9, v0;
	v9 =	vld [tilespmem:$0x1FD50]  }
0x2e1: {  	v30 =	vld [tilespmem:$0x1EB0]  }
0x2e2: {  	v10 =	vadd.f32 v55, v10;
	v55 =	vld [tilespmem:$0x1FD80]  }
0x2e3: {  	v28 =	vld [tilespmem:$0x1DB0]  }
0x2e4: {  	v4 =	vld [tilespmem:$0x2030];
	v19 =	vadd.f32 v46, v19  }
0x2e5: {  	v0 =	vadd.f32 v9, v0;
	v9 =	vld [tilespmem:$0x1FD70]  }
0x2e6: {  	v19 =	vadd.f32 v50, v19;
	v50 =	vld [tilespmem:$0x1FDA0]  }
0x2e7: {  	v0 =	vadd.f32 v55, v0;
	v55 =	vld [tilespmem:$0x1FD90]  }
0x2e8: {  	v5 =	vld [tilespmem:$0x15C0]  }
0x2e9: {  	v45 =	vld [tilespmem:$0x1640]  }
0x2ea: {  	v6 =	vld [tilespmem:$0x1740];
	v43 =	vadd.f32 v9, v43  }
0x2eb: {  	v46 =	vld [tilespmem:$0x16C0]  }
0x2ec: {  	v55 =	vadd.f32 v55, v10;
	v10 =	vadd.f32 v50, v43;
	v50 =	vld [tilespmem:$0x1FDB0]  }
0x2ed: {  	v7 =	vld [tilespmem:$0x2130]  }
0x2ee: {  	v35 =	vld [tilespmem:$0x1FB0];
	v5 =	vadd.f32 v45, v5  }
0x2ef: {  	v40 =	vld [tilespmem:$0x20B0]  }
0x2f0: {  	v8 =	vld [tilespmem:$0x17C0];
	v5 =	vadd.f32 v46, v5  }
0x2f1: {  	v43 =	vadd.f32 v50, v0;
	v0 =	vadd.f32 v62, v19;
	v62 =	vld [tilespmem:$0x1FDC0]  }
0x2f2: {  	v9 =	vld [tilespmem:$0x1840]  }
0x2f3: {  	v45 =	vld [tilespmem:$0x18E0];
	v5 =	vadd.f32 v6, v5  }
0x2f4: {  	v50 =	vld [tilespmem:$0x18C0]  }
0x2f5: {  	v46 =	vld [tilespmem:$0x1FEF0];
	v5 =	vadd.f32 v8, v5  }
0x2f6: {  	v62 =	vadd.f32 v62, v10;
	v10 =	vadd.f32 v54, v61;
	v61 =	vld [tilespmem:$0x1FDD0]  }
0x2f7: {  	v5 =	vadd.f32 v9, v5;
	v19 =	vld [tilespmem:$0x1E40]  }
0x2f8: {  	v54 =	vld [tilespmem:$0x1940]  }
0x2f9: {  	v5 =	vadd.f32 v50, v5;
	v50 =	vld [tilespmem:$0x20E0]  }
0x2fa: {  	v10 =	vadd.f32 v57, v10;
	v57 =	vld [tilespmem:$0x1FDF0]  }
0x2fb: {  	v61 =	vadd.f32 v61, v0;
	v0 =	vadd.f32 v29, v25;
	v25 =	vld [tilespmem:$0x1EC0]  }
0x2fc: {  	v29 =	vadd.f32 v36, v10;
	v36 =	vld [tilespmem:$0x1F40]  }
0x2fd: {  	v12 =	vadd.f32 v24, v60;
	v10 =	vld [tilespmem:$0x1FC0]  }
0x2fe: {  	v5 =	vadd.f32 v54, v5;
	v54 =	vld [tilespmem:$0x2160]  }
0x2ff: {  	v0 =	vadd.f32 v32, v0;
	v32 =	vadd.f32 v58, v12;
	v12 =	vld [tilespmem:$0x2140]  }
0x300: {  	v58 =	vld [tilespmem:$0x1FE10]  }
0x301: {  	v60 =	vadd.f32 v57, v29;
	v29 =	vld [tilespmem:$0x16D0]  }
0x302: {  	v5 =	vadd.f32 v31, v5;
	v31 =	vld [tilespmem:$0x1EE0]  }
0x303: {  	v0 =	vadd.f32 v33, v0;
	v33 =	vld [tilespmem:$0x1FE00]  }
0x304: {  	v57 =	vadd.f32 v26, v32;
	v26 =	vld [tilespmem:$0x15D0]  }
0x305: {  	v32 =	vld [tilespmem:$0x18D0]  }
0x306: {  	v15 =	vadd.f32 v56, v57;
	v56 =	vld [tilespmem:$0x15E0]  }
0x307: {  	v57 =	vld [tilespmem:$0x1FE90]  }
0x308: {  	v0 =	vadd.f32 v34, v0;
	v34 =	vld [tilespmem:$0x1FF80]  }
0x309: {  	v15 =	vadd.f32 v27, v15;
	v27 =	vld [tilespmem:$0x17D0]  }
0x30a: {  	v0 =	vadd.f32 v37, v0;
	v37 =	vld [tilespmem:$0x1FE30]  }
0x30b: {  	v24 =	vadd.f32 v33, v60;
	v60 =	vld [tilespmem:$0x1FE20]  }
0x30c: {  	v33 =	vld [tilespmem:$0x1EF0]  }
0x30d: {  	v0 =	vadd.f32 v39, v0;
	v39 =	vld [tilespmem:$0x1FE40]  }
0x30e: {  	v1 =	vadd.f32 v1, v15;
	v24 =	vadd.f32 v58, v24;
	v58 =	vld [tilespmem:$0x1660]  }
0x30f: {  	v0 =	vadd.f32 v42, v0;
	v42 =	vld [tilespmem:$0x1FE50]  }
0x310: {  	v1 =	vadd.f32 v28, v1;
	v28 =	vld [tilespmem:$0x1ED0]  }
0x311: {  	v0 =	vadd.f32 v44, v0;
	v44 =	vld [tilespmem:$0x1FE60]  }
0x312: {  	v24 =	vadd.f32 v60, v24;
	v1 =	vadd.f32 v2, v1;
	v60 =	vld [tilespmem:$0x15F0]  }
0x313: {  	v0 =	vadd.f32 v47, v0;
	v47 =	vld [tilespmem:$0x1FE70]  }
0x314: {  	v24 =	vadd.f32 v37, v24;
	v30 =	vadd.f32 v30, v1;
	v1 =	vld [tilespmem:$0x2050]  }
0x315: {  	v37 =	vld [tilespmem:$0x1FEC0]  }
0x316: {  	v15 =	vadd.f32 v39, v24;
	v24 =	vld [tilespmem:$0x1DD0]  }
0x317: {  	v0 =	vadd.f32 v48, v0;
	v30 =	vadd.f32 v3, v30;
	v3 =	vld [tilespmem:$0x2150]  }
0x318: {  	v39 =	vld [tilespmem:$0x1FED0]  }
0x319: {  	v14 =	vadd.f32 v23, v14;
	v48 =	vadd.f32 v49, v0;
	v0 =	vld [tilespmem:$0x20D0]  }
0x31a: {  	v15 =	vadd.f32 v42, v15;
	v49 =	vld [tilespmem:$0x1FE80]  }
0x31b: {  	v14 =	vadd.f32 v52, v14;
	v42 =	vld [tilespmem:$0x1FEA0]  }
0x31c: {  	v30 =	vadd.f32 v35, v30;
	v2 =	vadd.f32 v44, v15;
	v15 =	vld [tilespmem:$0x1FD0]  }
0x31d: {  	v44 =	vadd.f32 v63, v14;
	v63 =	vld [tilespmem:$0x17F0]  }
0x31e: {  	v53 =	vadd.f32 v53, v48;
	v4 =	vadd.f32 v4, v30;
	v30 =	vld [tilespmem:$0x1FF60]  }
0x31f: {  	v2 =	vadd.f32 v47, v2;
	v47 =	vld [tilespmem:$0x1670]  }
0x320: {  	v23 =	vadd.f32 v51, v53;
	v51 =	vld [tilespmem:$0x16F0]  }
0x321: {  	v53 =	vld [tilespmem:$0x1760]  }
0x322: {  	v48 =	vadd.f32 v40, v4;
	v4 =	vadd.f32 v38, v44;
	v38 =	vld [tilespmem:$0x1860]  }
0x323: {  	v2 =	vadd.f32 v49, v2;
	v49 =	vld [tilespmem:$0x16E0]  }
0x324: {  	v14 =	vadd.f32 v59, v23;
	v59 =	vld [tilespmem:$0x17E0]  }
0x325: {  	v2 =	vadd.f32 v57, v2;
	v57 =	vld [tilespmem:$0x1770]  }
0x326: {  	v56 =	vadd.f32 v58, v56;
	v58 =	vadd.f32 v47, v60;
	v60 =	vld [tilespmem:$0x1FEB0]  }
0x327: {  	v47 =	vld [tilespmem:$0x18F0]  }
0x328: {  	v52 =	vadd.f32 v16, v26;
	v35 =	vadd.f32 v42, v2;
	v42 =	vld [tilespmem:$0x1FEE0]  }
0x329: {  	v2 =	vadd.f32 v7, v48;
	v48 =	vld [tilespmem:$0x1FF00]  }
0x32a: {  	v7 =	vadd.f32 v29, v52;
	v52 =	vld [tilespmem:$0x1FF10]  }
0x32b: {  	v4 =	vmul.f32 $6.250000000e-02, v4;
	v23 =	vadd.f32 v49, v56;
	v29 =	vadd.f32 v51, v58;
	v51 =	vld [tilespmem:$0x1960]  }
0x32c: {  	v56 =	vld [tilespmem:$0x1FF20];
	v7 =	vadd.f32 v17, v7;
	v17 =	vmul.f32 $6.250000000e-02, v37  }
0x32d: {  	v5 =	vadd.f32 v19, v5;
	[tilespmem:$0x2320] =	vst v4;
	v58 =	vld [tilespmem:$0x1FF30];
	v2 =	vmul.f32 $6.250000000e-02, v2;
	v40 =	vadd.f32 v53, v23  }
0x32e: {  	v37 =	vld [tilespmem:$0x1F60];
	v44 =	vadd.f32 v57, v29;
	v6 =	vmul.f32 $6.250000000e-02, v60;
	[tilespmem:$0x21B0] =	vst v17;
	v7 =	vadd.f32 v27, v7  }
0x32f: {  	v5 =	vadd.f32 v25, v5;
	v53 =	vld [tilespmem:$0x1970];
	[tilespmem:$0x2330] =	vst v2;
	v17 =	vmul.f32 $6.250000000e-02, v42;
	v8 =	vadd.f32 v59, v40  }
0x330: {  	v57 =	vld [tilespmem:$0x1DE0];
	v49 =	vadd.f32 v63, v44;
	[tilespmem:$0x21A0] =	vst v6;
	v6 =	vmul.f32 $6.250000000e-02, v39;
	v7 =	vadd.f32 v18, v7  }
0x331: {  	v5 =	vadd.f32 v36, v5;
	v29 =	vld [tilespmem:$0x1E70];
	[tilespmem:$0x21D0] =	vst v17;
	v17 =	vmul.f32 $6.250000000e-02, v48;
	v8 =	vadd.f32 v38, v8  }
0x332: {  	v60 =	vld [tilespmem:$0x1FF40];
	v16 =	vadd.f32 v41, v49;
	v49 =	vmul.f32 $6.250000000e-02, v43;
	[tilespmem:$0x21C0] =	vst v6;
	v7 =	vadd.f32 v32, v7  }
0x333: {  	v5 =	vadd.f32 v10, v5;
	v59 =	vld [tilespmem:$0x1DF0];
	v6 =	vmul.f32 $6.250000000e-02, v46;
	[tilespmem:$0x21F0] =	vst v17;
	v8 =	vadd.f32 v45, v8  }
0x334: {  	v63 =	vld [tilespmem:$0x1E60];
	v17 =	vmul.f32 $6.250000000e-02, v56;
	v9 =	vadd.f32 v47, v16;
	[tilespmem:$0x2250] =	vst v49;
	v7 =	vadd.f32 v20, v7  }
0x335: {  	v5 =	vadd.f32 v11, v5;
	v40 =	vld [tilespmem:$0x1FFA0];
	v47 =	vmul.f32 $6.250000000e-02, v55;
	[tilespmem:$0x21E0] =	vst v6;
	v8 =	vadd.f32 v51, v8  }
0x336: {  	v44 =	vld [tilespmem:$0x1FF0];
	v55 =	vmul.f32 $6.250000000e-02, v35;
	[tilespmem:$0x2290] =	vst v17;
	v9 =	vadd.f32 v53, v9;
	v7 =	vadd.f32 v24, v7  }
0x337: {  	v5 =	vadd.f32 v13, v5;
	v39 =	vld [tilespmem:$0x1F70];
	v6 =	vmul.f32 $6.250000000e-02, v52;
	[tilespmem:$0x2240] =	vst v47;
	v8 =	vadd.f32 v57, v8  }
0x338: {  	v38 =	vld [tilespmem:$0x1FF90];
	v17 =	vmul.f32 $6.250000000e-02, v60;
	[tilespmem:$0x2300] =	vst v55;
	v9 =	vadd.f32 v59, v9;
	v7 =	vadd.f32 v21, v7  }
0x339: {  	v5 =	vadd.f32 v12, v5;
	v41 =	vld [tilespmem:$0x1FE0];
	v51 =	vmul.f32 $6.250000000e-02, v62;
	[tilespmem:$0x2280] =	vst v6;
	v8 =	vadd.f32 v63, v8  }
0x33a: {  	v20 =	vld [tilespmem:$0x1FF50];
	v53 =	vmul.f32 $6.250000000e-02, v61;
	[tilespmem:$0x22B0] =	vst v17;
	v9 =	vadd.f32 v29, v9;
	v7 =	vadd.f32 v28, v7  }
0x33b: {  	v32 =	vld [tilespmem:$0x1FF70];
	v61 =	vmul.f32 $6.250000000e-02, v5;
	[tilespmem:$0x2260] =	vst v51;
	v8 =	vadd.f32 v31, v8  }
0x33c: {  	v46 =	vld [tilespmem:$0x2060];
	v6 =	vmul.f32 $6.250000000e-02, v58;
	[tilespmem:$0x2270] =	vst v53;
	v9 =	vadd.f32 v33, v9;
	v7 =	vadd.f32 v22, v7  }
0x33d: {  	v48 =	vld [tilespmem:$0x2070];
	v58 =	vmul.f32 $6.250000000e-02, v14;
	[tilespmem:$0x2340] =	vst v61;
	v8 =	vadd.f32 v37, v8  }
0x33e: {  	v45 =	vld [tilespmem:$0x1FFC0];
	v17 =	vmul.f32 $6.250000000e-02, v30;
	[tilespmem:$0x22A0] =	vst v6;
	v9 =	vadd.f32 v39, v9;
	v7 =	vadd.f32 v15, v7  }
0x33f: {  	v52 =	vld [tilespmem:$0x20F0];
	[tilespmem:$0x2310] =	vst v58;
	v6 =	vmul.f32 $6.250000000e-02, v20;
	v8 =	vadd.f32 v41, v8  }
0x340: {  	v42 =	vld [tilespmem:$0x1FFB0];
	[tilespmem:$0x22D0] =	vst v17;
	v17 =	vmul.f32 $6.250000000e-02, v34;
	v9 =	vadd.f32 v44, v9;
	v1 =	vadd.f32 v1, v7  }
0x341: {  	v56 =	vld [tilespmem:$0x2170];
	[tilespmem:$0x22C0] =	vst v6;
	v6 =	vmul.f32 $6.250000000e-02, v32;
	v8 =	vadd.f32 v46, v8  }
0x342: {  	[tilespmem:$0x22F0] =	vst v17;
	v17 =	vmul.f32 $6.250000000e-02, v40;
	v57 =	vadd.f32 v48, v9;
	v0 =	vadd.f32 v0, v1  }
0x343: {  	[tilespmem:$0x22E0] =	vst v6;
	v6 =	vmul.f32 $6.250000000e-02, v38;
	v59 =	vadd.f32 v50, v8  }
0x344: {  	[tilespmem:$0x2210] =	vst v17;
	v17 =	vmul.f32 $6.250000000e-02, v45;
	v1 =	vadd.f32 v52, v57;
	v0 =	vadd.f32 v3, v0  }
0x345: {  	[tilespmem:$0x2200] =	vst v6;
	v6 =	vmul.f32 $6.250000000e-02, v42;
	v60 =	vadd.f32 v54, v59  }
0x346: {  	[tilespmem:$0x2230] =	vst v17;
	v1 =	vadd.f32 v56, v1;
	v0 =	vmul.f32 $6.250000000e-02, v0  }
0x347: {  	[tilespmem:$0x2220] =	vst v6;
	v62 =	vmul.f32 $6.250000000e-02, v60  }
0x348: {  	v63 =	vmul.f32 $6.250000000e-02, v1;
	[tilespmem:$0x2350] =	vst v0  }
0x349: {  	p0 =	sne.s32 s6, $0x1;
	[tilespmem:$0x2360] =	vst v62  }
.Ltmp0:
0x34a: {  	[tilespmem:$0x2370] =	vst v63;
	(pc) =	sbr.rel @p0 .LBB2_1-.Ltmp0, $4  }
0x34b: {  	[hbm4b:s5+s13] =	stream.strided.scatter [tilespmem:s15], [sflag:$0x2], $0x200, s14, s13, $0x38;
	[tilespmem:$0x2380] =	vst v63  }
0x34c: {  	_ =	swait.ge [sflag:s7], $0x200  }
0x34d: {  	[sflag:s7] =	ssyncset.done $0x0  }
0x34e: {  	s6 =	sadd.s32 $0xFFFFFFFF, s6;
	[sflag:s7] =	ssyncadd.s32 $0xFFFFFE00  }
0x34f: {  	_ =	sfence.sel $0x180000  }
0x350: {  	[bflag:$0x0] =	sbarrier.arrive $0xFFFF  }
0x351: {  	p0 =	sne.s32 s2, $0x0;
	_ =	strace $0x90000047  }
0x352: {  	s0 =	sadd.s32 @!p0 $0x100000, s0;
	[bflag:$0x2] =	sbarrier.arrive $0xFFFF  }
0x353: {  	[sflag:s0] =	ssyncadd.tile.s32 @!p0 $0x1;
	_ =	shalt  }
.Lfunc_end2:
_tile_overlayer_lowered:
.L_overlay_start_2:
0x354: {  	(tag) =	ssettag $0x2  }
0x355: {  	s0 =	rddreg [dreg:$0x0];
	s2 =	stileid.u32  }
0x356: {  	s1 =	rddreg [dreg:$0x1];
	p0 =	sne.s32 s2, $0x0  }
0x357: {  	s3 =	rddreg [dreg:$0x2];
	[bflag:$0x3] =	sbarrier.arrive $0xFFFF;
	s2 =	simm.s32 @!p0 $0x1C02  }
0x358: {  	[timem:s3], [sflag:s2] =	dma.local @!p0 [hbm:s0], s1  }
0x359: {  	s0 =	simm.s32 @!p0 $0x2  }
0x35a: {  	_ =	swait.ge @!p0 [sflag:s0], s1  }
0x35b: {  	s1 =	ssub.s32 @!p0 $0x0, s1;
	[sflag:s0] =	ssyncset.done @!p0 $0x0  }
0x35c: {  	[sflag:s0] =	ssyncadd.s32 @!p0 s1  }
0x35d: {  	[bflag:$0x3] =	sbarrier.arrive $0xFFFF  }
0x35e: {  	_ =	shalt  }

</sc_bundles>
